<compile_context>
chip_gen: v7x
topology: tpu7x:2x2x1
jax: 0.10.2.dev20260603
libtpu: 0.0.44.dev20260713+nightly
codegen_flags: <defaults>
</compile_context>

<pallas_src>
import functools

import jax
import jax.numpy as jnp
from jax import lax
from jax.experimental import pallas as pl
from jax.experimental.pallas import tpu as pltpu
from jax.experimental.pallas import tpu_sc as plsc

N = 10000
E = 320000
D = 128
H = 128
C = 16

NC = 2
NS = 16
NW = NC * NS
EPT = E // NW
RPT = 640
NPAD = NS * RPT

DW, DB = 5, 2000
AW, AB = 10, 1000

_mesh = plsc.VectorSubcoreMesh(core_axis_name="c", subcore_axis_name="s")
_f32 = jnp.float32
_sc_params = pltpu.CompilerParams(use_tc_tiling_on_sc=False, needs_layout_passes=False)


def _rsqrt16(x):
    bits = plsc.bitcast(x, jnp.int32)
    y = plsc.bitcast(jnp.int32(0x5F3759DF) - (bits >> 1), _f32)
    for _ in range(3):
        y = y * (1.5 - 0.5 * x * y * y)
    return y


@functools.partial(
    pl.kernel,
    out_type=(
        jax.ShapeDtypeStruct((NW * RPT,), _f32),
        jax.ShapeDtypeStruct((NW * RPT,), _f32),
    ),
    mesh=_mesh,
    compiler_params=_sc_params,
    scratch_types=[
        [pltpu.VMEM((DB,), jnp.int32) for _ in range(DW)],
        [pltpu.VMEM((DB,), jnp.int32) for _ in range(DW)],
        pltpu.VMEM((DB,), _f32),
        pltpu.VMEM((RPT,), _f32),
        pltpu.VMEM((RPT,), _f32),
        pltpu.VMEM_SHARED((NPAD,), _f32),
        pltpu.VMEM_SHARED((NPAD,), _f32),
        pltpu.SemaphoreType.DMA,
        pltpu.SemaphoreType.DMA,
    ],
)
def _deg(ei_hbm, outs_hbm, outd_hbm,
         sidx_v, didx_v, ones_v, tmp_v, tmp2_v, degs_sh, degd_sh,
         isem, asem):
    c = lax.axis_index("c")
    s = lax.axis_index("s")
    wid = c * NS + s
    ebase = wid * EPT

    idx_desc = [
        pltpu.async_copy(ei_hbm.at[0, pl.ds(ebase + w * DB, DB)], sidx_v[w],
                         isem) for w in range(DW)
    ] + [
        pltpu.async_copy(ei_hbm.at[1, pl.ds(ebase + w * DB, DB)], didx_v[w],
                         isem) for w in range(DW)
    ]

    def frow(i, carry):
        ones_v[pl.ds(pl.multiple_of(i * 16, 16), 16)] = jnp.ones((16,), _f32)
        return carry

    lax.fori_loop(0, DB // 16, frow, 0)

    def zrow(i, carry):
        tmp_v[pl.ds(pl.multiple_of(i * 16, 16), 16)] = jnp.zeros((16,), _f32)
        return carry

    lax.fori_loop(0, RPT // 16, zrow, 0)
    pltpu.sync_copy(tmp_v, degs_sh.at[pl.ds(s * RPT, RPT)])
    pltpu.sync_copy(tmp_v, degd_sh.at[pl.ds(s * RPT, RPT)])
    for d in idx_desc:
        d.wait()
    plsc.subcore_barrier()
    for w in range(DW):
        pltpu.sync_copy(ones_v, degs_sh.at[sidx_v[w]], add=True)
        pltpu.sync_copy(ones_v, degd_sh.at[didx_v[w]], add=True)
    plsc.subcore_barrier()
    pltpu.sync_copy(degs_sh.at[pl.ds(s * RPT, RPT)], tmp_v)
    pltpu.sync_copy(degd_sh.at[pl.ds(s * RPT, RPT)], tmp2_v)
    pltpu.sync_copy(tmp_v, outs_hbm.at[pl.ds(wid * RPT, RPT)])
    pltpu.sync_copy(tmp2_v, outd_hbm.at[pl.ds(wid * RPT, RPT)])


def _agg_main(ei_hbm, out_hbm, sidx_v, didx_v, rows_v, tmp_v,
              ptab_sh, acc_sh, gsem, ssem, c, s, idx_desc):
    wid = c * NS + s
    ebase = wid * EPT

    def zrow(i, carry):
        tmp_v[i, :] = jnp.zeros((C,), _f32)
        return carry

    lax.fori_loop(0, RPT, zrow, 0)
    pltpu.sync_copy(tmp_v, acc_sh.at[pl.ds(s * RPT, RPT)])
    for d in idx_desc:
        d.wait()
    plsc.subcore_barrier()

    g_desc = [None] * AW
    s_desc = [None] * AW
    g_desc[0] = pltpu.async_copy(ptab_sh.at[sidx_v[0]], rows_v[0], gsem[0])
    for w in range(AW):
        g_desc[w].wait()
        s_desc[w] = pltpu.async_copy(
            rows_v[w % 2], acc_sh.at[didx_v[w]], ssem[w % 2], add=True)
        if w + 1 < AW:
            if w >= 1:
                s_desc[w - 1].wait()
            g_desc[w + 1] = pltpu.async_copy(
                ptab_sh.at[sidx_v[w + 1]], rows_v[(w + 1) % 2],
                gsem[(w + 1) % 2])
    s_desc[AW - 1].wait()
    plsc.subcore_barrier()
    pltpu.sync_copy(acc_sh.at[pl.ds(s * RPT, RPT)], tmp_v)
    pltpu.sync_copy(tmp_v, out_hbm.at[c, pl.ds(s * RPT, RPT)])


_AGG_SCRATCH = [
    [pltpu.VMEM((AB,), jnp.int32) for _ in range(AW)],
    [pltpu.VMEM((AB,), jnp.int32) for _ in range(AW)],
    [pltpu.VMEM((AB, C), _f32) for _ in range(2)],
    pltpu.VMEM((RPT, C), _f32),
    pltpu.VMEM((RPT,), _f32),
    pltpu.VMEM((RPT,), _f32),
    pltpu.VMEM_SHARED((NPAD, C), _f32),
    pltpu.VMEM_SHARED((NPAD, C), _f32),
    [pltpu.SemaphoreType.DMA for _ in range(2)],
    [pltpu.SemaphoreType.DMA for _ in range(2)],
]


@functools.partial(
    pl.kernel,
    out_type=jax.ShapeDtypeStruct((NC, NPAD, C), _f32),
    mesh=_mesh,
    compiler_params=_sc_params,
    scratch_types=[pltpu.VMEM((RPT, C), _f32)] + _AGG_SCRATCH,
)
def _agg1(ei_hbm, p_hbm, degs_hbm, out_hbm,
          tab_v, sidx_v, didx_v, rows_v, tmp_v, da_v, db_v,
          ptab_sh, acc_sh, gsem, ssem):
    c = lax.axis_index("c")
    s = lax.axis_index("s")
    rbase = s * RPT
    ebase = (c * NS + s) * EPT
    idx_desc = [
        pltpu.async_copy(ei_hbm.at[0, pl.ds(ebase + w * AB, AB)], sidx_v[w],
                         gsem[0]) for w in range(AW)
    ] + [
        pltpu.async_copy(ei_hbm.at[1, pl.ds(ebase + w * AB, AB)], didx_v[w],
                         gsem[1]) for w in range(AW)
    ]

    pltpu.sync_copy(p_hbm.at[pl.ds(rbase, RPT)], tab_v)
    pltpu.sync_copy(degs_hbm.at[pl.ds(rbase, RPT)], da_v)
    pltpu.sync_copy(degs_hbm.at[pl.ds(NPAD + rbase, RPT)], db_v)

    def grp(i, carry):
        base = pl.multiple_of(i * 16, 16)
        dsum = da_v[pl.ds(base, 16)] + db_v[pl.ds(base, 16)]
        y = _rsqrt16(jnp.maximum(dsum, 1.0))
        rows = lax.broadcasted_iota(jnp.int32, (16,), 0) + base
        for j in range(C):
            cols = jnp.full((16,), j, jnp.int32)
            v = plsc.load_gather(tab_v, [rows, cols])
            plsc.store_scatter(tab_v, [rows, cols], v * y)
        return carry

    lax.fori_loop(0, RPT // 16, grp, 0)
    pltpu.sync_copy(tab_v, ptab_sh.at[pl.ds(rbase, RPT)])
    _agg_main(ei_hbm, out_hbm, sidx_v, didx_v, rows_v, tmp_v,
              ptab_sh, acc_sh, gsem, ssem, c, s, idx_desc)


@functools.partial(
    pl.kernel,
    out_type=jax.ShapeDtypeStruct((NC, NPAD, C), _f32),
    mesh=_mesh,
    compiler_params=_sc_params,
    scratch_types=[pltpu.VMEM((RPT, C), _f32), pltpu.VMEM((RPT, C), _f32),
                   pltpu.VMEM((16,), _f32),
                   pltpu.VMEM((RPT,), _f32),
                   pltpu.VMEM((RPT,), _f32)] + _AGG_SCRATCH,
)
def _agg2(ei_hbm, q_hbm, degs_hbm, degd_hbm, bc_hbm, out_hbm,
          tab_v, tab2_v, bc_v, dc_v, dd_v, sidx_v, didx_v, rows_v, tmp_v,
          da_v, db_v, ptab_sh, acc_sh, gsem, ssem):
    c = lax.axis_index("c")
    s = lax.axis_index("s")
    rbase = s * RPT
    ebase = (c * NS + s) * EPT
    idx_desc = [
        pltpu.async_copy(ei_hbm.at[0, pl.ds(ebase + w * AB, AB)], sidx_v[w],
                         gsem[0]) for w in range(AW)
    ] + [
        pltpu.async_copy(ei_hbm.at[1, pl.ds(ebase + w * AB, AB)], didx_v[w],
                         gsem[1]) for w in range(AW)
    ]

    pltpu.sync_copy(q_hbm.at[0, pl.ds(rbase, RPT)], tab_v)
    pltpu.sync_copy(q_hbm.at[1, pl.ds(rbase, RPT)], tab2_v)
    pltpu.sync_copy(bc_hbm, bc_v)
    pltpu.sync_copy(degs_hbm.at[pl.ds(rbase, RPT)], da_v)
    pltpu.sync_copy(degs_hbm.at[pl.ds(NPAD + rbase, RPT)], db_v)
    pltpu.sync_copy(degd_hbm.at[pl.ds(rbase, RPT)], dc_v)
    pltpu.sync_copy(degd_hbm.at[pl.ds(NPAD + rbase, RPT)], dd_v)

    def grp_s(i, carry):
        base = pl.multiple_of(i * 16, 16)
        dsum_s = da_v[pl.ds(base, 16)] + db_v[pl.ds(base, 16)]
        dsum_d = dc_v[pl.ds(base, 16)] + dd_v[pl.ds(base, 16)]
        da_v[pl.ds(base, 16)] = _rsqrt16(jnp.maximum(dsum_s, 1.0))
        db_v[pl.ds(base, 16)] = _rsqrt16(jnp.maximum(dsum_d, 1.0))
        return carry

    lax.fori_loop(0, RPT // 16, grp_s, 0)

    def grp2(i, carry):
        base = pl.multiple_of(i * 16, 16)
        ds_ = da_v[pl.ds(base, 16)]
        dd_ = db_v[pl.ds(base, 16)]
        sdr = ds_ * dd_
        rows = lax.broadcasted_iota(jnp.int32, (16,), 0) + base
        for j in range(C):
            cols = jnp.full((16,), j, jnp.int32)
            bcj = plsc.load_gather(bc_v, [cols])
            v = (plsc.load_gather(tab_v, [rows, cols])
                 + plsc.load_gather(tab2_v, [rows, cols]))
            plsc.store_scatter(tab_v, [rows, cols], v * sdr + bcj * ds_)
        return carry

    lax.fori_loop(0, RPT // 16, grp2, 0)
    pltpu.sync_copy(tab_v, ptab_sh.at[pl.ds(rbase, RPT)])
    _agg_main(ei_hbm, out_hbm, sidx_v, didx_v, rows_v, tmp_v,
              ptab_sh, acc_sh, gsem, ssem, c, s, idx_desc)


def _tc_mm_body(x_ref, w1_ref, w2_ref, b1_ref, p_ref, bc_ref):
    wc = jnp.dot(w1_ref[...], w2_ref[...], preferred_element_type=_f32)
    p_ref[...] = jnp.dot(x_ref[...], wc, preferred_element_type=_f32)
    bc_ref[...] = jnp.dot(b1_ref[...], w2_ref[...],
                          preferred_element_type=_f32)


_MMB = 2000


_tc_mm = pl.pallas_call(
    _tc_mm_body,
    grid=(N // _MMB,),
    in_specs=[
        pl.BlockSpec((_MMB, D), lambda i: (i, 0)),
        pl.BlockSpec((D, H), lambda i: (0, 0)),
        pl.BlockSpec((H, C), lambda i: (0, 0)),
        pl.BlockSpec((1, H), lambda i: (0, 0)),
    ],
    out_specs=(
        pl.BlockSpec((_MMB, C), lambda i: (i, 0)),
        pl.BlockSpec((1, C), lambda i: (0, 0)),
    ),
    out_shape=(
        jax.ShapeDtypeStruct((NPAD, C), _f32),
        jax.ShapeDtypeStruct((1, C), _f32),
    ),
)


RPF = NPAD // NW


@functools.partial(
    pl.kernel,
    out_type=jax.ShapeDtypeStruct((N, C), _f32),
    mesh=_mesh,
    compiler_params=_sc_params,
    scratch_types=[
        pltpu.VMEM((RPF, C), _f32),
        pltpu.VMEM((RPF, C), _f32),
        pltpu.VMEM((RPF,), _f32),
        pltpu.VMEM((RPF,), _f32),
        pltpu.VMEM((16,), _f32),
        pltpu.SemaphoreType.DMA,
    ],
)
def _fin(acc_hbm, degd_hbm, b2_hbm, out_hbm, tab_v, tab2_v, da_v, db_v,
         b2_v, fsem):
    c = lax.axis_index("c")
    s = lax.axis_index("s")
    wid = c * NS + s
    rbase = wid * RPF

    pltpu.sync_copy(acc_hbm.at[0, pl.ds(rbase, RPF)], tab_v)
    pltpu.sync_copy(acc_hbm.at[1, pl.ds(rbase, RPF)], tab2_v)
    pltpu.sync_copy(degd_hbm.at[pl.ds(rbase, RPF)], da_v)
    pltpu.sync_copy(degd_hbm.at[pl.ds(NPAD + rbase, RPF)], db_v)
    pltpu.sync_copy(b2_hbm, b2_v)

    def addrow(i, carry):
        tab_v[i, :] = tab_v[i, :] + tab2_v[i, :]
        return carry

    lax.fori_loop(0, RPF, addrow, 0)

    def grp_d(i, carry):
        base = pl.multiple_of(i * 16, 16)
        dsum = da_v[pl.ds(base, 16)] + db_v[pl.ds(base, 16)]
        da_v[pl.ds(base, 16)] = _rsqrt16(jnp.maximum(dsum, 1.0))
        return carry

    lax.fori_loop(0, RPF // 16, grp_d, 0)

    def grp(i, carry):
        base = pl.multiple_of(i * 16, 16)
        dd_ = da_v[pl.ds(base, 16)]
        rows = lax.broadcasted_iota(jnp.int32, (16,), 0) + base
        for j in range(C):
            cols = jnp.full((16,), j, jnp.int32)
            b2j = plsc.load_gather(b2_v, [cols])
            v = plsc.load_gather(tab_v, [rows, cols])
            plsc.store_scatter(tab_v, [rows, cols], v * dd_ + b2j)
        return carry

    lax.fori_loop(0, RPF // 16, grp, 0)
    last = N - (NW - 1) * RPF

    @pl.when(wid < NW - 1)
    def _():
        pltpu.sync_copy(tab_v, out_hbm.at[pl.ds(rbase, RPF)])

    @pl.when(wid == NW - 1)
    def _():
        pltpu.sync_copy(tab_v.at[pl.ds(0, last)],
                        out_hbm.at[pl.ds((NW - 1) * RPF, last)])


def kernel(features, edge_index, W1, b1, W2, b2):
    degs_p, degd_p = _deg(edge_index)
    p_pad, bc = _tc_mm(features, W1, W2, b1.reshape(1, H))

    acc1 = _agg1(edge_index, p_pad, degs_p)
    acc2 = _agg2(edge_index, acc1, degs_p, degd_p, bc.reshape(C))
    return _fin(acc2, degd_p, b2)

# --- scband reference (transcript-rebuilt; emitter-appended) ---
"""Pipeline reference for scband-dgl-gcn-73529840107893 (READ-ONLY COPY).

The authoritative reference and input builder live on the scoring server;
editing this copy changes nothing except your own understanding.
"""

import jax, jax.numpy as jnp
import numpy as np

N = 10000
E = 320000
D = 128
H = 128
C = 16


def setup_inputs(seed: int = 0) -> dict:
    key = jax.random.key(seed)
    k1, k2, k3, k4 = jax.random.split(key, 4)
    features = jax.random.normal(k1, (N, D), dtype=jnp.float32)
    edge_index = jax.random.randint(k2, (2, E), 0, N, dtype=jnp.int32)
    W1 = jax.random.normal(k3, (D, H), dtype=jnp.float32) * (1.0 / np.sqrt(D))
    b1 = jnp.zeros((H,), dtype=jnp.float32)
    W2 = jax.random.normal(k4, (H, C), dtype=jnp.float32) * (1.0 / np.sqrt(H))
    b2 = jnp.zeros((C,), dtype=jnp.float32)
    return {"features": features, "edge_index": edge_index, "W1": W1, "b1": b1, "W2": W2, "b2": b2}


def _gcn_layer(x, src, dst, W, b):
    # DGL GraphConv with norm='both', allow_zero_in_degree=True (degrees clamped to 1)
    n = x.shape[0]
    ones = jnp.ones((src.shape[0],), dtype=x.dtype)
    out_deg = jnp.maximum(jax.ops.segment_sum(ones, src, num_segments=n), 1.0)
    in_deg = jnp.maximum(jax.ops.segment_sum(ones, dst, num_segments=n), 1.0)
    x = x * (out_deg ** -0.5)[:, None]
    msgs = jnp.take(x, src, axis=0)
    agg = jnp.zeros((n, x.shape[1]), dtype=x.dtype).at[dst].add(msgs)
    agg = agg * (in_deg ** -0.5)[:, None]
    return agg @ W + b


def reference(features, edge_index, W1, b1, W2, b2):
    # nlayers == 2, len(g_list) == 1 path: x = layer2(g, layer1(g, features))
    src = edge_index[0]
    dst = edge_index[1]
    h = _gcn_layer(features, src, dst, W1, b1)
    out = _gcn_layer(h, src, dst, W2, b2)
    return out

if __name__ == "__main__":
    import jax
    _d = setup_inputs()
    print(jax.jit(kernel)(*tuple(_d.values())))

</pallas_src>

<mosaic_0001>
#map = affine_map<(d0, d1) -> (0, 0)>
#map1 = affine_map<(d0, d1) -> (0)>
module attributes {stable_mosaic.version = 14 : i64} {
  func.func @_deg(%arg0: i32, %arg1: i32, %arg2: memref<2x320000xi32, #tpu.memory_space<hbm>>, %arg3: memref<20480xf32, #tpu.memory_space<hbm>>, %arg4: memref<20480xf32, #tpu.memory_space<hbm>>, %arg5: memref<2000xi32, #tpu.memory_space<vmem>>, %arg6: memref<2000xi32, #tpu.memory_space<vmem>>, %arg7: memref<2000xi32, #tpu.memory_space<vmem>>, %arg8: memref<2000xi32, #tpu.memory_space<vmem>>, %arg9: memref<2000xi32, #tpu.memory_space<vmem>>, %arg10: memref<2000xi32, #tpu.memory_space<vmem>>, %arg11: memref<2000xi32, #tpu.memory_space<vmem>>, %arg12: memref<2000xi32, #tpu.memory_space<vmem>>, %arg13: memref<2000xi32, #tpu.memory_space<vmem>>, %arg14: memref<2000xi32, #tpu.memory_space<vmem>>, %arg15: memref<2000xf32, #tpu.memory_space<vmem>>, %arg16: memref<640xf32, #tpu.memory_space<vmem>>, %arg17: memref<640xf32, #tpu.memory_space<vmem>>, %arg18: memref<10240xf32, #tpu.memory_space<vmem_shared>>, %arg19: memref<10240xf32, #tpu.memory_space<vmem_shared>>, %arg20: memref<!tpu.dma_semaphore, #tpu.memory_space<semaphore_mem>>, %arg21: memref<!tpu.dma_semaphore, #tpu.memory_space<semaphore_mem>>) attributes {dimension_semantics = [#tpu.dimension_semantics<core_parallel>, #tpu.dimension_semantics<subcore_parallel>], iteration_bounds = array<i64: 2, 16>, scalar_prefetch = 0 : i64, scratch_operands = 17 : i64, tpu.core_type = #tpu.core_type<sc_vector_subcore>, window_params = [{transform_indices = #map}, {transform_indices = #map1}, {transform_indices = #map1}]} {
    %mul3A = arith.constant 16 : i32
    %mul3A_0 = arith.muli %arg0, %mul3A : i32
    %add3A = arith.addi %mul3A_0, %arg1 : i32
    %mul3A_1 = arith.constant 10000 : i32
    %mul3A_2 = arith.muli %add3A, %mul3A_1 : i32
    %add3A_3 = arith.constant 0 : i32
    %add3A_4 = arith.addi %mul3A_2, %add3A_3 : i32
    %dma_start3A = arith.constant 0 : i32
    %dma_start3A_5 = tpu.memref_slice %arg2[%dma_start3A, %add3A_4] : memref<2x320000xi32, #tpu.memory_space<hbm>> -> memref<1x2000xi32, #tpu.memory_space<hbm>>
    %dma_start3A_6 = tpu.memref_squeeze %dma_start3A_5 : memref<1x2000xi32, #tpu.memory_space<hbm>> -> memref<2000xi32, #tpu.memory_space<hbm>>
    %dma_start3A_7 = tpu.memref_slice %arg2[%dma_start3A, %add3A_4] : memref<2x320000xi32, #tpu.memory_space<hbm>> -> memref<1x2000xi32, #tpu.memory_space<hbm>>
    %dma_start3A_8 = tpu.memref_squeeze %dma_start3A_7 : memref<1x2000xi32, #tpu.memory_space<hbm>> -> memref<2000xi32, #tpu.memory_space<hbm>>
    tpu.enqueue_dma source(%dma_start3A_8 : memref<2000xi32, #tpu.memory_space<hbm>>) target(%arg5 : memref<2000xi32, #tpu.memory_space<vmem>>) target_semaphore(%arg20 : memref<!tpu.dma_semaphore, #tpu.memory_space<semaphore_mem>>)
    %add3A_9 = arith.constant 2000 : i32
    %add3A_10 = arith.addi %mul3A_2, %add3A_9 : i32
    %dma_start3A_11 = arith.constant 0 : i32
    %dma_start3A_12 = tpu.memref_slice %arg2[%dma_start3A_11, %add3A_10] : memref<2x320000xi32, #tpu.memory_space<hbm>> -> memref<1x2000xi32, #tpu.memory_space<hbm>>
    %dma_start3A_13 = tpu.memref_squeeze %dma_start3A_12 : memref<1x2000xi32, #tpu.memory_space<hbm>> -> memref<2000xi32, #tpu.memory_space<hbm>>
    %dma_start3A_14 = tpu.memref_slice %arg2[%dma_start3A_11, %add3A_10] : memref<2x320000xi32, #tpu.memory_space<hbm>> -> memref<1x2000xi32, #tpu.memory_space<hbm>>
    %dma_start3A_15 = tpu.memref_squeeze %dma_start3A_14 : memref<1x2000xi32, #tpu.memory_space<hbm>> -> memref<2000xi32, #tpu.memory_space<hbm>>
    tpu.enqueue_dma source(%dma_start3A_15 : memref<2000xi32, #tpu.memory_space<hbm>>) target(%arg6 : memref<2000xi32, #tpu.memory_space<vmem>>) target_semaphore(%arg20 : memref<!tpu.dma_semaphore, #tpu.memory_space<semaphore_mem>>)
    %add3A_16 = arith.constant 4000 : i32
    %add3A_17 = arith.addi %mul3A_2, %add3A_16 : i32
    %dma_start3A_18 = arith.constant 0 : i32
    %dma_start3A_19 = tpu.memref_slice %arg2[%dma_start3A_18, %add3A_17] : memref<2x320000xi32, #tpu.memory_space<hbm>> -> memref<1x2000xi32, #tpu.memory_space<hbm>>
    %dma_start3A_20 = tpu.memref_squeeze %dma_start3A_19 : memref<1x2000xi32, #tpu.memory_space<hbm>> -> memref<2000xi32, #tpu.memory_space<hbm>>
    %dma_start3A_21 = tpu.memref_slice %arg2[%dma_start3A_18, %add3A_17] : memref<2x320000xi32, #tpu.memory_space<hbm>> -> memref<1x2000xi32, #tpu.memory_space<hbm>>
    %dma_start3A_22 = tpu.memref_squeeze %dma_start3A_21 : memref<1x2000xi32, #tpu.memory_space<hbm>> -> memref<2000xi32, #tpu.memory_space<hbm>>
    tpu.enqueue_dma source(%dma_start3A_22 : memref<2000xi32, #tpu.memory_space<hbm>>) target(%arg7 : memref<2000xi32, #tpu.memory_space<vmem>>) target_semaphore(%arg20 : memref<!tpu.dma_semaphore, #tpu.memory_space<semaphore_mem>>)
    %add3A_23 = arith.constant 6000 : i32
    %add3A_24 = arith.addi %mul3A_2, %add3A_23 : i32
    %dma_start3A_25 = arith.constant 0 : i32
    %dma_start3A_26 = tpu.memref_slice %arg2[%dma_start3A_25, %add3A_24] : memref<2x320000xi32, #tpu.memory_space<hbm>> -> memref<1x2000xi32, #tpu.memory_space<hbm>>
    %dma_start3A_27 = tpu.memref_squeeze %dma_start3A_26 : memref<1x2000xi32, #tpu.memory_space<hbm>> -> memref<2000xi32, #tpu.memory_space<hbm>>
    %dma_start3A_28 = tpu.memref_slice %arg2[%dma_start3A_25, %add3A_24] : memref<2x320000xi32, #tpu.memory_space<hbm>> -> memref<1x2000xi32, #tpu.memory_space<hbm>>
    %dma_start3A_29 = tpu.memref_squeeze %dma_start3A_28 : memref<1x2000xi32, #tpu.memory_space<hbm>> -> memref<2000xi32, #tpu.memory_space<hbm>>
    tpu.enqueue_dma source(%dma_start3A_29 : memref<2000xi32, #tpu.memory_space<hbm>>) target(%arg8 : memref<2000xi32, #tpu.memory_space<vmem>>) target_semaphore(%arg20 : memref<!tpu.dma_semaphore, #tpu.memory_space<semaphore_mem>>)
    %add3A_30 = arith.constant 8000 : i32
    %add3A_31 = arith.addi %mul3A_2, %add3A_30 : i32
    %dma_start3A_32 = arith.constant 0 : i32
    %dma_start3A_33 = tpu.memref_slice %arg2[%dma_start3A_32, %add3A_31] : memref<2x320000xi32, #tpu.memory_space<hbm>> -> memref<1x2000xi32, #tpu.memory_space<hbm>>
    %dma_start3A_34 = tpu.memref_squeeze %dma_start3A_33 : memref<1x2000xi32, #tpu.memory_space<hbm>> -> memref<2000xi32, #tpu.memory_space<hbm>>
    %dma_start3A_35 = tpu.memref_slice %arg2[%dma_start3A_32, %add3A_31] : memref<2x320000xi32, #tpu.memory_space<hbm>> -> memref<1x2000xi32, #tpu.memory_space<hbm>>
    %dma_start3A_36 = tpu.memref_squeeze %dma_start3A_35 : memref<1x2000xi32, #tpu.memory_space<hbm>> -> memref<2000xi32, #tpu.memory_space<hbm>>
    tpu.enqueue_dma source(%dma_start3A_36 : memref<2000xi32, #tpu.memory_space<hbm>>) target(%arg9 : memref<2000xi32, #tpu.memory_space<vmem>>) target_semaphore(%arg20 : memref<!tpu.dma_semaphore, #tpu.memory_space<semaphore_mem>>)
    %add3A_37 = arith.constant 0 : i32
    %add3A_38 = arith.addi %mul3A_2, %add3A_37 : i32
    %dma_start3A_39 = arith.constant 1 : i32
    %dma_start3A_40 = tpu.memref_slice %arg2[%dma_start3A_39, %add3A_38] : memref<2x320000xi32, #tpu.memory_space<hbm>> -> memref<1x2000xi32, #tpu.memory_space<hbm>>
    %dma_start3A_41 = tpu.memref_squeeze %dma_start3A_40 : memref<1x2000xi32, #tpu.memory_space<hbm>> -> memref<2000xi32, #tpu.memory_space<hbm>>
    %dma_start3A_42 = tpu.memref_slice %arg2[%dma_start3A_39, %add3A_38] : memref<2x320000xi32, #tpu.memory_space<hbm>> -> memref<1x2000xi32, #tpu.memory_space<hbm>>
    %dma_start3A_43 = tpu.memref_squeeze %dma_start3A_42 : memref<1x2000xi32, #tpu.memory_space<hbm>> -> memref<2000xi32, #tpu.memory_space<hbm>>
    tpu.enqueue_dma source(%dma_start3A_43 : memref<2000xi32, #tpu.memory_space<hbm>>) target(%arg10 : memref<2000xi32, #tpu.memory_space<vmem>>) target_semaphore(%arg20 : memref<!tpu.dma_semaphore, #tpu.memory_space<semaphore_mem>>)
    %add3A_44 = arith.constant 2000 : i32
    %add3A_45 = arith.addi %mul3A_2, %add3A_44 : i32
    %dma_start3A_46 = arith.constant 1 : i32
    %dma_start3A_47 = tpu.memref_slice %arg2[%dma_start3A_46, %add3A_45] : memref<2x320000xi32, #tpu.memory_space<hbm>> -> memref<1x2000xi32, #tpu.memory_space<hbm>>
    %dma_start3A_48 = tpu.memref_squeeze %dma_start3A_47 : memref<1x2000xi32, #tpu.memory_space<hbm>> -> memref<2000xi32, #tpu.memory_space<hbm>>
    %dma_start3A_49 = tpu.memref_slice %arg2[%dma_start3A_46, %add3A_45] : memref<2x320000xi32, #tpu.memory_space<hbm>> -> memref<1x2000xi32, #tpu.memory_space<hbm>>
    %dma_start3A_50 = tpu.memref_squeeze %dma_start3A_49 : memref<1x2000xi32, #tpu.memory_space<hbm>> -> memref<2000xi32, #tpu.memory_space<hbm>>
    tpu.enqueue_dma source(%dma_start3A_50 : memref<2000xi32, #tpu.memory_space<hbm>>) target(%arg11 : memref<2000xi32, #tpu.memory_space<vmem>>) target_semaphore(%arg20 : memref<!tpu.dma_semaphore, #tpu.memory_space<semaphore_mem>>)
    %add3A_51 = arith.constant 4000 : i32
    %add3A_52 = arith.addi %mul3A_2, %add3A_51 : i32
    %dma_start3A_53 = arith.constant 1 : i32
    %dma_start3A_54 = tpu.memref_slice %arg2[%dma_start3A_53, %add3A_52] : memref<2x320000xi32, #tpu.memory_space<hbm>> -> memref<1x2000xi32, #tpu.memory_space<hbm>>
    %dma_start3A_55 = tpu.memref_squeeze %dma_start3A_54 : memref<1x2000xi32, #tpu.memory_space<hbm>> -> memref<2000xi32, #tpu.memory_space<hbm>>
    %dma_start3A_56 = tpu.memref_slice %arg2[%dma_start3A_53, %add3A_52] : memref<2x320000xi32, #tpu.memory_space<hbm>> -> memref<1x2000xi32, #tpu.memory_space<hbm>>
    %dma_start3A_57 = tpu.memref_squeeze %dma_start3A_56 : memref<1x2000xi32, #tpu.memory_space<hbm>> -> memref<2000xi32, #tpu.memory_space<hbm>>
    tpu.enqueue_dma source(%dma_start3A_57 : memref<2000xi32, #tpu.memory_space<hbm>>) target(%arg12 : memref<2000xi32, #tpu.memory_space<vmem>>) target_semaphore(%arg20 : memref<!tpu.dma_semaphore, #tpu.memory_space<semaphore_mem>>)
    %add3A_58 = arith.constant 6000 : i32
    %add3A_59 = arith.addi %mul3A_2, %add3A_58 : i32
    %dma_start3A_60 = arith.constant 1 : i32
    %dma_start3A_61 = tpu.memref_slice %arg2[%dma_start3A_60, %add3A_59] : memref<2x320000xi32, #tpu.memory_space<hbm>> -> memref<1x2000xi32, #tpu.memory_space<hbm>>
    %dma_start3A_62 = tpu.memref_squeeze %dma_start3A_61 : memref<1x2000xi32, #tpu.memory_space<hbm>> -> memref<2000xi32, #tpu.memory_space<hbm>>
    %dma_start3A_63 = tpu.memref_slice %arg2[%dma_start3A_60, %add3A_59] : memref<2x320000xi32, #tpu.memory_space<hbm>> -> memref<1x2000xi32, #tpu.memory_space<hbm>>
    %dma_start3A_64 = tpu.memref_squeeze %dma_start3A_63 : memref<1x2000xi32, #tpu.memory_space<hbm>> -> memref<2000xi32, #tpu.memory_space<hbm>>
    tpu.enqueue_dma source(%dma_start3A_64 : memref<2000xi32, #tpu.memory_space<hbm>>) target(%arg13 : memref<2000xi32, #tpu.memory_space<vmem>>) target_semaphore(%arg20 : memref<!tpu.dma_semaphore, #tpu.memory_space<semaphore_mem>>)
    %add3A_65 = arith.constant 8000 : i32
    %add3A_66 = arith.addi %mul3A_2, %add3A_65 : i32
    %dma_start3A_67 = arith.constant 1 : i32
    %dma_start3A_68 = tpu.memref_slice %arg2[%dma_start3A_67, %add3A_66] : memref<2x320000xi32, #tpu.memory_space<hbm>> -> memref<1x2000xi32, #tpu.memory_space<hbm>>
    %dma_start3A_69 = tpu.memref_squeeze %dma_start3A_68 : memref<1x2000xi32, #tpu.memory_space<hbm>> -> memref<2000xi32, #tpu.memory_space<hbm>>
    %dma_start3A_70 = tpu.memref_slice %arg2[%dma_start3A_67, %add3A_66] : memref<2x320000xi32, #tpu.memory_space<hbm>> -> memref<1x2000xi32, #tpu.memory_space<hbm>>
    %dma_start3A_71 = tpu.memref_squeeze %dma_start3A_70 : memref<1x2000xi32, #tpu.memory_space<hbm>> -> memref<2000xi32, #tpu.memory_space<hbm>>
    tpu.enqueue_dma source(%dma_start3A_71 : memref<2000xi32, #tpu.memory_space<hbm>>) target(%arg14 : memref<2000xi32, #tpu.memory_space<vmem>>) target_semaphore(%arg20 : memref<!tpu.dma_semaphore, #tpu.memory_space<semaphore_mem>>)
    %scan3A = arith.constant 0 : i32
    %scan3A_72 = arith.constant 0 : i32
    %scan3A_73 = arith.constant 125 : i32
    %scan3A_74 = arith.addi %scan3A_72, %scan3A_73 : i32
    %scan3A_75 = arith.constant 1 : i32
    scf.for %scan3A_145 = %scan3A_72 to %scan3A_74 step %scan3A_75  : i32 {
      %broadcast_in_dim3A = arith.constant 1.000000e+00 : f32
      %broadcast_in_dim3A_146 = vector.broadcast %broadcast_in_dim3A : f32 to vector<16xf32>
      %mul3A_147 = arith.constant 16 : i32
      %mul3A_148 = arith.muli %scan3A_145, %mul3A_147 : i32
      %multiple_of3A = tpu.assume_multiple %mul3A_148, 16 : i32
      %swap3A = arith.index_cast %multiple_of3A : i32 to index
      %swap3A_149 = tpu.vector_load %arg15[%swap3A] {strides = array<i32>} : memref<2000xf32, #tpu.memory_space<vmem>>, vector<16xf32>,
      tpu.vector_store %arg15[%swap3A], %broadcast_in_dim3A_146 {strides = array<i32>} : memref<2000xf32, #tpu.memory_space<vmem>>, vector<16xf32>,
    }
    %scan3A_76 = arith.constant 125 : i32
    %scan3A_77 = arith.constant 0 : i32
    %scan3A_78 = arith.constant 0 : i32
    %scan3A_79 = arith.constant 40 : i32
    %scan3A_80 = arith.addi %scan3A_78, %scan3A_79 : i32
    %scan3A_81 = arith.constant 1 : i32
    scf.for %scan3A_145 = %scan3A_78 to %scan3A_80 step %scan3A_81  : i32 {
      %broadcast_in_dim3A = arith.constant 0.000000e+00 : f32
      %broadcast_in_dim3A_146 = vector.broadcast %broadcast_in_dim3A : f32 to vector<16xf32>
      %mul3A_147 = arith.constant 16 : i32
      %mul3A_148 = arith.muli %scan3A_145, %mul3A_147 : i32
      %multiple_of3A = tpu.assume_multiple %mul3A_148, 16 : i32
      %swap3A = arith.index_cast %multiple_of3A : i32 to index
      %swap3A_149 = tpu.vector_load %arg16[%swap3A] {strides = array<i32>} : memref<640xf32, #tpu.memory_space<vmem>>, vector<16xf32>,
      tpu.vector_store %arg16[%swap3A], %broadcast_in_dim3A_146 {strides = array<i32>} : memref<640xf32, #tpu.memory_space<vmem>>, vector<16xf32>,
    }
    %scan3A_82 = arith.constant 40 : i32
    %mul3A_83 = arith.constant 640 : i32
    %mul3A_84 = arith.muli %arg1, %mul3A_83 : i32
    "tpu.region"() ({
      %run_scoped3A = tpu.sem_alloc : memref<!tpu.dma_semaphore, #tpu.memory_space<semaphore_mem>>
      %dma_start3A_145 = tpu.memref_slice %arg18[%mul3A_84] : memref<10240xf32, #tpu.memory_space<vmem_shared>> -> memref<640xf32, #tpu.memory_space<vmem_shared>>
      %dma_start3A_146 = tpu.memref_slice %arg18[%mul3A_84] : memref<10240xf32, #tpu.memory_space<vmem_shared>> -> memref<640xf32, #tpu.memory_space<vmem_shared>>
      tpu.enqueue_dma source(%arg16 : memref<640xf32, #tpu.memory_space<vmem>>) target(%dma_start3A_146 : memref<640xf32, #tpu.memory_space<vmem_shared>>) target_semaphore(%run_scoped3A : memref<!tpu.dma_semaphore, #tpu.memory_space<semaphore_mem>>)
      %dma_wait3A_147 = tpu.memref_slice %arg18[%mul3A_84] : memref<10240xf32, #tpu.memory_space<vmem_shared>> -> memref<640xf32, #tpu.memory_space<vmem_shared>>
      %dma_wait3A_148 = tpu.memref_slice %arg18[%mul3A_84] : memref<10240xf32, #tpu.memory_space<vmem_shared>> -> memref<640xf32, #tpu.memory_space<vmem_shared>>
      tpu.wait_dma2 semaphore(%run_scoped3A : memref<!tpu.dma_semaphore, #tpu.memory_space<semaphore_mem>>) src(%arg16 : memref<640xf32, #tpu.memory_space<vmem>>) dst(%dma_wait3A_148 : memref<640xf32, #tpu.memory_space<vmem_shared>>)
      tpu.yield
    }) : () -> ()
    %mul3A_85 = arith.constant 640 : i32
    %mul3A_86 = arith.muli %arg1, %mul3A_85 : i32
    "tpu.region"() ({
      %run_scoped3A = tpu.sem_alloc : memref<!tpu.dma_semaphore, #tpu.memory_space<semaphore_mem>>
      %dma_start3A_145 = tpu.memref_slice %arg19[%mul3A_86] : memref<10240xf32, #tpu.memory_space<vmem_shared>> -> memref<640xf32, #tpu.memory_space<vmem_shared>>
      %dma_start3A_146 = tpu.memref_slice %arg19[%mul3A_86] : memref<10240xf32, #tpu.memory_space<vmem_shared>> -> memref<640xf32, #tpu.memory_space<vmem_shared>>
      tpu.enqueue_dma source(%arg16 : memref<640xf32, #tpu.memory_space<vmem>>) target(%dma_start3A_146 : memref<640xf32, #tpu.memory_space<vmem_shared>>) target_semaphore(%run_scoped3A : memref<!tpu.dma_semaphore, #tpu.memory_space<semaphore_mem>>)
      %dma_wait3A_147 = tpu.memref_slice %arg19[%mul3A_86] : memref<10240xf32, #tpu.memory_space<vmem_shared>> -> memref<640xf32, #tpu.memory_space<vmem_shared>>
      %dma_wait3A_148 = tpu.memref_slice %arg19[%mul3A_86] : memref<10240xf32, #tpu.memory_space<vmem_shared>> -> memref<640xf32, #tpu.memory_space<vmem_shared>>
      tpu.wait_dma2 semaphore(%run_scoped3A : memref<!tpu.dma_semaphore, #tpu.memory_space<semaphore_mem>>) src(%arg16 : memref<640xf32, #tpu.memory_space<vmem>>) dst(%dma_wait3A_148 : memref<640xf32, #tpu.memory_space<vmem_shared>>)
      tpu.yield
    }) : () -> ()
    %dma_wait3A = arith.constant 0 : i32
    %dma_wait3A_87 = tpu.memref_slice %arg2[%dma_wait3A, %add3A_4] : memref<2x320000xi32, #tpu.memory_space<hbm>> -> memref<1x2000xi32, #tpu.memory_space<hbm>>
    %dma_wait3A_88 = tpu.memref_squeeze %dma_wait3A_87 : memref<1x2000xi32, #tpu.memory_space<hbm>> -> memref<2000xi32, #tpu.memory_space<hbm>>
    %dma_wait3A_89 = tpu.memref_slice %arg2[%dma_wait3A, %add3A_4] : memref<2x320000xi32, #tpu.memory_space<hbm>> -> memref<1x2000xi32, #tpu.memory_space<hbm>>
    %dma_wait3A_90 = tpu.memref_squeeze %dma_wait3A_89 : memref<1x2000xi32, #tpu.memory_space<hbm>> -> memref<2000xi32, #tpu.memory_space<hbm>>
    tpu.wait_dma2 semaphore(%arg20 : memref<!tpu.dma_semaphore, #tpu.memory_space<semaphore_mem>>) src(%dma_wait3A_90 : memref<2000xi32, #tpu.memory_space<hbm>>) dst(%arg5 : memref<2000xi32, #tpu.memory_space<vmem>>)
    %dma_wait3A_91 = arith.constant 0 : i32
    %dma_wait3A_92 = tpu.memref_slice %arg2[%dma_wait3A_91, %add3A_10] : memref<2x320000xi32, #tpu.memory_space<hbm>> -> memref<1x2000xi32, #tpu.memory_space<hbm>>
    %dma_wait3A_93 = tpu.memref_squeeze %dma_wait3A_92 : memref<1x2000xi32, #tpu.memory_space<hbm>> -> memref<2000xi32, #tpu.memory_space<hbm>>
    %dma_wait3A_94 = tpu.memref_slice %arg2[%dma_wait3A_91, %add3A_10] : memref<2x320000xi32, #tpu.memory_space<hbm>> -> memref<1x2000xi32, #tpu.memory_space<hbm>>
    %dma_wait3A_95 = tpu.memref_squeeze %dma_wait3A_94 : memref<1x2000xi32, #tpu.memory_space<hbm>> -> memref<2000xi32, #tpu.memory_space<hbm>>
    tpu.wait_dma2 semaphore(%arg20 : memref<!tpu.dma_semaphore, #tpu.memory_space<semaphore_mem>>) src(%dma_wait3A_95 : memref<2000xi32, #tpu.memory_space<hbm>>) dst(%arg6 : memref<2000xi32, #tpu.memory_space<vmem>>)
    %dma_wait3A_96 = arith.constant 0 : i32
    %dma_wait3A_97 = tpu.memref_slice %arg2[%dma_wait3A_96, %add3A_17] : memref<2x320000xi32, #tpu.memory_space<hbm>> -> memref<1x2000xi32, #tpu.memory_space<hbm>>
    %dma_wait3A_98 = tpu.memref_squeeze %dma_wait3A_97 : memref<1x2000xi32, #tpu.memory_space<hbm>> -> memref<2000xi32, #tpu.memory_space<hbm>>
    %dma_wait3A_99 = tpu.memref_slice %arg2[%dma_wait3A_96, %add3A_17] : memref<2x320000xi32, #tpu.memory_space<hbm>> -> memref<1x2000xi32, #tpu.memory_space<hbm>>
    %dma_wait3A_100 = tpu.memref_squeeze %dma_wait3A_99 : memref<1x2000xi32, #tpu.memory_space<hbm>> -> memref<2000xi32, #tpu.memory_space<hbm>>
    tpu.wait_dma2 semaphore(%arg20 : memref<!tpu.dma_semaphore, #tpu.memory_space<semaphore_mem>>) src(%dma_wait3A_100 : memref<2000xi32, #tpu.memory_space<hbm>>) dst(%arg7 : memref<2000xi32, #tpu.memory_space<vmem>>)
    %dma_wait3A_101 = arith.constant 0 : i32
    %dma_wait3A_102 = tpu.memref_slice %arg2[%dma_wait3A_101, %add3A_24] : memref<2x320000xi32, #tpu.memory_space<hbm>> -> memref<1x2000xi32, #tpu.memory_space<hbm>>
    %dma_wait3A_103 = tpu.memref_squeeze %dma_wait3A_102 : memref<1x2000xi32, #tpu.memory_space<hbm>> -> memref<2000xi32, #tpu.memory_space<hbm>>
    %dma_wait3A_104 = tpu.memref_slice %arg2[%dma_wait3A_101, %add3A_24] : memref<2x320000xi32, #tpu.memory_space<hbm>> -> memref<1x2000xi32, #tpu.memory_space<hbm>>
    %dma_wait3A_105 = tpu.memref_squeeze %dma_wait3A_104 : memref<1x2000xi32, #tpu.memory_space<hbm>> -> memref<2000xi32, #tpu.memory_space<hbm>>
    tpu.wait_dma2 semaphore(%arg20 : memref<!tpu.dma_semaphore, #tpu.memory_space<semaphore_mem>>) src(%dma_wait3A_105 : memref<2000xi32, #tpu.memory_space<hbm>>) dst(%arg8 : memref<2000xi32, #tpu.memory_space<vmem>>)
    %dma_wait3A_106 = arith.constant 0 : i32
    %dma_wait3A_107 = tpu.memref_slice %arg2[%dma_wait3A_106, %add3A_31] : memref<2x320000xi32, #tpu.memory_space<hbm>> -> memref<1x2000xi32, #tpu.memory_space<hbm>>
    %dma_wait3A_108 = tpu.memref_squeeze %dma_wait3A_107 : memref<1x2000xi32, #tpu.memory_space<hbm>> -> memref<2000xi32, #tpu.memory_space<hbm>>
    %dma_wait3A_109 = tpu.memref_slice %arg2[%dma_wait3A_106, %add3A_31] : memref<2x320000xi32, #tpu.memory_space<hbm>> -> memref<1x2000xi32, #tpu.memory_space<hbm>>
    %dma_wait3A_110 = tpu.memref_squeeze %dma_wait3A_109 : memref<1x2000xi32, #tpu.memory_space<hbm>> -> memref<2000xi32, #tpu.memory_space<hbm>>
    tpu.wait_dma2 semaphore(%arg20 : memref<!tpu.dma_semaphore, #tpu.memory_space<semaphore_mem>>) src(%dma_wait3A_110 : memref<2000xi32, #tpu.memory_space<hbm>>) dst(%arg9 : memref<2000xi32, #tpu.memory_space<vmem>>)
    %dma_wait3A_111 = arith.constant 1 : i32
    %dma_wait3A_112 = tpu.memref_slice %arg2[%dma_wait3A_111, %add3A_38] : memref<2x320000xi32, #tpu.memory_space<hbm>> -> memref<1x2000xi32, #tpu.memory_space<hbm>>
    %dma_wait3A_113 = tpu.memref_squeeze %dma_wait3A_112 : memref<1x2000xi32, #tpu.memory_space<hbm>> -> memref<2000xi32, #tpu.memory_space<hbm>>
    %dma_wait3A_114 = tpu.memref_slice %arg2[%dma_wait3A_111, %add3A_38] : memref<2x320000xi32, #tpu.memory_space<hbm>> -> memref<1x2000xi32, #tpu.memory_space<hbm>>
    %dma_wait3A_115 = tpu.memref_squeeze %dma_wait3A_114 : memref<1x2000xi32, #tpu.memory_space<hbm>> -> memref<2000xi32, #tpu.memory_space<hbm>>
    tpu.wait_dma2 semaphore(%arg20 : memref<!tpu.dma_semaphore, #tpu.memory_space<semaphore_mem>>) src(%dma_wait3A_115 : memref<2000xi32, #tpu.memory_space<hbm>>) dst(%arg10 : memref<2000xi32, #tpu.memory_space<vmem>>)
    %dma_wait3A_116 = arith.constant 1 : i32
    %dma_wait3A_117 = tpu.memref_slice %arg2[%dma_wait3A_116, %add3A_45] : memref<2x320000xi32, #tpu.memory_space<hbm>> -> memref<1x2000xi32, #tpu.memory_space<hbm>>
    %dma_wait3A_118 = tpu.memref_squeeze %dma_wait3A_117 : memref<1x2000xi32, #tpu.memory_space<hbm>> -> memref<2000xi32, #tpu.memory_space<hbm>>
    %dma_wait3A_119 = tpu.memref_slice %arg2[%dma_wait3A_116, %add3A_45] : memref<2x320000xi32, #tpu.memory_space<hbm>> -> memref<1x2000xi32, #tpu.memory_space<hbm>>
    %dma_wait3A_120 = tpu.memref_squeeze %dma_wait3A_119 : memref<1x2000xi32, #tpu.memory_space<hbm>> -> memref<2000xi32, #tpu.memory_space<hbm>>
    tpu.wait_dma2 semaphore(%arg20 : memref<!tpu.dma_semaphore, #tpu.memory_space<semaphore_mem>>) src(%dma_wait3A_120 : memref<2000xi32, #tpu.memory_space<hbm>>) dst(%arg11 : memref<2000xi32, #tpu.memory_space<vmem>>)
    %dma_wait3A_121 = arith.constant 1 : i32
    %dma_wait3A_122 = tpu.memref_slice %arg2[%dma_wait3A_121, %add3A_52] : memref<2x320000xi32, #tpu.memory_space<hbm>> -> memref<1x2000xi32, #tpu.memory_space<hbm>>
    %dma_wait3A_123 = tpu.memref_squeeze %dma_wait3A_122 : memref<1x2000xi32, #tpu.memory_space<hbm>> -> memref<2000xi32, #tpu.memory_space<hbm>>
    %dma_wait3A_124 = tpu.memref_slice %arg2[%dma_wait3A_121, %add3A_52] : memref<2x320000xi32, #tpu.memory_space<hbm>> -> memref<1x2000xi32, #tpu.memory_space<hbm>>
    %dma_wait3A_125 = tpu.memref_squeeze %dma_wait3A_124 : memref<1x2000xi32, #tpu.memory_space<hbm>> -> memref<2000xi32, #tpu.memory_space<hbm>>
    tpu.wait_dma2 semaphore(%arg20 : memref<!tpu.dma_semaphore, #tpu.memory_space<semaphore_mem>>) src(%dma_wait3A_125 : memref<2000xi32, #tpu.memory_space<hbm>>) dst(%arg12 : memref<2000xi32, #tpu.memory_space<vmem>>)
    %dma_wait3A_126 = arith.constant 1 : i32
    %dma_wait3A_127 = tpu.memref_slice %arg2[%dma_wait3A_126, %add3A_59] : memref<2x320000xi32, #tpu.memory_space<hbm>> -> memref<1x2000xi32, #tpu.memory_space<hbm>>
    %dma_wait3A_128 = tpu.memref_squeeze %dma_wait3A_127 : memref<1x2000xi32, #tpu.memory_space<hbm>> -> memref<2000xi32, #tpu.memory_space<hbm>>
    %dma_wait3A_129 = tpu.memref_slice %arg2[%dma_wait3A_126, %add3A_59] : memref<2x320000xi32, #tpu.memory_space<hbm>> -> memref<1x2000xi32, #tpu.memory_space<hbm>>
    %dma_wait3A_130 = tpu.memref_squeeze %dma_wait3A_129 : memref<1x2000xi32, #tpu.memory_space<hbm>> -> memref<2000xi32, #tpu.memory_space<hbm>>
    tpu.wait_dma2 semaphore(%arg20 : memref<!tpu.dma_semaphore, #tpu.memory_space<semaphore_mem>>) src(%dma_wait3A_130 : memref<2000xi32, #tpu.memory_space<hbm>>) dst(%arg13 : memref<2000xi32, #tpu.memory_space<vmem>>)
    %dma_wait3A_131 = arith.constant 1 : i32
    %dma_wait3A_132 = tpu.memref_slice %arg2[%dma_wait3A_131, %add3A_66] : memref<2x320000xi32, #tpu.memory_space<hbm>> -> memref<1x2000xi32, #tpu.memory_space<hbm>>
    %dma_wait3A_133 = tpu.memref_squeeze %dma_wait3A_132 : memref<1x2000xi32, #tpu.memory_space<hbm>> -> memref<2000xi32, #tpu.memory_space<hbm>>
    %dma_wait3A_134 = tpu.memref_slice %arg2[%dma_wait3A_131, %add3A_66] : memref<2x320000xi32, #tpu.memory_space<hbm>> -> memref<1x2000xi32, #tpu.memory_space<hbm>>
    %dma_wait3A_135 = tpu.memref_squeeze %dma_wait3A_134 : memref<1x2000xi32, #tpu.memory_space<hbm>> -> memref<2000xi32, #tpu.memory_space<hbm>>
    tpu.wait_dma2 semaphore(%arg20 : memref<!tpu.dma_semaphore, #tpu.memory_space<semaphore_mem>>) src(%dma_wait3A_135 : memref<2000xi32, #tpu.memory_space<hbm>>) dst(%arg14 : memref<2000xi32, #tpu.memory_space<vmem>>)
    %barrier3A = arith.constant 0 : index
    tpu.barrier barrier_id(%barrier3A)
    "tpu.region"() ({
      %run_scoped3A = tpu.sem_alloc : memref<!tpu.dma_semaphore, #tpu.memory_space<semaphore_mem>>
      %dma_start3A_145 = arith.constant 0 : i32
      %dma_start3A_146 = tpu.memref_slice %arg18[%dma_start3A_145] : memref<10240xf32, #tpu.memory_space<vmem_shared>> -> memref<10240xf32, #tpu.memory_space<vmem_shared>>
      tpu.enqueue_indirect_dma source(%arg15 : memref<2000xf32, #tpu.memory_space<vmem>>) target(%dma_start3A_146 : memref<10240xf32, #tpu.memory_space<vmem_shared>>) offsets(%arg5 : memref<2000xi32, #tpu.memory_space<vmem>>) semaphore(%run_scoped3A : memref<!tpu.dma_semaphore, #tpu.memory_space<semaphore_mem>>) {add = true}
      %dma_wait3A_147 = arith.constant 0 : i32
      %dma_wait3A_148 = tpu.memref_slice %arg18[%dma_wait3A_147] : memref<10240xf32, #tpu.memory_space<vmem_shared>> -> memref<10240xf32, #tpu.memory_space<vmem_shared>>
      tpu.wait_indirect_dma semaphore(%run_scoped3A : memref<!tpu.dma_semaphore, #tpu.memory_space<semaphore_mem>>) src(%arg15 : memref<2000xf32, #tpu.memory_space<vmem>>) dst(%dma_wait3A_148 : memref<10240xf32, #tpu.memory_space<vmem_shared>>)
      tpu.yield
    }) : () -> ()
    "tpu.region"() ({
      %run_scoped3A = tpu.sem_alloc : memref<!tpu.dma_semaphore, #tpu.memory_space<semaphore_mem>>
      %dma_start3A_145 = arith.constant 0 : i32
      %dma_start3A_146 = tpu.memref_slice %arg19[%dma_start3A_145] : memref<10240xf32, #tpu.memory_space<vmem_shared>> -> memref<10240xf32, #tpu.memory_space<vmem_shared>>
      tpu.enqueue_indirect_dma source(%arg15 : memref<2000xf32, #tpu.memory_space<vmem>>) target(%dma_start3A_146 : memref<10240xf32, #tpu.memory_space<vmem_shared>>) offsets(%arg10 : memref<2000xi32, #tpu.memory_space<vmem>>) semaphore(%run_scoped3A : memref<!tpu.dma_semaphore, #tpu.memory_space<semaphore_mem>>) {add = true}
      %dma_wait3A_147 = arith.constant 0 : i32
      %dma_wait3A_148 = tpu.memref_slice %arg19[%dma_wait3A_147] : memref<10240xf32, #tpu.memory_space<vmem_shared>> -> memref<10240xf32, #tpu.memory_space<vmem_shared>>
      tpu.wait_indirect_dma semaphore(%run_scoped3A : memref<!tpu.dma_semaphore, #tpu.memory_space<semaphore_mem>>) src(%arg15 : memref<2000xf32, #tpu.memory_space<vmem>>) dst(%dma_wait3A_148 : memref<10240xf32, #tpu.memory_space<vmem_shared>>)
      tpu.yield
    }) : () -> ()
    "tpu.region"() ({
      %run_scoped3A = tpu.sem_alloc : memref<!tpu.dma_semaphore, #tpu.memory_space<semaphore_mem>>
      %dma_start3A_145 = arith.constant 0 : i32
      %dma_start3A_146 = tpu.memref_slice %arg18[%dma_start3A_145] : memref<10240xf32, #tpu.memory_space<vmem_shared>> -> memref<10240xf32, #tpu.memory_space<vmem_shared>>
      tpu.enqueue_indirect_dma source(%arg15 : memref<2000xf32, #tpu.memory_space<vmem>>) target(%dma_start3A_146 : memref<10240xf32, #tpu.memory_space<vmem_shared>>) offsets(%arg6 : memref<2000xi32, #tpu.memory_space<vmem>>) semaphore(%run_scoped3A : memref<!tpu.dma_semaphore, #tpu.memory_space<semaphore_mem>>) {add = true}
      %dma_wait3A_147 = arith.constant 0 : i32
      %dma_wait3A_148 = tpu.memref_slice %arg18[%dma_wait3A_147] : memref<10240xf32, #tpu.memory_space<vmem_shared>> -> memref<10240xf32, #tpu.memory_space<vmem_shared>>
      tpu.wait_indirect_dma semaphore(%run_scoped3A : memref<!tpu.dma_semaphore, #tpu.memory_space<semaphore_mem>>) src(%arg15 : memref<2000xf32, #tpu.memory_space<vmem>>) dst(%dma_wait3A_148 : memref<10240xf32, #tpu.memory_space<vmem_shared>>)
      tpu.yield
    }) : () -> ()
    "tpu.region"() ({
      %run_scoped3A = tpu.sem_alloc : memref<!tpu.dma_semaphore, #tpu.memory_space<semaphore_mem>>
      %dma_start3A_145 = arith.constant 0 : i32
      %dma_start3A_146 = tpu.memref_slice %arg19[%dma_start3A_145] : memref<10240xf32, #tpu.memory_space<vmem_shared>> -> memref<10240xf32, #tpu.memory_space<vmem_shared>>
      tpu.enqueue_indirect_dma source(%arg15 : memref<2000xf32, #tpu.memory_space<vmem>>) target(%dma_start3A_146 : memref<10240xf32, #tpu.memory_space<vmem_shared>>) offsets(%arg11 : memref<2000xi32, #tpu.memory_space<vmem>>) semaphore(%run_scoped3A : memref<!tpu.dma_semaphore, #tpu.memory_space<semaphore_mem>>) {add = true}
      %dma_wait3A_147 = arith.constant 0 : i32
      %dma_wait3A_148 = tpu.memref_slice %arg19[%dma_wait3A_147] : memref<10240xf32, #tpu.memory_space<vmem_shared>> -> memref<10240xf32, #tpu.memory_space<vmem_shared>>
      tpu.wait_indirect_dma semaphore(%run_scoped3A : memref<!tpu.dma_semaphore, #tpu.memory_space<semaphore_mem>>) src(%arg15 : memref<2000xf32, #tpu.memory_space<vmem>>) dst(%dma_wait3A_148 : memref<10240xf32, #tpu.memory_space<vmem_shared>>)
      tpu.yield
    }) : () -> ()
    "tpu.region"() ({
      %run_scoped3A = tpu.sem_alloc : memref<!tpu.dma_semaphore, #tpu.memory_space<semaphore_mem>>
      %dma_start3A_145 = arith.constant 0 : i32
      %dma_start3A_146 = tpu.memref_slice %arg18[%dma_start3A_145] : memref<10240xf32, #tpu.memory_space<vmem_shared>> -> memref<10240xf32, #tpu.memory_space<vmem_shared>>
      tpu.enqueue_indirect_dma source(%arg15 : memref<2000xf32, #tpu.memory_space<vmem>>) target(%dma_start3A_146 : memref<10240xf32, #tpu.memory_space<vmem_shared>>) offsets(%arg7 : memref<2000xi32, #tpu.memory_space<vmem>>) semaphore(%run_scoped3A : memref<!tpu.dma_semaphore, #tpu.memory_space<semaphore_mem>>) {add = true}
      %dma_wait3A_147 = arith.constant 0 : i32
      %dma_wait3A_148 = tpu.memref_slice %arg18[%dma_wait3A_147] : memref<10240xf32, #tpu.memory_space<vmem_shared>> -> memref<10240xf32, #tpu.memory_space<vmem_shared>>
      tpu.wait_indirect_dma semaphore(%run_scoped3A : memref<!tpu.dma_semaphore, #tpu.memory_space<semaphore_mem>>) src(%arg15 : memref<2000xf32, #tpu.memory_space<vmem>>) dst(%dma_wait3A_148 : memref<10240xf32, #tpu.memory_space<vmem_shared>>)
      tpu.yield
    }) : () -> ()
    "tpu.region"() ({
      %run_scoped3A = tpu.sem_alloc : memref<!tpu.dma_semaphore, #tpu.memory_space<semaphore_mem>>
      %dma_start3A_145 = arith.constant 0 : i32
      %dma_start3A_146 = tpu.memref_slice %arg19[%dma_start3A_145] : memref<10240xf32, #tpu.memory_space<vmem_shared>> -> memref<10240xf32, #tpu.memory_space<vmem_shared>>
      tpu.enqueue_indirect_dma source(%arg15 : memref<2000xf32, #tpu.memory_space<vmem>>) target(%dma_start3A_146 : memref<10240xf32, #tpu.memory_space<vmem_shared>>) offsets(%arg12 : memref<2000xi32, #tpu.memory_space<vmem>>) semaphore(%run_scoped3A : memref<!tpu.dma_semaphore, #tpu.memory_space<semaphore_mem>>) {add = true}
      %dma_wait3A_147 = arith.constant 0 : i32
      %dma_wait3A_148 = tpu.memref_slice %arg19[%dma_wait3A_147] : memref<10240xf32, #tpu.memory_space<vmem_shared>> -> memref<10240xf32, #tpu.memory_space<vmem_shared>>
      tpu.wait_indirect_dma semaphore(%run_scoped3A : memref<!tpu.dma_semaphore, #tpu.memory_space<semaphore_mem>>) src(%arg15 : memref<2000xf32, #tpu.memory_space<vmem>>) dst(%dma_wait3A_148 : memref<10240xf32, #tpu.memory_space<vmem_shared>>)
      tpu.yield
    }) : () -> ()
    "tpu.region"() ({
      %run_scoped3A = tpu.sem_alloc : memref<!tpu.dma_semaphore, #tpu.memory_space<semaphore_mem>>
      %dma_start3A_145 = arith.constant 0 : i32
      %dma_start3A_146 = tpu.memref_slice %arg18[%dma_start3A_145] : memref<10240xf32, #tpu.memory_space<vmem_shared>> -> memref<10240xf32, #tpu.memory_space<vmem_shared>>
      tpu.enqueue_indirect_dma source(%arg15 : memref<2000xf32, #tpu.memory_space<vmem>>) target(%dma_start3A_146 : memref<10240xf32, #tpu.memory_space<vmem_shared>>) offsets(%arg8 : memref<2000xi32, #tpu.memory_space<vmem>>) semaphore(%run_scoped3A : memref<!tpu.dma_semaphore, #tpu.memory_space<semaphore_mem>>) {add = true}
      %dma_wait3A_147 = arith.constant 0 : i32
      %dma_wait3A_148 = tpu.memref_slice %arg18[%dma_wait3A_147] : memref<10240xf32, #tpu.memory_space<vmem_shared>> -> memref<10240xf32, #tpu.memory_space<vmem_shared>>
      tpu.wait_indirect_dma semaphore(%run_scoped3A : memref<!tpu.dma_semaphore, #tpu.memory_space<semaphore_mem>>) src(%arg15 : memref<2000xf32, #tpu.memory_space<vmem>>) dst(%dma_wait3A_148 : memref<10240xf32, #tpu.memory_space<vmem_shared>>)
      tpu.yield
    }) : () -> ()
    "tpu.region"() ({
      %run_scoped3A = tpu.sem_alloc : memref<!tpu.dma_semaphore, #tpu.memory_space<semaphore_mem>>
      %dma_start3A_145 = arith.constant 0 : i32
      %dma_start3A_146 = tpu.memref_slice %arg19[%dma_start3A_145] : memref<10240xf32, #tpu.memory_space<vmem_shared>> -> memref<10240xf32, #tpu.memory_space<vmem_shared>>
      tpu.enqueue_indirect_dma source(%arg15 : memref<2000xf32, #tpu.memory_space<vmem>>) target(%dma_start3A_146 : memref<10240xf32, #tpu.memory_space<vmem_shared>>) offsets(%arg13 : memref<2000xi32, #tpu.memory_space<vmem>>) semaphore(%run_scoped3A : memref<!tpu.dma_semaphore, #tpu.memory_space<semaphore_mem>>) {add = true}
      %dma_wait3A_147 = arith.constant 0 : i32
      %dma_wait3A_148 = tpu.memref_slice %arg19[%dma_wait3A_147] : memref<10240xf32, #tpu.memory_space<vmem_shared>> -> memref<10240xf32, #tpu.memory_space<vmem_shared>>
      tpu.wait_indirect_dma semaphore(%run_scoped3A : memref<!tpu.dma_semaphore, #tpu.memory_space<semaphore_mem>>) src(%arg15 : memref<2000xf32, #tpu.memory_space<vmem>>) dst(%dma_wait3A_148 : memref<10240xf32, #tpu.memory_space<vmem_shared>>)
      tpu.yield
    }) : () -> ()
    "tpu.region"() ({
      %run_scoped3A = tpu.sem_alloc : memref<!tpu.dma_semaphore, #tpu.memory_space<semaphore_mem>>
      %dma_start3A_145 = arith.constant 0 : i32
      %dma_start3A_146 = tpu.memref_slice %arg18[%dma_start3A_145] : memref<10240xf32, #tpu.memory_space<vmem_shared>> -> memref<10240xf32, #tpu.memory_space<vmem_shared>>
      tpu.enqueue_indirect_dma source(%arg15 : memref<2000xf32, #tpu.memory_space<vmem>>) target(%dma_start3A_146 : memref<10240xf32, #tpu.memory_space<vmem_shared>>) offsets(%arg9 : memref<2000xi32, #tpu.memory_space<vmem>>) semaphore(%run_scoped3A : memref<!tpu.dma_semaphore, #tpu.memory_space<semaphore_mem>>) {add = true}
      %dma_wait3A_147 = arith.constant 0 : i32
      %dma_wait3A_148 = tpu.memref_slice %arg18[%dma_wait3A_147] : memref<10240xf32, #tpu.memory_space<vmem_shared>> -> memref<10240xf32, #tpu.memory_space<vmem_shared>>
      tpu.wait_indirect_dma semaphore(%run_scoped3A : memref<!tpu.dma_semaphore, #tpu.memory_space<semaphore_mem>>) src(%arg15 : memref<2000xf32, #tpu.memory_space<vmem>>) dst(%dma_wait3A_148 : memref<10240xf32, #tpu.memory_space<vmem_shared>>)
      tpu.yield
    }) : () -> ()
    "tpu.region"() ({
      %run_scoped3A = tpu.sem_alloc : memref<!tpu.dma_semaphore, #tpu.memory_space<semaphore_mem>>
      %dma_start3A_145 = arith.constant 0 : i32
      %dma_start3A_146 = tpu.memref_slice %arg19[%dma_start3A_145] : memref<10240xf32, #tpu.memory_space<vmem_shared>> -> memref<10240xf32, #tpu.memory_space<vmem_shared>>
      tpu.enqueue_indirect_dma source(%arg15 : memref<2000xf32, #tpu.memory_space<vmem>>) target(%dma_start3A_146 : memref<10240xf32, #tpu.memory_space<vmem_shared>>) offsets(%arg14 : memref<2000xi32, #tpu.memory_space<vmem>>) semaphore(%run_scoped3A : memref<!tpu.dma_semaphore, #tpu.memory_space<semaphore_mem>>) {add = true}
      %dma_wait3A_147 = arith.constant 0 : i32
      %dma_wait3A_148 = tpu.memref_slice %arg19[%dma_wait3A_147] : memref<10240xf32, #tpu.memory_space<vmem_shared>> -> memref<10240xf32, #tpu.memory_space<vmem_shared>>
      tpu.wait_indirect_dma semaphore(%run_scoped3A : memref<!tpu.dma_semaphore, #tpu.memory_space<semaphore_mem>>) src(%arg15 : memref<2000xf32, #tpu.memory_space<vmem>>) dst(%dma_wait3A_148 : memref<10240xf32, #tpu.memory_space<vmem_shared>>)
      tpu.yield
    }) : () -> ()
    %barrier3A_136 = arith.constant 0 : index
    tpu.barrier barrier_id(%barrier3A_136)
    %mul3A_137 = arith.constant 640 : i32
    %mul3A_138 = arith.muli %arg1, %mul3A_137 : i32
    "tpu.region"() ({
      %run_scoped3A = tpu.sem_alloc : memref<!tpu.dma_semaphore, #tpu.memory_space<semaphore_mem>>
      %dma_start3A_145 = tpu.memref_slice %arg18[%mul3A_138] : memref<10240xf32, #tpu.memory_space<vmem_shared>> -> memref<640xf32, #tpu.memory_space<vmem_shared>>
      %dma_start3A_146 = tpu.memref_slice %arg18[%mul3A_138] : memref<10240xf32, #tpu.memory_space<vmem_shared>> -> memref<640xf32, #tpu.memory_space<vmem_shared>>
      tpu.enqueue_dma source(%dma_start3A_146 : memref<640xf32, #tpu.memory_space<vmem_shared>>) target(%arg16 : memref<640xf32, #tpu.memory_space<vmem>>) target_semaphore(%run_scoped3A : memref<!tpu.dma_semaphore, #tpu.memory_space<semaphore_mem>>)
      %dma_wait3A_147 = tpu.memref_slice %arg18[%mul3A_138] : memref<10240xf32, #tpu.memory_space<vmem_shared>> -> memref<640xf32, #tpu.memory_space<vmem_shared>>
      %dma_wait3A_148 = tpu.memref_slice %arg18[%mul3A_138] : memref<10240xf32, #tpu.memory_space<vmem_shared>> -> memref<640xf32, #tpu.memory_space<vmem_shared>>
      tpu.wait_dma2 semaphore(%run_scoped3A : memref<!tpu.dma_semaphore, #tpu.memory_space<semaphore_mem>>) src(%dma_wait3A_148 : memref<640xf32, #tpu.memory_space<vmem_shared>>) dst(%arg16 : memref<640xf32, #tpu.memory_space<vmem>>)
      tpu.yield
    }) : () -> ()
    %mul3A_139 = arith.constant 640 : i32
    %mul3A_140 = arith.muli %arg1, %mul3A_139 : i32
    "tpu.region"() ({
      %run_scoped3A = tpu.sem_alloc : memref<!tpu.dma_semaphore, #tpu.memory_space<semaphore_mem>>
      %dma_start3A_145 = tpu.memref_slice %arg19[%mul3A_140] : memref<10240xf32, #tpu.memory_space<vmem_shared>> -> memref<640xf32, #tpu.memory_space<vmem_shared>>
      %dma_start3A_146 = tpu.memref_slice %arg19[%mul3A_140] : memref<10240xf32, #tpu.memory_space<vmem_shared>> -> memref<640xf32, #tpu.memory_space<vmem_shared>>
      tpu.enqueue_dma source(%dma_start3A_146 : memref<640xf32, #tpu.memory_space<vmem_shared>>) target(%arg17 : memref<640xf32, #tpu.memory_space<vmem>>) target_semaphore(%run_scoped3A : memref<!tpu.dma_semaphore, #tpu.memory_space<semaphore_mem>>)
      %dma_wait3A_147 = tpu.memref_slice %arg19[%mul3A_140] : memref<10240xf32, #tpu.memory_space<vmem_shared>> -> memref<640xf32, #tpu.memory_space<vmem_shared>>
      %dma_wait3A_148 = tpu.memref_slice %arg19[%mul3A_140] : memref<10240xf32, #tpu.memory_space<vmem_shared>> -> memref<640xf32, #tpu.memory_space<vmem_shared>>
      tpu.wait_dma2 semaphore(%run_scoped3A : memref<!tpu.dma_semaphore, #tpu.memory_space<semaphore_mem>>) src(%dma_wait3A_148 : memref<640xf32, #tpu.memory_space<vmem_shared>>) dst(%arg17 : memref<640xf32, #tpu.memory_space<vmem>>)
      tpu.yield
    }) : () -> ()
    %mul3A_141 = arith.constant 640 : i32
    %mul3A_142 = arith.muli %add3A, %mul3A_141 : i32
    "tpu.region"() ({
      %run_scoped3A = tpu.sem_alloc : memref<!tpu.dma_semaphore, #tpu.memory_space<semaphore_mem>>
      %dma_start3A_145 = tpu.memref_slice %arg3[%mul3A_142] : memref<20480xf32, #tpu.memory_space<hbm>> -> memref<640xf32, #tpu.memory_space<hbm>>
      %dma_start3A_146 = tpu.memref_slice %arg3[%mul3A_142] : memref<20480xf32, #tpu.memory_space<hbm>> -> memref<640xf32, #tpu.memory_space<hbm>>
      tpu.enqueue_dma source(%arg16 : memref<640xf32, #tpu.memory_space<vmem>>) target(%dma_start3A_146 : memref<640xf32, #tpu.memory_space<hbm>>) target_semaphore(%run_scoped3A : memref<!tpu.dma_semaphore, #tpu.memory_space<semaphore_mem>>)
      %dma_wait3A_147 = tpu.memref_slice %arg3[%mul3A_142] : memref<20480xf32, #tpu.memory_space<hbm>> -> memref<640xf32, #tpu.memory_space<hbm>>
      %dma_wait3A_148 = tpu.memref_slice %arg3[%mul3A_142] : memref<20480xf32, #tpu.memory_space<hbm>> -> memref<640xf32, #tpu.memory_space<hbm>>
      tpu.wait_dma2 semaphore(%run_scoped3A : memref<!tpu.dma_semaphore, #tpu.memory_space<semaphore_mem>>) src(%arg16 : memref<640xf32, #tpu.memory_space<vmem>>) dst(%dma_wait3A_148 : memref<640xf32, #tpu.memory_space<hbm>>)
      tpu.yield
    }) : () -> ()
    %mul3A_143 = arith.constant 640 : i32
    %mul3A_144 = arith.muli %add3A, %mul3A_143 : i32
    "tpu.region"() ({
      %run_scoped3A = tpu.sem_alloc : memref<!tpu.dma_semaphore, #tpu.memory_space<semaphore_mem>>
      %dma_start3A_145 = tpu.memref_slice %arg4[%mul3A_144] : memref<20480xf32, #tpu.memory_space<hbm>> -> memref<640xf32, #tpu.memory_space<hbm>>
      %dma_start3A_146 = tpu.memref_slice %arg4[%mul3A_144] : memref<20480xf32, #tpu.memory_space<hbm>> -> memref<640xf32, #tpu.memory_space<hbm>>
      tpu.enqueue_dma source(%arg17 : memref<640xf32, #tpu.memory_space<vmem>>) target(%dma_start3A_146 : memref<640xf32, #tpu.memory_space<hbm>>) target_semaphore(%run_scoped3A : memref<!tpu.dma_semaphore, #tpu.memory_space<semaphore_mem>>)
      %dma_wait3A_147 = tpu.memref_slice %arg4[%mul3A_144] : memref<20480xf32, #tpu.memory_space<hbm>> -> memref<640xf32, #tpu.memory_space<hbm>>
      %dma_wait3A_148 = tpu.memref_slice %arg4[%mul3A_144] : memref<20480xf32, #tpu.memory_space<hbm>> -> memref<640xf32, #tpu.memory_space<hbm>>
      tpu.wait_dma2 semaphore(%run_scoped3A : memref<!tpu.dma_semaphore, #tpu.memory_space<semaphore_mem>>) src(%arg17 : memref<640xf32, #tpu.memory_space<vmem>>) dst(%dma_wait3A_148 : memref<640xf32, #tpu.memory_space<hbm>>)
      tpu.yield
    }) : () -> ()
    return
  }
}

#map = affine_map<(d0, d1) -> (0, 0)>
#map1 = affine_map<(d0, d1) -> (0, 0, 0)>
#map2 = affine_map<(d0, d1) -> (0)>
module attributes {stable_mosaic.version = 14 : i64} {
  func.func @_agg2(%arg0: i32, %arg1: i32, %arg2: memref<2x320000xi32, #tpu.memory_space<hbm>>, %arg3: memref<2x10240x16xf32, #tpu.memory_space<hbm>>, %arg4: memref<20480xf32, #tpu.memory_space<hbm>>, %arg5: memref<20480xf32, #tpu.memory_space<hbm>>, %arg6: memref<16xf32, #tpu.memory_space<hbm>>, %arg7: memref<2x10240x16xf32, #tpu.memory_space<hbm>>, %arg8: memref<640x16xf32, #tpu.memory_space<vmem>>, %arg9: memref<640x16xf32, #tpu.memory_space<vmem>>, %arg10: memref<16xf32, #tpu.memory_space<vmem>>, %arg11: memref<640xf32, #tpu.memory_space<vmem>>, %arg12: memref<640xf32, #tpu.memory_space<vmem>>, %arg13: memref<1000xi32, #tpu.memory_space<vmem>>, %arg14: memref<1000xi32, #tpu.memory_space<vmem>>, %arg15: memref<1000xi32, #tpu.memory_space<vmem>>, %arg16: memref<1000xi32, #tpu.memory_space<vmem>>, %arg17: memref<1000xi32, #tpu.memory_space<vmem>>, %arg18: memref<1000xi32, #tpu.memory_space<vmem>>, %arg19: memref<1000xi32, #tpu.memory_space<vmem>>, %arg20: memref<1000xi32, #tpu.memory_space<vmem>>, %arg21: memref<1000xi32, #tpu.memory_space<vmem>>, %arg22: memref<1000xi32, #tpu.memory_space<vmem>>, %arg23: memref<1000xi32, #tpu.memory_space<vmem>>, %arg24: memref<1000xi32, #tpu.memory_space<vmem>>, %arg25: memref<1000xi32, #tpu.memory_space<vmem>>, %arg26: memref<1000xi32, #tpu.memory_space<vmem>>, %arg27: memref<1000xi32, #tpu.memory_space<vmem>>, %arg28: memref<1000xi32, #tpu.memory_space<vmem>>, %arg29: memref<1000xi32, #tpu.memory_space<vmem>>, %arg30: memref<1000xi32, #tpu.memory_space<vmem>>, %arg31: memref<1000xi32, #tpu.memory_space<vmem>>, %arg32: memref<1000xi32, #tpu.memory_space<vmem>>, %arg33: memref<1000x16xf32, #tpu.memory_space<vmem>>, %arg34: memref<1000x16xf32, #tpu.memory_space<vmem>>, %arg35: memref<640x16xf32, #tpu.memory_space<vmem>>, %arg36: memref<640xf32, #tpu.memory_space<vmem>>, %arg37: memref<640xf32, #tpu.memory_space<vmem>>, %arg38: memref<10240x16xf32, #tpu.memory_space<vmem_shared>>, %arg39: memref<10240x16xf32, #tpu.memory_space<vmem_shared>>, %arg40: memref<!tpu.dma_semaphore, #tpu.memory_space<semaphore_mem>>, %arg41: memref<!tpu.dma_semaphore, #tpu.memory_space<semaphore_mem>>, %arg42: memref<!tpu.dma_semaphore, #tpu.memory_space<semaphore_mem>>, %arg43: memref<!tpu.dma_semaphore, #tpu.memory_space<semaphore_mem>>) attributes {dimension_semantics = [#tpu.dimension_semantics<core_parallel>, #tpu.dimension_semantics<subcore_parallel>], iteration_bounds = array<i64: 2, 16>, scalar_prefetch = 0 : i64, scratch_operands = 36 : i64, tpu.core_type = #tpu.core_type<sc_vector_subcore>, window_params = [{transform_indices = #map}, {transform_indices = #map1}, {transform_indices = #map2}, {transform_indices = #map2}, {transform_indices = #map2}, {transform_indices = #map1}]} {
    %mul3A = arith.constant 640 : i32
    %mul3A_0 = arith.muli %arg1, %mul3A : i32
    %mul3A_1 = arith.constant 16 : i32
    %mul3A_2 = arith.muli %arg0, %mul3A_1 : i32
    %add3A = arith.addi %mul3A_2, %arg1 : i32
    %mul3A_3 = arith.constant 10000 : i32
    %mul3A_4 = arith.muli %add3A, %mul3A_3 : i32
    %add3A_5 = arith.constant 0 : i32
    %add3A_6 = arith.addi %mul3A_4, %add3A_5 : i32
    %dma_start3A = arith.constant 0 : i32
    %dma_start3A_7 = tpu.memref_slice %arg2[%dma_start3A, %add3A_6] : memref<2x320000xi32, #tpu.memory_space<hbm>> -> memref<1x1000xi32, #tpu.memory_space<hbm>>
    %dma_start3A_8 = tpu.memref_squeeze %dma_start3A_7 : memref<1x1000xi32, #tpu.memory_space<hbm>> -> memref<1000xi32, #tpu.memory_space<hbm>>
    %dma_start3A_9 = tpu.memref_slice %arg2[%dma_start3A, %add3A_6] : memref<2x320000xi32, #tpu.memory_space<hbm>> -> memref<1x1000xi32, #tpu.memory_space<hbm>>
    %dma_start3A_10 = tpu.memref_squeeze %dma_start3A_9 : memref<1x1000xi32, #tpu.memory_space<hbm>> -> memref<1000xi32, #tpu.memory_space<hbm>>
    tpu.enqueue_dma source(%dma_start3A_10 : memref<1000xi32, #tpu.memory_space<hbm>>) target(%arg13 : memref<1000xi32, #tpu.memory_space<vmem>>) target_semaphore(%arg40 : memref<!tpu.dma_semaphore, #tpu.memory_space<semaphore_mem>>)
    %add3A_11 = arith.constant 1000 : i32
    %add3A_12 = arith.addi %mul3A_4, %add3A_11 : i32
    %dma_start3A_13 = arith.constant 0 : i32
    %dma_start3A_14 = tpu.memref_slice %arg2[%dma_start3A_13, %add3A_12] : memref<2x320000xi32, #tpu.memory_space<hbm>> -> memref<1x1000xi32, #tpu.memory_space<hbm>>
    %dma_start3A_15 = tpu.memref_squeeze %dma_start3A_14 : memref<1x1000xi32, #tpu.memory_space<hbm>> -> memref<1000xi32, #tpu.memory_space<hbm>>
    %dma_start3A_16 = tpu.memref_slice %arg2[%dma_start3A_13, %add3A_12] : memref<2x320000xi32, #tpu.memory_space<hbm>> -> memref<1x1000xi32, #tpu.memory_space<hbm>>
    %dma_start3A_17 = tpu.memref_squeeze %dma_start3A_16 : memref<1x1000xi32, #tpu.memory_space<hbm>> -> memref<1000xi32, #tpu.memory_space<hbm>>
    tpu.enqueue_dma source(%dma_start3A_17 : memref<1000xi32, #tpu.memory_space<hbm>>) target(%arg14 : memref<1000xi32, #tpu.memory_space<vmem>>) target_semaphore(%arg40 : memref<!tpu.dma_semaphore, #tpu.memory_space<semaphore_mem>>)
    %add3A_18 = arith.constant 2000 : i32
    %add3A_19 = arith.addi %mul3A_4, %add3A_18 : i32
    %dma_start3A_20 = arith.constant 0 : i32
    %dma_start3A_21 = tpu.memref_slice %arg2[%dma_start3A_20, %add3A_19] : memref<2x320000xi32, #tpu.memory_space<hbm>> -> memref<1x1000xi32, #tpu.memory_space<hbm>>
    %dma_start3A_22 = tpu.memref_squeeze %dma_start3A_21 : memref<1x1000xi32, #tpu.memory_space<hbm>> -> memref<1000xi32, #tpu.memory_space<hbm>>
    %dma_start3A_23 = tpu.memref_slice %arg2[%dma_start3A_20, %add3A_19] : memref<2x320000xi32, #tpu.memory_space<hbm>> -> memref<1x1000xi32, #tpu.memory_space<hbm>>
    %dma_start3A_24 = tpu.memref_squeeze %dma_start3A_23 : memref<1x1000xi32, #tpu.memory_space<hbm>> -> memref<1000xi32, #tpu.memory_space<hbm>>
    tpu.enqueue_dma source(%dma_start3A_24 : memref<1000xi32, #tpu.memory_space<hbm>>) target(%arg15 : memref<1000xi32, #tpu.memory_space<vmem>>) target_semaphore(%arg40 : memref<!tpu.dma_semaphore, #tpu.memory_space<semaphore_mem>>)
    %add3A_25 = arith.constant 3000 : i32
    %add3A_26 = arith.addi %mul3A_4, %add3A_25 : i32
    %dma_start3A_27 = arith.constant 0 : i32
    %dma_start3A_28 = tpu.memref_slice %arg2[%dma_start3A_27, %add3A_26] : memref<2x320000xi32, #tpu.memory_space<hbm>> -> memref<1x1000xi32, #tpu.memory_space<hbm>>
    %dma_start3A_29 = tpu.memref_squeeze %dma_start3A_28 : memref<1x1000xi32, #tpu.memory_space<hbm>> -> memref<1000xi32, #tpu.memory_space<hbm>>
    %dma_start3A_30 = tpu.memref_slice %arg2[%dma_start3A_27, %add3A_26] : memref<2x320000xi32, #tpu.memory_space<hbm>> -> memref<1x1000xi32, #tpu.memory_space<hbm>>
    %dma_start3A_31 = tpu.memref_squeeze %dma_start3A_30 : memref<1x1000xi32, #tpu.memory_space<hbm>> -> memref<1000xi32, #tpu.memory_space<hbm>>
    tpu.enqueue_dma source(%dma_start3A_31 : memref<1000xi32, #tpu.memory_space<hbm>>) target(%arg16 : memref<1000xi32, #tpu.memory_space<vmem>>) target_semaphore(%arg40 : memref<!tpu.dma_semaphore, #tpu.memory_space<semaphore_mem>>)
    %add3A_32 = arith.constant 4000 : i32
    %add3A_33 = arith.addi %mul3A_4, %add3A_32 : i32
    %dma_start3A_34 = arith.constant 0 : i32
    %dma_start3A_35 = tpu.memref_slice %arg2[%dma_start3A_34, %add3A_33] : memref<2x320000xi32, #tpu.memory_space<hbm>> -> memref<1x1000xi32, #tpu.memory_space<hbm>>
    %dma_start3A_36 = tpu.memref_squeeze %dma_start3A_35 : memref<1x1000xi32, #tpu.memory_space<hbm>> -> memref<1000xi32, #tpu.memory_space<hbm>>
    %dma_start3A_37 = tpu.memref_slice %arg2[%dma_start3A_34, %add3A_33] : memref<2x320000xi32, #tpu.memory_space<hbm>> -> memref<1x1000xi32, #tpu.memory_space<hbm>>
    %dma_start3A_38 = tpu.memref_squeeze %dma_start3A_37 : memref<1x1000xi32, #tpu.memory_space<hbm>> -> memref<1000xi32, #tpu.memory_space<hbm>>
    tpu.enqueue_dma source(%dma_start3A_38 : memref<1000xi32, #tpu.memory_space<hbm>>) target(%arg17 : memref<1000xi32, #tpu.memory_space<vmem>>) target_semaphore(%arg40 : memref<!tpu.dma_semaphore, #tpu.memory_space<semaphore_mem>>)
    %add3A_39 = arith.constant 5000 : i32
    %add3A_40 = arith.addi %mul3A_4, %add3A_39 : i32
    %dma_start3A_41 = arith.constant 0 : i32
    %dma_start3A_42 = tpu.memref_slice %arg2[%dma_start3A_41, %add3A_40] : memref<2x320000xi32, #tpu.memory_space<hbm>> -> memref<1x1000xi32, #tpu.memory_space<hbm>>
    %dma_start3A_43 = tpu.memref_squeeze %dma_start3A_42 : memref<1x1000xi32, #tpu.memory_space<hbm>> -> memref<1000xi32, #tpu.memory_space<hbm>>
    %dma_start3A_44 = tpu.memref_slice %arg2[%dma_start3A_41, %add3A_40] : memref<2x320000xi32, #tpu.memory_space<hbm>> -> memref<1x1000xi32, #tpu.memory_space<hbm>>
    %dma_start3A_45 = tpu.memref_squeeze %dma_start3A_44 : memref<1x1000xi32, #tpu.memory_space<hbm>> -> memref<1000xi32, #tpu.memory_space<hbm>>
    tpu.enqueue_dma source(%dma_start3A_45 : memref<1000xi32, #tpu.memory_space<hbm>>) target(%arg18 : memref<1000xi32, #tpu.memory_space<vmem>>) target_semaphore(%arg40 : memref<!tpu.dma_semaphore, #tpu.memory_space<semaphore_mem>>)
    %add3A_46 = arith.constant 6000 : i32
    %add3A_47 = arith.addi %mul3A_4, %add3A_46 : i32
    %dma_start3A_48 = arith.constant 0 : i32
    %dma_start3A_49 = tpu.memref_slice %arg2[%dma_start3A_48, %add3A_47] : memref<2x320000xi32, #tpu.memory_space<hbm>> -> memref<1x1000xi32, #tpu.memory_space<hbm>>
    %dma_start3A_50 = tpu.memref_squeeze %dma_start3A_49 : memref<1x1000xi32, #tpu.memory_space<hbm>> -> memref<1000xi32, #tpu.memory_space<hbm>>
    %dma_start3A_51 = tpu.memref_slice %arg2[%dma_start3A_48, %add3A_47] : memref<2x320000xi32, #tpu.memory_space<hbm>> -> memref<1x1000xi32, #tpu.memory_space<hbm>>
    %dma_start3A_52 = tpu.memref_squeeze %dma_start3A_51 : memref<1x1000xi32, #tpu.memory_space<hbm>> -> memref<1000xi32, #tpu.memory_space<hbm>>
    tpu.enqueue_dma source(%dma_start3A_52 : memref<1000xi32, #tpu.memory_space<hbm>>) target(%arg19 : memref<1000xi32, #tpu.memory_space<vmem>>) target_semaphore(%arg40 : memref<!tpu.dma_semaphore, #tpu.memory_space<semaphore_mem>>)
    %add3A_53 = arith.constant 7000 : i32
    %add3A_54 = arith.addi %mul3A_4, %add3A_53 : i32
    %dma_start3A_55 = arith.constant 0 : i32
    %dma_start3A_56 = tpu.memref_slice %arg2[%dma_start3A_55, %add3A_54] : memref<2x320000xi32, #tpu.memory_space<hbm>> -> memref<1x1000xi32, #tpu.memory_space<hbm>>
    %dma_start3A_57 = tpu.memref_squeeze %dma_start3A_56 : memref<1x1000xi32, #tpu.memory_space<hbm>> -> memref<1000xi32, #tpu.memory_space<hbm>>
    %dma_start3A_58 = tpu.memref_slice %arg2[%dma_start3A_55, %add3A_54] : memref<2x320000xi32, #tpu.memory_space<hbm>> -> memref<1x1000xi32, #tpu.memory_space<hbm>>
    %dma_start3A_59 = tpu.memref_squeeze %dma_start3A_58 : memref<1x1000xi32, #tpu.memory_space<hbm>> -> memref<1000xi32, #tpu.memory_space<hbm>>
    tpu.enqueue_dma source(%dma_start3A_59 : memref<1000xi32, #tpu.memory_space<hbm>>) target(%arg20 : memref<1000xi32, #tpu.memory_space<vmem>>) target_semaphore(%arg40 : memref<!tpu.dma_semaphore, #tpu.memory_space<semaphore_mem>>)
    %add3A_60 = arith.constant 8000 : i32
    %add3A_61 = arith.addi %mul3A_4, %add3A_60 : i32
    %dma_start3A_62 = arith.constant 0 : i32
    %dma_start3A_63 = tpu.memref_slice %arg2[%dma_start3A_62, %add3A_61] : memref<2x320000xi32, #tpu.memory_space<hbm>> -> memref<1x1000xi32, #tpu.memory_space<hbm>>
    %dma_start3A_64 = tpu.memref_squeeze %dma_start3A_63 : memref<1x1000xi32, #tpu.memory_space<hbm>> -> memref<1000xi32, #tpu.memory_space<hbm>>
    %dma_start3A_65 = tpu.memref_slice %arg2[%dma_start3A_62, %add3A_61] : memref<2x320000xi32, #tpu.memory_space<hbm>> -> memref<1x1000xi32, #tpu.memory_space<hbm>>
    %dma_start3A_66 = tpu.memref_squeeze %dma_start3A_65 : memref<1x1000xi32, #tpu.memory_space<hbm>> -> memref<1000xi32, #tpu.memory_space<hbm>>
    tpu.enqueue_dma source(%dma_start3A_66 : memref<1000xi32, #tpu.memory_space<hbm>>) target(%arg21 : memref<1000xi32, #tpu.memory_space<vmem>>) target_semaphore(%arg40 : memref<!tpu.dma_semaphore, #tpu.memory_space<semaphore_mem>>)
    %add3A_67 = arith.constant 9000 : i32
    %add3A_68 = arith.addi %mul3A_4, %add3A_67 : i32
    %dma_start3A_69 = arith.constant 0 : i32
    %dma_start3A_70 = tpu.memref_slice %arg2[%dma_start3A_69, %add3A_68] : memref<2x320000xi32, #tpu.memory_space<hbm>> -> memref<1x1000xi32, #tpu.memory_space<hbm>>
    %dma_start3A_71 = tpu.memref_squeeze %dma_start3A_70 : memref<1x1000xi32, #tpu.memory_space<hbm>> -> memref<1000xi32, #tpu.memory_space<hbm>>
    %dma_start3A_72 = tpu.memref_slice %arg2[%dma_start3A_69, %add3A_68] : memref<2x320000xi32, #tpu.memory_space<hbm>> -> memref<1x1000xi32, #tpu.memory_space<hbm>>
    %dma_start3A_73 = tpu.memref_squeeze %dma_start3A_72 : memref<1x1000xi32, #tpu.memory_space<hbm>> -> memref<1000xi32, #tpu.memory_space<hbm>>
    tpu.enqueue_dma source(%dma_start3A_73 : memref<1000xi32, #tpu.memory_space<hbm>>) target(%arg22 : memref<1000xi32, #tpu.memory_space<vmem>>) target_semaphore(%arg40 : memref<!tpu.dma_semaphore, #tpu.memory_space<semaphore_mem>>)
    %add3A_74 = arith.constant 0 : i32
    %add3A_75 = arith.addi %mul3A_4, %add3A_74 : i32
    %dma_start3A_76 = arith.constant 1 : i32
    %dma_start3A_77 = tpu.memref_slice %arg2[%dma_start3A_76, %add3A_75] : memref<2x320000xi32, #tpu.memory_space<hbm>> -> memref<1x1000xi32, #tpu.memory_space<hbm>>
    %dma_start3A_78 = tpu.memref_squeeze %dma_start3A_77 : memref<1x1000xi32, #tpu.memory_space<hbm>> -> memref<1000xi32, #tpu.memory_space<hbm>>
    %dma_start3A_79 = tpu.memref_slice %arg2[%dma_start3A_76, %add3A_75] : memref<2x320000xi32, #tpu.memory_space<hbm>> -> memref<1x1000xi32, #tpu.memory_space<hbm>>
    %dma_start3A_80 = tpu.memref_squeeze %dma_start3A_79 : memref<1x1000xi32, #tpu.memory_space<hbm>> -> memref<1000xi32, #tpu.memory_space<hbm>>
    tpu.enqueue_dma source(%dma_start3A_80 : memref<1000xi32, #tpu.memory_space<hbm>>) target(%arg23 : memref<1000xi32, #tpu.memory_space<vmem>>) target_semaphore(%arg41 : memref<!tpu.dma_semaphore, #tpu.memory_space<semaphore_mem>>)
    %add3A_81 = arith.constant 1000 : i32
    %add3A_82 = arith.addi %mul3A_4, %add3A_81 : i32
    %dma_start3A_83 = arith.constant 1 : i32
    %dma_start3A_84 = tpu.memref_slice %arg2[%dma_start3A_83, %add3A_82] : memref<2x320000xi32, #tpu.memory_space<hbm>> -> memref<1x1000xi32, #tpu.memory_space<hbm>>
    %dma_start3A_85 = tpu.memref_squeeze %dma_start3A_84 : memref<1x1000xi32, #tpu.memory_space<hbm>> -> memref<1000xi32, #tpu.memory_space<hbm>>
    %dma_start3A_86 = tpu.memref_slice %arg2[%dma_start3A_83, %add3A_82] : memref<2x320000xi32, #tpu.memory_space<hbm>> -> memref<1x1000xi32, #tpu.memory_space<hbm>>
    %dma_start3A_87 = tpu.memref_squeeze %dma_start3A_86 : memref<1x1000xi32, #tpu.memory_space<hbm>> -> memref<1000xi32, #tpu.memory_space<hbm>>
    tpu.enqueue_dma source(%dma_start3A_87 : memref<1000xi32, #tpu.memory_space<hbm>>) target(%arg24 : memref<1000xi32, #tpu.memory_space<vmem>>) target_semaphore(%arg41 : memref<!tpu.dma_semaphore, #tpu.memory_space<semaphore_mem>>)
    %add3A_88 = arith.constant 2000 : i32
    %add3A_89 = arith.addi %mul3A_4, %add3A_88 : i32
    %dma_start3A_90 = arith.constant 1 : i32
    %dma_start3A_91 = tpu.memref_slice %arg2[%dma_start3A_90, %add3A_89] : memref<2x320000xi32, #tpu.memory_space<hbm>> -> memref<1x1000xi32, #tpu.memory_space<hbm>>
    %dma_start3A_92 = tpu.memref_squeeze %dma_start3A_91 : memref<1x1000xi32, #tpu.memory_space<hbm>> -> memref<1000xi32, #tpu.memory_space<hbm>>
    %dma_start3A_93 = tpu.memref_slice %arg2[%dma_start3A_90, %add3A_89] : memref<2x320000xi32, #tpu.memory_space<hbm>> -> memref<1x1000xi32, #tpu.memory_space<hbm>>
    %dma_start3A_94 = tpu.memref_squeeze %dma_start3A_93 : memref<1x1000xi32, #tpu.memory_space<hbm>> -> memref<1000xi32, #tpu.memory_space<hbm>>
    tpu.enqueue_dma source(%dma_start3A_94 : memref<1000xi32, #tpu.memory_space<hbm>>) target(%arg25 : memref<1000xi32, #tpu.memory_space<vmem>>) target_semaphore(%arg41 : memref<!tpu.dma_semaphore, #tpu.memory_space<semaphore_mem>>)
    %add3A_95 = arith.constant 3000 : i32
    %add3A_96 = arith.addi %mul3A_4, %add3A_95 : i32
    %dma_start3A_97 = arith.constant 1 : i32
    %dma_start3A_98 = tpu.memref_slice %arg2[%dma_start3A_97, %add3A_96] : memref<2x320000xi32, #tpu.memory_space<hbm>> -> memref<1x1000xi32, #tpu.memory_space<hbm>>
    %dma_start3A_99 = tpu.memref_squeeze %dma_start3A_98 : memref<1x1000xi32, #tpu.memory_space<hbm>> -> memref<1000xi32, #tpu.memory_space<hbm>>
    %dma_start3A_100 = tpu.memref_slice %arg2[%dma_start3A_97, %add3A_96] : memref<2x320000xi32, #tpu.memory_space<hbm>> -> memref<1x1000xi32, #tpu.memory_space<hbm>>
    %dma_start3A_101 = tpu.memref_squeeze %dma_start3A_100 : memref<1x1000xi32, #tpu.memory_space<hbm>> -> memref<1000xi32, #tpu.memory_space<hbm>>
    tpu.enqueue_dma source(%dma_start3A_101 : memref<1000xi32, #tpu.memory_space<hbm>>) target(%arg26 : memref<1000xi32, #tpu.memory_space<vmem>>) target_semaphore(%arg41 : memref<!tpu.dma_semaphore, #tpu.memory_space<semaphore_mem>>)
    %add3A_102 = arith.constant 4000 : i32
    %add3A_103 = arith.addi %mul3A_4, %add3A_102 : i32
    %dma_start3A_104 = arith.constant 1 : i32
    %dma_start3A_105 = tpu.memref_slice %arg2[%dma_start3A_104, %add3A_103] : memref<2x320000xi32, #tpu.memory_space<hbm>> -> memref<1x1000xi32, #tpu.memory_space<hbm>>
    %dma_start3A_106 = tpu.memref_squeeze %dma_start3A_105 : memref<1x1000xi32, #tpu.memory_space<hbm>> -> memref<1000xi32, #tpu.memory_space<hbm>>
    %dma_start3A_107 = tpu.memref_slice %arg2[%dma_start3A_104, %add3A_103] : memref<2x320000xi32, #tpu.memory_space<hbm>> -> memref<1x1000xi32, #tpu.memory_space<hbm>>
    %dma_start3A_108 = tpu.memref_squeeze %dma_start3A_107 : memref<1x1000xi32, #tpu.memory_space<hbm>> -> memref<1000xi32, #tpu.memory_space<hbm>>
    tpu.enqueue_dma source(%dma_start3A_108 : memref<1000xi32, #tpu.memory_space<hbm>>) target(%arg27 : memref<1000xi32, #tpu.memory_space<vmem>>) target_semaphore(%arg41 : memref<!tpu.dma_semaphore, #tpu.memory_space<semaphore_mem>>)
    %add3A_109 = arith.constant 5000 : i32
    %add3A_110 = arith.addi %mul3A_4, %add3A_109 : i32
    %dma_start3A_111 = arith.constant 1 : i32
    %dma_start3A_112 = tpu.memref_slice %arg2[%dma_start3A_111, %add3A_110] : memref<2x320000xi32, #tpu.memory_space<hbm>> -> memref<1x1000xi32, #tpu.memory_space<hbm>>
    %dma_start3A_113 = tpu.memref_squeeze %dma_start3A_112 : memref<1x1000xi32, #tpu.memory_space<hbm>> -> memref<1000xi32, #tpu.memory_space<hbm>>
    %dma_start3A_114 = tpu.memref_slice %arg2[%dma_start3A_111, %add3A_110] : memref<2x320000xi32, #tpu.memory_space<hbm>> -> memref<1x1000xi32, #tpu.memory_space<hbm>>
    %dma_start3A_115 = tpu.memref_squeeze %dma_start3A_114 : memref<1x1000xi32, #tpu.memory_space<hbm>> -> memref<1000xi32, #tpu.memory_space<hbm>>
    tpu.enqueue_dma source(%dma_start3A_115 : memref<1000xi32, #tpu.memory_space<hbm>>) target(%arg28 : memref<1000xi32, #tpu.memory_space<vmem>>) target_semaphore(%arg41 : memref<!tpu.dma_semaphore, #tpu.memory_space<semaphore_mem>>)
    %add3A_116 = arith.constant 6000 : i32
    %add3A_117 = arith.addi %mul3A_4, %add3A_116 : i32
    %dma_start3A_118 = arith.constant 1 : i32
    %dma_start3A_119 = tpu.memref_slice %arg2[%dma_start3A_118, %add3A_117] : memref<2x320000xi32, #tpu.memory_space<hbm>> -> memref<1x1000xi32, #tpu.memory_space<hbm>>
    %dma_start3A_120 = tpu.memref_squeeze %dma_start3A_119 : memref<1x1000xi32, #tpu.memory_space<hbm>> -> memref<1000xi32, #tpu.memory_space<hbm>>
    %dma_start3A_121 = tpu.memref_slice %arg2[%dma_start3A_118, %add3A_117] : memref<2x320000xi32, #tpu.memory_space<hbm>> -> memref<1x1000xi32, #tpu.memory_space<hbm>>
    %dma_start3A_122 = tpu.memref_squeeze %dma_start3A_121 : memref<1x1000xi32, #tpu.memory_space<hbm>> -> memref<1000xi32, #tpu.memory_space<hbm>>
    tpu.enqueue_dma source(%dma_start3A_122 : memref<1000xi32, #tpu.memory_space<hbm>>) target(%arg29 : memref<1000xi32, #tpu.memory_space<vmem>>) target_semaphore(%arg41 : memref<!tpu.dma_semaphore, #tpu.memory_space<semaphore_mem>>)
    %add3A_123 = arith.constant 7000 : i32
    %add3A_124 = arith.addi %mul3A_4, %add3A_123 : i32
    %dma_start3A_125 = arith.constant 1 : i32
    %dma_start3A_126 = tpu.memref_slice %arg2[%dma_start3A_125, %add3A_124] : memref<2x320000xi32, #tpu.memory_space<hbm>> -> memref<1x1000xi32, #tpu.memory_space<hbm>>
    %dma_start3A_127 = tpu.memref_squeeze %dma_start3A_126 : memref<1x1000xi32, #tpu.memory_space<hbm>> -> memref<1000xi32, #tpu.memory_space<hbm>>
    %dma_start3A_128 = tpu.memref_slice %arg2[%dma_start3A_125, %add3A_124] : memref<2x320000xi32, #tpu.memory_space<hbm>> -> memref<1x1000xi32, #tpu.memory_space<hbm>>
    %dma_start3A_129 = tpu.memref_squeeze %dma_start3A_128 : memref<1x1000xi32, #tpu.memory_space<hbm>> -> memref<1000xi32, #tpu.memory_space<hbm>>
    tpu.enqueue_dma source(%dma_start3A_129 : memref<1000xi32, #tpu.memory_space<hbm>>) target(%arg30 : memref<1000xi32, #tpu.memory_space<vmem>>) target_semaphore(%arg41 : memref<!tpu.dma_semaphore, #tpu.memory_space<semaphore_mem>>)
    %add3A_130 = arith.constant 8000 : i32
    %add3A_131 = arith.addi %mul3A_4, %add3A_130 : i32
    %dma_start3A_132 = arith.constant 1 : i32
    %dma_start3A_133 = tpu.memref_slice %arg2[%dma_start3A_132, %add3A_131] : memref<2x320000xi32, #tpu.memory_space<hbm>> -> memref<1x1000xi32, #tpu.memory_space<hbm>>
    %dma_start3A_134 = tpu.memref_squeeze %dma_start3A_133 : memref<1x1000xi32, #tpu.memory_space<hbm>> -> memref<1000xi32, #tpu.memory_space<hbm>>
    %dma_start3A_135 = tpu.memref_slice %arg2[%dma_start3A_132, %add3A_131] : memref<2x320000xi32, #tpu.memory_space<hbm>> -> memref<1x1000xi32, #tpu.memory_space<hbm>>
    %dma_start3A_136 = tpu.memref_squeeze %dma_start3A_135 : memref<1x1000xi32, #tpu.memory_space<hbm>> -> memref<1000xi32, #tpu.memory_space<hbm>>
    tpu.enqueue_dma source(%dma_start3A_136 : memref<1000xi32, #tpu.memory_space<hbm>>) target(%arg31 : memref<1000xi32, #tpu.memory_space<vmem>>) target_semaphore(%arg41 : memref<!tpu.dma_semaphore, #tpu.memory_space<semaphore_mem>>)
    %add3A_137 = arith.constant 9000 : i32
    %add3A_138 = arith.addi %mul3A_4, %add3A_137 : i32
    %dma_start3A_139 = arith.constant 1 : i32
    %dma_start3A_140 = tpu.memref_slice %arg2[%dma_start3A_139, %add3A_138] : memref<2x320000xi32, #tpu.memory_space<hbm>> -> memref<1x1000xi32, #tpu.memory_space<hbm>>
    %dma_start3A_141 = tpu.memref_squeeze %dma_start3A_140 : memref<1x1000xi32, #tpu.memory_space<hbm>> -> memref<1000xi32, #tpu.memory_space<hbm>>
    %dma_start3A_142 = tpu.memref_slice %arg2[%dma_start3A_139, %add3A_138] : memref<2x320000xi32, #tpu.memory_space<hbm>> -> memref<1x1000xi32, #tpu.memory_space<hbm>>
    %dma_start3A_143 = tpu.memref_squeeze %dma_start3A_142 : memref<1x1000xi32, #tpu.memory_space<hbm>> -> memref<1000xi32, #tpu.memory_space<hbm>>
    tpu.enqueue_dma source(%dma_start3A_143 : memref<1000xi32, #tpu.memory_space<hbm>>) target(%arg32 : memref<1000xi32, #tpu.memory_space<vmem>>) target_semaphore(%arg41 : memref<!tpu.dma_semaphore, #tpu.memory_space<semaphore_mem>>)
    %run_scoped3A = arith.constant 0 : i32
    "tpu.region"() ({
      %run_scoped3A_394 = tpu.sem_alloc : memref<!tpu.dma_semaphore, #tpu.memory_space<semaphore_mem>>
      %dma_start3A_395 = arith.constant 0 : i32
      %dma_start3A_396 = tpu.memref_slice %arg3[%run_scoped3A, %mul3A_0, %dma_start3A_395] : memref<2x10240x16xf32, #tpu.memory_space<hbm>> -> memref<1x640x16xf32, #tpu.memory_space<hbm>>
      %dma_start3A_397 = tpu.memref_squeeze %dma_start3A_396 : memref<1x640x16xf32, #tpu.memory_space<hbm>> -> memref<640x16xf32, #tpu.memory_space<hbm>>
      %dma_start3A_398 = arith.constant 0 : i32
      %dma_start3A_399 = tpu.memref_slice %arg3[%run_scoped3A, %mul3A_0, %dma_start3A_398] : memref<2x10240x16xf32, #tpu.memory_space<hbm>> -> memref<1x640x16xf32, #tpu.memory_space<hbm>>
      %dma_start3A_400 = tpu.memref_squeeze %dma_start3A_399 : memref<1x640x16xf32, #tpu.memory_space<hbm>> -> memref<640x16xf32, #tpu.memory_space<hbm>>
      tpu.enqueue_dma source(%dma_start3A_400 : memref<640x16xf32, #tpu.memory_space<hbm>>) target(%arg8 : memref<640x16xf32, #tpu.memory_space<vmem>>) target_semaphore(%run_scoped3A_394 : memref<!tpu.dma_semaphore, #tpu.memory_space<semaphore_mem>>)
      %dma_wait3A_401 = arith.constant 0 : i32
      %dma_wait3A_402 = tpu.memref_slice %arg3[%run_scoped3A, %mul3A_0, %dma_wait3A_401] : memref<2x10240x16xf32, #tpu.memory_space<hbm>> -> memref<1x640x16xf32, #tpu.memory_space<hbm>>
      %dma_wait3A_403 = tpu.memref_squeeze %dma_wait3A_402 : memref<1x640x16xf32, #tpu.memory_space<hbm>> -> memref<640x16xf32, #tpu.memory_space<hbm>>
      %dma_wait3A_404 = arith.constant 0 : i32
      %dma_wait3A_405 = tpu.memref_slice %arg3[%run_scoped3A, %mul3A_0, %dma_wait3A_404] : memref<2x10240x16xf32, #tpu.memory_space<hbm>> -> memref<1x640x16xf32, #tpu.memory_space<hbm>>
      %dma_wait3A_406 = tpu.memref_squeeze %dma_wait3A_405 : memref<1x640x16xf32, #tpu.memory_space<hbm>> -> memref<640x16xf32, #tpu.memory_space<hbm>>
      tpu.wait_dma2 semaphore(%run_scoped3A_394 : memref<!tpu.dma_semaphore, #tpu.memory_space<semaphore_mem>>) src(%dma_wait3A_406 : memref<640x16xf32, #tpu.memory_space<hbm>>) dst(%arg8 : memref<640x16xf32, #tpu.memory_space<vmem>>)
      tpu.yield
    }) : () -> ()
    %run_scoped3A_144 = arith.constant 1 : i32
    "tpu.region"() ({
      %run_scoped3A_394 = tpu.sem_alloc : memref<!tpu.dma_semaphore, #tpu.memory_space<semaphore_mem>>
      %dma_start3A_395 = arith.constant 0 : i32
      %dma_start3A_396 = tpu.memref_slice %arg3[%run_scoped3A_144, %mul3A_0, %dma_start3A_395] : memref<2x10240x16xf32, #tpu.memory_space<hbm>> -> memref<1x640x16xf32, #tpu.memory_space<hbm>>
      %dma_start3A_397 = tpu.memref_squeeze %dma_start3A_396 : memref<1x640x16xf32, #tpu.memory_space<hbm>> -> memref<640x16xf32, #tpu.memory_space<hbm>>
      %dma_start3A_398 = arith.constant 0 : i32
      %dma_start3A_399 = tpu.memref_slice %arg3[%run_scoped3A_144, %mul3A_0, %dma_start3A_398] : memref<2x10240x16xf32, #tpu.memory_space<hbm>> -> memref<1x640x16xf32, #tpu.memory_space<hbm>>
      %dma_start3A_400 = tpu.memref_squeeze %dma_start3A_399 : memref<1x640x16xf32, #tpu.memory_space<hbm>> -> memref<640x16xf32, #tpu.memory_space<hbm>>
      tpu.enqueue_dma source(%dma_start3A_400 : memref<640x16xf32, #tpu.memory_space<hbm>>) target(%arg9 : memref<640x16xf32, #tpu.memory_space<vmem>>) target_semaphore(%run_scoped3A_394 : memref<!tpu.dma_semaphore, #tpu.memory_space<semaphore_mem>>)
      %dma_wait3A_401 = arith.constant 0 : i32
      %dma_wait3A_402 = tpu.memref_slice %arg3[%run_scoped3A_144, %mul3A_0, %dma_wait3A_401] : memref<2x10240x16xf32, #tpu.memory_space<hbm>> -> memref<1x640x16xf32, #tpu.memory_space<hbm>>
      %dma_wait3A_403 = tpu.memref_squeeze %dma_wait3A_402 : memref<1x640x16xf32, #tpu.memory_space<hbm>> -> memref<640x16xf32, #tpu.memory_space<hbm>>
      %dma_wait3A_404 = arith.constant 0 : i32
      %dma_wait3A_405 = tpu.memref_slice %arg3[%run_scoped3A_144, %mul3A_0, %dma_wait3A_404] : memref<2x10240x16xf32, #tpu.memory_space<hbm>> -> memref<1x640x16xf32, #tpu.memory_space<hbm>>
      %dma_wait3A_406 = tpu.memref_squeeze %dma_wait3A_405 : memref<1x640x16xf32, #tpu.memory_space<hbm>> -> memref<640x16xf32, #tpu.memory_space<hbm>>
      tpu.wait_dma2 semaphore(%run_scoped3A_394 : memref<!tpu.dma_semaphore, #tpu.memory_space<semaphore_mem>>) src(%dma_wait3A_406 : memref<640x16xf32, #tpu.memory_space<hbm>>) dst(%arg9 : memref<640x16xf32, #tpu.memory_space<vmem>>)
      tpu.yield
    }) : () -> ()
    "tpu.region"() ({
      %run_scoped3A_394 = tpu.sem_alloc : memref<!tpu.dma_semaphore, #tpu.memory_space<semaphore_mem>>
      tpu.enqueue_dma source(%arg6 : memref<16xf32, #tpu.memory_space<hbm>>) target(%arg10 : memref<16xf32, #tpu.memory_space<vmem>>) target_semaphore(%run_scoped3A_394 : memref<!tpu.dma_semaphore, #tpu.memory_space<semaphore_mem>>)
      tpu.wait_dma2 semaphore(%run_scoped3A_394 : memref<!tpu.dma_semaphore, #tpu.memory_space<semaphore_mem>>) src(%arg6 : memref<16xf32, #tpu.memory_space<hbm>>) dst(%arg10 : memref<16xf32, #tpu.memory_space<vmem>>)
      tpu.yield
    }) : () -> ()
    "tpu.region"() ({
      %run_scoped3A_394 = tpu.sem_alloc : memref<!tpu.dma_semaphore, #tpu.memory_space<semaphore_mem>>
      %dma_start3A_395 = tpu.memref_slice %arg4[%mul3A_0] : memref<20480xf32, #tpu.memory_space<hbm>> -> memref<640xf32, #tpu.memory_space<hbm>>
      %dma_start3A_396 = tpu.memref_slice %arg4[%mul3A_0] : memref<20480xf32, #tpu.memory_space<hbm>> -> memref<640xf32, #tpu.memory_space<hbm>>
      tpu.enqueue_dma source(%dma_start3A_396 : memref<640xf32, #tpu.memory_space<hbm>>) target(%arg36 : memref<640xf32, #tpu.memory_space<vmem>>) target_semaphore(%run_scoped3A_394 : memref<!tpu.dma_semaphore, #tpu.memory_space<semaphore_mem>>)
      %dma_wait3A_397 = tpu.memref_slice %arg4[%mul3A_0] : memref<20480xf32, #tpu.memory_space<hbm>> -> memref<640xf32, #tpu.memory_space<hbm>>
      %dma_wait3A_398 = tpu.memref_slice %arg4[%mul3A_0] : memref<20480xf32, #tpu.memory_space<hbm>> -> memref<640xf32, #tpu.memory_space<hbm>>
      tpu.wait_dma2 semaphore(%run_scoped3A_394 : memref<!tpu.dma_semaphore, #tpu.memory_space<semaphore_mem>>) src(%dma_wait3A_398 : memref<640xf32, #tpu.memory_space<hbm>>) dst(%arg36 : memref<640xf32, #tpu.memory_space<vmem>>)
      tpu.yield
    }) : () -> ()
    %add3A_145 = arith.constant 10240 : i32
    %add3A_146 = arith.addi %add3A_145, %mul3A_0 : i32
    "tpu.region"() ({
      %run_scoped3A_394 = tpu.sem_alloc : memref<!tpu.dma_semaphore, #tpu.memory_space<semaphore_mem>>
      %dma_start3A_395 = tpu.memref_slice %arg4[%add3A_146] : memref<20480xf32, #tpu.memory_space<hbm>> -> memref<640xf32, #tpu.memory_space<hbm>>
      %dma_start3A_396 = tpu.memref_slice %arg4[%add3A_146] : memref<20480xf32, #tpu.memory_space<hbm>> -> memref<640xf32, #tpu.memory_space<hbm>>
      tpu.enqueue_dma source(%dma_start3A_396 : memref<640xf32, #tpu.memory_space<hbm>>) target(%arg37 : memref<640xf32, #tpu.memory_space<vmem>>) target_semaphore(%run_scoped3A_394 : memref<!tpu.dma_semaphore, #tpu.memory_space<semaphore_mem>>)
      %dma_wait3A_397 = tpu.memref_slice %arg4[%add3A_146] : memref<20480xf32, #tpu.memory_space<hbm>> -> memref<640xf32, #tpu.memory_space<hbm>>
      %dma_wait3A_398 = tpu.memref_slice %arg4[%add3A_146] : memref<20480xf32, #tpu.memory_space<hbm>> -> memref<640xf32, #tpu.memory_space<hbm>>
      tpu.wait_dma2 semaphore(%run_scoped3A_394 : memref<!tpu.dma_semaphore, #tpu.memory_space<semaphore_mem>>) src(%dma_wait3A_398 : memref<640xf32, #tpu.memory_space<hbm>>) dst(%arg37 : memref<640xf32, #tpu.memory_space<vmem>>)
      tpu.yield
    }) : () -> ()
    "tpu.region"() ({
      %run_scoped3A_394 = tpu.sem_alloc : memref<!tpu.dma_semaphore, #tpu.memory_space<semaphore_mem>>
      %dma_start3A_395 = tpu.memref_slice %arg5[%mul3A_0] : memref<20480xf32, #tpu.memory_space<hbm>> -> memref<640xf32, #tpu.memory_space<hbm>>
      %dma_start3A_396 = tpu.memref_slice %arg5[%mul3A_0] : memref<20480xf32, #tpu.memory_space<hbm>> -> memref<640xf32, #tpu.memory_space<hbm>>
      tpu.enqueue_dma source(%dma_start3A_396 : memref<640xf32, #tpu.memory_space<hbm>>) target(%arg11 : memref<640xf32, #tpu.memory_space<vmem>>) target_semaphore(%run_scoped3A_394 : memref<!tpu.dma_semaphore, #tpu.memory_space<semaphore_mem>>)
      %dma_wait3A_397 = tpu.memref_slice %arg5[%mul3A_0] : memref<20480xf32, #tpu.memory_space<hbm>> -> memref<640xf32, #tpu.memory_space<hbm>>
      %dma_wait3A_398 = tpu.memref_slice %arg5[%mul3A_0] : memref<20480xf32, #tpu.memory_space<hbm>> -> memref<640xf32, #tpu.memory_space<hbm>>
      tpu.wait_dma2 semaphore(%run_scoped3A_394 : memref<!tpu.dma_semaphore, #tpu.memory_space<semaphore_mem>>) src(%dma_wait3A_398 : memref<640xf32, #tpu.memory_space<hbm>>) dst(%arg11 : memref<640xf32, #tpu.memory_space<vmem>>)
      tpu.yield
    }) : () -> ()
    %add3A_147 = arith.constant 10240 : i32
    %add3A_148 = arith.addi %add3A_147, %mul3A_0 : i32
    "tpu.region"() ({
      %run_scoped3A_394 = tpu.sem_alloc : memref<!tpu.dma_semaphore, #tpu.memory_space<semaphore_mem>>
      %dma_start3A_395 = tpu.memref_slice %arg5[%add3A_148] : memref<20480xf32, #tpu.memory_space<hbm>> -> memref<640xf32, #tpu.memory_space<hbm>>
      %dma_start3A_396 = tpu.memref_slice %arg5[%add3A_148] : memref<20480xf32, #tpu.memory_space<hbm>> -> memref<640xf32, #tpu.memory_space<hbm>>
      tpu.enqueue_dma source(%dma_start3A_396 : memref<640xf32, #tpu.memory_space<hbm>>) target(%arg12 : memref<640xf32, #tpu.memory_space<vmem>>) target_semaphore(%run_scoped3A_394 : memref<!tpu.dma_semaphore, #tpu.memory_space<semaphore_mem>>)
      %dma_wait3A_397 = tpu.memref_slice %arg5[%add3A_148] : memref<20480xf32, #tpu.memory_space<hbm>> -> memref<640xf32, #tpu.memory_space<hbm>>
      %dma_wait3A_398 = tpu.memref_slice %arg5[%add3A_148] : memref<20480xf32, #tpu.memory_space<hbm>> -> memref<640xf32, #tpu.memory_space<hbm>>
      tpu.wait_dma2 semaphore(%run_scoped3A_394 : memref<!tpu.dma_semaphore, #tpu.memory_space<semaphore_mem>>) src(%dma_wait3A_398 : memref<640xf32, #tpu.memory_space<hbm>>) dst(%arg12 : memref<640xf32, #tpu.memory_space<vmem>>)
      tpu.yield
    }) : () -> ()
    %scan3A = arith.constant 0 : i32
    %scan3A_149 = arith.constant 0 : i32
    %scan3A_150 = arith.constant 40 : i32
    %scan3A_151 = arith.addi %scan3A_149, %scan3A_150 : i32
    %scan3A_152 = arith.constant 1 : i32
    scf.for %scan3A_394 = %scan3A_149 to %scan3A_151 step %scan3A_152  : i32 {
      %mul3A_395 = arith.constant 16 : i32
      %mul3A_396 = arith.muli %scan3A_394, %mul3A_395 : i32
      %multiple_of3A = tpu.assume_multiple %mul3A_396, 16 : i32
      %get3A = arith.index_cast %multiple_of3A : i32 to index
      %get3A_397 = tpu.vector_load %arg36[%get3A] {strides = array<i32>} : memref<640xf32, #tpu.memory_space<vmem>>, vector<16xf32>,
      %get3A_398 = arith.index_cast %multiple_of3A : i32 to index
      %get3A_399 = tpu.vector_load %arg37[%get3A_398] {strides = array<i32>} : memref<640xf32, #tpu.memory_space<vmem>>, vector<16xf32>,
      %add3A_400 = arith.addf %get3A_397, %get3A_399 : vector<16xf32>
      %get3A_401 = arith.index_cast %multiple_of3A : i32 to index
      %get3A_402 = tpu.vector_load %arg11[%get3A_401] {strides = array<i32>} : memref<640xf32, #tpu.memory_space<vmem>>, vector<16xf32>,
      %get3A_403 = arith.index_cast %multiple_of3A : i32 to index
      %get3A_404 = tpu.vector_load %arg12[%get3A_403] {strides = array<i32>} : memref<640xf32, #tpu.memory_space<vmem>>, vector<16xf32>,
      %add3A_405 = arith.addf %get3A_402, %get3A_404 : vector<16xf32>
      %max3A = arith.constant 1.000000e+00 : f32
      %max3A_406 = vector.broadcast %max3A : f32 to vector<16xf32>
      %max3A_407 = arith.maximumf %add3A_400, %max3A_406 : vector<16xf32>
      %bitcast3A = vector.bitcast %max3A_407 : vector<16xf32> to vector<16xi32>
      %shift_right_arithmetic3A = arith.constant 1 : i32
      %shift_right_arithmetic3A_408 = vector.broadcast %shift_right_arithmetic3A : i32 to vector<16xi32>
      %shift_right_arithmetic3A_409 = arith.shrsi %bitcast3A, %shift_right_arithmetic3A_408 : vector<16xi32>
      %sub3A = arith.constant 1597463007 : i32
      %sub3A_410 = vector.broadcast %sub3A : i32 to vector<16xi32>
      %sub3A_411 = arith.subi %sub3A_410, %shift_right_arithmetic3A_409 : vector<16xi32>
      %bitcast3A_412 = vector.bitcast %sub3A_411 : vector<16xi32> to vector<16xf32>
      %mul3A_413 = arith.constant 5.000000e-01 : f32
      %mul3A_414 = vector.broadcast %mul3A_413 : f32 to vector<16xf32>
      %mul3A_415 = arith.mulf %mul3A_414, %max3A_407 : vector<16xf32>
      %mul3A_416 = arith.mulf %mul3A_415, %bitcast3A_412 : vector<16xf32>
      %mul3A_417 = arith.mulf %mul3A_416, %bitcast3A_412 : vector<16xf32>
      %sub3A_418 = arith.constant 1.500000e+00 : f32
      %sub3A_419 = vector.broadcast %sub3A_418 : f32 to vector<16xf32>
      %sub3A_420 = arith.subf %sub3A_419, %mul3A_417 : vector<16xf32>
      %mul3A_421 = arith.mulf %bitcast3A_412, %sub3A_420 : vector<16xf32>
      %mul3A_422 = arith.constant 5.000000e-01 : f32
      %mul3A_423 = vector.broadcast %mul3A_422 : f32 to vector<16xf32>
      %mul3A_424 = arith.mulf %mul3A_423, %max3A_407 : vector<16xf32>
      %mul3A_425 = arith.mulf %mul3A_424, %mul3A_421 : vector<16xf32>
      %mul3A_426 = arith.mulf %mul3A_425, %mul3A_421 : vector<16xf32>
      %sub3A_427 = arith.constant 1.500000e+00 : f32
      %sub3A_428 = vector.broadcast %sub3A_427 : f32 to vector<16xf32>
      %sub3A_429 = arith.subf %sub3A_428, %mul3A_426 : vector<16xf32>
      %mul3A_430 = arith.mulf %mul3A_421, %sub3A_429 : vector<16xf32>
      %mul3A_431 = arith.constant 5.000000e-01 : f32
      %mul3A_432 = vector.broadcast %mul3A_431 : f32 to vector<16xf32>
      %mul3A_433 = arith.mulf %mul3A_432, %max3A_407 : vector<16xf32>
      %mul3A_434 = arith.mulf %mul3A_433, %mul3A_430 : vector<16xf32>
      %mul3A_435 = arith.mulf %mul3A_434, %mul3A_430 : vector<16xf32>
      %sub3A_436 = arith.constant 1.500000e+00 : f32
      %sub3A_437 = vector.broadcast %sub3A_436 : f32 to vector<16xf32>
      %sub3A_438 = arith.subf %sub3A_437, %mul3A_435 : vector<16xf32>
      %mul3A_439 = arith.mulf %mul3A_430, %sub3A_438 : vector<16xf32>
      %swap3A = arith.index_cast %multiple_of3A : i32 to index
      %swap3A_440 = tpu.vector_load %arg36[%swap3A] {strides = array<i32>} : memref<640xf32, #tpu.memory_space<vmem>>, vector<16xf32>,
      tpu.vector_store %arg36[%swap3A], %mul3A_439 {strides = array<i32>} : memref<640xf32, #tpu.memory_space<vmem>>, vector<16xf32>,
      %max3A_441 = arith.constant 1.000000e+00 : f32
      %max3A_442 = vector.broadcast %max3A_441 : f32 to vector<16xf32>
      %max3A_443 = arith.maximumf %add3A_405, %max3A_442 : vector<16xf32>
      %bitcast3A_444 = vector.bitcast %max3A_443 : vector<16xf32> to vector<16xi32>
      %shift_right_arithmetic3A_445 = arith.constant 1 : i32
      %shift_right_arithmetic3A_446 = vector.broadcast %shift_right_arithmetic3A_445 : i32 to vector<16xi32>
      %shift_right_arithmetic3A_447 = arith.shrsi %bitcast3A_444, %shift_right_arithmetic3A_446 : vector<16xi32>
      %sub3A_448 = arith.constant 1597463007 : i32
      %sub3A_449 = vector.broadcast %sub3A_448 : i32 to vector<16xi32>
      %sub3A_450 = arith.subi %sub3A_449, %shift_right_arithmetic3A_447 : vector<16xi32>
      %bitcast3A_451 = vector.bitcast %sub3A_450 : vector<16xi32> to vector<16xf32>
      %mul3A_452 = arith.constant 5.000000e-01 : f32
      %mul3A_453 = vector.broadcast %mul3A_452 : f32 to vector<16xf32>
      %mul3A_454 = arith.mulf %mul3A_453, %max3A_443 : vector<16xf32>
      %mul3A_455 = arith.mulf %mul3A_454, %bitcast3A_451 : vector<16xf32>
      %mul3A_456 = arith.mulf %mul3A_455, %bitcast3A_451 : vector<16xf32>
      %sub3A_457 = arith.constant 1.500000e+00 : f32
      %sub3A_458 = vector.broadcast %sub3A_457 : f32 to vector<16xf32>
      %sub3A_459 = arith.subf %sub3A_458, %mul3A_456 : vector<16xf32>
      %mul3A_460 = arith.mulf %bitcast3A_451, %sub3A_459 : vector<16xf32>
      %mul3A_461 = arith.constant 5.000000e-01 : f32
      %mul3A_462 = vector.broadcast %mul3A_461 : f32 to vector<16xf32>
      %mul3A_463 = arith.mulf %mul3A_462, %max3A_443 : vector<16xf32>
      %mul3A_464 = arith.mulf %mul3A_463, %mul3A_460 : vector<16xf32>
      %mul3A_465 = arith.mulf %mul3A_464, %mul3A_460 : vector<16xf32>
      %sub3A_466 = arith.constant 1.500000e+00 : f32
      %sub3A_467 = vector.broadcast %sub3A_466 : f32 to vector<16xf32>
      %sub3A_468 = arith.subf %sub3A_467, %mul3A_465 : vector<16xf32>
      %mul3A_469 = arith.mulf %mul3A_460, %sub3A_468 : vector<16xf32>
      %mul3A_470 = arith.constant 5.000000e-01 : f32
      %mul3A_471 = vector.broadcast %mul3A_470 : f32 to vector<16xf32>
      %mul3A_472 = arith.mulf %mul3A_471, %max3A_443 : vector<16xf32>
      %mul3A_473 = arith.mulf %mul3A_472, %mul3A_469 : vector<16xf32>
      %mul3A_474 = arith.mulf %mul3A_473, %mul3A_469 : vector<16xf32>
      %sub3A_475 = arith.constant 1.500000e+00 : f32
      %sub3A_476 = vector.broadcast %sub3A_475 : f32 to vector<16xf32>
      %sub3A_477 = arith.subf %sub3A_476, %mul3A_474 : vector<16xf32>
      %mul3A_478 = arith.mulf %mul3A_469, %sub3A_477 : vector<16xf32>
      %swap3A_479 = arith.index_cast %multiple_of3A : i32 to index
      %swap3A_480 = tpu.vector_load %arg37[%swap3A_479] {strides = array<i32>} : memref<640xf32, #tpu.memory_space<vmem>>, vector<16xf32>,
      tpu.vector_store %arg37[%swap3A_479], %mul3A_478 {strides = array<i32>} : memref<640xf32, #tpu.memory_space<vmem>>, vector<16xf32>,
    }
    %scan3A_153 = arith.constant 40 : i32
    %scan3A_154 = arith.constant 0 : i32
    %scan3A_155 = arith.constant 0 : i32
    %scan3A_156 = arith.constant 40 : i32
    %scan3A_157 = arith.addi %scan3A_155, %scan3A_156 : i32
    %scan3A_158 = arith.constant 1 : i32
    scf.for %scan3A_394 = %scan3A_155 to %scan3A_157 step %scan3A_158  : i32 {
      %mul3A_395 = arith.constant 16 : i32
      %mul3A_396 = arith.muli %scan3A_394, %mul3A_395 : i32
      %multiple_of3A = tpu.assume_multiple %mul3A_396, 16 : i32
      %get3A = arith.index_cast %multiple_of3A : i32 to index
      %get3A_397 = tpu.vector_load %arg36[%get3A] {strides = array<i32>} : memref<640xf32, #tpu.memory_space<vmem>>, vector<16xf32>,
      %get3A_398 = arith.index_cast %multiple_of3A : i32 to index
      %get3A_399 = tpu.vector_load %arg37[%get3A_398] {strides = array<i32>} : memref<640xf32, #tpu.memory_space<vmem>>, vector<16xf32>,
      %mul3A_400 = arith.mulf %get3A_397, %get3A_399 : vector<16xf32>
      %iota3A = tpu.iota {dimensions = array<i32: 0>} : vector<16xi32>
      %add3A_401 = vector.broadcast %multiple_of3A : i32 to vector<16xi32>
      %add3A_402 = arith.addi %iota3A, %add3A_401 : vector<16xi32>
      %broadcast_in_dim3A = arith.constant 0 : i32
      %broadcast_in_dim3A_403 = vector.broadcast %broadcast_in_dim3A : i32 to vector<16xi32>
      %gather3A = tpu.vector_load_idx %arg10[%broadcast_in_dim3A_403] : memref<16xf32, #tpu.memory_space<vmem>>[vector<16xi32>], vector<16xf32>,
      %gather3A_404 = tpu.vector_load_idx %arg8[%add3A_402, %broadcast_in_dim3A_403] : memref<640x16xf32, #tpu.memory_space<vmem>>[vector<16xi32>, vector<16xi32>], vector<16xf32>,
      %gather3A_405 = tpu.vector_load_idx %arg9[%add3A_402, %broadcast_in_dim3A_403] : memref<640x16xf32, #tpu.memory_space<vmem>>[vector<16xi32>, vector<16xi32>], vector<16xf32>,
      %add3A_406 = arith.addf %gather3A_404, %gather3A_405 : vector<16xf32>
      %mul3A_407 = arith.mulf %add3A_406, %mul3A_400 : vector<16xf32>
      %mul3A_408 = arith.mulf %gather3A, %get3A_397 : vector<16xf32>
      %add3A_409 = arith.addf %mul3A_407, %mul3A_408 : vector<16xf32>
      tpu.vector_store_idx %arg8[%add3A_402, %broadcast_in_dim3A_403], %add3A_409 : memref<640x16xf32, #tpu.memory_space<vmem>>[vector<16xi32>, vector<16xi32>], vector<16xf32>,
      %broadcast_in_dim3A_410 = arith.constant 1 : i32
      %broadcast_in_dim3A_411 = vector.broadcast %broadcast_in_dim3A_410 : i32 to vector<16xi32>
      %gather3A_412 = tpu.vector_load_idx %arg10[%broadcast_in_dim3A_411] : memref<16xf32, #tpu.memory_space<vmem>>[vector<16xi32>], vector<16xf32>,
      %gather3A_413 = tpu.vector_load_idx %arg8[%add3A_402, %broadcast_in_dim3A_411] : memref<640x16xf32, #tpu.memory_space<vmem>>[vector<16xi32>, vector<16xi32>], vector<16xf32>,
      %gather3A_414 = tpu.vector_load_idx %arg9[%add3A_402, %broadcast_in_dim3A_411] : memref<640x16xf32, #tpu.memory_space<vmem>>[vector<16xi32>, vector<16xi32>], vector<16xf32>,
      %add3A_415 = arith.addf %gather3A_413, %gather3A_414 : vector<16xf32>
      %mul3A_416 = arith.mulf %add3A_415, %mul3A_400 : vector<16xf32>
      %mul3A_417 = arith.mulf %gather3A_412, %get3A_397 : vector<16xf32>
      %add3A_418 = arith.addf %mul3A_416, %mul3A_417 : vector<16xf32>
      tpu.vector_store_idx %arg8[%add3A_402, %broadcast_in_dim3A_411], %add3A_418 : memref<640x16xf32, #tpu.memory_space<vmem>>[vector<16xi32>, vector<16xi32>], vector<16xf32>,
      %broadcast_in_dim3A_419 = arith.constant 2 : i32
      %broadcast_in_dim3A_420 = vector.broadcast %broadcast_in_dim3A_419 : i32 to vector<16xi32>
      %gather3A_421 = tpu.vector_load_idx %arg10[%broadcast_in_dim3A_420] : memref<16xf32, #tpu.memory_space<vmem>>[vector<16xi32>], vector<16xf32>,
      %gather3A_422 = tpu.vector_load_idx %arg8[%add3A_402, %broadcast_in_dim3A_420] : memref<640x16xf32, #tpu.memory_space<vmem>>[vector<16xi32>, vector<16xi32>], vector<16xf32>,
      %gather3A_423 = tpu.vector_load_idx %arg9[%add3A_402, %broadcast_in_dim3A_420] : memref<640x16xf32, #tpu.memory_space<vmem>>[vector<16xi32>, vector<16xi32>], vector<16xf32>,
      %add3A_424 = arith.addf %gather3A_422, %gather3A_423 : vector<16xf32>
      %mul3A_425 = arith.mulf %add3A_424, %mul3A_400 : vector<16xf32>
      %mul3A_426 = arith.mulf %gather3A_421, %get3A_397 : vector<16xf32>
      %add3A_427 = arith.addf %mul3A_425, %mul3A_426 : vector<16xf32>
      tpu.vector_store_idx %arg8[%add3A_402, %broadcast_in_dim3A_420], %add3A_427 : memref<640x16xf32, #tpu.memory_space<vmem>>[vector<16xi32>, vector<16xi32>], vector<16xf32>,
      %broadcast_in_dim3A_428 = arith.constant 3 : i32
      %broadcast_in_dim3A_429 = vector.broadcast %broadcast_in_dim3A_428 : i32 to vector<16xi32>
      %gather3A_430 = tpu.vector_load_idx %arg10[%broadcast_in_dim3A_429] : memref<16xf32, #tpu.memory_space<vmem>>[vector<16xi32>], vector<16xf32>,
      %gather3A_431 = tpu.vector_load_idx %arg8[%add3A_402, %broadcast_in_dim3A_429] : memref<640x16xf32, #tpu.memory_space<vmem>>[vector<16xi32>, vector<16xi32>], vector<16xf32>,
      %gather3A_432 = tpu.vector_load_idx %arg9[%add3A_402, %broadcast_in_dim3A_429] : memref<640x16xf32, #tpu.memory_space<vmem>>[vector<16xi32>, vector<16xi32>], vector<16xf32>,
      %add3A_433 = arith.addf %gather3A_431, %gather3A_432 : vector<16xf32>
      %mul3A_434 = arith.mulf %add3A_433, %mul3A_400 : vector<16xf32>
      %mul3A_435 = arith.mulf %gather3A_430, %get3A_397 : vector<16xf32>
      %add3A_436 = arith.addf %mul3A_434, %mul3A_435 : vector<16xf32>
      tpu.vector_store_idx %arg8[%add3A_402, %broadcast_in_dim3A_429], %add3A_436 : memref<640x16xf32, #tpu.memory_space<vmem>>[vector<16xi32>, vector<16xi32>], vector<16xf32>,
      %broadcast_in_dim3A_437 = arith.constant 4 : i32
      %broadcast_in_dim3A_438 = vector.broadcast %broadcast_in_dim3A_437 : i32 to vector<16xi32>
      %gather3A_439 = tpu.vector_load_idx %arg10[%broadcast_in_dim3A_438] : memref<16xf32, #tpu.memory_space<vmem>>[vector<16xi32>], vector<16xf32>,
      %gather3A_440 = tpu.vector_load_idx %arg8[%add3A_402, %broadcast_in_dim3A_438] : memref<640x16xf32, #tpu.memory_space<vmem>>[vector<16xi32>, vector<16xi32>], vector<16xf32>,
      %gather3A_441 = tpu.vector_load_idx %arg9[%add3A_402, %broadcast_in_dim3A_438] : memref<640x16xf32, #tpu.memory_space<vmem>>[vector<16xi32>, vector<16xi32>], vector<16xf32>,
      %add3A_442 = arith.addf %gather3A_440, %gather3A_441 : vector<16xf32>
      %mul3A_443 = arith.mulf %add3A_442, %mul3A_400 : vector<16xf32>
      %mul3A_444 = arith.mulf %gather3A_439, %get3A_397 : vector<16xf32>
      %add3A_445 = arith.addf %mul3A_443, %mul3A_444 : vector<16xf32>
      tpu.vector_store_idx %arg8[%add3A_402, %broadcast_in_dim3A_438], %add3A_445 : memref<640x16xf32, #tpu.memory_space<vmem>>[vector<16xi32>, vector<16xi32>], vector<16xf32>,
      %broadcast_in_dim3A_446 = arith.constant 5 : i32
      %broadcast_in_dim3A_447 = vector.broadcast %broadcast_in_dim3A_446 : i32 to vector<16xi32>
      %gather3A_448 = tpu.vector_load_idx %arg10[%broadcast_in_dim3A_447] : memref<16xf32, #tpu.memory_space<vmem>>[vector<16xi32>], vector<16xf32>,
      %gather3A_449 = tpu.vector_load_idx %arg8[%add3A_402, %broadcast_in_dim3A_447] : memref<640x16xf32, #tpu.memory_space<vmem>>[vector<16xi32>, vector<16xi32>], vector<16xf32>,
      %gather3A_450 = tpu.vector_load_idx %arg9[%add3A_402, %broadcast_in_dim3A_447] : memref<640x16xf32, #tpu.memory_space<vmem>>[vector<16xi32>, vector<16xi32>], vector<16xf32>,
      %add3A_451 = arith.addf %gather3A_449, %gather3A_450 : vector<16xf32>
      %mul3A_452 = arith.mulf %add3A_451, %mul3A_400 : vector<16xf32>
      %mul3A_453 = arith.mulf %gather3A_448, %get3A_397 : vector<16xf32>
      %add3A_454 = arith.addf %mul3A_452, %mul3A_453 : vector<16xf32>
      tpu.vector_store_idx %arg8[%add3A_402, %broadcast_in_dim3A_447], %add3A_454 : memref<640x16xf32, #tpu.memory_space<vmem>>[vector<16xi32>, vector<16xi32>], vector<16xf32>,
      %broadcast_in_dim3A_455 = arith.constant 6 : i32
      %broadcast_in_dim3A_456 = vector.broadcast %broadcast_in_dim3A_455 : i32 to vector<16xi32>
      %gather3A_457 = tpu.vector_load_idx %arg10[%broadcast_in_dim3A_456] : memref<16xf32, #tpu.memory_space<vmem>>[vector<16xi32>], vector<16xf32>,
      %gather3A_458 = tpu.vector_load_idx %arg8[%add3A_402, %broadcast_in_dim3A_456] : memref<640x16xf32, #tpu.memory_space<vmem>>[vector<16xi32>, vector<16xi32>], vector<16xf32>,
      %gather3A_459 = tpu.vector_load_idx %arg9[%add3A_402, %broadcast_in_dim3A_456] : memref<640x16xf32, #tpu.memory_space<vmem>>[vector<16xi32>, vector<16xi32>], vector<16xf32>,
      %add3A_460 = arith.addf %gather3A_458, %gather3A_459 : vector<16xf32>
      %mul3A_461 = arith.mulf %add3A_460, %mul3A_400 : vector<16xf32>
      %mul3A_462 = arith.mulf %gather3A_457, %get3A_397 : vector<16xf32>
      %add3A_463 = arith.addf %mul3A_461, %mul3A_462 : vector<16xf32>
      tpu.vector_store_idx %arg8[%add3A_402, %broadcast_in_dim3A_456], %add3A_463 : memref<640x16xf32, #tpu.memory_space<vmem>>[vector<16xi32>, vector<16xi32>], vector<16xf32>,
      %broadcast_in_dim3A_464 = arith.constant 7 : i32
      %broadcast_in_dim3A_465 = vector.broadcast %broadcast_in_dim3A_464 : i32 to vector<16xi32>
      %gather3A_466 = tpu.vector_load_idx %arg10[%broadcast_in_dim3A_465] : memref<16xf32, #tpu.memory_space<vmem>>[vector<16xi32>], vector<16xf32>,
      %gather3A_467 = tpu.vector_load_idx %arg8[%add3A_402, %broadcast_in_dim3A_465] : memref<640x16xf32, #tpu.memory_space<vmem>>[vector<16xi32>, vector<16xi32>], vector<16xf32>,
      %gather3A_468 = tpu.vector_load_idx %arg9[%add3A_402, %broadcast_in_dim3A_465] : memref<640x16xf32, #tpu.memory_space<vmem>>[vector<16xi32>, vector<16xi32>], vector<16xf32>,
      %add3A_469 = arith.addf %gather3A_467, %gather3A_468 : vector<16xf32>
      %mul3A_470 = arith.mulf %add3A_469, %mul3A_400 : vector<16xf32>
      %mul3A_471 = arith.mulf %gather3A_466, %get3A_397 : vector<16xf32>
      %add3A_472 = arith.addf %mul3A_470, %mul3A_471 : vector<16xf32>
      tpu.vector_store_idx %arg8[%add3A_402, %broadcast_in_dim3A_465], %add3A_472 : memref<640x16xf32, #tpu.memory_space<vmem>>[vector<16xi32>, vector<16xi32>], vector<16xf32>,
      %broadcast_in_dim3A_473 = arith.constant 8 : i32
      %broadcast_in_dim3A_474 = vector.broadcast %broadcast_in_dim3A_473 : i32 to vector<16xi32>
      %gather3A_475 = tpu.vector_load_idx %arg10[%broadcast_in_dim3A_474] : memref<16xf32, #tpu.memory_space<vmem>>[vector<16xi32>], vector<16xf32>,
      %gather3A_476 = tpu.vector_load_idx %arg8[%add3A_402, %broadcast_in_dim3A_474] : memref<640x16xf32, #tpu.memory_space<vmem>>[vector<16xi32>, vector<16xi32>], vector<16xf32>,
      %gather3A_477 = tpu.vector_load_idx %arg9[%add3A_402, %broadcast_in_dim3A_474] : memref<640x16xf32, #tpu.memory_space<vmem>>[vector<16xi32>, vector<16xi32>], vector<16xf32>,
      %add3A_478 = arith.addf %gather3A_476, %gather3A_477 : vector<16xf32>
      %mul3A_479 = arith.mulf %add3A_478, %mul3A_400 : vector<16xf32>
      %mul3A_480 = arith.mulf %gather3A_475, %get3A_397 : vector<16xf32>
      %add3A_481 = arith.addf %mul3A_479, %mul3A_480 : vector<16xf32>
      tpu.vector_store_idx %arg8[%add3A_402, %broadcast_in_dim3A_474], %add3A_481 : memref<640x16xf32, #tpu.memory_space<vmem>>[vector<16xi32>, vector<16xi32>], vector<16xf32>,
      %broadcast_in_dim3A_482 = arith.constant 9 : i32
      %broadcast_in_dim3A_483 = vector.broadcast %broadcast_in_dim3A_482 : i32 to vector<16xi32>
      %gather3A_484 = tpu.vector_load_idx %arg10[%broadcast_in_dim3A_483] : memref<16xf32, #tpu.memory_space<vmem>>[vector<16xi32>], vector<16xf32>,
      %gather3A_485 = tpu.vector_load_idx %arg8[%add3A_402, %broadcast_in_dim3A_483] : memref<640x16xf32, #tpu.memory_space<vmem>>[vector<16xi32>, vector<16xi32>], vector<16xf32>,
      %gather3A_486 = tpu.vector_load_idx %arg9[%add3A_402, %broadcast_in_dim3A_483] : memref<640x16xf32, #tpu.memory_space<vmem>>[vector<16xi32>, vector<16xi32>], vector<16xf32>,
      %add3A_487 = arith.addf %gather3A_485, %gather3A_486 : vector<16xf32>
      %mul3A_488 = arith.mulf %add3A_487, %mul3A_400 : vector<16xf32>
      %mul3A_489 = arith.mulf %gather3A_484, %get3A_397 : vector<16xf32>
      %add3A_490 = arith.addf %mul3A_488, %mul3A_489 : vector<16xf32>
      tpu.vector_store_idx %arg8[%add3A_402, %broadcast_in_dim3A_483], %add3A_490 : memref<640x16xf32, #tpu.memory_space<vmem>>[vector<16xi32>, vector<16xi32>], vector<16xf32>,
      %broadcast_in_dim3A_491 = arith.constant 10 : i32
      %broadcast_in_dim3A_492 = vector.broadcast %broadcast_in_dim3A_491 : i32 to vector<16xi32>
      %gather3A_493 = tpu.vector_load_idx %arg10[%broadcast_in_dim3A_492] : memref<16xf32, #tpu.memory_space<vmem>>[vector<16xi32>], vector<16xf32>,
      %gather3A_494 = tpu.vector_load_idx %arg8[%add3A_402, %broadcast_in_dim3A_492] : memref<640x16xf32, #tpu.memory_space<vmem>>[vector<16xi32>, vector<16xi32>], vector<16xf32>,
      %gather3A_495 = tpu.vector_load_idx %arg9[%add3A_402, %broadcast_in_dim3A_492] : memref<640x16xf32, #tpu.memory_space<vmem>>[vector<16xi32>, vector<16xi32>], vector<16xf32>,
      %add3A_496 = arith.addf %gather3A_494, %gather3A_495 : vector<16xf32>
      %mul3A_497 = arith.mulf %add3A_496, %mul3A_400 : vector<16xf32>
      %mul3A_498 = arith.mulf %gather3A_493, %get3A_397 : vector<16xf32>
      %add3A_499 = arith.addf %mul3A_497, %mul3A_498 : vector<16xf32>
      tpu.vector_store_idx %arg8[%add3A_402, %broadcast_in_dim3A_492], %add3A_499 : memref<640x16xf32, #tpu.memory_space<vmem>>[vector<16xi32>, vector<16xi32>], vector<16xf32>,
      %broadcast_in_dim3A_500 = arith.constant 11 : i32
      %broadcast_in_dim3A_501 = vector.broadcast %broadcast_in_dim3A_500 : i32 to vector<16xi32>
      %gather3A_502 = tpu.vector_load_idx %arg10[%broadcast_in_dim3A_501] : memref<16xf32, #tpu.memory_space<vmem>>[vector<16xi32>], vector<16xf32>,
      %gather3A_503 = tpu.vector_load_idx %arg8[%add3A_402, %broadcast_in_dim3A_501] : memref<640x16xf32, #tpu.memory_space<vmem>>[vector<16xi32>, vector<16xi32>], vector<16xf32>,
      %gather3A_504 = tpu.vector_load_idx %arg9[%add3A_402, %broadcast_in_dim3A_501] : memref<640x16xf32, #tpu.memory_space<vmem>>[vector<16xi32>, vector<16xi32>], vector<16xf32>,
      %add3A_505 = arith.addf %gather3A_503, %gather3A_504 : vector<16xf32>
      %mul3A_506 = arith.mulf %add3A_505, %mul3A_400 : vector<16xf32>
      %mul3A_507 = arith.mulf %gather3A_502, %get3A_397 : vector<16xf32>
      %add3A_508 = arith.addf %mul3A_506, %mul3A_507 : vector<16xf32>
      tpu.vector_store_idx %arg8[%add3A_402, %broadcast_in_dim3A_501], %add3A_508 : memref<640x16xf32, #tpu.memory_space<vmem>>[vector<16xi32>, vector<16xi32>], vector<16xf32>,
      %broadcast_in_dim3A_509 = arith.constant 12 : i32
      %broadcast_in_dim3A_510 = vector.broadcast %broadcast_in_dim3A_509 : i32 to vector<16xi32>
      %gather3A_511 = tpu.vector_load_idx %arg10[%broadcast_in_dim3A_510] : memref<16xf32, #tpu.memory_space<vmem>>[vector<16xi32>], vector<16xf32>,
      %gather3A_512 = tpu.vector_load_idx %arg8[%add3A_402, %broadcast_in_dim3A_510] : memref<640x16xf32, #tpu.memory_space<vmem>>[vector<16xi32>, vector<16xi32>], vector<16xf32>,
      %gather3A_513 = tpu.vector_load_idx %arg9[%add3A_402, %broadcast_in_dim3A_510] : memref<640x16xf32, #tpu.memory_space<vmem>>[vector<16xi32>, vector<16xi32>], vector<16xf32>,
      %add3A_514 = arith.addf %gather3A_512, %gather3A_513 : vector<16xf32>
      %mul3A_515 = arith.mulf %add3A_514, %mul3A_400 : vector<16xf32>
      %mul3A_516 = arith.mulf %gather3A_511, %get3A_397 : vector<16xf32>
      %add3A_517 = arith.addf %mul3A_515, %mul3A_516 : vector<16xf32>
      tpu.vector_store_idx %arg8[%add3A_402, %broadcast_in_dim3A_510], %add3A_517 : memref<640x16xf32, #tpu.memory_space<vmem>>[vector<16xi32>, vector<16xi32>], vector<16xf32>,
      %broadcast_in_dim3A_518 = arith.constant 13 : i32
      %broadcast_in_dim3A_519 = vector.broadcast %broadcast_in_dim3A_518 : i32 to vector<16xi32>
      %gather3A_520 = tpu.vector_load_idx %arg10[%broadcast_in_dim3A_519] : memref<16xf32, #tpu.memory_space<vmem>>[vector<16xi32>], vector<16xf32>,
      %gather3A_521 = tpu.vector_load_idx %arg8[%add3A_402, %broadcast_in_dim3A_519] : memref<640x16xf32, #tpu.memory_space<vmem>>[vector<16xi32>, vector<16xi32>], vector<16xf32>,
      %gather3A_522 = tpu.vector_load_idx %arg9[%add3A_402, %broadcast_in_dim3A_519] : memref<640x16xf32, #tpu.memory_space<vmem>>[vector<16xi32>, vector<16xi32>], vector<16xf32>,
      %add3A_523 = arith.addf %gather3A_521, %gather3A_522 : vector<16xf32>
      %mul3A_524 = arith.mulf %add3A_523, %mul3A_400 : vector<16xf32>
      %mul3A_525 = arith.mulf %gather3A_520, %get3A_397 : vector<16xf32>
      %add3A_526 = arith.addf %mul3A_524, %mul3A_525 : vector<16xf32>
      tpu.vector_store_idx %arg8[%add3A_402, %broadcast_in_dim3A_519], %add3A_526 : memref<640x16xf32, #tpu.memory_space<vmem>>[vector<16xi32>, vector<16xi32>], vector<16xf32>,
      %broadcast_in_dim3A_527 = arith.constant 14 : i32
      %broadcast_in_dim3A_528 = vector.broadcast %broadcast_in_dim3A_527 : i32 to vector<16xi32>
      %gather3A_529 = tpu.vector_load_idx %arg10[%broadcast_in_dim3A_528] : memref<16xf32, #tpu.memory_space<vmem>>[vector<16xi32>], vector<16xf32>,
      %gather3A_530 = tpu.vector_load_idx %arg8[%add3A_402, %broadcast_in_dim3A_528] : memref<640x16xf32, #tpu.memory_space<vmem>>[vector<16xi32>, vector<16xi32>], vector<16xf32>,
      %gather3A_531 = tpu.vector_load_idx %arg9[%add3A_402, %broadcast_in_dim3A_528] : memref<640x16xf32, #tpu.memory_space<vmem>>[vector<16xi32>, vector<16xi32>], vector<16xf32>,
      %add3A_532 = arith.addf %gather3A_530, %gather3A_531 : vector<16xf32>
      %mul3A_533 = arith.mulf %add3A_532, %mul3A_400 : vector<16xf32>
      %mul3A_534 = arith.mulf %gather3A_529, %get3A_397 : vector<16xf32>
      %add3A_535 = arith.addf %mul3A_533, %mul3A_534 : vector<16xf32>
      tpu.vector_store_idx %arg8[%add3A_402, %broadcast_in_dim3A_528], %add3A_535 : memref<640x16xf32, #tpu.memory_space<vmem>>[vector<16xi32>, vector<16xi32>], vector<16xf32>,
      %broadcast_in_dim3A_536 = arith.constant 15 : i32
      %broadcast_in_dim3A_537 = vector.broadcast %broadcast_in_dim3A_536 : i32 to vector<16xi32>
      %gather3A_538 = tpu.vector_load_idx %arg10[%broadcast_in_dim3A_537] : memref<16xf32, #tpu.memory_space<vmem>>[vector<16xi32>], vector<16xf32>,
      %gather3A_539 = tpu.vector_load_idx %arg8[%add3A_402, %broadcast_in_dim3A_537] : memref<640x16xf32, #tpu.memory_space<vmem>>[vector<16xi32>, vector<16xi32>], vector<16xf32>,
      %gather3A_540 = tpu.vector_load_idx %arg9[%add3A_402, %broadcast_in_dim3A_537] : memref<640x16xf32, #tpu.memory_space<vmem>>[vector<16xi32>, vector<16xi32>], vector<16xf32>,
      %add3A_541 = arith.addf %gather3A_539, %gather3A_540 : vector<16xf32>
      %mul3A_542 = arith.mulf %add3A_541, %mul3A_400 : vector<16xf32>
      %mul3A_543 = arith.mulf %gather3A_538, %get3A_397 : vector<16xf32>
      %add3A_544 = arith.addf %mul3A_542, %mul3A_543 : vector<16xf32>
      tpu.vector_store_idx %arg8[%add3A_402, %broadcast_in_dim3A_537], %add3A_544 : memref<640x16xf32, #tpu.memory_space<vmem>>[vector<16xi32>, vector<16xi32>], vector<16xf32>,
    }
    %scan3A_159 = arith.constant 40 : i32
    "tpu.region"() ({
      %run_scoped3A_394 = tpu.sem_alloc : memref<!tpu.dma_semaphore, #tpu.memory_space<semaphore_mem>>
      %dma_start3A_395 = arith.constant 0 : i32
      %dma_start3A_396 = tpu.memref_slice %arg38[%mul3A_0, %dma_start3A_395] : memref<10240x16xf32, #tpu.memory_space<vmem_shared>> -> memref<640x16xf32, #tpu.memory_space<vmem_shared>>
      %dma_start3A_397 = arith.constant 0 : i32
      %dma_start3A_398 = tpu.memref_slice %arg38[%mul3A_0, %dma_start3A_397] : memref<10240x16xf32, #tpu.memory_space<vmem_shared>> -> memref<640x16xf32, #tpu.memory_space<vmem_shared>>
      tpu.enqueue_dma source(%arg8 : memref<640x16xf32, #tpu.memory_space<vmem>>) target(%dma_start3A_398 : memref<640x16xf32, #tpu.memory_space<vmem_shared>>) target_semaphore(%run_scoped3A_394 : memref<!tpu.dma_semaphore, #tpu.memory_space<semaphore_mem>>)
      %dma_wait3A_399 = arith.constant 0 : i32
      %dma_wait3A_400 = tpu.memref_slice %arg38[%mul3A_0, %dma_wait3A_399] : memref<10240x16xf32, #tpu.memory_space<vmem_shared>> -> memref<640x16xf32, #tpu.memory_space<vmem_shared>>
      %dma_wait3A_401 = arith.constant 0 : i32
      %dma_wait3A_402 = tpu.memref_slice %arg38[%mul3A_0, %dma_wait3A_401] : memref<10240x16xf32, #tpu.memory_space<vmem_shared>> -> memref<640x16xf32, #tpu.memory_space<vmem_shared>>
      tpu.wait_dma2 semaphore(%run_scoped3A_394 : memref<!tpu.dma_semaphore, #tpu.memory_space<semaphore_mem>>) src(%arg8 : memref<640x16xf32, #tpu.memory_space<vmem>>) dst(%dma_wait3A_402 : memref<640x16xf32, #tpu.memory_space<vmem_shared>>)
      tpu.yield
    }) : () -> ()
    %mul3A_160 = arith.constant 16 : i32
    %mul3A_161 = arith.muli %arg0, %mul3A_160 : i32
    %add3A_162 = arith.addi %mul3A_161, %arg1 : i32
    %mul3A_163 = arith.constant 10000 : i32
    %mul3A_164 = arith.muli %add3A_162, %mul3A_163 : i32
    %scan3A_165 = arith.constant 0 : i32
    %scan3A_166 = arith.constant 0 : i32
    %scan3A_167 = arith.constant 640 : i32
    %scan3A_168 = arith.addi %scan3A_166, %scan3A_167 : i32
    %scan3A_169 = arith.constant 1 : i32
    scf.for %scan3A_394 = %scan3A_166 to %scan3A_168 step %scan3A_169  : i32 {
      %broadcast_in_dim3A = arith.constant 0.000000e+00 : f32
      %broadcast_in_dim3A_395 = vector.broadcast %broadcast_in_dim3A : f32 to vector<16xf32>
      %swap3A = arith.index_cast %scan3A_394 : i32 to index
      %swap3A_396 = arith.constant 0 : index
      %swap3A_397 = tpu.vector_load %arg35[%swap3A, %swap3A_396] {strides = array<i32>} : memref<640x16xf32, #tpu.memory_space<vmem>>, vector<16xf32>,
      tpu.vector_store %arg35[%swap3A, %swap3A_396], %broadcast_in_dim3A_395 {strides = array<i32>} : memref<640x16xf32, #tpu.memory_space<vmem>>, vector<16xf32>,
    }
    %scan3A_170 = arith.constant 640 : i32
    %mul3A_171 = arith.constant 640 : i32
    %mul3A_172 = arith.muli %arg1, %mul3A_171 : i32
    "tpu.region"() ({
      %run_scoped3A_394 = tpu.sem_alloc : memref<!tpu.dma_semaphore, #tpu.memory_space<semaphore_mem>>
      %dma_start3A_395 = arith.constant 0 : i32
      %dma_start3A_396 = tpu.memref_slice %arg39[%mul3A_172, %dma_start3A_395] : memref<10240x16xf32, #tpu.memory_space<vmem_shared>> -> memref<640x16xf32, #tpu.memory_space<vmem_shared>>
      %dma_start3A_397 = arith.constant 0 : i32
      %dma_start3A_398 = tpu.memref_slice %arg39[%mul3A_172, %dma_start3A_397] : memref<10240x16xf32, #tpu.memory_space<vmem_shared>> -> memref<640x16xf32, #tpu.memory_space<vmem_shared>>
      tpu.enqueue_dma source(%arg35 : memref<640x16xf32, #tpu.memory_space<vmem>>) target(%dma_start3A_398 : memref<640x16xf32, #tpu.memory_space<vmem_shared>>) target_semaphore(%run_scoped3A_394 : memref<!tpu.dma_semaphore, #tpu.memory_space<semaphore_mem>>)
      %dma_wait3A_399 = arith.constant 0 : i32
      %dma_wait3A_400 = tpu.memref_slice %arg39[%mul3A_172, %dma_wait3A_399] : memref<10240x16xf32, #tpu.memory_space<vmem_shared>> -> memref<640x16xf32, #tpu.memory_space<vmem_shared>>
      %dma_wait3A_401 = arith.constant 0 : i32
      %dma_wait3A_402 = tpu.memref_slice %arg39[%mul3A_172, %dma_wait3A_401] : memref<10240x16xf32, #tpu.memory_space<vmem_shared>> -> memref<640x16xf32, #tpu.memory_space<vmem_shared>>
      tpu.wait_dma2 semaphore(%run_scoped3A_394 : memref<!tpu.dma_semaphore, #tpu.memory_space<semaphore_mem>>) src(%arg35 : memref<640x16xf32, #tpu.memory_space<vmem>>) dst(%dma_wait3A_402 : memref<640x16xf32, #tpu.memory_space<vmem_shared>>)
      tpu.yield
    }) : () -> ()
    %dma_wait3A = arith.constant 0 : i32
    %dma_wait3A_173 = tpu.memref_slice %arg2[%dma_wait3A, %add3A_6] : memref<2x320000xi32, #tpu.memory_space<hbm>> -> memref<1x1000xi32, #tpu.memory_space<hbm>>
    %dma_wait3A_174 = tpu.memref_squeeze %dma_wait3A_173 : memref<1x1000xi32, #tpu.memory_space<hbm>> -> memref<1000xi32, #tpu.memory_space<hbm>>
    %dma_wait3A_175 = tpu.memref_slice %arg2[%dma_wait3A, %add3A_6] : memref<2x320000xi32, #tpu.memory_space<hbm>> -> memref<1x1000xi32, #tpu.memory_space<hbm>>
    %dma_wait3A_176 = tpu.memref_squeeze %dma_wait3A_175 : memref<1x1000xi32, #tpu.memory_space<hbm>> -> memref<1000xi32, #tpu.memory_space<hbm>>
    tpu.wait_dma2 semaphore(%arg40 : memref<!tpu.dma_semaphore, #tpu.memory_space<semaphore_mem>>) src(%dma_wait3A_176 : memref<1000xi32, #tpu.memory_space<hbm>>) dst(%arg13 : memref<1000xi32, #tpu.memory_space<vmem>>)
    %dma_wait3A_177 = arith.constant 0 : i32
    %dma_wait3A_178 = tpu.memref_slice %arg2[%dma_wait3A_177, %add3A_12] : memref<2x320000xi32, #tpu.memory_space<hbm>> -> memref<1x1000xi32, #tpu.memory_space<hbm>>
    %dma_wait3A_179 = tpu.memref_squeeze %dma_wait3A_178 : memref<1x1000xi32, #tpu.memory_space<hbm>> -> memref<1000xi32, #tpu.memory_space<hbm>>
    %dma_wait3A_180 = tpu.memref_slice %arg2[%dma_wait3A_177, %add3A_12] : memref<2x320000xi32, #tpu.memory_space<hbm>> -> memref<1x1000xi32, #tpu.memory_space<hbm>>
    %dma_wait3A_181 = tpu.memref_squeeze %dma_wait3A_180 : memref<1x1000xi32, #tpu.memory_space<hbm>> -> memref<1000xi32, #tpu.memory_space<hbm>>
    tpu.wait_dma2 semaphore(%arg40 : memref<!tpu.dma_semaphore, #tpu.memory_space<semaphore_mem>>) src(%dma_wait3A_181 : memref<1000xi32, #tpu.memory_space<hbm>>) dst(%arg14 : memref<1000xi32, #tpu.memory_space<vmem>>)
    %dma_wait3A_182 = arith.constant 0 : i32
    %dma_wait3A_183 = tpu.memref_slice %arg2[%dma_wait3A_182, %add3A_19] : memref<2x320000xi32, #tpu.memory_space<hbm>> -> memref<1x1000xi32, #tpu.memory_space<hbm>>
    %dma_wait3A_184 = tpu.memref_squeeze %dma_wait3A_183 : memref<1x1000xi32, #tpu.memory_space<hbm>> -> memref<1000xi32, #tpu.memory_space<hbm>>
    %dma_wait3A_185 = tpu.memref_slice %arg2[%dma_wait3A_182, %add3A_19] : memref<2x320000xi32, #tpu.memory_space<hbm>> -> memref<1x1000xi32, #tpu.memory_space<hbm>>
    %dma_wait3A_186 = tpu.memref_squeeze %dma_wait3A_185 : memref<1x1000xi32, #tpu.memory_space<hbm>> -> memref<1000xi32, #tpu.memory_space<hbm>>
    tpu.wait_dma2 semaphore(%arg40 : memref<!tpu.dma_semaphore, #tpu.memory_space<semaphore_mem>>) src(%dma_wait3A_186 : memref<1000xi32, #tpu.memory_space<hbm>>) dst(%arg15 : memref<1000xi32, #tpu.memory_space<vmem>>)
    %dma_wait3A_187 = arith.constant 0 : i32
    %dma_wait3A_188 = tpu.memref_slice %arg2[%dma_wait3A_187, %add3A_26] : memref<2x320000xi32, #tpu.memory_space<hbm>> -> memref<1x1000xi32, #tpu.memory_space<hbm>>
    %dma_wait3A_189 = tpu.memref_squeeze %dma_wait3A_188 : memref<1x1000xi32, #tpu.memory_space<hbm>> -> memref<1000xi32, #tpu.memory_space<hbm>>
    %dma_wait3A_190 = tpu.memref_slice %arg2[%dma_wait3A_187, %add3A_26] : memref<2x320000xi32, #tpu.memory_space<hbm>> -> memref<1x1000xi32, #tpu.memory_space<hbm>>
    %dma_wait3A_191 = tpu.memref_squeeze %dma_wait3A_190 : memref<1x1000xi32, #tpu.memory_space<hbm>> -> memref<1000xi32, #tpu.memory_space<hbm>>
    tpu.wait_dma2 semaphore(%arg40 : memref<!tpu.dma_semaphore, #tpu.memory_space<semaphore_mem>>) src(%dma_wait3A_191 : memref<1000xi32, #tpu.memory_space<hbm>>) dst(%arg16 : memref<1000xi32, #tpu.memory_space<vmem>>)
    %dma_wait3A_192 = arith.constant 0 : i32
    %dma_wait3A_193 = tpu.memref_slice %arg2[%dma_wait3A_192, %add3A_33] : memref<2x320000xi32, #tpu.memory_space<hbm>> -> memref<1x1000xi32, #tpu.memory_space<hbm>>
    %dma_wait3A_194 = tpu.memref_squeeze %dma_wait3A_193 : memref<1x1000xi32, #tpu.memory_space<hbm>> -> memref<1000xi32, #tpu.memory_space<hbm>>
    %dma_wait3A_195 = tpu.memref_slice %arg2[%dma_wait3A_192, %add3A_33] : memref<2x320000xi32, #tpu.memory_space<hbm>> -> memref<1x1000xi32, #tpu.memory_space<hbm>>
    %dma_wait3A_196 = tpu.memref_squeeze %dma_wait3A_195 : memref<1x1000xi32, #tpu.memory_space<hbm>> -> memref<1000xi32, #tpu.memory_space<hbm>>
    tpu.wait_dma2 semaphore(%arg40 : memref<!tpu.dma_semaphore, #tpu.memory_space<semaphore_mem>>) src(%dma_wait3A_196 : memref<1000xi32, #tpu.memory_space<hbm>>) dst(%arg17 : memref<1000xi32, #tpu.memory_space<vmem>>)
    %dma_wait3A_197 = arith.constant 0 : i32
    %dma_wait3A_198 = tpu.memref_slice %arg2[%dma_wait3A_197, %add3A_40] : memref<2x320000xi32, #tpu.memory_space<hbm>> -> memref<1x1000xi32, #tpu.memory_space<hbm>>
    %dma_wait3A_199 = tpu.memref_squeeze %dma_wait3A_198 : memref<1x1000xi32, #tpu.memory_space<hbm>> -> memref<1000xi32, #tpu.memory_space<hbm>>
    %dma_wait3A_200 = tpu.memref_slice %arg2[%dma_wait3A_197, %add3A_40] : memref<2x320000xi32, #tpu.memory_space<hbm>> -> memref<1x1000xi32, #tpu.memory_space<hbm>>
    %dma_wait3A_201 = tpu.memref_squeeze %dma_wait3A_200 : memref<1x1000xi32, #tpu.memory_space<hbm>> -> memref<1000xi32, #tpu.memory_space<hbm>>
    tpu.wait_dma2 semaphore(%arg40 : memref<!tpu.dma_semaphore, #tpu.memory_space<semaphore_mem>>) src(%dma_wait3A_201 : memref<1000xi32, #tpu.memory_space<hbm>>) dst(%arg18 : memref<1000xi32, #tpu.memory_space<vmem>>)
    %dma_wait3A_202 = arith.constant 0 : i32
    %dma_wait3A_203 = tpu.memref_slice %arg2[%dma_wait3A_202, %add3A_47] : memref<2x320000xi32, #tpu.memory_space<hbm>> -> memref<1x1000xi32, #tpu.memory_space<hbm>>
    %dma_wait3A_204 = tpu.memref_squeeze %dma_wait3A_203 : memref<1x1000xi32, #tpu.memory_space<hbm>> -> memref<1000xi32, #tpu.memory_space<hbm>>
    %dma_wait3A_205 = tpu.memref_slice %arg2[%dma_wait3A_202, %add3A_47] : memref<2x320000xi32, #tpu.memory_space<hbm>> -> memref<1x1000xi32, #tpu.memory_space<hbm>>
    %dma_wait3A_206 = tpu.memref_squeeze %dma_wait3A_205 : memref<1x1000xi32, #tpu.memory_space<hbm>> -> memref<1000xi32, #tpu.memory_space<hbm>>
    tpu.wait_dma2 semaphore(%arg40 : memref<!tpu.dma_semaphore, #tpu.memory_space<semaphore_mem>>) src(%dma_wait3A_206 : memref<1000xi32, #tpu.memory_space<hbm>>) dst(%arg19 : memref<1000xi32, #tpu.memory_space<vmem>>)
    %dma_wait3A_207 = arith.constant 0 : i32
    %dma_wait3A_208 = tpu.memref_slice %arg2[%dma_wait3A_207, %add3A_54] : memref<2x320000xi32, #tpu.memory_space<hbm>> -> memref<1x1000xi32, #tpu.memory_space<hbm>>
    %dma_wait3A_209 = tpu.memref_squeeze %dma_wait3A_208 : memref<1x1000xi32, #tpu.memory_space<hbm>> -> memref<1000xi32, #tpu.memory_space<hbm>>
    %dma_wait3A_210 = tpu.memref_slice %arg2[%dma_wait3A_207, %add3A_54] : memref<2x320000xi32, #tpu.memory_space<hbm>> -> memref<1x1000xi32, #tpu.memory_space<hbm>>
    %dma_wait3A_211 = tpu.memref_squeeze %dma_wait3A_210 : memref<1x1000xi32, #tpu.memory_space<hbm>> -> memref<1000xi32, #tpu.memory_space<hbm>>
    tpu.wait_dma2 semaphore(%arg40 : memref<!tpu.dma_semaphore, #tpu.memory_space<semaphore_mem>>) src(%dma_wait3A_211 : memref<1000xi32, #tpu.memory_space<hbm>>) dst(%arg20 : memref<1000xi32, #tpu.memory_space<vmem>>)
    %dma_wait3A_212 = arith.constant 0 : i32
    %dma_wait3A_213 = tpu.memref_slice %arg2[%dma_wait3A_212, %add3A_61] : memref<2x320000xi32, #tpu.memory_space<hbm>> -> memref<1x1000xi32, #tpu.memory_space<hbm>>
    %dma_wait3A_214 = tpu.memref_squeeze %dma_wait3A_213 : memref<1x1000xi32, #tpu.memory_space<hbm>> -> memref<1000xi32, #tpu.memory_space<hbm>>
    %dma_wait3A_215 = tpu.memref_slice %arg2[%dma_wait3A_212, %add3A_61] : memref<2x320000xi32, #tpu.memory_space<hbm>> -> memref<1x1000xi32, #tpu.memory_space<hbm>>
    %dma_wait3A_216 = tpu.memref_squeeze %dma_wait3A_215 : memref<1x1000xi32, #tpu.memory_space<hbm>> -> memref<1000xi32, #tpu.memory_space<hbm>>
    tpu.wait_dma2 semaphore(%arg40 : memref<!tpu.dma_semaphore, #tpu.memory_space<semaphore_mem>>) src(%dma_wait3A_216 : memref<1000xi32, #tpu.memory_space<hbm>>) dst(%arg21 : memref<1000xi32, #tpu.memory_space<vmem>>)
    %dma_wait3A_217 = arith.constant 0 : i32
    %dma_wait3A_218 = tpu.memref_slice %arg2[%dma_wait3A_217, %add3A_68] : memref<2x320000xi32, #tpu.memory_space<hbm>> -> memref<1x1000xi32, #tpu.memory_space<hbm>>
    %dma_wait3A_219 = tpu.memref_squeeze %dma_wait3A_218 : memref<1x1000xi32, #tpu.memory_space<hbm>> -> memref<1000xi32, #tpu.memory_space<hbm>>
    %dma_wait3A_220 = tpu.memref_slice %arg2[%dma_wait3A_217, %add3A_68] : memref<2x320000xi32, #tpu.memory_space<hbm>> -> memref<1x1000xi32, #tpu.memory_space<hbm>>
    %dma_wait3A_221 = tpu.memref_squeeze %dma_wait3A_220 : memref<1x1000xi32, #tpu.memory_space<hbm>> -> memref<1000xi32, #tpu.memory_space<hbm>>
    tpu.wait_dma2 semaphore(%arg40 : memref<!tpu.dma_semaphore, #tpu.memory_space<semaphore_mem>>) src(%dma_wait3A_221 : memref<1000xi32, #tpu.memory_space<hbm>>) dst(%arg22 : memref<1000xi32, #tpu.memory_space<vmem>>)
    %dma_wait3A_222 = arith.constant 1 : i32
    %dma_wait3A_223 = tpu.memref_slice %arg2[%dma_wait3A_222, %add3A_75] : memref<2x320000xi32, #tpu.memory_space<hbm>> -> memref<1x1000xi32, #tpu.memory_space<hbm>>
    %dma_wait3A_224 = tpu.memref_squeeze %dma_wait3A_223 : memref<1x1000xi32, #tpu.memory_space<hbm>> -> memref<1000xi32, #tpu.memory_space<hbm>>
    %dma_wait3A_225 = tpu.memref_slice %arg2[%dma_wait3A_222, %add3A_75] : memref<2x320000xi32, #tpu.memory_space<hbm>> -> memref<1x1000xi32, #tpu.memory_space<hbm>>
    %dma_wait3A_226 = tpu.memref_squeeze %dma_wait3A_225 : memref<1x1000xi32, #tpu.memory_space<hbm>> -> memref<1000xi32, #tpu.memory_space<hbm>>
    tpu.wait_dma2 semaphore(%arg41 : memref<!tpu.dma_semaphore, #tpu.memory_space<semaphore_mem>>) src(%dma_wait3A_226 : memref<1000xi32, #tpu.memory_space<hbm>>) dst(%arg23 : memref<1000xi32, #tpu.memory_space<vmem>>)
    %dma_wait3A_227 = arith.constant 1 : i32
    %dma_wait3A_228 = tpu.memref_slice %arg2[%dma_wait3A_227, %add3A_82] : memref<2x320000xi32, #tpu.memory_space<hbm>> -> memref<1x1000xi32, #tpu.memory_space<hbm>>
    %dma_wait3A_229 = tpu.memref_squeeze %dma_wait3A_228 : memref<1x1000xi32, #tpu.memory_space<hbm>> -> memref<1000xi32, #tpu.memory_space<hbm>>
    %dma_wait3A_230 = tpu.memref_slice %arg2[%dma_wait3A_227, %add3A_82] : memref<2x320000xi32, #tpu.memory_space<hbm>> -> memref<1x1000xi32, #tpu.memory_space<hbm>>
    %dma_wait3A_231 = tpu.memref_squeeze %dma_wait3A_230 : memref<1x1000xi32, #tpu.memory_space<hbm>> -> memref<1000xi32, #tpu.memory_space<hbm>>
    tpu.wait_dma2 semaphore(%arg41 : memref<!tpu.dma_semaphore, #tpu.memory_space<semaphore_mem>>) src(%dma_wait3A_231 : memref<1000xi32, #tpu.memory_space<hbm>>) dst(%arg24 : memref<1000xi32, #tpu.memory_space<vmem>>)
    %dma_wait3A_232 = arith.constant 1 : i32
    %dma_wait3A_233 = tpu.memref_slice %arg2[%dma_wait3A_232, %add3A_89] : memref<2x320000xi32, #tpu.memory_space<hbm>> -> memref<1x1000xi32, #tpu.memory_space<hbm>>
    %dma_wait3A_234 = tpu.memref_squeeze %dma_wait3A_233 : memref<1x1000xi32, #tpu.memory_space<hbm>> -> memref<1000xi32, #tpu.memory_space<hbm>>
    %dma_wait3A_235 = tpu.memref_slice %arg2[%dma_wait3A_232, %add3A_89] : memref<2x320000xi32, #tpu.memory_space<hbm>> -> memref<1x1000xi32, #tpu.memory_space<hbm>>
    %dma_wait3A_236 = tpu.memref_squeeze %dma_wait3A_235 : memref<1x1000xi32, #tpu.memory_space<hbm>> -> memref<1000xi32, #tpu.memory_space<hbm>>
    tpu.wait_dma2 semaphore(%arg41 : memref<!tpu.dma_semaphore, #tpu.memory_space<semaphore_mem>>) src(%dma_wait3A_236 : memref<1000xi32, #tpu.memory_space<hbm>>) dst(%arg25 : memref<1000xi32, #tpu.memory_space<vmem>>)
    %dma_wait3A_237 = arith.constant 1 : i32
    %dma_wait3A_238 = tpu.memref_slice %arg2[%dma_wait3A_237, %add3A_96] : memref<2x320000xi32, #tpu.memory_space<hbm>> -> memref<1x1000xi32, #tpu.memory_space<hbm>>
    %dma_wait3A_239 = tpu.memref_squeeze %dma_wait3A_238 : memref<1x1000xi32, #tpu.memory_space<hbm>> -> memref<1000xi32, #tpu.memory_space<hbm>>
    %dma_wait3A_240 = tpu.memref_slice %arg2[%dma_wait3A_237, %add3A_96] : memref<2x320000xi32, #tpu.memory_space<hbm>> -> memref<1x1000xi32, #tpu.memory_space<hbm>>
    %dma_wait3A_241 = tpu.memref_squeeze %dma_wait3A_240 : memref<1x1000xi32, #tpu.memory_space<hbm>> -> memref<1000xi32, #tpu.memory_space<hbm>>
    tpu.wait_dma2 semaphore(%arg41 : memref<!tpu.dma_semaphore, #tpu.memory_space<semaphore_mem>>) src(%dma_wait3A_241 : memref<1000xi32, #tpu.memory_space<hbm>>) dst(%arg26 : memref<1000xi32, #tpu.memory_space<vmem>>)
    %dma_wait3A_242 = arith.constant 1 : i32
    %dma_wait3A_243 = tpu.memref_slice %arg2[%dma_wait3A_242, %add3A_103] : memref<2x320000xi32, #tpu.memory_space<hbm>> -> memref<1x1000xi32, #tpu.memory_space<hbm>>
    %dma_wait3A_244 = tpu.memref_squeeze %dma_wait3A_243 : memref<1x1000xi32, #tpu.memory_space<hbm>> -> memref<1000xi32, #tpu.memory_space<hbm>>
    %dma_wait3A_245 = tpu.memref_slice %arg2[%dma_wait3A_242, %add3A_103] : memref<2x320000xi32, #tpu.memory_space<hbm>> -> memref<1x1000xi32, #tpu.memory_space<hbm>>
    %dma_wait3A_246 = tpu.memref_squeeze %dma_wait3A_245 : memref<1x1000xi32, #tpu.memory_space<hbm>> -> memref<1000xi32, #tpu.memory_space<hbm>>
    tpu.wait_dma2 semaphore(%arg41 : memref<!tpu.dma_semaphore, #tpu.memory_space<semaphore_mem>>) src(%dma_wait3A_246 : memref<1000xi32, #tpu.memory_space<hbm>>) dst(%arg27 : memref<1000xi32, #tpu.memory_space<vmem>>)
    %dma_wait3A_247 = arith.constant 1 : i32
    %dma_wait3A_248 = tpu.memref_slice %arg2[%dma_wait3A_247, %add3A_110] : memref<2x320000xi32, #tpu.memory_space<hbm>> -> memref<1x1000xi32, #tpu.memory_space<hbm>>
    %dma_wait3A_249 = tpu.memref_squeeze %dma_wait3A_248 : memref<1x1000xi32, #tpu.memory_space<hbm>> -> memref<1000xi32, #tpu.memory_space<hbm>>
    %dma_wait3A_250 = tpu.memref_slice %arg2[%dma_wait3A_247, %add3A_110] : memref<2x320000xi32, #tpu.memory_space<hbm>> -> memref<1x1000xi32, #tpu.memory_space<hbm>>
    %dma_wait3A_251 = tpu.memref_squeeze %dma_wait3A_250 : memref<1x1000xi32, #tpu.memory_space<hbm>> -> memref<1000xi32, #tpu.memory_space<hbm>>
    tpu.wait_dma2 semaphore(%arg41 : memref<!tpu.dma_semaphore, #tpu.memory_space<semaphore_mem>>) src(%dma_wait3A_251 : memref<1000xi32, #tpu.memory_space<hbm>>) dst(%arg28 : memref<1000xi32, #tpu.memory_space<vmem>>)
    %dma_wait3A_252 = arith.constant 1 : i32
    %dma_wait3A_253 = tpu.memref_slice %arg2[%dma_wait3A_252, %add3A_117] : memref<2x320000xi32, #tpu.memory_space<hbm>> -> memref<1x1000xi32, #tpu.memory_space<hbm>>
    %dma_wait3A_254 = tpu.memref_squeeze %dma_wait3A_253 : memref<1x1000xi32, #tpu.memory_space<hbm>> -> memref<1000xi32, #tpu.memory_space<hbm>>
    %dma_wait3A_255 = tpu.memref_slice %arg2[%dma_wait3A_252, %add3A_117] : memref<2x320000xi32, #tpu.memory_space<hbm>> -> memref<1x1000xi32, #tpu.memory_space<hbm>>
    %dma_wait3A_256 = tpu.memref_squeeze %dma_wait3A_255 : memref<1x1000xi32, #tpu.memory_space<hbm>> -> memref<1000xi32, #tpu.memory_space<hbm>>
    tpu.wait_dma2 semaphore(%arg41 : memref<!tpu.dma_semaphore, #tpu.memory_space<semaphore_mem>>) src(%dma_wait3A_256 : memref<1000xi32, #tpu.memory_space<hbm>>) dst(%arg29 : memref<1000xi32, #tpu.memory_space<vmem>>)
    %dma_wait3A_257 = arith.constant 1 : i32
    %dma_wait3A_258 = tpu.memref_slice %arg2[%dma_wait3A_257, %add3A_124] : memref<2x320000xi32, #tpu.memory_space<hbm>> -> memref<1x1000xi32, #tpu.memory_space<hbm>>
    %dma_wait3A_259 = tpu.memref_squeeze %dma_wait3A_258 : memref<1x1000xi32, #tpu.memory_space<hbm>> -> memref<1000xi32, #tpu.memory_space<hbm>>
    %dma_wait3A_260 = tpu.memref_slice %arg2[%dma_wait3A_257, %add3A_124] : memref<2x320000xi32, #tpu.memory_space<hbm>> -> memref<1x1000xi32, #tpu.memory_space<hbm>>
    %dma_wait3A_261 = tpu.memref_squeeze %dma_wait3A_260 : memref<1x1000xi32, #tpu.memory_space<hbm>> -> memref<1000xi32, #tpu.memory_space<hbm>>
    tpu.wait_dma2 semaphore(%arg41 : memref<!tpu.dma_semaphore, #tpu.memory_space<semaphore_mem>>) src(%dma_wait3A_261 : memref<1000xi32, #tpu.memory_space<hbm>>) dst(%arg30 : memref<1000xi32, #tpu.memory_space<vmem>>)
    %dma_wait3A_262 = arith.constant 1 : i32
    %dma_wait3A_263 = tpu.memref_slice %arg2[%dma_wait3A_262, %add3A_131] : memref<2x320000xi32, #tpu.memory_space<hbm>> -> memref<1x1000xi32, #tpu.memory_space<hbm>>
    %dma_wait3A_264 = tpu.memref_squeeze %dma_wait3A_263 : memref<1x1000xi32, #tpu.memory_space<hbm>> -> memref<1000xi32, #tpu.memory_space<hbm>>
    %dma_wait3A_265 = tpu.memref_slice %arg2[%dma_wait3A_262, %add3A_131] : memref<2x320000xi32, #tpu.memory_space<hbm>> -> memref<1x1000xi32, #tpu.memory_space<hbm>>
    %dma_wait3A_266 = tpu.memref_squeeze %dma_wait3A_265 : memref<1x1000xi32, #tpu.memory_space<hbm>> -> memref<1000xi32, #tpu.memory_space<hbm>>
    tpu.wait_dma2 semaphore(%arg41 : memref<!tpu.dma_semaphore, #tpu.memory_space<semaphore_mem>>) src(%dma_wait3A_266 : memref<1000xi32, #tpu.memory_space<hbm>>) dst(%arg31 : memref<1000xi32, #tpu.memory_space<vmem>>)
    %dma_wait3A_267 = arith.constant 1 : i32
    %dma_wait3A_268 = tpu.memref_slice %arg2[%dma_wait3A_267, %add3A_138] : memref<2x320000xi32, #tpu.memory_space<hbm>> -> memref<1x1000xi32, #tpu.memory_space<hbm>>
    %dma_wait3A_269 = tpu.memref_squeeze %dma_wait3A_268 : memref<1x1000xi32, #tpu.memory_space<hbm>> -> memref<1000xi32, #tpu.memory_space<hbm>>
    %dma_wait3A_270 = tpu.memref_slice %arg2[%dma_wait3A_267, %add3A_138] : memref<2x320000xi32, #tpu.memory_space<hbm>> -> memref<1x1000xi32, #tpu.memory_space<hbm>>
    %dma_wait3A_271 = tpu.memref_squeeze %dma_wait3A_270 : memref<1x1000xi32, #tpu.memory_space<hbm>> -> memref<1000xi32, #tpu.memory_space<hbm>>
    tpu.wait_dma2 semaphore(%arg41 : memref<!tpu.dma_semaphore, #tpu.memory_space<semaphore_mem>>) src(%dma_wait3A_271 : memref<1000xi32, #tpu.memory_space<hbm>>) dst(%arg32 : memref<1000xi32, #tpu.memory_space<vmem>>)
    %barrier3A = arith.constant 0 : index
    tpu.barrier barrier_id(%barrier3A)
    %dma_start3A_272 = arith.constant 0 : i32
    %dma_start3A_273 = arith.constant 0 : i32
    %dma_start3A_274 = tpu.memref_slice %arg38[%dma_start3A_272, %dma_start3A_273] : memref<10240x16xf32, #tpu.memory_space<vmem_shared>> -> memref<10240x16xf32, #tpu.memory_space<vmem_shared>>
    tpu.enqueue_indirect_dma source(%dma_start3A_274 : memref<10240x16xf32, #tpu.memory_space<vmem_shared>>) target(%arg33 : memref<1000x16xf32, #tpu.memory_space<vmem>>) offsets(%arg13 : memref<1000xi32, #tpu.memory_space<vmem>>) semaphore(%arg40 : memref<!tpu.dma_semaphore, #tpu.memory_space<semaphore_mem>>)
    %dma_wait3A_275 = arith.constant 0 : i32
    %dma_wait3A_276 = arith.constant 0 : i32
    %dma_wait3A_277 = tpu.memref_slice %arg38[%dma_wait3A_275, %dma_wait3A_276] : memref<10240x16xf32, #tpu.memory_space<vmem_shared>> -> memref<10240x16xf32, #tpu.memory_space<vmem_shared>>
    tpu.wait_indirect_dma semaphore(%arg40 : memref<!tpu.dma_semaphore, #tpu.memory_space<semaphore_mem>>) src(%dma_wait3A_277 : memref<10240x16xf32, #tpu.memory_space<vmem_shared>>) dst(%arg33 : memref<1000x16xf32, #tpu.memory_space<vmem>>)
    %dma_start3A_278 = arith.constant 0 : i32
    %dma_start3A_279 = arith.constant 0 : i32
    %dma_start3A_280 = tpu.memref_slice %arg39[%dma_start3A_278, %dma_start3A_279] : memref<10240x16xf32, #tpu.memory_space<vmem_shared>> -> memref<10240x16xf32, #tpu.memory_space<vmem_shared>>
    tpu.enqueue_indirect_dma source(%arg33 : memref<1000x16xf32, #tpu.memory_space<vmem>>) target(%dma_start3A_280 : memref<10240x16xf32, #tpu.memory_space<vmem_shared>>) offsets(%arg23 : memref<1000xi32, #tpu.memory_space<vmem>>) semaphore(%arg42 : memref<!tpu.dma_semaphore, #tpu.memory_space<semaphore_mem>>) {add = true}
    %dma_start3A_281 = arith.constant 0 : i32
    %dma_start3A_282 = arith.constant 0 : i32
    %dma_start3A_283 = tpu.memref_slice %arg38[%dma_start3A_281, %dma_start3A_282] : memref<10240x16xf32, #tpu.memory_space<vmem_shared>> -> memref<10240x16xf32, #tpu.memory_space<vmem_shared>>
    tpu.enqueue_indirect_dma source(%dma_start3A_283 : memref<10240x16xf32, #tpu.memory_space<vmem_shared>>) target(%arg34 : memref<1000x16xf32, #tpu.memory_space<vmem>>) offsets(%arg14 : memref<1000xi32, #tpu.memory_space<vmem>>) semaphore(%arg41 : memref<!tpu.dma_semaphore, #tpu.memory_space<semaphore_mem>>)
    %dma_wait3A_284 = arith.constant 0 : i32
    %dma_wait3A_285 = arith.constant 0 : i32
    %dma_wait3A_286 = tpu.memref_slice %arg38[%dma_wait3A_284, %dma_wait3A_285] : memref<10240x16xf32, #tpu.memory_space<vmem_shared>> -> memref<10240x16xf32, #tpu.memory_space<vmem_shared>>
    tpu.wait_indirect_dma semaphore(%arg41 : memref<!tpu.dma_semaphore, #tpu.memory_space<semaphore_mem>>) src(%dma_wait3A_286 : memref<10240x16xf32, #tpu.memory_space<vmem_shared>>) dst(%arg34 : memref<1000x16xf32, #tpu.memory_space<vmem>>)
    %dma_start3A_287 = arith.constant 0 : i32
    %dma_start3A_288 = arith.constant 0 : i32
    %dma_start3A_289 = tpu.memref_slice %arg39[%dma_start3A_287, %dma_start3A_288] : memref<10240x16xf32, #tpu.memory_space<vmem_shared>> -> memref<10240x16xf32, #tpu.memory_space<vmem_shared>>
    tpu.enqueue_indirect_dma source(%arg34 : memref<1000x16xf32, #tpu.memory_space<vmem>>) target(%dma_start3A_289 : memref<10240x16xf32, #tpu.memory_space<vmem_shared>>) offsets(%arg24 : memref<1000xi32, #tpu.memory_space<vmem>>) semaphore(%arg43 : memref<!tpu.dma_semaphore, #tpu.memory_space<semaphore_mem>>) {add = true}
    %dma_wait3A_290 = arith.constant 0 : i32
    %dma_wait3A_291 = arith.constant 0 : i32
    %dma_wait3A_292 = tpu.memref_slice %arg39[%dma_wait3A_290, %dma_wait3A_291] : memref<10240x16xf32, #tpu.memory_space<vmem_shared>> -> memref<10240x16xf32, #tpu.memory_space<vmem_shared>>
    tpu.wait_indirect_dma semaphore(%arg42 : memref<!tpu.dma_semaphore, #tpu.memory_space<semaphore_mem>>) src(%arg33 : memref<1000x16xf32, #tpu.memory_space<vmem>>) dst(%dma_wait3A_292 : memref<10240x16xf32, #tpu.memory_space<vmem_shared>>)
    %dma_start3A_293 = arith.constant 0 : i32
    %dma_start3A_294 = arith.constant 0 : i32
    %dma_start3A_295 = tpu.memref_slice %arg38[%dma_start3A_293, %dma_start3A_294] : memref<10240x16xf32, #tpu.memory_space<vmem_shared>> -> memref<10240x16xf32, #tpu.memory_space<vmem_shared>>
    tpu.enqueue_indirect_dma source(%dma_start3A_295 : memref<10240x16xf32, #tpu.memory_space<vmem_shared>>) target(%arg33 : memref<1000x16xf32, #tpu.memory_space<vmem>>) offsets(%arg15 : memref<1000xi32, #tpu.memory_space<vmem>>) semaphore(%arg40 : memref<!tpu.dma_semaphore, #tpu.memory_space<semaphore_mem>>)
    %dma_wait3A_296 = arith.constant 0 : i32
    %dma_wait3A_297 = arith.constant 0 : i32
    %dma_wait3A_298 = tpu.memref_slice %arg38[%dma_wait3A_296, %dma_wait3A_297] : memref<10240x16xf32, #tpu.memory_space<vmem_shared>> -> memref<10240x16xf32, #tpu.memory_space<vmem_shared>>
    tpu.wait_indirect_dma semaphore(%arg40 : memref<!tpu.dma_semaphore, #tpu.memory_space<semaphore_mem>>) src(%dma_wait3A_298 : memref<10240x16xf32, #tpu.memory_space<vmem_shared>>) dst(%arg33 : memref<1000x16xf32, #tpu.memory_space<vmem>>)
    %dma_start3A_299 = arith.constant 0 : i32
    %dma_start3A_300 = arith.constant 0 : i32
    %dma_start3A_301 = tpu.memref_slice %arg39[%dma_start3A_299, %dma_start3A_300] : memref<10240x16xf32, #tpu.memory_space<vmem_shared>> -> memref<10240x16xf32, #tpu.memory_space<vmem_shared>>
    tpu.enqueue_indirect_dma source(%arg33 : memref<1000x16xf32, #tpu.memory_space<vmem>>) target(%dma_start3A_301 : memref<10240x16xf32, #tpu.memory_space<vmem_shared>>) offsets(%arg25 : memref<1000xi32, #tpu.memory_space<vmem>>) semaphore(%arg42 : memref<!tpu.dma_semaphore, #tpu.memory_space<semaphore_mem>>) {add = true}
    %dma_wait3A_302 = arith.constant 0 : i32
    %dma_wait3A_303 = arith.constant 0 : i32
    %dma_wait3A_304 = tpu.memref_slice %arg39[%dma_wait3A_302, %dma_wait3A_303] : memref<10240x16xf32, #tpu.memory_space<vmem_shared>> -> memref<10240x16xf32, #tpu.memory_space<vmem_shared>>
    tpu.wait_indirect_dma semaphore(%arg43 : memref<!tpu.dma_semaphore, #tpu.memory_space<semaphore_mem>>) src(%arg34 : memref<1000x16xf32, #tpu.memory_space<vmem>>) dst(%dma_wait3A_304 : memref<10240x16xf32, #tpu.memory_space<vmem_shared>>)
    %dma_start3A_305 = arith.constant 0 : i32
    %dma_start3A_306 = arith.constant 0 : i32
    %dma_start3A_307 = tpu.memref_slice %arg38[%dma_start3A_305, %dma_start3A_306] : memref<10240x16xf32, #tpu.memory_space<vmem_shared>> -> memref<10240x16xf32, #tpu.memory_space<vmem_shared>>
    tpu.enqueue_indirect_dma source(%dma_start3A_307 : memref<10240x16xf32, #tpu.memory_space<vmem_shared>>) target(%arg34 : memref<1000x16xf32, #tpu.memory_space<vmem>>) offsets(%arg16 : memref<1000xi32, #tpu.memory_space<vmem>>) semaphore(%arg41 : memref<!tpu.dma_semaphore, #tpu.memory_space<semaphore_mem>>)
    %dma_wait3A_308 = arith.constant 0 : i32
    %dma_wait3A_309 = arith.constant 0 : i32
    %dma_wait3A_310 = tpu.memref_slice %arg38[%dma_wait3A_308, %dma_wait3A_309] : memref<10240x16xf32, #tpu.memory_space<vmem_shared>> -> memref<10240x16xf32, #tpu.memory_space<vmem_shared>>
    tpu.wait_indirect_dma semaphore(%arg41 : memref<!tpu.dma_semaphore, #tpu.memory_space<semaphore_mem>>) src(%dma_wait3A_310 : memref<10240x16xf32, #tpu.memory_space<vmem_shared>>) dst(%arg34 : memref<1000x16xf32, #tpu.memory_space<vmem>>)
    %dma_start3A_311 = arith.constant 0 : i32
    %dma_start3A_312 = arith.constant 0 : i32
    %dma_start3A_313 = tpu.memref_slice %arg39[%dma_start3A_311, %dma_start3A_312] : memref<10240x16xf32, #tpu.memory_space<vmem_shared>> -> memref<10240x16xf32, #tpu.memory_space<vmem_shared>>
    tpu.enqueue_indirect_dma source(%arg34 : memref<1000x16xf32, #tpu.memory_space<vmem>>) target(%dma_start3A_313 : memref<10240x16xf32, #tpu.memory_space<vmem_shared>>) offsets(%arg26 : memref<1000xi32, #tpu.memory_space<vmem>>) semaphore(%arg43 : memref<!tpu.dma_semaphore, #tpu.memory_space<semaphore_mem>>) {add = true}
    %dma_wait3A_314 = arith.constant 0 : i32
    %dma_wait3A_315 = arith.constant 0 : i32
    %dma_wait3A_316 = tpu.memref_slice %arg39[%dma_wait3A_314, %dma_wait3A_315] : memref<10240x16xf32, #tpu.memory_space<vmem_shared>> -> memref<10240x16xf32, #tpu.memory_space<vmem_shared>>
    tpu.wait_indirect_dma semaphore(%arg42 : memref<!tpu.dma_semaphore, #tpu.memory_space<semaphore_mem>>) src(%arg33 : memref<1000x16xf32, #tpu.memory_space<vmem>>) dst(%dma_wait3A_316 : memref<10240x16xf32, #tpu.memory_space<vmem_shared>>)
    %dma_start3A_317 = arith.constant 0 : i32
    %dma_start3A_318 = arith.constant 0 : i32
    %dma_start3A_319 = tpu.memref_slice %arg38[%dma_start3A_317, %dma_start3A_318] : memref<10240x16xf32, #tpu.memory_space<vmem_shared>> -> memref<10240x16xf32, #tpu.memory_space<vmem_shared>>
    tpu.enqueue_indirect_dma source(%dma_start3A_319 : memref<10240x16xf32, #tpu.memory_space<vmem_shared>>) target(%arg33 : memref<1000x16xf32, #tpu.memory_space<vmem>>) offsets(%arg17 : memref<1000xi32, #tpu.memory_space<vmem>>) semaphore(%arg40 : memref<!tpu.dma_semaphore, #tpu.memory_space<semaphore_mem>>)
    %dma_wait3A_320 = arith.constant 0 : i32
    %dma_wait3A_321 = arith.constant 0 : i32
    %dma_wait3A_322 = tpu.memref_slice %arg38[%dma_wait3A_320, %dma_wait3A_321] : memref<10240x16xf32, #tpu.memory_space<vmem_shared>> -> memref<10240x16xf32, #tpu.memory_space<vmem_shared>>
    tpu.wait_indirect_dma semaphore(%arg40 : memref<!tpu.dma_semaphore, #tpu.memory_space<semaphore_mem>>) src(%dma_wait3A_322 : memref<10240x16xf32, #tpu.memory_space<vmem_shared>>) dst(%arg33 : memref<1000x16xf32, #tpu.memory_space<vmem>>)
    %dma_start3A_323 = arith.constant 0 : i32
    %dma_start3A_324 = arith.constant 0 : i32
    %dma_start3A_325 = tpu.memref_slice %arg39[%dma_start3A_323, %dma_start3A_324] : memref<10240x16xf32, #tpu.memory_space<vmem_shared>> -> memref<10240x16xf32, #tpu.memory_space<vmem_shared>>
    tpu.enqueue_indirect_dma source(%arg33 : memref<1000x16xf32, #tpu.memory_space<vmem>>) target(%dma_start3A_325 : memref<10240x16xf32, #tpu.memory_space<vmem_shared>>) offsets(%arg27 : memref<1000xi32, #tpu.memory_space<vmem>>) semaphore(%arg42 : memref<!tpu.dma_semaphore, #tpu.memory_space<semaphore_mem>>) {add = true}
    %dma_wait3A_326 = arith.constant 0 : i32
    %dma_wait3A_327 = arith.constant 0 : i32
    %dma_wait3A_328 = tpu.memref_slice %arg39[%dma_wait3A_326, %dma_wait3A_327] : memref<10240x16xf32, #tpu.memory_space<vmem_shared>> -> memref<10240x16xf32, #tpu.memory_space<vmem_shared>>
    tpu.wait_indirect_dma semaphore(%arg43 : memref<!tpu.dma_semaphore, #tpu.memory_space<semaphore_mem>>) src(%arg34 : memref<1000x16xf32, #tpu.memory_space<vmem>>) dst(%dma_wait3A_328 : memref<10240x16xf32, #tpu.memory_space<vmem_shared>>)
    %dma_start3A_329 = arith.constant 0 : i32
    %dma_start3A_330 = arith.constant 0 : i32
    %dma_start3A_331 = tpu.memref_slice %arg38[%dma_start3A_329, %dma_start3A_330] : memref<10240x16xf32, #tpu.memory_space<vmem_shared>> -> memref<10240x16xf32, #tpu.memory_space<vmem_shared>>
    tpu.enqueue_indirect_dma source(%dma_start3A_331 : memref<10240x16xf32, #tpu.memory_space<vmem_shared>>) target(%arg34 : memref<1000x16xf32, #tpu.memory_space<vmem>>) offsets(%arg18 : memref<1000xi32, #tpu.memory_space<vmem>>) semaphore(%arg41 : memref<!tpu.dma_semaphore, #tpu.memory_space<semaphore_mem>>)
    %dma_wait3A_332 = arith.constant 0 : i32
    %dma_wait3A_333 = arith.constant 0 : i32
    %dma_wait3A_334 = tpu.memref_slice %arg38[%dma_wait3A_332, %dma_wait3A_333] : memref<10240x16xf32, #tpu.memory_space<vmem_shared>> -> memref<10240x16xf32, #tpu.memory_space<vmem_shared>>
    tpu.wait_indirect_dma semaphore(%arg41 : memref<!tpu.dma_semaphore, #tpu.memory_space<semaphore_mem>>) src(%dma_wait3A_334 : memref<10240x16xf32, #tpu.memory_space<vmem_shared>>) dst(%arg34 : memref<1000x16xf32, #tpu.memory_space<vmem>>)
    %dma_start3A_335 = arith.constant 0 : i32
    %dma_start3A_336 = arith.constant 0 : i32
    %dma_start3A_337 = tpu.memref_slice %arg39[%dma_start3A_335, %dma_start3A_336] : memref<10240x16xf32, #tpu.memory_space<vmem_shared>> -> memref<10240x16xf32, #tpu.memory_space<vmem_shared>>
    tpu.enqueue_indirect_dma source(%arg34 : memref<1000x16xf32, #tpu.memory_space<vmem>>) target(%dma_start3A_337 : memref<10240x16xf32, #tpu.memory_space<vmem_shared>>) offsets(%arg28 : memref<1000xi32, #tpu.memory_space<vmem>>) semaphore(%arg43 : memref<!tpu.dma_semaphore, #tpu.memory_space<semaphore_mem>>) {add = true}
    %dma_wait3A_338 = arith.constant 0 : i32
    %dma_wait3A_339 = arith.constant 0 : i32
    %dma_wait3A_340 = tpu.memref_slice %arg39[%dma_wait3A_338, %dma_wait3A_339] : memref<10240x16xf32, #tpu.memory_space<vmem_shared>> -> memref<10240x16xf32, #tpu.memory_space<vmem_shared>>
    tpu.wait_indirect_dma semaphore(%arg42 : memref<!tpu.dma_semaphore, #tpu.memory_space<semaphore_mem>>) src(%arg33 : memref<1000x16xf32, #tpu.memory_space<vmem>>) dst(%dma_wait3A_340 : memref<10240x16xf32, #tpu.memory_space<vmem_shared>>)
    %dma_start3A_341 = arith.constant 0 : i32
    %dma_start3A_342 = arith.constant 0 : i32
    %dma_start3A_343 = tpu.memref_slice %arg38[%dma_start3A_341, %dma_start3A_342] : memref<10240x16xf32, #tpu.memory_space<vmem_shared>> -> memref<10240x16xf32, #tpu.memory_space<vmem_shared>>
    tpu.enqueue_indirect_dma source(%dma_start3A_343 : memref<10240x16xf32, #tpu.memory_space<vmem_shared>>) target(%arg33 : memref<1000x16xf32, #tpu.memory_space<vmem>>) offsets(%arg19 : memref<1000xi32, #tpu.memory_space<vmem>>) semaphore(%arg40 : memref<!tpu.dma_semaphore, #tpu.memory_space<semaphore_mem>>)
    %dma_wait3A_344 = arith.constant 0 : i32
    %dma_wait3A_345 = arith.constant 0 : i32
    %dma_wait3A_346 = tpu.memref_slice %arg38[%dma_wait3A_344, %dma_wait3A_345] : memref<10240x16xf32, #tpu.memory_space<vmem_shared>> -> memref<10240x16xf32, #tpu.memory_space<vmem_shared>>
    tpu.wait_indirect_dma semaphore(%arg40 : memref<!tpu.dma_semaphore, #tpu.memory_space<semaphore_mem>>) src(%dma_wait3A_346 : memref<10240x16xf32, #tpu.memory_space<vmem_shared>>) dst(%arg33 : memref<1000x16xf32, #tpu.memory_space<vmem>>)
    %dma_start3A_347 = arith.constant 0 : i32
    %dma_start3A_348 = arith.constant 0 : i32
    %dma_start3A_349 = tpu.memref_slice %arg39[%dma_start3A_347, %dma_start3A_348] : memref<10240x16xf32, #tpu.memory_space<vmem_shared>> -> memref<10240x16xf32, #tpu.memory_space<vmem_shared>>
    tpu.enqueue_indirect_dma source(%arg33 : memref<1000x16xf32, #tpu.memory_space<vmem>>) target(%dma_start3A_349 : memref<10240x16xf32, #tpu.memory_space<vmem_shared>>) offsets(%arg29 : memref<1000xi32, #tpu.memory_space<vmem>>) semaphore(%arg42 : memref<!tpu.dma_semaphore, #tpu.memory_space<semaphore_mem>>) {add = true}
    %dma_wait3A_350 = arith.constant 0 : i32
    %dma_wait3A_351 = arith.constant 0 : i32
    %dma_wait3A_352 = tpu.memref_slice %arg39[%dma_wait3A_350, %dma_wait3A_351] : memref<10240x16xf32, #tpu.memory_space<vmem_shared>> -> memref<10240x16xf32, #tpu.memory_space<vmem_shared>>
    tpu.wait_indirect_dma semaphore(%arg43 : memref<!tpu.dma_semaphore, #tpu.memory_space<semaphore_mem>>) src(%arg34 : memref<1000x16xf32, #tpu.memory_space<vmem>>) dst(%dma_wait3A_352 : memref<10240x16xf32, #tpu.memory_space<vmem_shared>>)
    %dma_start3A_353 = arith.constant 0 : i32
    %dma_start3A_354 = arith.constant 0 : i32
    %dma_start3A_355 = tpu.memref_slice %arg38[%dma_start3A_353, %dma_start3A_354] : memref<10240x16xf32, #tpu.memory_space<vmem_shared>> -> memref<10240x16xf32, #tpu.memory_space<vmem_shared>>
    tpu.enqueue_indirect_dma source(%dma_start3A_355 : memref<10240x16xf32, #tpu.memory_space<vmem_shared>>) target(%arg34 : memref<1000x16xf32, #tpu.memory_space<vmem>>) offsets(%arg20 : memref<1000xi32, #tpu.memory_space<vmem>>) semaphore(%arg41 : memref<!tpu.dma_semaphore, #tpu.memory_space<semaphore_mem>>)
    %dma_wait3A_356 = arith.constant 0 : i32
    %dma_wait3A_357 = arith.constant 0 : i32
    %dma_wait3A_358 = tpu.memref_slice %arg38[%dma_wait3A_356, %dma_wait3A_357] : memref<10240x16xf32, #tpu.memory_space<vmem_shared>> -> memref<10240x16xf32, #tpu.memory_space<vmem_shared>>
    tpu.wait_indirect_dma semaphore(%arg41 : memref<!tpu.dma_semaphore, #tpu.memory_space<semaphore_mem>>) src(%dma_wait3A_358 : memref<10240x16xf32, #tpu.memory_space<vmem_shared>>) dst(%arg34 : memref<1000x16xf32, #tpu.memory_space<vmem>>)
    %dma_start3A_359 = arith.constant 0 : i32
    %dma_start3A_360 = arith.constant 0 : i32
    %dma_start3A_361 = tpu.memref_slice %arg39[%dma_start3A_359, %dma_start3A_360] : memref<10240x16xf32, #tpu.memory_space<vmem_shared>> -> memref<10240x16xf32, #tpu.memory_space<vmem_shared>>
    tpu.enqueue_indirect_dma source(%arg34 : memref<1000x16xf32, #tpu.memory_space<vmem>>) target(%dma_start3A_361 : memref<10240x16xf32, #tpu.memory_space<vmem_shared>>) offsets(%arg30 : memref<1000xi32, #tpu.memory_space<vmem>>) semaphore(%arg43 : memref<!tpu.dma_semaphore, #tpu.memory_space<semaphore_mem>>) {add = true}
    %dma_wait3A_362 = arith.constant 0 : i32
    %dma_wait3A_363 = arith.constant 0 : i32
    %dma_wait3A_364 = tpu.memref_slice %arg39[%dma_wait3A_362, %dma_wait3A_363] : memref<10240x16xf32, #tpu.memory_space<vmem_shared>> -> memref<10240x16xf32, #tpu.memory_space<vmem_shared>>
    tpu.wait_indirect_dma semaphore(%arg42 : memref<!tpu.dma_semaphore, #tpu.memory_space<semaphore_mem>>) src(%arg33 : memref<1000x16xf32, #tpu.memory_space<vmem>>) dst(%dma_wait3A_364 : memref<10240x16xf32, #tpu.memory_space<vmem_shared>>)
    %dma_start3A_365 = arith.constant 0 : i32
    %dma_start3A_366 = arith.constant 0 : i32
    %dma_start3A_367 = tpu.memref_slice %arg38[%dma_start3A_365, %dma_start3A_366] : memref<10240x16xf32, #tpu.memory_space<vmem_shared>> -> memref<10240x16xf32, #tpu.memory_space<vmem_shared>>
    tpu.enqueue_indirect_dma source(%dma_start3A_367 : memref<10240x16xf32, #tpu.memory_space<vmem_shared>>) target(%arg33 : memref<1000x16xf32, #tpu.memory_space<vmem>>) offsets(%arg21 : memref<1000xi32, #tpu.memory_space<vmem>>) semaphore(%arg40 : memref<!tpu.dma_semaphore, #tpu.memory_space<semaphore_mem>>)
    %dma_wait3A_368 = arith.constant 0 : i32
    %dma_wait3A_369 = arith.constant 0 : i32
    %dma_wait3A_370 = tpu.memref_slice %arg38[%dma_wait3A_368, %dma_wait3A_369] : memref<10240x16xf32, #tpu.memory_space<vmem_shared>> -> memref<10240x16xf32, #tpu.memory_space<vmem_shared>>
    tpu.wait_indirect_dma semaphore(%arg40 : memref<!tpu.dma_semaphore, #tpu.memory_space<semaphore_mem>>) src(%dma_wait3A_370 : memref<10240x16xf32, #tpu.memory_space<vmem_shared>>) dst(%arg33 : memref<1000x16xf32, #tpu.memory_space<vmem>>)
    %dma_start3A_371 = arith.constant 0 : i32
    %dma_start3A_372 = arith.constant 0 : i32
    %dma_start3A_373 = tpu.memref_slice %arg39[%dma_start3A_371, %dma_start3A_372] : memref<10240x16xf32, #tpu.memory_space<vmem_shared>> -> memref<10240x16xf32, #tpu.memory_space<vmem_shared>>
    tpu.enqueue_indirect_dma source(%arg33 : memref<1000x16xf32, #tpu.memory_space<vmem>>) target(%dma_start3A_373 : memref<10240x16xf32, #tpu.memory_space<vmem_shared>>) offsets(%arg31 : memref<1000xi32, #tpu.memory_space<vmem>>) semaphore(%arg42 : memref<!tpu.dma_semaphore, #tpu.memory_space<semaphore_mem>>) {add = true}
    %dma_wait3A_374 = arith.constant 0 : i32
    %dma_wait3A_375 = arith.constant 0 : i32
    %dma_wait3A_376 = tpu.memref_slice %arg39[%dma_wait3A_374, %dma_wait3A_375] : memref<10240x16xf32, #tpu.memory_space<vmem_shared>> -> memref<10240x16xf32, #tpu.memory_space<vmem_shared>>
    tpu.wait_indirect_dma semaphore(%arg43 : memref<!tpu.dma_semaphore, #tpu.memory_space<semaphore_mem>>) src(%arg34 : memref<1000x16xf32, #tpu.memory_space<vmem>>) dst(%dma_wait3A_376 : memref<10240x16xf32, #tpu.memory_space<vmem_shared>>)
    %dma_start3A_377 = arith.constant 0 : i32
    %dma_start3A_378 = arith.constant 0 : i32
    %dma_start3A_379 = tpu.memref_slice %arg38[%dma_start3A_377, %dma_start3A_378] : memref<10240x16xf32, #tpu.memory_space<vmem_shared>> -> memref<10240x16xf32, #tpu.memory_space<vmem_shared>>
    tpu.enqueue_indirect_dma source(%dma_start3A_379 : memref<10240x16xf32, #tpu.memory_space<vmem_shared>>) target(%arg34 : memref<1000x16xf32, #tpu.memory_space<vmem>>) offsets(%arg22 : memref<1000xi32, #tpu.memory_space<vmem>>) semaphore(%arg41 : memref<!tpu.dma_semaphore, #tpu.memory_space<semaphore_mem>>)
    %dma_wait3A_380 = arith.constant 0 : i32
    %dma_wait3A_381 = arith.constant 0 : i32
    %dma_wait3A_382 = tpu.memref_slice %arg38[%dma_wait3A_380, %dma_wait3A_381] : memref<10240x16xf32, #tpu.memory_space<vmem_shared>> -> memref<10240x16xf32, #tpu.memory_space<vmem_shared>>
    tpu.wait_indirect_dma semaphore(%arg41 : memref<!tpu.dma_semaphore, #tpu.memory_space<semaphore_mem>>) src(%dma_wait3A_382 : memref<10240x16xf32, #tpu.memory_space<vmem_shared>>) dst(%arg34 : memref<1000x16xf32, #tpu.memory_space<vmem>>)
    %dma_start3A_383 = arith.constant 0 : i32
    %dma_start3A_384 = arith.constant 0 : i32
    %dma_start3A_385 = tpu.memref_slice %arg39[%dma_start3A_383, %dma_start3A_384] : memref<10240x16xf32, #tpu.memory_space<vmem_shared>> -> memref<10240x16xf32, #tpu.memory_space<vmem_shared>>
    tpu.enqueue_indirect_dma source(%arg34 : memref<1000x16xf32, #tpu.memory_space<vmem>>) target(%dma_start3A_385 : memref<10240x16xf32, #tpu.memory_space<vmem_shared>>) offsets(%arg32 : memref<1000xi32, #tpu.memory_space<vmem>>) semaphore(%arg43 : memref<!tpu.dma_semaphore, #tpu.memory_space<semaphore_mem>>) {add = true}
    %dma_wait3A_386 = arith.constant 0 : i32
    %dma_wait3A_387 = arith.constant 0 : i32
    %dma_wait3A_388 = tpu.memref_slice %arg39[%dma_wait3A_386, %dma_wait3A_387] : memref<10240x16xf32, #tpu.memory_space<vmem_shared>> -> memref<10240x16xf32, #tpu.memory_space<vmem_shared>>
    tpu.wait_indirect_dma semaphore(%arg43 : memref<!tpu.dma_semaphore, #tpu.memory_space<semaphore_mem>>) src(%arg34 : memref<1000x16xf32, #tpu.memory_space<vmem>>) dst(%dma_wait3A_388 : memref<10240x16xf32, #tpu.memory_space<vmem_shared>>)
    %barrier3A_389 = arith.constant 0 : index
    tpu.barrier barrier_id(%barrier3A_389)
    %mul3A_390 = arith.constant 640 : i32
    %mul3A_391 = arith.muli %arg1, %mul3A_390 : i32
    "tpu.region"() ({
      %run_scoped3A_394 = tpu.sem_alloc : memref<!tpu.dma_semaphore, #tpu.memory_space<semaphore_mem>>
      %dma_start3A_395 = arith.constant 0 : i32
      %dma_start3A_396 = tpu.memref_slice %arg39[%mul3A_391, %dma_start3A_395] : memref<10240x16xf32, #tpu.memory_space<vmem_shared>> -> memref<640x16xf32, #tpu.memory_space<vmem_shared>>
      %dma_start3A_397 = arith.constant 0 : i32
      %dma_start3A_398 = tpu.memref_slice %arg39[%mul3A_391, %dma_start3A_397] : memref<10240x16xf32, #tpu.memory_space<vmem_shared>> -> memref<640x16xf32, #tpu.memory_space<vmem_shared>>
      tpu.enqueue_dma source(%dma_start3A_398 : memref<640x16xf32, #tpu.memory_space<vmem_shared>>) target(%arg35 : memref<640x16xf32, #tpu.memory_space<vmem>>) target_semaphore(%run_scoped3A_394 : memref<!tpu.dma_semaphore, #tpu.memory_space<semaphore_mem>>)
      %dma_wait3A_399 = arith.constant 0 : i32
      %dma_wait3A_400 = tpu.memref_slice %arg39[%mul3A_391, %dma_wait3A_399] : memref<10240x16xf32, #tpu.memory_space<vmem_shared>> -> memref<640x16xf32, #tpu.memory_space<vmem_shared>>
      %dma_wait3A_401 = arith.constant 0 : i32
      %dma_wait3A_402 = tpu.memref_slice %arg39[%mul3A_391, %dma_wait3A_401] : memref<10240x16xf32, #tpu.memory_space<vmem_shared>> -> memref<640x16xf32, #tpu.memory_space<vmem_shared>>
      tpu.wait_dma2 semaphore(%run_scoped3A_394 : memref<!tpu.dma_semaphore, #tpu.memory_space<semaphore_mem>>) src(%dma_wait3A_402 : memref<640x16xf32, #tpu.memory_space<vmem_shared>>) dst(%arg35 : memref<640x16xf32, #tpu.memory_space<vmem>>)
      tpu.yield
    }) : () -> ()
    %mul3A_392 = arith.constant 640 : i32
    %mul3A_393 = arith.muli %arg1, %mul3A_392 : i32
    "tpu.region"() ({
      %run_scoped3A_394 = tpu.sem_alloc : memref<!tpu.dma_semaphore, #tpu.memory_space<semaphore_mem>>
      %dma_start3A_395 = arith.constant 0 : i32
      %dma_start3A_396 = tpu.memref_slice %arg7[%arg0, %mul3A_393, %dma_start3A_395] : memref<2x10240x16xf32, #tpu.memory_space<hbm>> -> memref<1x640x16xf32, #tpu.memory_space<hbm>>
      %dma_start3A_397 = tpu.memref_squeeze %dma_start3A_396 : memref<1x640x16xf32, #tpu.memory_space<hbm>> -> memref<640x16xf32, #tpu.memory_space<hbm>>
      %dma_start3A_398 = arith.constant 0 : i32
      %dma_start3A_399 = tpu.memref_slice %arg7[%arg0, %mul3A_393, %dma_start3A_398] : memref<2x10240x16xf32, #tpu.memory_space<hbm>> -> memref<1x640x16xf32, #tpu.memory_space<hbm>>
      %dma_start3A_400 = tpu.memref_squeeze %dma_start3A_399 : memref<1x640x16xf32, #tpu.memory_space<hbm>> -> memref<640x16xf32, #tpu.memory_space<hbm>>
      tpu.enqueue_dma source(%arg35 : memref<640x16xf32, #tpu.memory_space<vmem>>) target(%dma_start3A_400 : memref<640x16xf32, #tpu.memory_space<hbm>>) target_semaphore(%run_scoped3A_394 : memref<!tpu.dma_semaphore, #tpu.memory_space<semaphore_mem>>)
      %dma_wait3A_401 = arith.constant 0 : i32
      %dma_wait3A_402 = tpu.memref_slice %arg7[%arg0, %mul3A_393, %dma_wait3A_401] : memref<2x10240x16xf32, #tpu.memory_space<hbm>> -> memref<1x640x16xf32, #tpu.memory_space<hbm>>
      %dma_wait3A_403 = tpu.memref_squeeze %dma_wait3A_402 : memref<1x640x16xf32, #tpu.memory_space<hbm>> -> memref<640x16xf32, #tpu.memory_space<hbm>>
      %dma_wait3A_404 = arith.constant 0 : i32
      %dma_wait3A_405 = tpu.memref_slice %arg7[%arg0, %mul3A_393, %dma_wait3A_404] : memref<2x10240x16xf32, #tpu.memory_space<hbm>> -> memref<1x640x16xf32, #tpu.memory_space<hbm>>
      %dma_wait3A_406 = tpu.memref_squeeze %dma_wait3A_405 : memref<1x640x16xf32, #tpu.memory_space<hbm>> -> memref<640x16xf32, #tpu.memory_space<hbm>>
      tpu.wait_dma2 semaphore(%run_scoped3A_394 : memref<!tpu.dma_semaphore, #tpu.memory_space<semaphore_mem>>) src(%arg35 : memref<640x16xf32, #tpu.memory_space<vmem>>) dst(%dma_wait3A_406 : memref<640x16xf32, #tpu.memory_space<hbm>>)
      tpu.yield
    }) : () -> ()
    return
  }
}

#map = affine_map<(d0, d1) -> (0, 0, 0)>
#map1 = affine_map<(d0, d1) -> (0)>
#map2 = affine_map<(d0, d1) -> (0, 0)>
module attributes {stable_mosaic.version = 14 : i64} {
  func.func @_fin(%arg0: i32, %arg1: i32, %arg2: memref<2x10240x16xf32, #tpu.memory_space<hbm>>, %arg3: memref<20480xf32, #tpu.memory_space<hbm>>, %arg4: memref<16xf32, #tpu.memory_space<hbm>>, %arg5: memref<10000x16xf32, #tpu.memory_space<hbm>>, %arg6: memref<320x16xf32, #tpu.memory_space<vmem>>, %arg7: memref<320x16xf32, #tpu.memory_space<vmem>>, %arg8: memref<320xf32, #tpu.memory_space<vmem>>, %arg9: memref<320xf32, #tpu.memory_space<vmem>>, %arg10: memref<16xf32, #tpu.memory_space<vmem>>, %arg11: memref<!tpu.dma_semaphore, #tpu.memory_space<semaphore_mem>>) attributes {dimension_semantics = [#tpu.dimension_semantics<core_parallel>, #tpu.dimension_semantics<subcore_parallel>], iteration_bounds = array<i64: 2, 16>, scalar_prefetch = 0 : i64, scratch_operands = 6 : i64, tpu.core_type = #tpu.core_type<sc_vector_subcore>, window_params = [{transform_indices = #map}, {transform_indices = #map1}, {transform_indices = #map1}, {transform_indices = #map2}]} {
    %mul3A = arith.constant 16 : i32
    %mul3A_0 = arith.muli %arg0, %mul3A : i32
    %add3A = arith.addi %mul3A_0, %arg1 : i32
    %mul3A_1 = arith.constant 320 : i32
    %mul3A_2 = arith.muli %add3A, %mul3A_1 : i32
    %run_scoped3A = arith.constant 0 : i32
    "tpu.region"() ({
      %run_scoped3A_29 = tpu.sem_alloc : memref<!tpu.dma_semaphore, #tpu.memory_space<semaphore_mem>>
      %dma_start3A = arith.constant 0 : i32
      %dma_start3A_30 = tpu.memref_slice %arg2[%run_scoped3A, %mul3A_2, %dma_start3A] : memref<2x10240x16xf32, #tpu.memory_space<hbm>> -> memref<1x320x16xf32, #tpu.memory_space<hbm>>
      %dma_start3A_31 = tpu.memref_squeeze %dma_start3A_30 : memref<1x320x16xf32, #tpu.memory_space<hbm>> -> memref<320x16xf32, #tpu.memory_space<hbm>>
      %dma_start3A_32 = arith.constant 0 : i32
      %dma_start3A_33 = tpu.memref_slice %arg2[%run_scoped3A, %mul3A_2, %dma_start3A_32] : memref<2x10240x16xf32, #tpu.memory_space<hbm>> -> memref<1x320x16xf32, #tpu.memory_space<hbm>>
      %dma_start3A_34 = tpu.memref_squeeze %dma_start3A_33 : memref<1x320x16xf32, #tpu.memory_space<hbm>> -> memref<320x16xf32, #tpu.memory_space<hbm>>
      tpu.enqueue_dma source(%dma_start3A_34 : memref<320x16xf32, #tpu.memory_space<hbm>>) target(%arg6 : memref<320x16xf32, #tpu.memory_space<vmem>>) target_semaphore(%run_scoped3A_29 : memref<!tpu.dma_semaphore, #tpu.memory_space<semaphore_mem>>)
      %dma_wait3A = arith.constant 0 : i32
      %dma_wait3A_35 = tpu.memref_slice %arg2[%run_scoped3A, %mul3A_2, %dma_wait3A] : memref<2x10240x16xf32, #tpu.memory_space<hbm>> -> memref<1x320x16xf32, #tpu.memory_space<hbm>>
      %dma_wait3A_36 = tpu.memref_squeeze %dma_wait3A_35 : memref<1x320x16xf32, #tpu.memory_space<hbm>> -> memref<320x16xf32, #tpu.memory_space<hbm>>
      %dma_wait3A_37 = arith.constant 0 : i32
      %dma_wait3A_38 = tpu.memref_slice %arg2[%run_scoped3A, %mul3A_2, %dma_wait3A_37] : memref<2x10240x16xf32, #tpu.memory_space<hbm>> -> memref<1x320x16xf32, #tpu.memory_space<hbm>>
      %dma_wait3A_39 = tpu.memref_squeeze %dma_wait3A_38 : memref<1x320x16xf32, #tpu.memory_space<hbm>> -> memref<320x16xf32, #tpu.memory_space<hbm>>
      tpu.wait_dma2 semaphore(%run_scoped3A_29 : memref<!tpu.dma_semaphore, #tpu.memory_space<semaphore_mem>>) src(%dma_wait3A_39 : memref<320x16xf32, #tpu.memory_space<hbm>>) dst(%arg6 : memref<320x16xf32, #tpu.memory_space<vmem>>)
      tpu.yield
    }) : () -> ()
    %run_scoped3A_3 = arith.constant 1 : i32
    "tpu.region"() ({
      %run_scoped3A_29 = tpu.sem_alloc : memref<!tpu.dma_semaphore, #tpu.memory_space<semaphore_mem>>
      %dma_start3A = arith.constant 0 : i32
      %dma_start3A_30 = tpu.memref_slice %arg2[%run_scoped3A_3, %mul3A_2, %dma_start3A] : memref<2x10240x16xf32, #tpu.memory_space<hbm>> -> memref<1x320x16xf32, #tpu.memory_space<hbm>>
      %dma_start3A_31 = tpu.memref_squeeze %dma_start3A_30 : memref<1x320x16xf32, #tpu.memory_space<hbm>> -> memref<320x16xf32, #tpu.memory_space<hbm>>
      %dma_start3A_32 = arith.constant 0 : i32
      %dma_start3A_33 = tpu.memref_slice %arg2[%run_scoped3A_3, %mul3A_2, %dma_start3A_32] : memref<2x10240x16xf32, #tpu.memory_space<hbm>> -> memref<1x320x16xf32, #tpu.memory_space<hbm>>
      %dma_start3A_34 = tpu.memref_squeeze %dma_start3A_33 : memref<1x320x16xf32, #tpu.memory_space<hbm>> -> memref<320x16xf32, #tpu.memory_space<hbm>>
      tpu.enqueue_dma source(%dma_start3A_34 : memref<320x16xf32, #tpu.memory_space<hbm>>) target(%arg7 : memref<320x16xf32, #tpu.memory_space<vmem>>) target_semaphore(%run_scoped3A_29 : memref<!tpu.dma_semaphore, #tpu.memory_space<semaphore_mem>>)
      %dma_wait3A = arith.constant 0 : i32
      %dma_wait3A_35 = tpu.memref_slice %arg2[%run_scoped3A_3, %mul3A_2, %dma_wait3A] : memref<2x10240x16xf32, #tpu.memory_space<hbm>> -> memref<1x320x16xf32, #tpu.memory_space<hbm>>
      %dma_wait3A_36 = tpu.memref_squeeze %dma_wait3A_35 : memref<1x320x16xf32, #tpu.memory_space<hbm>> -> memref<320x16xf32, #tpu.memory_space<hbm>>
      %dma_wait3A_37 = arith.constant 0 : i32
      %dma_wait3A_38 = tpu.memref_slice %arg2[%run_scoped3A_3, %mul3A_2, %dma_wait3A_37] : memref<2x10240x16xf32, #tpu.memory_space<hbm>> -> memref<1x320x16xf32, #tpu.memory_space<hbm>>
      %dma_wait3A_39 = tpu.memref_squeeze %dma_wait3A_38 : memref<1x320x16xf32, #tpu.memory_space<hbm>> -> memref<320x16xf32, #tpu.memory_space<hbm>>
      tpu.wait_dma2 semaphore(%run_scoped3A_29 : memref<!tpu.dma_semaphore, #tpu.memory_space<semaphore_mem>>) src(%dma_wait3A_39 : memref<320x16xf32, #tpu.memory_space<hbm>>) dst(%arg7 : memref<320x16xf32, #tpu.memory_space<vmem>>)
      tpu.yield
    }) : () -> ()
    "tpu.region"() ({
      %run_scoped3A_29 = tpu.sem_alloc : memref<!tpu.dma_semaphore, #tpu.memory_space<semaphore_mem>>
      %dma_start3A = tpu.memref_slice %arg3[%mul3A_2] : memref<20480xf32, #tpu.memory_space<hbm>> -> memref<320xf32, #tpu.memory_space<hbm>>
      %dma_start3A_30 = tpu.memref_slice %arg3[%mul3A_2] : memref<20480xf32, #tpu.memory_space<hbm>> -> memref<320xf32, #tpu.memory_space<hbm>>
      tpu.enqueue_dma source(%dma_start3A_30 : memref<320xf32, #tpu.memory_space<hbm>>) target(%arg8 : memref<320xf32, #tpu.memory_space<vmem>>) target_semaphore(%run_scoped3A_29 : memref<!tpu.dma_semaphore, #tpu.memory_space<semaphore_mem>>)
      %dma_wait3A = tpu.memref_slice %arg3[%mul3A_2] : memref<20480xf32, #tpu.memory_space<hbm>> -> memref<320xf32, #tpu.memory_space<hbm>>
      %dma_wait3A_31 = tpu.memref_slice %arg3[%mul3A_2] : memref<20480xf32, #tpu.memory_space<hbm>> -> memref<320xf32, #tpu.memory_space<hbm>>
      tpu.wait_dma2 semaphore(%run_scoped3A_29 : memref<!tpu.dma_semaphore, #tpu.memory_space<semaphore_mem>>) src(%dma_wait3A_31 : memref<320xf32, #tpu.memory_space<hbm>>) dst(%arg8 : memref<320xf32, #tpu.memory_space<vmem>>)
      tpu.yield
    }) : () -> ()
    %add3A_4 = arith.constant 10240 : i32
    %add3A_5 = arith.addi %add3A_4, %mul3A_2 : i32
    "tpu.region"() ({
      %run_scoped3A_29 = tpu.sem_alloc : memref<!tpu.dma_semaphore, #tpu.memory_space<semaphore_mem>>
      %dma_start3A = tpu.memref_slice %arg3[%add3A_5] : memref<20480xf32, #tpu.memory_space<hbm>> -> memref<320xf32, #tpu.memory_space<hbm>>
      %dma_start3A_30 = tpu.memref_slice %arg3[%add3A_5] : memref<20480xf32, #tpu.memory_space<hbm>> -> memref<320xf32, #tpu.memory_space<hbm>>
      tpu.enqueue_dma source(%dma_start3A_30 : memref<320xf32, #tpu.memory_space<hbm>>) target(%arg9 : memref<320xf32, #tpu.memory_space<vmem>>) target_semaphore(%run_scoped3A_29 : memref<!tpu.dma_semaphore, #tpu.memory_space<semaphore_mem>>)
      %dma_wait3A = tpu.memref_slice %arg3[%add3A_5] : memref<20480xf32, #tpu.memory_space<hbm>> -> memref<320xf32, #tpu.memory_space<hbm>>
      %dma_wait3A_31 = tpu.memref_slice %arg3[%add3A_5] : memref<20480xf32, #tpu.memory_space<hbm>> -> memref<320xf32, #tpu.memory_space<hbm>>
      tpu.wait_dma2 semaphore(%run_scoped3A_29 : memref<!tpu.dma_semaphore, #tpu.memory_space<semaphore_mem>>) src(%dma_wait3A_31 : memref<320xf32, #tpu.memory_space<hbm>>) dst(%arg9 : memref<320xf32, #tpu.memory_space<vmem>>)
      tpu.yield
    }) : () -> ()
    "tpu.region"() ({
      %run_scoped3A_29 = tpu.sem_alloc : memref<!tpu.dma_semaphore, #tpu.memory_space<semaphore_mem>>
      tpu.enqueue_dma source(%arg4 : memref<16xf32, #tpu.memory_space<hbm>>) target(%arg10 : memref<16xf32, #tpu.memory_space<vmem>>) target_semaphore(%run_scoped3A_29 : memref<!tpu.dma_semaphore, #tpu.memory_space<semaphore_mem>>)
      tpu.wait_dma2 semaphore(%run_scoped3A_29 : memref<!tpu.dma_semaphore, #tpu.memory_space<semaphore_mem>>) src(%arg4 : memref<16xf32, #tpu.memory_space<hbm>>) dst(%arg10 : memref<16xf32, #tpu.memory_space<vmem>>)
      tpu.yield
    }) : () -> ()
    %scan3A = arith.constant 0 : i32
    %scan3A_6 = arith.constant 0 : i32
    %scan3A_7 = arith.constant 320 : i32
    %scan3A_8 = arith.addi %scan3A_6, %scan3A_7 : i32
    %scan3A_9 = arith.constant 1 : i32
    scf.for %scan3A_29 = %scan3A_6 to %scan3A_8 step %scan3A_9  : i32 {
      %get3A = arith.index_cast %scan3A_29 : i32 to index
      %get3A_30 = arith.constant 0 : index
      %get3A_31 = tpu.vector_load %arg6[%get3A, %get3A_30] {strides = array<i32>} : memref<320x16xf32, #tpu.memory_space<vmem>>, vector<16xf32>,
      %get3A_32 = arith.index_cast %scan3A_29 : i32 to index
      %get3A_33 = arith.constant 0 : index
      %get3A_34 = tpu.vector_load %arg7[%get3A_32, %get3A_33] {strides = array<i32>} : memref<320x16xf32, #tpu.memory_space<vmem>>, vector<16xf32>,
      %add3A_35 = arith.addf %get3A_31, %get3A_34 : vector<16xf32>
      %swap3A = arith.index_cast %scan3A_29 : i32 to index
      %swap3A_36 = arith.constant 0 : index
      %swap3A_37 = tpu.vector_load %arg6[%swap3A, %swap3A_36] {strides = array<i32>} : memref<320x16xf32, #tpu.memory_space<vmem>>, vector<16xf32>,
      tpu.vector_store %arg6[%swap3A, %swap3A_36], %add3A_35 {strides = array<i32>} : memref<320x16xf32, #tpu.memory_space<vmem>>, vector<16xf32>,
    }
    %scan3A_10 = arith.constant 320 : i32
    %scan3A_11 = arith.constant 0 : i32
    %scan3A_12 = arith.constant 0 : i32
    %scan3A_13 = arith.constant 20 : i32
    %scan3A_14 = arith.addi %scan3A_12, %scan3A_13 : i32
    %scan3A_15 = arith.constant 1 : i32
    scf.for %scan3A_29 = %scan3A_12 to %scan3A_14 step %scan3A_15  : i32 {
      %mul3A_30 = arith.constant 16 : i32
      %mul3A_31 = arith.muli %scan3A_29, %mul3A_30 : i32
      %multiple_of3A = tpu.assume_multiple %mul3A_31, 16 : i32
      %get3A = arith.index_cast %multiple_of3A : i32 to index
      %get3A_32 = tpu.vector_load %arg8[%get3A] {strides = array<i32>} : memref<320xf32, #tpu.memory_space<vmem>>, vector<16xf32>,
      %get3A_33 = arith.index_cast %multiple_of3A : i32 to index
      %get3A_34 = tpu.vector_load %arg9[%get3A_33] {strides = array<i32>} : memref<320xf32, #tpu.memory_space<vmem>>, vector<16xf32>,
      %add3A_35 = arith.addf %get3A_32, %get3A_34 : vector<16xf32>
      %max3A = arith.constant 1.000000e+00 : f32
      %max3A_36 = vector.broadcast %max3A : f32 to vector<16xf32>
      %max3A_37 = arith.maximumf %add3A_35, %max3A_36 : vector<16xf32>
      %bitcast3A = vector.bitcast %max3A_37 : vector<16xf32> to vector<16xi32>
      %shift_right_arithmetic3A = arith.constant 1 : i32
      %shift_right_arithmetic3A_38 = vector.broadcast %shift_right_arithmetic3A : i32 to vector<16xi32>
      %shift_right_arithmetic3A_39 = arith.shrsi %bitcast3A, %shift_right_arithmetic3A_38 : vector<16xi32>
      %sub3A = arith.constant 1597463007 : i32
      %sub3A_40 = vector.broadcast %sub3A : i32 to vector<16xi32>
      %sub3A_41 = arith.subi %sub3A_40, %shift_right_arithmetic3A_39 : vector<16xi32>
      %bitcast3A_42 = vector.bitcast %sub3A_41 : vector<16xi32> to vector<16xf32>
      %mul3A_43 = arith.constant 5.000000e-01 : f32
      %mul3A_44 = vector.broadcast %mul3A_43 : f32 to vector<16xf32>
      %mul3A_45 = arith.mulf %mul3A_44, %max3A_37 : vector<16xf32>
      %mul3A_46 = arith.mulf %mul3A_45, %bitcast3A_42 : vector<16xf32>
      %mul3A_47 = arith.mulf %mul3A_46, %bitcast3A_42 : vector<16xf32>
      %sub3A_48 = arith.constant 1.500000e+00 : f32
      %sub3A_49 = vector.broadcast %sub3A_48 : f32 to vector<16xf32>
      %sub3A_50 = arith.subf %sub3A_49, %mul3A_47 : vector<16xf32>
      %mul3A_51 = arith.mulf %bitcast3A_42, %sub3A_50 : vector<16xf32>
      %mul3A_52 = arith.constant 5.000000e-01 : f32
      %mul3A_53 = vector.broadcast %mul3A_52 : f32 to vector<16xf32>
      %mul3A_54 = arith.mulf %mul3A_53, %max3A_37 : vector<16xf32>
      %mul3A_55 = arith.mulf %mul3A_54, %mul3A_51 : vector<16xf32>
      %mul3A_56 = arith.mulf %mul3A_55, %mul3A_51 : vector<16xf32>
      %sub3A_57 = arith.constant 1.500000e+00 : f32
      %sub3A_58 = vector.broadcast %sub3A_57 : f32 to vector<16xf32>
      %sub3A_59 = arith.subf %sub3A_58, %mul3A_56 : vector<16xf32>
      %mul3A_60 = arith.mulf %mul3A_51, %sub3A_59 : vector<16xf32>
      %mul3A_61 = arith.constant 5.000000e-01 : f32
      %mul3A_62 = vector.broadcast %mul3A_61 : f32 to vector<16xf32>
      %mul3A_63 = arith.mulf %mul3A_62, %max3A_37 : vector<16xf32>
      %mul3A_64 = arith.mulf %mul3A_63, %mul3A_60 : vector<16xf32>
      %mul3A_65 = arith.mulf %mul3A_64, %mul3A_60 : vector<16xf32>
      %sub3A_66 = arith.constant 1.500000e+00 : f32
      %sub3A_67 = vector.broadcast %sub3A_66 : f32 to vector<16xf32>
      %sub3A_68 = arith.subf %sub3A_67, %mul3A_65 : vector<16xf32>
      %mul3A_69 = arith.mulf %mul3A_60, %sub3A_68 : vector<16xf32>
      %swap3A = arith.index_cast %multiple_of3A : i32 to index
      %swap3A_70 = tpu.vector_load %arg8[%swap3A] {strides = array<i32>} : memref<320xf32, #tpu.memory_space<vmem>>, vector<16xf32>,
      tpu.vector_store %arg8[%swap3A], %mul3A_69 {strides = array<i32>} : memref<320xf32, #tpu.memory_space<vmem>>, vector<16xf32>,
    }
    %scan3A_16 = arith.constant 20 : i32
    %scan3A_17 = arith.constant 0 : i32
    %scan3A_18 = arith.constant 0 : i32
    %scan3A_19 = arith.constant 20 : i32
    %scan3A_20 = arith.addi %scan3A_18, %scan3A_19 : i32
    %scan3A_21 = arith.constant 1 : i32
    scf.for %scan3A_29 = %scan3A_18 to %scan3A_20 step %scan3A_21  : i32 {
      %mul3A_30 = arith.constant 16 : i32
      %mul3A_31 = arith.muli %scan3A_29, %mul3A_30 : i32
      %multiple_of3A = tpu.assume_multiple %mul3A_31, 16 : i32
      %get3A = arith.index_cast %multiple_of3A : i32 to index
      %get3A_32 = tpu.vector_load %arg8[%get3A] {strides = array<i32>} : memref<320xf32, #tpu.memory_space<vmem>>, vector<16xf32>,
      %iota3A = tpu.iota {dimensions = array<i32: 0>} : vector<16xi32>
      %add3A_33 = vector.broadcast %multiple_of3A : i32 to vector<16xi32>
      %add3A_34 = arith.addi %iota3A, %add3A_33 : vector<16xi32>
      %broadcast_in_dim3A = arith.constant 0 : i32
      %broadcast_in_dim3A_35 = vector.broadcast %broadcast_in_dim3A : i32 to vector<16xi32>
      %gather3A = tpu.vector_load_idx %arg10[%broadcast_in_dim3A_35] : memref<16xf32, #tpu.memory_space<vmem>>[vector<16xi32>], vector<16xf32>,
      %gather3A_36 = tpu.vector_load_idx %arg6[%add3A_34, %broadcast_in_dim3A_35] : memref<320x16xf32, #tpu.memory_space<vmem>>[vector<16xi32>, vector<16xi32>], vector<16xf32>,
      %mul3A_37 = arith.mulf %gather3A_36, %get3A_32 : vector<16xf32>
      %add3A_38 = arith.addf %mul3A_37, %gather3A : vector<16xf32>
      tpu.vector_store_idx %arg6[%add3A_34, %broadcast_in_dim3A_35], %add3A_38 : memref<320x16xf32, #tpu.memory_space<vmem>>[vector<16xi32>, vector<16xi32>], vector<16xf32>,
      %broadcast_in_dim3A_39 = arith.constant 1 : i32
      %broadcast_in_dim3A_40 = vector.broadcast %broadcast_in_dim3A_39 : i32 to vector<16xi32>
      %gather3A_41 = tpu.vector_load_idx %arg10[%broadcast_in_dim3A_40] : memref<16xf32, #tpu.memory_space<vmem>>[vector<16xi32>], vector<16xf32>,
      %gather3A_42 = tpu.vector_load_idx %arg6[%add3A_34, %broadcast_in_dim3A_40] : memref<320x16xf32, #tpu.memory_space<vmem>>[vector<16xi32>, vector<16xi32>], vector<16xf32>,
      %mul3A_43 = arith.mulf %gather3A_42, %get3A_32 : vector<16xf32>
      %add3A_44 = arith.addf %mul3A_43, %gather3A_41 : vector<16xf32>
      tpu.vector_store_idx %arg6[%add3A_34, %broadcast_in_dim3A_40], %add3A_44 : memref<320x16xf32, #tpu.memory_space<vmem>>[vector<16xi32>, vector<16xi32>], vector<16xf32>,
      %broadcast_in_dim3A_45 = arith.constant 2 : i32
      %broadcast_in_dim3A_46 = vector.broadcast %broadcast_in_dim3A_45 : i32 to vector<16xi32>
      %gather3A_47 = tpu.vector_load_idx %arg10[%broadcast_in_dim3A_46] : memref<16xf32, #tpu.memory_space<vmem>>[vector<16xi32>], vector<16xf32>,
      %gather3A_48 = tpu.vector_load_idx %arg6[%add3A_34, %broadcast_in_dim3A_46] : memref<320x16xf32, #tpu.memory_space<vmem>>[vector<16xi32>, vector<16xi32>], vector<16xf32>,
      %mul3A_49 = arith.mulf %gather3A_48, %get3A_32 : vector<16xf32>
      %add3A_50 = arith.addf %mul3A_49, %gather3A_47 : vector<16xf32>
      tpu.vector_store_idx %arg6[%add3A_34, %broadcast_in_dim3A_46], %add3A_50 : memref<320x16xf32, #tpu.memory_space<vmem>>[vector<16xi32>, vector<16xi32>], vector<16xf32>,
      %broadcast_in_dim3A_51 = arith.constant 3 : i32
      %broadcast_in_dim3A_52 = vector.broadcast %broadcast_in_dim3A_51 : i32 to vector<16xi32>
      %gather3A_53 = tpu.vector_load_idx %arg10[%broadcast_in_dim3A_52] : memref<16xf32, #tpu.memory_space<vmem>>[vector<16xi32>], vector<16xf32>,
      %gather3A_54 = tpu.vector_load_idx %arg6[%add3A_34, %broadcast_in_dim3A_52] : memref<320x16xf32, #tpu.memory_space<vmem>>[vector<16xi32>, vector<16xi32>], vector<16xf32>,
      %mul3A_55 = arith.mulf %gather3A_54, %get3A_32 : vector<16xf32>
      %add3A_56 = arith.addf %mul3A_55, %gather3A_53 : vector<16xf32>
      tpu.vector_store_idx %arg6[%add3A_34, %broadcast_in_dim3A_52], %add3A_56 : memref<320x16xf32, #tpu.memory_space<vmem>>[vector<16xi32>, vector<16xi32>], vector<16xf32>,
      %broadcast_in_dim3A_57 = arith.constant 4 : i32
      %broadcast_in_dim3A_58 = vector.broadcast %broadcast_in_dim3A_57 : i32 to vector<16xi32>
      %gather3A_59 = tpu.vector_load_idx %arg10[%broadcast_in_dim3A_58] : memref<16xf32, #tpu.memory_space<vmem>>[vector<16xi32>], vector<16xf32>,
      %gather3A_60 = tpu.vector_load_idx %arg6[%add3A_34, %broadcast_in_dim3A_58] : memref<320x16xf32, #tpu.memory_space<vmem>>[vector<16xi32>, vector<16xi32>], vector<16xf32>,
      %mul3A_61 = arith.mulf %gather3A_60, %get3A_32 : vector<16xf32>
      %add3A_62 = arith.addf %mul3A_61, %gather3A_59 : vector<16xf32>
      tpu.vector_store_idx %arg6[%add3A_34, %broadcast_in_dim3A_58], %add3A_62 : memref<320x16xf32, #tpu.memory_space<vmem>>[vector<16xi32>, vector<16xi32>], vector<16xf32>,
      %broadcast_in_dim3A_63 = arith.constant 5 : i32
      %broadcast_in_dim3A_64 = vector.broadcast %broadcast_in_dim3A_63 : i32 to vector<16xi32>
      %gather3A_65 = tpu.vector_load_idx %arg10[%broadcast_in_dim3A_64] : memref<16xf32, #tpu.memory_space<vmem>>[vector<16xi32>], vector<16xf32>,
      %gather3A_66 = tpu.vector_load_idx %arg6[%add3A_34, %broadcast_in_dim3A_64] : memref<320x16xf32, #tpu.memory_space<vmem>>[vector<16xi32>, vector<16xi32>], vector<16xf32>,
      %mul3A_67 = arith.mulf %gather3A_66, %get3A_32 : vector<16xf32>
      %add3A_68 = arith.addf %mul3A_67, %gather3A_65 : vector<16xf32>
      tpu.vector_store_idx %arg6[%add3A_34, %broadcast_in_dim3A_64], %add3A_68 : memref<320x16xf32, #tpu.memory_space<vmem>>[vector<16xi32>, vector<16xi32>], vector<16xf32>,
      %broadcast_in_dim3A_69 = arith.constant 6 : i32
      %broadcast_in_dim3A_70 = vector.broadcast %broadcast_in_dim3A_69 : i32 to vector<16xi32>
      %gather3A_71 = tpu.vector_load_idx %arg10[%broadcast_in_dim3A_70] : memref<16xf32, #tpu.memory_space<vmem>>[vector<16xi32>], vector<16xf32>,
      %gather3A_72 = tpu.vector_load_idx %arg6[%add3A_34, %broadcast_in_dim3A_70] : memref<320x16xf32, #tpu.memory_space<vmem>>[vector<16xi32>, vector<16xi32>], vector<16xf32>,
      %mul3A_73 = arith.mulf %gather3A_72, %get3A_32 : vector<16xf32>
      %add3A_74 = arith.addf %mul3A_73, %gather3A_71 : vector<16xf32>
      tpu.vector_store_idx %arg6[%add3A_34, %broadcast_in_dim3A_70], %add3A_74 : memref<320x16xf32, #tpu.memory_space<vmem>>[vector<16xi32>, vector<16xi32>], vector<16xf32>,
      %broadcast_in_dim3A_75 = arith.constant 7 : i32
      %broadcast_in_dim3A_76 = vector.broadcast %broadcast_in_dim3A_75 : i32 to vector<16xi32>
      %gather3A_77 = tpu.vector_load_idx %arg10[%broadcast_in_dim3A_76] : memref<16xf32, #tpu.memory_space<vmem>>[vector<16xi32>], vector<16xf32>,
      %gather3A_78 = tpu.vector_load_idx %arg6[%add3A_34, %broadcast_in_dim3A_76] : memref<320x16xf32, #tpu.memory_space<vmem>>[vector<16xi32>, vector<16xi32>], vector<16xf32>,
      %mul3A_79 = arith.mulf %gather3A_78, %get3A_32 : vector<16xf32>
      %add3A_80 = arith.addf %mul3A_79, %gather3A_77 : vector<16xf32>
      tpu.vector_store_idx %arg6[%add3A_34, %broadcast_in_dim3A_76], %add3A_80 : memref<320x16xf32, #tpu.memory_space<vmem>>[vector<16xi32>, vector<16xi32>], vector<16xf32>,
      %broadcast_in_dim3A_81 = arith.constant 8 : i32
      %broadcast_in_dim3A_82 = vector.broadcast %broadcast_in_dim3A_81 : i32 to vector<16xi32>
      %gather3A_83 = tpu.vector_load_idx %arg10[%broadcast_in_dim3A_82] : memref<16xf32, #tpu.memory_space<vmem>>[vector<16xi32>], vector<16xf32>,
      %gather3A_84 = tpu.vector_load_idx %arg6[%add3A_34, %broadcast_in_dim3A_82] : memref<320x16xf32, #tpu.memory_space<vmem>>[vector<16xi32>, vector<16xi32>], vector<16xf32>,
      %mul3A_85 = arith.mulf %gather3A_84, %get3A_32 : vector<16xf32>
      %add3A_86 = arith.addf %mul3A_85, %gather3A_83 : vector<16xf32>
      tpu.vector_store_idx %arg6[%add3A_34, %broadcast_in_dim3A_82], %add3A_86 : memref<320x16xf32, #tpu.memory_space<vmem>>[vector<16xi32>, vector<16xi32>], vector<16xf32>,
      %broadcast_in_dim3A_87 = arith.constant 9 : i32
      %broadcast_in_dim3A_88 = vector.broadcast %broadcast_in_dim3A_87 : i32 to vector<16xi32>
      %gather3A_89 = tpu.vector_load_idx %arg10[%broadcast_in_dim3A_88] : memref<16xf32, #tpu.memory_space<vmem>>[vector<16xi32>], vector<16xf32>,
      %gather3A_90 = tpu.vector_load_idx %arg6[%add3A_34, %broadcast_in_dim3A_88] : memref<320x16xf32, #tpu.memory_space<vmem>>[vector<16xi32>, vector<16xi32>], vector<16xf32>,
      %mul3A_91 = arith.mulf %gather3A_90, %get3A_32 : vector<16xf32>
      %add3A_92 = arith.addf %mul3A_91, %gather3A_89 : vector<16xf32>
      tpu.vector_store_idx %arg6[%add3A_34, %broadcast_in_dim3A_88], %add3A_92 : memref<320x16xf32, #tpu.memory_space<vmem>>[vector<16xi32>, vector<16xi32>], vector<16xf32>,
      %broadcast_in_dim3A_93 = arith.constant 10 : i32
      %broadcast_in_dim3A_94 = vector.broadcast %broadcast_in_dim3A_93 : i32 to vector<16xi32>
      %gather3A_95 = tpu.vector_load_idx %arg10[%broadcast_in_dim3A_94] : memref<16xf32, #tpu.memory_space<vmem>>[vector<16xi32>], vector<16xf32>,
      %gather3A_96 = tpu.vector_load_idx %arg6[%add3A_34, %broadcast_in_dim3A_94] : memref<320x16xf32, #tpu.memory_space<vmem>>[vector<16xi32>, vector<16xi32>], vector<16xf32>,
      %mul3A_97 = arith.mulf %gather3A_96, %get3A_32 : vector<16xf32>
      %add3A_98 = arith.addf %mul3A_97, %gather3A_95 : vector<16xf32>
      tpu.vector_store_idx %arg6[%add3A_34, %broadcast_in_dim3A_94], %add3A_98 : memref<320x16xf32, #tpu.memory_space<vmem>>[vector<16xi32>, vector<16xi32>], vector<16xf32>,
      %broadcast_in_dim3A_99 = arith.constant 11 : i32
      %broadcast_in_dim3A_100 = vector.broadcast %broadcast_in_dim3A_99 : i32 to vector<16xi32>
      %gather3A_101 = tpu.vector_load_idx %arg10[%broadcast_in_dim3A_100] : memref<16xf32, #tpu.memory_space<vmem>>[vector<16xi32>], vector<16xf32>,
      %gather3A_102 = tpu.vector_load_idx %arg6[%add3A_34, %broadcast_in_dim3A_100] : memref<320x16xf32, #tpu.memory_space<vmem>>[vector<16xi32>, vector<16xi32>], vector<16xf32>,
      %mul3A_103 = arith.mulf %gather3A_102, %get3A_32 : vector<16xf32>
      %add3A_104 = arith.addf %mul3A_103, %gather3A_101 : vector<16xf32>
      tpu.vector_store_idx %arg6[%add3A_34, %broadcast_in_dim3A_100], %add3A_104 : memref<320x16xf32, #tpu.memory_space<vmem>>[vector<16xi32>, vector<16xi32>], vector<16xf32>,
      %broadcast_in_dim3A_105 = arith.constant 12 : i32
      %broadcast_in_dim3A_106 = vector.broadcast %broadcast_in_dim3A_105 : i32 to vector<16xi32>
      %gather3A_107 = tpu.vector_load_idx %arg10[%broadcast_in_dim3A_106] : memref<16xf32, #tpu.memory_space<vmem>>[vector<16xi32>], vector<16xf32>,
      %gather3A_108 = tpu.vector_load_idx %arg6[%add3A_34, %broadcast_in_dim3A_106] : memref<320x16xf32, #tpu.memory_space<vmem>>[vector<16xi32>, vector<16xi32>], vector<16xf32>,
      %mul3A_109 = arith.mulf %gather3A_108, %get3A_32 : vector<16xf32>
      %add3A_110 = arith.addf %mul3A_109, %gather3A_107 : vector<16xf32>
      tpu.vector_store_idx %arg6[%add3A_34, %broadcast_in_dim3A_106], %add3A_110 : memref<320x16xf32, #tpu.memory_space<vmem>>[vector<16xi32>, vector<16xi32>], vector<16xf32>,
      %broadcast_in_dim3A_111 = arith.constant 13 : i32
      %broadcast_in_dim3A_112 = vector.broadcast %broadcast_in_dim3A_111 : i32 to vector<16xi32>
      %gather3A_113 = tpu.vector_load_idx %arg10[%broadcast_in_dim3A_112] : memref<16xf32, #tpu.memory_space<vmem>>[vector<16xi32>], vector<16xf32>,
      %gather3A_114 = tpu.vector_load_idx %arg6[%add3A_34, %broadcast_in_dim3A_112] : memref<320x16xf32, #tpu.memory_space<vmem>>[vector<16xi32>, vector<16xi32>], vector<16xf32>,
      %mul3A_115 = arith.mulf %gather3A_114, %get3A_32 : vector<16xf32>
      %add3A_116 = arith.addf %mul3A_115, %gather3A_113 : vector<16xf32>
      tpu.vector_store_idx %arg6[%add3A_34, %broadcast_in_dim3A_112], %add3A_116 : memref<320x16xf32, #tpu.memory_space<vmem>>[vector<16xi32>, vector<16xi32>], vector<16xf32>,
      %broadcast_in_dim3A_117 = arith.constant 14 : i32
      %broadcast_in_dim3A_118 = vector.broadcast %broadcast_in_dim3A_117 : i32 to vector<16xi32>
      %gather3A_119 = tpu.vector_load_idx %arg10[%broadcast_in_dim3A_118] : memref<16xf32, #tpu.memory_space<vmem>>[vector<16xi32>], vector<16xf32>,
      %gather3A_120 = tpu.vector_load_idx %arg6[%add3A_34, %broadcast_in_dim3A_118] : memref<320x16xf32, #tpu.memory_space<vmem>>[vector<16xi32>, vector<16xi32>], vector<16xf32>,
      %mul3A_121 = arith.mulf %gather3A_120, %get3A_32 : vector<16xf32>
      %add3A_122 = arith.addf %mul3A_121, %gather3A_119 : vector<16xf32>
      tpu.vector_store_idx %arg6[%add3A_34, %broadcast_in_dim3A_118], %add3A_122 : memref<320x16xf32, #tpu.memory_space<vmem>>[vector<16xi32>, vector<16xi32>], vector<16xf32>,
      %broadcast_in_dim3A_123 = arith.constant 15 : i32
      %broadcast_in_dim3A_124 = vector.broadcast %broadcast_in_dim3A_123 : i32 to vector<16xi32>
      %gather3A_125 = tpu.vector_load_idx %arg10[%broadcast_in_dim3A_124] : memref<16xf32, #tpu.memory_space<vmem>>[vector<16xi32>], vector<16xf32>,
      %gather3A_126 = tpu.vector_load_idx %arg6[%add3A_34, %broadcast_in_dim3A_124] : memref<320x16xf32, #tpu.memory_space<vmem>>[vector<16xi32>, vector<16xi32>], vector<16xf32>,
      %mul3A_127 = arith.mulf %gather3A_126, %get3A_32 : vector<16xf32>
      %add3A_128 = arith.addf %mul3A_127, %gather3A_125 : vector<16xf32>
      tpu.vector_store_idx %arg6[%add3A_34, %broadcast_in_dim3A_124], %add3A_128 : memref<320x16xf32, #tpu.memory_space<vmem>>[vector<16xi32>, vector<16xi32>], vector<16xf32>,
    }
    %scan3A_22 = arith.constant 20 : i32
    %lt3A = arith.constant 31 : i32
    %lt3A_23 = arith.cmpi slt, %add3A, %lt3A : i32
    %convert_element_type3A = arith.extui %lt3A_23 : i1 to i32
    %cond3A = arith.constant 0 : i32
    %cond3A_24 = arith.cmpi ne, %convert_element_type3A, %cond3A : i32
    scf.if %cond3A_24 {
      "tpu.region"() ({
        %run_scoped3A_29 = tpu.sem_alloc : memref<!tpu.dma_semaphore, #tpu.memory_space<semaphore_mem>>
        %dma_start3A = arith.constant 0 : i32
        %dma_start3A_30 = tpu.memref_slice %arg5[%mul3A_2, %dma_start3A] : memref<10000x16xf32, #tpu.memory_space<hbm>> -> memref<320x16xf32, #tpu.memory_space<hbm>>
        %dma_start3A_31 = arith.constant 0 : i32
        %dma_start3A_32 = tpu.memref_slice %arg5[%mul3A_2, %dma_start3A_31] : memref<10000x16xf32, #tpu.memory_space<hbm>> -> memref<320x16xf32, #tpu.memory_space<hbm>>
        tpu.enqueue_dma source(%arg6 : memref<320x16xf32, #tpu.memory_space<vmem>>) target(%dma_start3A_32 : memref<320x16xf32, #tpu.memory_space<hbm>>) target_semaphore(%run_scoped3A_29 : memref<!tpu.dma_semaphore, #tpu.memory_space<semaphore_mem>>)
        %dma_wait3A = arith.constant 0 : i32
        %dma_wait3A_33 = tpu.memref_slice %arg5[%mul3A_2, %dma_wait3A] : memref<10000x16xf32, #tpu.memory_space<hbm>> -> memref<320x16xf32, #tpu.memory_space<hbm>>
        %dma_wait3A_34 = arith.constant 0 : i32
        %dma_wait3A_35 = tpu.memref_slice %arg5[%mul3A_2, %dma_wait3A_34] : memref<10000x16xf32, #tpu.memory_space<hbm>> -> memref<320x16xf32, #tpu.memory_space<hbm>>
        tpu.wait_dma2 semaphore(%run_scoped3A_29 : memref<!tpu.dma_semaphore, #tpu.memory_space<semaphore_mem>>) src(%arg6 : memref<320x16xf32, #tpu.memory_space<vmem>>) dst(%dma_wait3A_35 : memref<320x16xf32, #tpu.memory_space<hbm>>)
        tpu.yield
      }) : () -> ()
    } else {
    }
    %eq3A = arith.constant 31 : i32
    %eq3A_25 = arith.cmpi eq, %add3A, %eq3A : i32
    %convert_element_type3A_26 = arith.extui %eq3A_25 : i1 to i32
    %cond3A_27 = arith.constant 0 : i32
    %cond3A_28 = arith.cmpi ne, %convert_element_type3A_26, %cond3A_27 : i32
    scf.if %cond3A_28 {
      "tpu.region"() ({
        %run_scoped3A_29 = tpu.sem_alloc : memref<!tpu.dma_semaphore, #tpu.memory_space<semaphore_mem>>
        %dma_start3A = arith.constant 0 : i32
        %dma_start3A_30 = arith.constant 0 : i32
        %dma_start3A_31 = tpu.memref_slice %arg6[%dma_start3A, %dma_start3A_30] : memref<320x16xf32, #tpu.memory_space<vmem>> -> memref<80x16xf32, #tpu.memory_space<vmem>>
        %dma_start3A_32 = arith.constant 9920 : i32
        %dma_start3A_33 = arith.constant 0 : i32
        %dma_start3A_34 = tpu.memref_slice %arg5[%dma_start3A_32, %dma_start3A_33] : memref<10000x16xf32, #tpu.memory_space<hbm>> -> memref<80x16xf32, #tpu.memory_space<hbm>>
        %dma_start3A_35 = arith.constant 9920 : i32
        %dma_start3A_36 = arith.constant 0 : i32
        %dma_start3A_37 = tpu.memref_slice %arg5[%dma_start3A_35, %dma_start3A_36] : memref<10000x16xf32, #tpu.memory_space<hbm>> -> memref<80x16xf32, #tpu.memory_space<hbm>>
        %dma_start3A_38 = arith.constant 0 : i32
        %dma_start3A_39 = arith.constant 0 : i32
        %dma_start3A_40 = tpu.memref_slice %arg6[%dma_start3A_38, %dma_start3A_39] : memref<320x16xf32, #tpu.memory_space<vmem>> -> memref<80x16xf32, #tpu.memory_space<vmem>>
        tpu.enqueue_dma source(%dma_start3A_40 : memref<80x16xf32, #tpu.memory_space<vmem>>) target(%dma_start3A_37 : memref<80x16xf32, #tpu.memory_space<hbm>>) target_semaphore(%run_scoped3A_29 : memref<!tpu.dma_semaphore, #tpu.memory_space<semaphore_mem>>)
        %dma_wait3A = arith.constant 0 : i32
        %dma_wait3A_41 = arith.constant 0 : i32
        %dma_wait3A_42 = tpu.memref_slice %arg6[%dma_wait3A, %dma_wait3A_41] : memref<320x16xf32, #tpu.memory_space<vmem>> -> memref<80x16xf32, #tpu.memory_space<vmem>>
        %dma_wait3A_43 = arith.constant 9920 : i32
        %dma_wait3A_44 = arith.constant 0 : i32
        %dma_wait3A_45 = tpu.memref_slice %arg5[%dma_wait3A_43, %dma_wait3A_44] : memref<10000x16xf32, #tpu.memory_space<hbm>> -> memref<80x16xf32, #tpu.memory_space<hbm>>
        %dma_wait3A_46 = arith.constant 9920 : i32
        %dma_wait3A_47 = arith.constant 0 : i32
        %dma_wait3A_48 = tpu.memref_slice %arg5[%dma_wait3A_46, %dma_wait3A_47] : memref<10000x16xf32, #tpu.memory_space<hbm>> -> memref<80x16xf32, #tpu.memory_space<hbm>>
        %dma_wait3A_49 = arith.constant 0 : i32
        %dma_wait3A_50 = arith.constant 0 : i32
        %dma_wait3A_51 = tpu.memref_slice %arg6[%dma_wait3A_49, %dma_wait3A_50] : memref<320x16xf32, #tpu.memory_space<vmem>> -> memref<80x16xf32, #tpu.memory_space<vmem>>
        tpu.wait_dma2 semaphore(%run_scoped3A_29 : memref<!tpu.dma_semaphore, #tpu.memory_space<semaphore_mem>>) src(%dma_wait3A_51 : memref<80x16xf32, #tpu.memory_space<vmem>>) dst(%dma_wait3A_48 : memref<80x16xf32, #tpu.memory_space<hbm>>)
        tpu.yield
      }) : () -> ()
    } else {
    }
    return
  }
}

#map = affine_map<(d0, d1) -> (0, 0)>
#map1 = affine_map<(d0, d1) -> (0)>
#map2 = affine_map<(d0, d1) -> (0, 0, 0)>
module attributes {stable_mosaic.version = 14 : i64} {
  func.func @_agg1(%arg0: i32, %arg1: i32, %arg2: memref<2x320000xi32, #tpu.memory_space<hbm>>, %arg3: memref<10240x16xf32, #tpu.memory_space<hbm>>, %arg4: memref<20480xf32, #tpu.memory_space<hbm>>, %arg5: memref<2x10240x16xf32, #tpu.memory_space<hbm>>, %arg6: memref<640x16xf32, #tpu.memory_space<vmem>>, %arg7: memref<1000xi32, #tpu.memory_space<vmem>>, %arg8: memref<1000xi32, #tpu.memory_space<vmem>>, %arg9: memref<1000xi32, #tpu.memory_space<vmem>>, %arg10: memref<1000xi32, #tpu.memory_space<vmem>>, %arg11: memref<1000xi32, #tpu.memory_space<vmem>>, %arg12: memref<1000xi32, #tpu.memory_space<vmem>>, %arg13: memref<1000xi32, #tpu.memory_space<vmem>>, %arg14: memref<1000xi32, #tpu.memory_space<vmem>>, %arg15: memref<1000xi32, #tpu.memory_space<vmem>>, %arg16: memref<1000xi32, #tpu.memory_space<vmem>>, %arg17: memref<1000xi32, #tpu.memory_space<vmem>>, %arg18: memref<1000xi32, #tpu.memory_space<vmem>>, %arg19: memref<1000xi32, #tpu.memory_space<vmem>>, %arg20: memref<1000xi32, #tpu.memory_space<vmem>>, %arg21: memref<1000xi32, #tpu.memory_space<vmem>>, %arg22: memref<1000xi32, #tpu.memory_space<vmem>>, %arg23: memref<1000xi32, #tpu.memory_space<vmem>>, %arg24: memref<1000xi32, #tpu.memory_space<vmem>>, %arg25: memref<1000xi32, #tpu.memory_space<vmem>>, %arg26: memref<1000xi32, #tpu.memory_space<vmem>>, %arg27: memref<1000x16xf32, #tpu.memory_space<vmem>>, %arg28: memref<1000x16xf32, #tpu.memory_space<vmem>>, %arg29: memref<640x16xf32, #tpu.memory_space<vmem>>, %arg30: memref<640xf32, #tpu.memory_space<vmem>>, %arg31: memref<640xf32, #tpu.memory_space<vmem>>, %arg32: memref<10240x16xf32, #tpu.memory_space<vmem_shared>>, %arg33: memref<10240x16xf32, #tpu.memory_space<vmem_shared>>, %arg34: memref<!tpu.dma_semaphore, #tpu.memory_space<semaphore_mem>>, %arg35: memref<!tpu.dma_semaphore, #tpu.memory_space<semaphore_mem>>, %arg36: memref<!tpu.dma_semaphore, #tpu.memory_space<semaphore_mem>>, %arg37: memref<!tpu.dma_semaphore, #tpu.memory_space<semaphore_mem>>) attributes {dimension_semantics = [#tpu.dimension_semantics<core_parallel>, #tpu.dimension_semantics<subcore_parallel>], iteration_bounds = array<i64: 2, 16>, scalar_prefetch = 0 : i64, scratch_operands = 32 : i64, tpu.core_type = #tpu.core_type<sc_vector_subcore>, window_params = [{transform_indices = #map}, {transform_indices = #map}, {transform_indices = #map1}, {transform_indices = #map2}]} {
    %mul3A = arith.constant 640 : i32
    %mul3A_0 = arith.muli %arg1, %mul3A : i32
    %mul3A_1 = arith.constant 16 : i32
    %mul3A_2 = arith.muli %arg0, %mul3A_1 : i32
    %add3A = arith.addi %mul3A_2, %arg1 : i32
    %mul3A_3 = arith.constant 10000 : i32
    %mul3A_4 = arith.muli %add3A, %mul3A_3 : i32
    %add3A_5 = arith.constant 0 : i32
    %add3A_6 = arith.addi %mul3A_4, %add3A_5 : i32
    %dma_start3A = arith.constant 0 : i32
    %dma_start3A_7 = tpu.memref_slice %arg2[%dma_start3A, %add3A_6] : memref<2x320000xi32, #tpu.memory_space<hbm>> -> memref<1x1000xi32, #tpu.memory_space<hbm>>
    %dma_start3A_8 = tpu.memref_squeeze %dma_start3A_7 : memref<1x1000xi32, #tpu.memory_space<hbm>> -> memref<1000xi32, #tpu.memory_space<hbm>>
    %dma_start3A_9 = tpu.memref_slice %arg2[%dma_start3A, %add3A_6] : memref<2x320000xi32, #tpu.memory_space<hbm>> -> memref<1x1000xi32, #tpu.memory_space<hbm>>
    %dma_start3A_10 = tpu.memref_squeeze %dma_start3A_9 : memref<1x1000xi32, #tpu.memory_space<hbm>> -> memref<1000xi32, #tpu.memory_space<hbm>>
    tpu.enqueue_dma source(%dma_start3A_10 : memref<1000xi32, #tpu.memory_space<hbm>>) target(%arg7 : memref<1000xi32, #tpu.memory_space<vmem>>) target_semaphore(%arg34 : memref<!tpu.dma_semaphore, #tpu.memory_space<semaphore_mem>>)
    %add3A_11 = arith.constant 1000 : i32
    %add3A_12 = arith.addi %mul3A_4, %add3A_11 : i32
    %dma_start3A_13 = arith.constant 0 : i32
    %dma_start3A_14 = tpu.memref_slice %arg2[%dma_start3A_13, %add3A_12] : memref<2x320000xi32, #tpu.memory_space<hbm>> -> memref<1x1000xi32, #tpu.memory_space<hbm>>
    %dma_start3A_15 = tpu.memref_squeeze %dma_start3A_14 : memref<1x1000xi32, #tpu.memory_space<hbm>> -> memref<1000xi32, #tpu.memory_space<hbm>>
    %dma_start3A_16 = tpu.memref_slice %arg2[%dma_start3A_13, %add3A_12] : memref<2x320000xi32, #tpu.memory_space<hbm>> -> memref<1x1000xi32, #tpu.memory_space<hbm>>
    %dma_start3A_17 = tpu.memref_squeeze %dma_start3A_16 : memref<1x1000xi32, #tpu.memory_space<hbm>> -> memref<1000xi32, #tpu.memory_space<hbm>>
    tpu.enqueue_dma source(%dma_start3A_17 : memref<1000xi32, #tpu.memory_space<hbm>>) target(%arg8 : memref<1000xi32, #tpu.memory_space<vmem>>) target_semaphore(%arg34 : memref<!tpu.dma_semaphore, #tpu.memory_space<semaphore_mem>>)
    %add3A_18 = arith.constant 2000 : i32
    %add3A_19 = arith.addi %mul3A_4, %add3A_18 : i32
    %dma_start3A_20 = arith.constant 0 : i32
    %dma_start3A_21 = tpu.memref_slice %arg2[%dma_start3A_20, %add3A_19] : memref<2x320000xi32, #tpu.memory_space<hbm>> -> memref<1x1000xi32, #tpu.memory_space<hbm>>
    %dma_start3A_22 = tpu.memref_squeeze %dma_start3A_21 : memref<1x1000xi32, #tpu.memory_space<hbm>> -> memref<1000xi32, #tpu.memory_space<hbm>>
    %dma_start3A_23 = tpu.memref_slice %arg2[%dma_start3A_20, %add3A_19] : memref<2x320000xi32, #tpu.memory_space<hbm>> -> memref<1x1000xi32, #tpu.memory_space<hbm>>
    %dma_start3A_24 = tpu.memref_squeeze %dma_start3A_23 : memref<1x1000xi32, #tpu.memory_space<hbm>> -> memref<1000xi32, #tpu.memory_space<hbm>>
    tpu.enqueue_dma source(%dma_start3A_24 : memref<1000xi32, #tpu.memory_space<hbm>>) target(%arg9 : memref<1000xi32, #tpu.memory_space<vmem>>) target_semaphore(%arg34 : memref<!tpu.dma_semaphore, #tpu.memory_space<semaphore_mem>>)
    %add3A_25 = arith.constant 3000 : i32
    %add3A_26 = arith.addi %mul3A_4, %add3A_25 : i32
    %dma_start3A_27 = arith.constant 0 : i32
    %dma_start3A_28 = tpu.memref_slice %arg2[%dma_start3A_27, %add3A_26] : memref<2x320000xi32, #tpu.memory_space<hbm>> -> memref<1x1000xi32, #tpu.memory_space<hbm>>
    %dma_start3A_29 = tpu.memref_squeeze %dma_start3A_28 : memref<1x1000xi32, #tpu.memory_space<hbm>> -> memref<1000xi32, #tpu.memory_space<hbm>>
    %dma_start3A_30 = tpu.memref_slice %arg2[%dma_start3A_27, %add3A_26] : memref<2x320000xi32, #tpu.memory_space<hbm>> -> memref<1x1000xi32, #tpu.memory_space<hbm>>
    %dma_start3A_31 = tpu.memref_squeeze %dma_start3A_30 : memref<1x1000xi32, #tpu.memory_space<hbm>> -> memref<1000xi32, #tpu.memory_space<hbm>>
    tpu.enqueue_dma source(%dma_start3A_31 : memref<1000xi32, #tpu.memory_space<hbm>>) target(%arg10 : memref<1000xi32, #tpu.memory_space<vmem>>) target_semaphore(%arg34 : memref<!tpu.dma_semaphore, #tpu.memory_space<semaphore_mem>>)
    %add3A_32 = arith.constant 4000 : i32
    %add3A_33 = arith.addi %mul3A_4, %add3A_32 : i32
    %dma_start3A_34 = arith.constant 0 : i32
    %dma_start3A_35 = tpu.memref_slice %arg2[%dma_start3A_34, %add3A_33] : memref<2x320000xi32, #tpu.memory_space<hbm>> -> memref<1x1000xi32, #tpu.memory_space<hbm>>
    %dma_start3A_36 = tpu.memref_squeeze %dma_start3A_35 : memref<1x1000xi32, #tpu.memory_space<hbm>> -> memref<1000xi32, #tpu.memory_space<hbm>>
    %dma_start3A_37 = tpu.memref_slice %arg2[%dma_start3A_34, %add3A_33] : memref<2x320000xi32, #tpu.memory_space<hbm>> -> memref<1x1000xi32, #tpu.memory_space<hbm>>
    %dma_start3A_38 = tpu.memref_squeeze %dma_start3A_37 : memref<1x1000xi32, #tpu.memory_space<hbm>> -> memref<1000xi32, #tpu.memory_space<hbm>>
    tpu.enqueue_dma source(%dma_start3A_38 : memref<1000xi32, #tpu.memory_space<hbm>>) target(%arg11 : memref<1000xi32, #tpu.memory_space<vmem>>) target_semaphore(%arg34 : memref<!tpu.dma_semaphore, #tpu.memory_space<semaphore_mem>>)
    %add3A_39 = arith.constant 5000 : i32
    %add3A_40 = arith.addi %mul3A_4, %add3A_39 : i32
    %dma_start3A_41 = arith.constant 0 : i32
    %dma_start3A_42 = tpu.memref_slice %arg2[%dma_start3A_41, %add3A_40] : memref<2x320000xi32, #tpu.memory_space<hbm>> -> memref<1x1000xi32, #tpu.memory_space<hbm>>
    %dma_start3A_43 = tpu.memref_squeeze %dma_start3A_42 : memref<1x1000xi32, #tpu.memory_space<hbm>> -> memref<1000xi32, #tpu.memory_space<hbm>>
    %dma_start3A_44 = tpu.memref_slice %arg2[%dma_start3A_41, %add3A_40] : memref<2x320000xi32, #tpu.memory_space<hbm>> -> memref<1x1000xi32, #tpu.memory_space<hbm>>
    %dma_start3A_45 = tpu.memref_squeeze %dma_start3A_44 : memref<1x1000xi32, #tpu.memory_space<hbm>> -> memref<1000xi32, #tpu.memory_space<hbm>>
    tpu.enqueue_dma source(%dma_start3A_45 : memref<1000xi32, #tpu.memory_space<hbm>>) target(%arg12 : memref<1000xi32, #tpu.memory_space<vmem>>) target_semaphore(%arg34 : memref<!tpu.dma_semaphore, #tpu.memory_space<semaphore_mem>>)
    %add3A_46 = arith.constant 6000 : i32
    %add3A_47 = arith.addi %mul3A_4, %add3A_46 : i32
    %dma_start3A_48 = arith.constant 0 : i32
    %dma_start3A_49 = tpu.memref_slice %arg2[%dma_start3A_48, %add3A_47] : memref<2x320000xi32, #tpu.memory_space<hbm>> -> memref<1x1000xi32, #tpu.memory_space<hbm>>
    %dma_start3A_50 = tpu.memref_squeeze %dma_start3A_49 : memref<1x1000xi32, #tpu.memory_space<hbm>> -> memref<1000xi32, #tpu.memory_space<hbm>>
    %dma_start3A_51 = tpu.memref_slice %arg2[%dma_start3A_48, %add3A_47] : memref<2x320000xi32, #tpu.memory_space<hbm>> -> memref<1x1000xi32, #tpu.memory_space<hbm>>
    %dma_start3A_52 = tpu.memref_squeeze %dma_start3A_51 : memref<1x1000xi32, #tpu.memory_space<hbm>> -> memref<1000xi32, #tpu.memory_space<hbm>>
    tpu.enqueue_dma source(%dma_start3A_52 : memref<1000xi32, #tpu.memory_space<hbm>>) target(%arg13 : memref<1000xi32, #tpu.memory_space<vmem>>) target_semaphore(%arg34 : memref<!tpu.dma_semaphore, #tpu.memory_space<semaphore_mem>>)
    %add3A_53 = arith.constant 7000 : i32
    %add3A_54 = arith.addi %mul3A_4, %add3A_53 : i32
    %dma_start3A_55 = arith.constant 0 : i32
    %dma_start3A_56 = tpu.memref_slice %arg2[%dma_start3A_55, %add3A_54] : memref<2x320000xi32, #tpu.memory_space<hbm>> -> memref<1x1000xi32, #tpu.memory_space<hbm>>
    %dma_start3A_57 = tpu.memref_squeeze %dma_start3A_56 : memref<1x1000xi32, #tpu.memory_space<hbm>> -> memref<1000xi32, #tpu.memory_space<hbm>>
    %dma_start3A_58 = tpu.memref_slice %arg2[%dma_start3A_55, %add3A_54] : memref<2x320000xi32, #tpu.memory_space<hbm>> -> memref<1x1000xi32, #tpu.memory_space<hbm>>
    %dma_start3A_59 = tpu.memref_squeeze %dma_start3A_58 : memref<1x1000xi32, #tpu.memory_space<hbm>> -> memref<1000xi32, #tpu.memory_space<hbm>>
    tpu.enqueue_dma source(%dma_start3A_59 : memref<1000xi32, #tpu.memory_space<hbm>>) target(%arg14 : memref<1000xi32, #tpu.memory_space<vmem>>) target_semaphore(%arg34 : memref<!tpu.dma_semaphore, #tpu.memory_space<semaphore_mem>>)
    %add3A_60 = arith.constant 8000 : i32
    %add3A_61 = arith.addi %mul3A_4, %add3A_60 : i32
    %dma_start3A_62 = arith.constant 0 : i32
    %dma_start3A_63 = tpu.memref_slice %arg2[%dma_start3A_62, %add3A_61] : memref<2x320000xi32, #tpu.memory_space<hbm>> -> memref<1x1000xi32, #tpu.memory_space<hbm>>
    %dma_start3A_64 = tpu.memref_squeeze %dma_start3A_63 : memref<1x1000xi32, #tpu.memory_space<hbm>> -> memref<1000xi32, #tpu.memory_space<hbm>>
    %dma_start3A_65 = tpu.memref_slice %arg2[%dma_start3A_62, %add3A_61] : memref<2x320000xi32, #tpu.memory_space<hbm>> -> memref<1x1000xi32, #tpu.memory_space<hbm>>
    %dma_start3A_66 = tpu.memref_squeeze %dma_start3A_65 : memref<1x1000xi32, #tpu.memory_space<hbm>> -> memref<1000xi32, #tpu.memory_space<hbm>>
    tpu.enqueue_dma source(%dma_start3A_66 : memref<1000xi32, #tpu.memory_space<hbm>>) target(%arg15 : memref<1000xi32, #tpu.memory_space<vmem>>) target_semaphore(%arg34 : memref<!tpu.dma_semaphore, #tpu.memory_space<semaphore_mem>>)
    %add3A_67 = arith.constant 9000 : i32
    %add3A_68 = arith.addi %mul3A_4, %add3A_67 : i32
    %dma_start3A_69 = arith.constant 0 : i32
    %dma_start3A_70 = tpu.memref_slice %arg2[%dma_start3A_69, %add3A_68] : memref<2x320000xi32, #tpu.memory_space<hbm>> -> memref<1x1000xi32, #tpu.memory_space<hbm>>
    %dma_start3A_71 = tpu.memref_squeeze %dma_start3A_70 : memref<1x1000xi32, #tpu.memory_space<hbm>> -> memref<1000xi32, #tpu.memory_space<hbm>>
    %dma_start3A_72 = tpu.memref_slice %arg2[%dma_start3A_69, %add3A_68] : memref<2x320000xi32, #tpu.memory_space<hbm>> -> memref<1x1000xi32, #tpu.memory_space<hbm>>
    %dma_start3A_73 = tpu.memref_squeeze %dma_start3A_72 : memref<1x1000xi32, #tpu.memory_space<hbm>> -> memref<1000xi32, #tpu.memory_space<hbm>>
    tpu.enqueue_dma source(%dma_start3A_73 : memref<1000xi32, #tpu.memory_space<hbm>>) target(%arg16 : memref<1000xi32, #tpu.memory_space<vmem>>) target_semaphore(%arg34 : memref<!tpu.dma_semaphore, #tpu.memory_space<semaphore_mem>>)
    %add3A_74 = arith.constant 0 : i32
    %add3A_75 = arith.addi %mul3A_4, %add3A_74 : i32
    %dma_start3A_76 = arith.constant 1 : i32
    %dma_start3A_77 = tpu.memref_slice %arg2[%dma_start3A_76, %add3A_75] : memref<2x320000xi32, #tpu.memory_space<hbm>> -> memref<1x1000xi32, #tpu.memory_space<hbm>>
    %dma_start3A_78 = tpu.memref_squeeze %dma_start3A_77 : memref<1x1000xi32, #tpu.memory_space<hbm>> -> memref<1000xi32, #tpu.memory_space<hbm>>
    %dma_start3A_79 = tpu.memref_slice %arg2[%dma_start3A_76, %add3A_75] : memref<2x320000xi32, #tpu.memory_space<hbm>> -> memref<1x1000xi32, #tpu.memory_space<hbm>>
    %dma_start3A_80 = tpu.memref_squeeze %dma_start3A_79 : memref<1x1000xi32, #tpu.memory_space<hbm>> -> memref<1000xi32, #tpu.memory_space<hbm>>
    tpu.enqueue_dma source(%dma_start3A_80 : memref<1000xi32, #tpu.memory_space<hbm>>) target(%arg17 : memref<1000xi32, #tpu.memory_space<vmem>>) target_semaphore(%arg35 : memref<!tpu.dma_semaphore, #tpu.memory_space<semaphore_mem>>)
    %add3A_81 = arith.constant 1000 : i32
    %add3A_82 = arith.addi %mul3A_4, %add3A_81 : i32
    %dma_start3A_83 = arith.constant 1 : i32
    %dma_start3A_84 = tpu.memref_slice %arg2[%dma_start3A_83, %add3A_82] : memref<2x320000xi32, #tpu.memory_space<hbm>> -> memref<1x1000xi32, #tpu.memory_space<hbm>>
    %dma_start3A_85 = tpu.memref_squeeze %dma_start3A_84 : memref<1x1000xi32, #tpu.memory_space<hbm>> -> memref<1000xi32, #tpu.memory_space<hbm>>
    %dma_start3A_86 = tpu.memref_slice %arg2[%dma_start3A_83, %add3A_82] : memref<2x320000xi32, #tpu.memory_space<hbm>> -> memref<1x1000xi32, #tpu.memory_space<hbm>>
    %dma_start3A_87 = tpu.memref_squeeze %dma_start3A_86 : memref<1x1000xi32, #tpu.memory_space<hbm>> -> memref<1000xi32, #tpu.memory_space<hbm>>
    tpu.enqueue_dma source(%dma_start3A_87 : memref<1000xi32, #tpu.memory_space<hbm>>) target(%arg18 : memref<1000xi32, #tpu.memory_space<vmem>>) target_semaphore(%arg35 : memref<!tpu.dma_semaphore, #tpu.memory_space<semaphore_mem>>)
    %add3A_88 = arith.constant 2000 : i32
    %add3A_89 = arith.addi %mul3A_4, %add3A_88 : i32
    %dma_start3A_90 = arith.constant 1 : i32
    %dma_start3A_91 = tpu.memref_slice %arg2[%dma_start3A_90, %add3A_89] : memref<2x320000xi32, #tpu.memory_space<hbm>> -> memref<1x1000xi32, #tpu.memory_space<hbm>>
    %dma_start3A_92 = tpu.memref_squeeze %dma_start3A_91 : memref<1x1000xi32, #tpu.memory_space<hbm>> -> memref<1000xi32, #tpu.memory_space<hbm>>
    %dma_start3A_93 = tpu.memref_slice %arg2[%dma_start3A_90, %add3A_89] : memref<2x320000xi32, #tpu.memory_space<hbm>> -> memref<1x1000xi32, #tpu.memory_space<hbm>>
    %dma_start3A_94 = tpu.memref_squeeze %dma_start3A_93 : memref<1x1000xi32, #tpu.memory_space<hbm>> -> memref<1000xi32, #tpu.memory_space<hbm>>
    tpu.enqueue_dma source(%dma_start3A_94 : memref<1000xi32, #tpu.memory_space<hbm>>) target(%arg19 : memref<1000xi32, #tpu.memory_space<vmem>>) target_semaphore(%arg35 : memref<!tpu.dma_semaphore, #tpu.memory_space<semaphore_mem>>)
    %add3A_95 = arith.constant 3000 : i32
    %add3A_96 = arith.addi %mul3A_4, %add3A_95 : i32
    %dma_start3A_97 = arith.constant 1 : i32
    %dma_start3A_98 = tpu.memref_slice %arg2[%dma_start3A_97, %add3A_96] : memref<2x320000xi32, #tpu.memory_space<hbm>> -> memref<1x1000xi32, #tpu.memory_space<hbm>>
    %dma_start3A_99 = tpu.memref_squeeze %dma_start3A_98 : memref<1x1000xi32, #tpu.memory_space<hbm>> -> memref<1000xi32, #tpu.memory_space<hbm>>
    %dma_start3A_100 = tpu.memref_slice %arg2[%dma_start3A_97, %add3A_96] : memref<2x320000xi32, #tpu.memory_space<hbm>> -> memref<1x1000xi32, #tpu.memory_space<hbm>>
    %dma_start3A_101 = tpu.memref_squeeze %dma_start3A_100 : memref<1x1000xi32, #tpu.memory_space<hbm>> -> memref<1000xi32, #tpu.memory_space<hbm>>
    tpu.enqueue_dma source(%dma_start3A_101 : memref<1000xi32, #tpu.memory_space<hbm>>) target(%arg20 : memref<1000xi32, #tpu.memory_space<vmem>>) target_semaphore(%arg35 : memref<!tpu.dma_semaphore, #tpu.memory_space<semaphore_mem>>)
    %add3A_102 = arith.constant 4000 : i32
    %add3A_103 = arith.addi %mul3A_4, %add3A_102 : i32
    %dma_start3A_104 = arith.constant 1 : i32
    %dma_start3A_105 = tpu.memref_slice %arg2[%dma_start3A_104, %add3A_103] : memref<2x320000xi32, #tpu.memory_space<hbm>> -> memref<1x1000xi32, #tpu.memory_space<hbm>>
    %dma_start3A_106 = tpu.memref_squeeze %dma_start3A_105 : memref<1x1000xi32, #tpu.memory_space<hbm>> -> memref<1000xi32, #tpu.memory_space<hbm>>
    %dma_start3A_107 = tpu.memref_slice %arg2[%dma_start3A_104, %add3A_103] : memref<2x320000xi32, #tpu.memory_space<hbm>> -> memref<1x1000xi32, #tpu.memory_space<hbm>>
    %dma_start3A_108 = tpu.memref_squeeze %dma_start3A_107 : memref<1x1000xi32, #tpu.memory_space<hbm>> -> memref<1000xi32, #tpu.memory_space<hbm>>
    tpu.enqueue_dma source(%dma_start3A_108 : memref<1000xi32, #tpu.memory_space<hbm>>) target(%arg21 : memref<1000xi32, #tpu.memory_space<vmem>>) target_semaphore(%arg35 : memref<!tpu.dma_semaphore, #tpu.memory_space<semaphore_mem>>)
    %add3A_109 = arith.constant 5000 : i32
    %add3A_110 = arith.addi %mul3A_4, %add3A_109 : i32
    %dma_start3A_111 = arith.constant 1 : i32
    %dma_start3A_112 = tpu.memref_slice %arg2[%dma_start3A_111, %add3A_110] : memref<2x320000xi32, #tpu.memory_space<hbm>> -> memref<1x1000xi32, #tpu.memory_space<hbm>>
    %dma_start3A_113 = tpu.memref_squeeze %dma_start3A_112 : memref<1x1000xi32, #tpu.memory_space<hbm>> -> memref<1000xi32, #tpu.memory_space<hbm>>
    %dma_start3A_114 = tpu.memref_slice %arg2[%dma_start3A_111, %add3A_110] : memref<2x320000xi32, #tpu.memory_space<hbm>> -> memref<1x1000xi32, #tpu.memory_space<hbm>>
    %dma_start3A_115 = tpu.memref_squeeze %dma_start3A_114 : memref<1x1000xi32, #tpu.memory_space<hbm>> -> memref<1000xi32, #tpu.memory_space<hbm>>
    tpu.enqueue_dma source(%dma_start3A_115 : memref<1000xi32, #tpu.memory_space<hbm>>) target(%arg22 : memref<1000xi32, #tpu.memory_space<vmem>>) target_semaphore(%arg35 : memref<!tpu.dma_semaphore, #tpu.memory_space<semaphore_mem>>)
    %add3A_116 = arith.constant 6000 : i32
    %add3A_117 = arith.addi %mul3A_4, %add3A_116 : i32
    %dma_start3A_118 = arith.constant 1 : i32
    %dma_start3A_119 = tpu.memref_slice %arg2[%dma_start3A_118, %add3A_117] : memref<2x320000xi32, #tpu.memory_space<hbm>> -> memref<1x1000xi32, #tpu.memory_space<hbm>>
    %dma_start3A_120 = tpu.memref_squeeze %dma_start3A_119 : memref<1x1000xi32, #tpu.memory_space<hbm>> -> memref<1000xi32, #tpu.memory_space<hbm>>
    %dma_start3A_121 = tpu.memref_slice %arg2[%dma_start3A_118, %add3A_117] : memref<2x320000xi32, #tpu.memory_space<hbm>> -> memref<1x1000xi32, #tpu.memory_space<hbm>>
    %dma_start3A_122 = tpu.memref_squeeze %dma_start3A_121 : memref<1x1000xi32, #tpu.memory_space<hbm>> -> memref<1000xi32, #tpu.memory_space<hbm>>
    tpu.enqueue_dma source(%dma_start3A_122 : memref<1000xi32, #tpu.memory_space<hbm>>) target(%arg23 : memref<1000xi32, #tpu.memory_space<vmem>>) target_semaphore(%arg35 : memref<!tpu.dma_semaphore, #tpu.memory_space<semaphore_mem>>)
    %add3A_123 = arith.constant 7000 : i32
    %add3A_124 = arith.addi %mul3A_4, %add3A_123 : i32
    %dma_start3A_125 = arith.constant 1 : i32
    %dma_start3A_126 = tpu.memref_slice %arg2[%dma_start3A_125, %add3A_124] : memref<2x320000xi32, #tpu.memory_space<hbm>> -> memref<1x1000xi32, #tpu.memory_space<hbm>>
    %dma_start3A_127 = tpu.memref_squeeze %dma_start3A_126 : memref<1x1000xi32, #tpu.memory_space<hbm>> -> memref<1000xi32, #tpu.memory_space<hbm>>
    %dma_start3A_128 = tpu.memref_slice %arg2[%dma_start3A_125, %add3A_124] : memref<2x320000xi32, #tpu.memory_space<hbm>> -> memref<1x1000xi32, #tpu.memory_space<hbm>>
    %dma_start3A_129 = tpu.memref_squeeze %dma_start3A_128 : memref<1x1000xi32, #tpu.memory_space<hbm>> -> memref<1000xi32, #tpu.memory_space<hbm>>
    tpu.enqueue_dma source(%dma_start3A_129 : memref<1000xi32, #tpu.memory_space<hbm>>) target(%arg24 : memref<1000xi32, #tpu.memory_space<vmem>>) target_semaphore(%arg35 : memref<!tpu.dma_semaphore, #tpu.memory_space<semaphore_mem>>)
    %add3A_130 = arith.constant 8000 : i32
    %add3A_131 = arith.addi %mul3A_4, %add3A_130 : i32
    %dma_start3A_132 = arith.constant 1 : i32
    %dma_start3A_133 = tpu.memref_slice %arg2[%dma_start3A_132, %add3A_131] : memref<2x320000xi32, #tpu.memory_space<hbm>> -> memref<1x1000xi32, #tpu.memory_space<hbm>>
    %dma_start3A_134 = tpu.memref_squeeze %dma_start3A_133 : memref<1x1000xi32, #tpu.memory_space<hbm>> -> memref<1000xi32, #tpu.memory_space<hbm>>
    %dma_start3A_135 = tpu.memref_slice %arg2[%dma_start3A_132, %add3A_131] : memref<2x320000xi32, #tpu.memory_space<hbm>> -> memref<1x1000xi32, #tpu.memory_space<hbm>>
    %dma_start3A_136 = tpu.memref_squeeze %dma_start3A_135 : memref<1x1000xi32, #tpu.memory_space<hbm>> -> memref<1000xi32, #tpu.memory_space<hbm>>
    tpu.enqueue_dma source(%dma_start3A_136 : memref<1000xi32, #tpu.memory_space<hbm>>) target(%arg25 : memref<1000xi32, #tpu.memory_space<vmem>>) target_semaphore(%arg35 : memref<!tpu.dma_semaphore, #tpu.memory_space<semaphore_mem>>)
    %add3A_137 = arith.constant 9000 : i32
    %add3A_138 = arith.addi %mul3A_4, %add3A_137 : i32
    %dma_start3A_139 = arith.constant 1 : i32
    %dma_start3A_140 = tpu.memref_slice %arg2[%dma_start3A_139, %add3A_138] : memref<2x320000xi32, #tpu.memory_space<hbm>> -> memref<1x1000xi32, #tpu.memory_space<hbm>>
    %dma_start3A_141 = tpu.memref_squeeze %dma_start3A_140 : memref<1x1000xi32, #tpu.memory_space<hbm>> -> memref<1000xi32, #tpu.memory_space<hbm>>
    %dma_start3A_142 = tpu.memref_slice %arg2[%dma_start3A_139, %add3A_138] : memref<2x320000xi32, #tpu.memory_space<hbm>> -> memref<1x1000xi32, #tpu.memory_space<hbm>>
    %dma_start3A_143 = tpu.memref_squeeze %dma_start3A_142 : memref<1x1000xi32, #tpu.memory_space<hbm>> -> memref<1000xi32, #tpu.memory_space<hbm>>
    tpu.enqueue_dma source(%dma_start3A_143 : memref<1000xi32, #tpu.memory_space<hbm>>) target(%arg26 : memref<1000xi32, #tpu.memory_space<vmem>>) target_semaphore(%arg35 : memref<!tpu.dma_semaphore, #tpu.memory_space<semaphore_mem>>)
    "tpu.region"() ({
      %run_scoped3A = tpu.sem_alloc : memref<!tpu.dma_semaphore, #tpu.memory_space<semaphore_mem>>
      %dma_start3A_385 = arith.constant 0 : i32
      %dma_start3A_386 = tpu.memref_slice %arg3[%mul3A_0, %dma_start3A_385] : memref<10240x16xf32, #tpu.memory_space<hbm>> -> memref<640x16xf32, #tpu.memory_space<hbm>>
      %dma_start3A_387 = arith.constant 0 : i32
      %dma_start3A_388 = tpu.memref_slice %arg3[%mul3A_0, %dma_start3A_387] : memref<10240x16xf32, #tpu.memory_space<hbm>> -> memref<640x16xf32, #tpu.memory_space<hbm>>
      tpu.enqueue_dma source(%dma_start3A_388 : memref<640x16xf32, #tpu.memory_space<hbm>>) target(%arg6 : memref<640x16xf32, #tpu.memory_space<vmem>>) target_semaphore(%run_scoped3A : memref<!tpu.dma_semaphore, #tpu.memory_space<semaphore_mem>>)
      %dma_wait3A_389 = arith.constant 0 : i32
      %dma_wait3A_390 = tpu.memref_slice %arg3[%mul3A_0, %dma_wait3A_389] : memref<10240x16xf32, #tpu.memory_space<hbm>> -> memref<640x16xf32, #tpu.memory_space<hbm>>
      %dma_wait3A_391 = arith.constant 0 : i32
      %dma_wait3A_392 = tpu.memref_slice %arg3[%mul3A_0, %dma_wait3A_391] : memref<10240x16xf32, #tpu.memory_space<hbm>> -> memref<640x16xf32, #tpu.memory_space<hbm>>
      tpu.wait_dma2 semaphore(%run_scoped3A : memref<!tpu.dma_semaphore, #tpu.memory_space<semaphore_mem>>) src(%dma_wait3A_392 : memref<640x16xf32, #tpu.memory_space<hbm>>) dst(%arg6 : memref<640x16xf32, #tpu.memory_space<vmem>>)
      tpu.yield
    }) : () -> ()
    "tpu.region"() ({
      %run_scoped3A = tpu.sem_alloc : memref<!tpu.dma_semaphore, #tpu.memory_space<semaphore_mem>>
      %dma_start3A_385 = tpu.memref_slice %arg4[%mul3A_0] : memref<20480xf32, #tpu.memory_space<hbm>> -> memref<640xf32, #tpu.memory_space<hbm>>
      %dma_start3A_386 = tpu.memref_slice %arg4[%mul3A_0] : memref<20480xf32, #tpu.memory_space<hbm>> -> memref<640xf32, #tpu.memory_space<hbm>>
      tpu.enqueue_dma source(%dma_start3A_386 : memref<640xf32, #tpu.memory_space<hbm>>) target(%arg30 : memref<640xf32, #tpu.memory_space<vmem>>) target_semaphore(%run_scoped3A : memref<!tpu.dma_semaphore, #tpu.memory_space<semaphore_mem>>)
      %dma_wait3A_387 = tpu.memref_slice %arg4[%mul3A_0] : memref<20480xf32, #tpu.memory_space<hbm>> -> memref<640xf32, #tpu.memory_space<hbm>>
      %dma_wait3A_388 = tpu.memref_slice %arg4[%mul3A_0] : memref<20480xf32, #tpu.memory_space<hbm>> -> memref<640xf32, #tpu.memory_space<hbm>>
      tpu.wait_dma2 semaphore(%run_scoped3A : memref<!tpu.dma_semaphore, #tpu.memory_space<semaphore_mem>>) src(%dma_wait3A_388 : memref<640xf32, #tpu.memory_space<hbm>>) dst(%arg30 : memref<640xf32, #tpu.memory_space<vmem>>)
      tpu.yield
    }) : () -> ()
    %add3A_144 = arith.constant 10240 : i32
    %add3A_145 = arith.addi %add3A_144, %mul3A_0 : i32
    "tpu.region"() ({
      %run_scoped3A = tpu.sem_alloc : memref<!tpu.dma_semaphore, #tpu.memory_space<semaphore_mem>>
      %dma_start3A_385 = tpu.memref_slice %arg4[%add3A_145] : memref<20480xf32, #tpu.memory_space<hbm>> -> memref<640xf32, #tpu.memory_space<hbm>>
      %dma_start3A_386 = tpu.memref_slice %arg4[%add3A_145] : memref<20480xf32, #tpu.memory_space<hbm>> -> memref<640xf32, #tpu.memory_space<hbm>>
      tpu.enqueue_dma source(%dma_start3A_386 : memref<640xf32, #tpu.memory_space<hbm>>) target(%arg31 : memref<640xf32, #tpu.memory_space<vmem>>) target_semaphore(%run_scoped3A : memref<!tpu.dma_semaphore, #tpu.memory_space<semaphore_mem>>)
      %dma_wait3A_387 = tpu.memref_slice %arg4[%add3A_145] : memref<20480xf32, #tpu.memory_space<hbm>> -> memref<640xf32, #tpu.memory_space<hbm>>
      %dma_wait3A_388 = tpu.memref_slice %arg4[%add3A_145] : memref<20480xf32, #tpu.memory_space<hbm>> -> memref<640xf32, #tpu.memory_space<hbm>>
      tpu.wait_dma2 semaphore(%run_scoped3A : memref<!tpu.dma_semaphore, #tpu.memory_space<semaphore_mem>>) src(%dma_wait3A_388 : memref<640xf32, #tpu.memory_space<hbm>>) dst(%arg31 : memref<640xf32, #tpu.memory_space<vmem>>)
      tpu.yield
    }) : () -> ()
    %scan3A = arith.constant 0 : i32
    %scan3A_146 = arith.constant 0 : i32
    %scan3A_147 = arith.constant 40 : i32
    %scan3A_148 = arith.addi %scan3A_146, %scan3A_147 : i32
    %scan3A_149 = arith.constant 1 : i32
    scf.for %scan3A_385 = %scan3A_146 to %scan3A_148 step %scan3A_149  : i32 {
      %mul3A_386 = arith.constant 16 : i32
      %mul3A_387 = arith.muli %scan3A_385, %mul3A_386 : i32
      %multiple_of3A = tpu.assume_multiple %mul3A_387, 16 : i32
      %get3A = arith.index_cast %multiple_of3A : i32 to index
      %get3A_388 = tpu.vector_load %arg30[%get3A] {strides = array<i32>} : memref<640xf32, #tpu.memory_space<vmem>>, vector<16xf32>,
      %get3A_389 = arith.index_cast %multiple_of3A : i32 to index
      %get3A_390 = tpu.vector_load %arg31[%get3A_389] {strides = array<i32>} : memref<640xf32, #tpu.memory_space<vmem>>, vector<16xf32>,
      %add3A_391 = arith.addf %get3A_388, %get3A_390 : vector<16xf32>
      %max3A = arith.constant 1.000000e+00 : f32
      %max3A_392 = vector.broadcast %max3A : f32 to vector<16xf32>
      %max3A_393 = arith.maximumf %add3A_391, %max3A_392 : vector<16xf32>
      %bitcast3A = vector.bitcast %max3A_393 : vector<16xf32> to vector<16xi32>
      %shift_right_arithmetic3A = arith.constant 1 : i32
      %shift_right_arithmetic3A_394 = vector.broadcast %shift_right_arithmetic3A : i32 to vector<16xi32>
      %shift_right_arithmetic3A_395 = arith.shrsi %bitcast3A, %shift_right_arithmetic3A_394 : vector<16xi32>
      %sub3A = arith.constant 1597463007 : i32
      %sub3A_396 = vector.broadcast %sub3A : i32 to vector<16xi32>
      %sub3A_397 = arith.subi %sub3A_396, %shift_right_arithmetic3A_395 : vector<16xi32>
      %bitcast3A_398 = vector.bitcast %sub3A_397 : vector<16xi32> to vector<16xf32>
      %mul3A_399 = arith.constant 5.000000e-01 : f32
      %mul3A_400 = vector.broadcast %mul3A_399 : f32 to vector<16xf32>
      %mul3A_401 = arith.mulf %mul3A_400, %max3A_393 : vector<16xf32>
      %mul3A_402 = arith.mulf %mul3A_401, %bitcast3A_398 : vector<16xf32>
      %mul3A_403 = arith.mulf %mul3A_402, %bitcast3A_398 : vector<16xf32>
      %sub3A_404 = arith.constant 1.500000e+00 : f32
      %sub3A_405 = vector.broadcast %sub3A_404 : f32 to vector<16xf32>
      %sub3A_406 = arith.subf %sub3A_405, %mul3A_403 : vector<16xf32>
      %mul3A_407 = arith.mulf %bitcast3A_398, %sub3A_406 : vector<16xf32>
      %mul3A_408 = arith.constant 5.000000e-01 : f32
      %mul3A_409 = vector.broadcast %mul3A_408 : f32 to vector<16xf32>
      %mul3A_410 = arith.mulf %mul3A_409, %max3A_393 : vector<16xf32>
      %mul3A_411 = arith.mulf %mul3A_410, %mul3A_407 : vector<16xf32>
      %mul3A_412 = arith.mulf %mul3A_411, %mul3A_407 : vector<16xf32>
      %sub3A_413 = arith.constant 1.500000e+00 : f32
      %sub3A_414 = vector.broadcast %sub3A_413 : f32 to vector<16xf32>
      %sub3A_415 = arith.subf %sub3A_414, %mul3A_412 : vector<16xf32>
      %mul3A_416 = arith.mulf %mul3A_407, %sub3A_415 : vector<16xf32>
      %mul3A_417 = arith.constant 5.000000e-01 : f32
      %mul3A_418 = vector.broadcast %mul3A_417 : f32 to vector<16xf32>
      %mul3A_419 = arith.mulf %mul3A_418, %max3A_393 : vector<16xf32>
      %mul3A_420 = arith.mulf %mul3A_419, %mul3A_416 : vector<16xf32>
      %mul3A_421 = arith.mulf %mul3A_420, %mul3A_416 : vector<16xf32>
      %sub3A_422 = arith.constant 1.500000e+00 : f32
      %sub3A_423 = vector.broadcast %sub3A_422 : f32 to vector<16xf32>
      %sub3A_424 = arith.subf %sub3A_423, %mul3A_421 : vector<16xf32>
      %mul3A_425 = arith.mulf %mul3A_416, %sub3A_424 : vector<16xf32>
      %iota3A = tpu.iota {dimensions = array<i32: 0>} : vector<16xi32>
      %add3A_426 = vector.broadcast %multiple_of3A : i32 to vector<16xi32>
      %add3A_427 = arith.addi %iota3A, %add3A_426 : vector<16xi32>
      %broadcast_in_dim3A = arith.constant 0 : i32
      %broadcast_in_dim3A_428 = vector.broadcast %broadcast_in_dim3A : i32 to vector<16xi32>
      %gather3A = tpu.vector_load_idx %arg6[%add3A_427, %broadcast_in_dim3A_428] : memref<640x16xf32, #tpu.memory_space<vmem>>[vector<16xi32>, vector<16xi32>], vector<16xf32>,
      %mul3A_429 = arith.mulf %gather3A, %mul3A_425 : vector<16xf32>
      tpu.vector_store_idx %arg6[%add3A_427, %broadcast_in_dim3A_428], %mul3A_429 : memref<640x16xf32, #tpu.memory_space<vmem>>[vector<16xi32>, vector<16xi32>], vector<16xf32>,
      %broadcast_in_dim3A_430 = arith.constant 1 : i32
      %broadcast_in_dim3A_431 = vector.broadcast %broadcast_in_dim3A_430 : i32 to vector<16xi32>
      %gather3A_432 = tpu.vector_load_idx %arg6[%add3A_427, %broadcast_in_dim3A_431] : memref<640x16xf32, #tpu.memory_space<vmem>>[vector<16xi32>, vector<16xi32>], vector<16xf32>,
      %mul3A_433 = arith.mulf %gather3A_432, %mul3A_425 : vector<16xf32>
      tpu.vector_store_idx %arg6[%add3A_427, %broadcast_in_dim3A_431], %mul3A_433 : memref<640x16xf32, #tpu.memory_space<vmem>>[vector<16xi32>, vector<16xi32>], vector<16xf32>,
      %broadcast_in_dim3A_434 = arith.constant 2 : i32
      %broadcast_in_dim3A_435 = vector.broadcast %broadcast_in_dim3A_434 : i32 to vector<16xi32>
      %gather3A_436 = tpu.vector_load_idx %arg6[%add3A_427, %broadcast_in_dim3A_435] : memref<640x16xf32, #tpu.memory_space<vmem>>[vector<16xi32>, vector<16xi32>], vector<16xf32>,
      %mul3A_437 = arith.mulf %gather3A_436, %mul3A_425 : vector<16xf32>
      tpu.vector_store_idx %arg6[%add3A_427, %broadcast_in_dim3A_435], %mul3A_437 : memref<640x16xf32, #tpu.memory_space<vmem>>[vector<16xi32>, vector<16xi32>], vector<16xf32>,
      %broadcast_in_dim3A_438 = arith.constant 3 : i32
      %broadcast_in_dim3A_439 = vector.broadcast %broadcast_in_dim3A_438 : i32 to vector<16xi32>
      %gather3A_440 = tpu.vector_load_idx %arg6[%add3A_427, %broadcast_in_dim3A_439] : memref<640x16xf32, #tpu.memory_space<vmem>>[vector<16xi32>, vector<16xi32>], vector<16xf32>,
      %mul3A_441 = arith.mulf %gather3A_440, %mul3A_425 : vector<16xf32>
      tpu.vector_store_idx %arg6[%add3A_427, %broadcast_in_dim3A_439], %mul3A_441 : memref<640x16xf32, #tpu.memory_space<vmem>>[vector<16xi32>, vector<16xi32>], vector<16xf32>,
      %broadcast_in_dim3A_442 = arith.constant 4 : i32
      %broadcast_in_dim3A_443 = vector.broadcast %broadcast_in_dim3A_442 : i32 to vector<16xi32>
      %gather3A_444 = tpu.vector_load_idx %arg6[%add3A_427, %broadcast_in_dim3A_443] : memref<640x16xf32, #tpu.memory_space<vmem>>[vector<16xi32>, vector<16xi32>], vector<16xf32>,
      %mul3A_445 = arith.mulf %gather3A_444, %mul3A_425 : vector<16xf32>
      tpu.vector_store_idx %arg6[%add3A_427, %broadcast_in_dim3A_443], %mul3A_445 : memref<640x16xf32, #tpu.memory_space<vmem>>[vector<16xi32>, vector<16xi32>], vector<16xf32>,
      %broadcast_in_dim3A_446 = arith.constant 5 : i32
      %broadcast_in_dim3A_447 = vector.broadcast %broadcast_in_dim3A_446 : i32 to vector<16xi32>
      %gather3A_448 = tpu.vector_load_idx %arg6[%add3A_427, %broadcast_in_dim3A_447] : memref<640x16xf32, #tpu.memory_space<vmem>>[vector<16xi32>, vector<16xi32>], vector<16xf32>,
      %mul3A_449 = arith.mulf %gather3A_448, %mul3A_425 : vector<16xf32>
      tpu.vector_store_idx %arg6[%add3A_427, %broadcast_in_dim3A_447], %mul3A_449 : memref<640x16xf32, #tpu.memory_space<vmem>>[vector<16xi32>, vector<16xi32>], vector<16xf32>,
      %broadcast_in_dim3A_450 = arith.constant 6 : i32
      %broadcast_in_dim3A_451 = vector.broadcast %broadcast_in_dim3A_450 : i32 to vector<16xi32>
      %gather3A_452 = tpu.vector_load_idx %arg6[%add3A_427, %broadcast_in_dim3A_451] : memref<640x16xf32, #tpu.memory_space<vmem>>[vector<16xi32>, vector<16xi32>], vector<16xf32>,
      %mul3A_453 = arith.mulf %gather3A_452, %mul3A_425 : vector<16xf32>
      tpu.vector_store_idx %arg6[%add3A_427, %broadcast_in_dim3A_451], %mul3A_453 : memref<640x16xf32, #tpu.memory_space<vmem>>[vector<16xi32>, vector<16xi32>], vector<16xf32>,
      %broadcast_in_dim3A_454 = arith.constant 7 : i32
      %broadcast_in_dim3A_455 = vector.broadcast %broadcast_in_dim3A_454 : i32 to vector<16xi32>
      %gather3A_456 = tpu.vector_load_idx %arg6[%add3A_427, %broadcast_in_dim3A_455] : memref<640x16xf32, #tpu.memory_space<vmem>>[vector<16xi32>, vector<16xi32>], vector<16xf32>,
      %mul3A_457 = arith.mulf %gather3A_456, %mul3A_425 : vector<16xf32>
      tpu.vector_store_idx %arg6[%add3A_427, %broadcast_in_dim3A_455], %mul3A_457 : memref<640x16xf32, #tpu.memory_space<vmem>>[vector<16xi32>, vector<16xi32>], vector<16xf32>,
      %broadcast_in_dim3A_458 = arith.constant 8 : i32
      %broadcast_in_dim3A_459 = vector.broadcast %broadcast_in_dim3A_458 : i32 to vector<16xi32>
      %gather3A_460 = tpu.vector_load_idx %arg6[%add3A_427, %broadcast_in_dim3A_459] : memref<640x16xf32, #tpu.memory_space<vmem>>[vector<16xi32>, vector<16xi32>], vector<16xf32>,
      %mul3A_461 = arith.mulf %gather3A_460, %mul3A_425 : vector<16xf32>
      tpu.vector_store_idx %arg6[%add3A_427, %broadcast_in_dim3A_459], %mul3A_461 : memref<640x16xf32, #tpu.memory_space<vmem>>[vector<16xi32>, vector<16xi32>], vector<16xf32>,
      %broadcast_in_dim3A_462 = arith.constant 9 : i32
      %broadcast_in_dim3A_463 = vector.broadcast %broadcast_in_dim3A_462 : i32 to vector<16xi32>
      %gather3A_464 = tpu.vector_load_idx %arg6[%add3A_427, %broadcast_in_dim3A_463] : memref<640x16xf32, #tpu.memory_space<vmem>>[vector<16xi32>, vector<16xi32>], vector<16xf32>,
      %mul3A_465 = arith.mulf %gather3A_464, %mul3A_425 : vector<16xf32>
      tpu.vector_store_idx %arg6[%add3A_427, %broadcast_in_dim3A_463], %mul3A_465 : memref<640x16xf32, #tpu.memory_space<vmem>>[vector<16xi32>, vector<16xi32>], vector<16xf32>,
      %broadcast_in_dim3A_466 = arith.constant 10 : i32
      %broadcast_in_dim3A_467 = vector.broadcast %broadcast_in_dim3A_466 : i32 to vector<16xi32>
      %gather3A_468 = tpu.vector_load_idx %arg6[%add3A_427, %broadcast_in_dim3A_467] : memref<640x16xf32, #tpu.memory_space<vmem>>[vector<16xi32>, vector<16xi32>], vector<16xf32>,
      %mul3A_469 = arith.mulf %gather3A_468, %mul3A_425 : vector<16xf32>
      tpu.vector_store_idx %arg6[%add3A_427, %broadcast_in_dim3A_467], %mul3A_469 : memref<640x16xf32, #tpu.memory_space<vmem>>[vector<16xi32>, vector<16xi32>], vector<16xf32>,
      %broadcast_in_dim3A_470 = arith.constant 11 : i32
      %broadcast_in_dim3A_471 = vector.broadcast %broadcast_in_dim3A_470 : i32 to vector<16xi32>
      %gather3A_472 = tpu.vector_load_idx %arg6[%add3A_427, %broadcast_in_dim3A_471] : memref<640x16xf32, #tpu.memory_space<vmem>>[vector<16xi32>, vector<16xi32>], vector<16xf32>,
      %mul3A_473 = arith.mulf %gather3A_472, %mul3A_425 : vector<16xf32>
      tpu.vector_store_idx %arg6[%add3A_427, %broadcast_in_dim3A_471], %mul3A_473 : memref<640x16xf32, #tpu.memory_space<vmem>>[vector<16xi32>, vector<16xi32>], vector<16xf32>,
      %broadcast_in_dim3A_474 = arith.constant 12 : i32
      %broadcast_in_dim3A_475 = vector.broadcast %broadcast_in_dim3A_474 : i32 to vector<16xi32>
      %gather3A_476 = tpu.vector_load_idx %arg6[%add3A_427, %broadcast_in_dim3A_475] : memref<640x16xf32, #tpu.memory_space<vmem>>[vector<16xi32>, vector<16xi32>], vector<16xf32>,
      %mul3A_477 = arith.mulf %gather3A_476, %mul3A_425 : vector<16xf32>
      tpu.vector_store_idx %arg6[%add3A_427, %broadcast_in_dim3A_475], %mul3A_477 : memref<640x16xf32, #tpu.memory_space<vmem>>[vector<16xi32>, vector<16xi32>], vector<16xf32>,
      %broadcast_in_dim3A_478 = arith.constant 13 : i32
      %broadcast_in_dim3A_479 = vector.broadcast %broadcast_in_dim3A_478 : i32 to vector<16xi32>
      %gather3A_480 = tpu.vector_load_idx %arg6[%add3A_427, %broadcast_in_dim3A_479] : memref<640x16xf32, #tpu.memory_space<vmem>>[vector<16xi32>, vector<16xi32>], vector<16xf32>,
      %mul3A_481 = arith.mulf %gather3A_480, %mul3A_425 : vector<16xf32>
      tpu.vector_store_idx %arg6[%add3A_427, %broadcast_in_dim3A_479], %mul3A_481 : memref<640x16xf32, #tpu.memory_space<vmem>>[vector<16xi32>, vector<16xi32>], vector<16xf32>,
      %broadcast_in_dim3A_482 = arith.constant 14 : i32
      %broadcast_in_dim3A_483 = vector.broadcast %broadcast_in_dim3A_482 : i32 to vector<16xi32>
      %gather3A_484 = tpu.vector_load_idx %arg6[%add3A_427, %broadcast_in_dim3A_483] : memref<640x16xf32, #tpu.memory_space<vmem>>[vector<16xi32>, vector<16xi32>], vector<16xf32>,
      %mul3A_485 = arith.mulf %gather3A_484, %mul3A_425 : vector<16xf32>
      tpu.vector_store_idx %arg6[%add3A_427, %broadcast_in_dim3A_483], %mul3A_485 : memref<640x16xf32, #tpu.memory_space<vmem>>[vector<16xi32>, vector<16xi32>], vector<16xf32>,
      %broadcast_in_dim3A_486 = arith.constant 15 : i32
      %broadcast_in_dim3A_487 = vector.broadcast %broadcast_in_dim3A_486 : i32 to vector<16xi32>
      %gather3A_488 = tpu.vector_load_idx %arg6[%add3A_427, %broadcast_in_dim3A_487] : memref<640x16xf32, #tpu.memory_space<vmem>>[vector<16xi32>, vector<16xi32>], vector<16xf32>,
      %mul3A_489 = arith.mulf %gather3A_488, %mul3A_425 : vector<16xf32>
      tpu.vector_store_idx %arg6[%add3A_427, %broadcast_in_dim3A_487], %mul3A_489 : memref<640x16xf32, #tpu.memory_space<vmem>>[vector<16xi32>, vector<16xi32>], vector<16xf32>,
    }
    %scan3A_150 = arith.constant 40 : i32
    "tpu.region"() ({
      %run_scoped3A = tpu.sem_alloc : memref<!tpu.dma_semaphore, #tpu.memory_space<semaphore_mem>>
      %dma_start3A_385 = arith.constant 0 : i32
      %dma_start3A_386 = tpu.memref_slice %arg32[%mul3A_0, %dma_start3A_385] : memref<10240x16xf32, #tpu.memory_space<vmem_shared>> -> memref<640x16xf32, #tpu.memory_space<vmem_shared>>
      %dma_start3A_387 = arith.constant 0 : i32
      %dma_start3A_388 = tpu.memref_slice %arg32[%mul3A_0, %dma_start3A_387] : memref<10240x16xf32, #tpu.memory_space<vmem_shared>> -> memref<640x16xf32, #tpu.memory_space<vmem_shared>>
      tpu.enqueue_dma source(%arg6 : memref<640x16xf32, #tpu.memory_space<vmem>>) target(%dma_start3A_388 : memref<640x16xf32, #tpu.memory_space<vmem_shared>>) target_semaphore(%run_scoped3A : memref<!tpu.dma_semaphore, #tpu.memory_space<semaphore_mem>>)
      %dma_wait3A_389 = arith.constant 0 : i32
      %dma_wait3A_390 = tpu.memref_slice %arg32[%mul3A_0, %dma_wait3A_389] : memref<10240x16xf32, #tpu.memory_space<vmem_shared>> -> memref<640x16xf32, #tpu.memory_space<vmem_shared>>
      %dma_wait3A_391 = arith.constant 0 : i32
      %dma_wait3A_392 = tpu.memref_slice %arg32[%mul3A_0, %dma_wait3A_391] : memref<10240x16xf32, #tpu.memory_space<vmem_shared>> -> memref<640x16xf32, #tpu.memory_space<vmem_shared>>
      tpu.wait_dma2 semaphore(%run_scoped3A : memref<!tpu.dma_semaphore, #tpu.memory_space<semaphore_mem>>) src(%arg6 : memref<640x16xf32, #tpu.memory_space<vmem>>) dst(%dma_wait3A_392 : memref<640x16xf32, #tpu.memory_space<vmem_shared>>)
      tpu.yield
    }) : () -> ()
    %mul3A_151 = arith.constant 16 : i32
    %mul3A_152 = arith.muli %arg0, %mul3A_151 : i32
    %add3A_153 = arith.addi %mul3A_152, %arg1 : i32
    %mul3A_154 = arith.constant 10000 : i32
    %mul3A_155 = arith.muli %add3A_153, %mul3A_154 : i32
    %scan3A_156 = arith.constant 0 : i32
    %scan3A_157 = arith.constant 0 : i32
    %scan3A_158 = arith.constant 640 : i32
    %scan3A_159 = arith.addi %scan3A_157, %scan3A_158 : i32
    %scan3A_160 = arith.constant 1 : i32
    scf.for %scan3A_385 = %scan3A_157 to %scan3A_159 step %scan3A_160  : i32 {
      %broadcast_in_dim3A = arith.constant 0.000000e+00 : f32
      %broadcast_in_dim3A_386 = vector.broadcast %broadcast_in_dim3A : f32 to vector<16xf32>
      %swap3A = arith.index_cast %scan3A_385 : i32 to index
      %swap3A_387 = arith.constant 0 : index
      %swap3A_388 = tpu.vector_load %arg29[%swap3A, %swap3A_387] {strides = array<i32>} : memref<640x16xf32, #tpu.memory_space<vmem>>, vector<16xf32>,
      tpu.vector_store %arg29[%swap3A, %swap3A_387], %broadcast_in_dim3A_386 {strides = array<i32>} : memref<640x16xf32, #tpu.memory_space<vmem>>, vector<16xf32>,
    }
    %scan3A_161 = arith.constant 640 : i32
    %mul3A_162 = arith.constant 640 : i32
    %mul3A_163 = arith.muli %arg1, %mul3A_162 : i32
    "tpu.region"() ({
      %run_scoped3A = tpu.sem_alloc : memref<!tpu.dma_semaphore, #tpu.memory_space<semaphore_mem>>
      %dma_start3A_385 = arith.constant 0 : i32
      %dma_start3A_386 = tpu.memref_slice %arg33[%mul3A_163, %dma_start3A_385] : memref<10240x16xf32, #tpu.memory_space<vmem_shared>> -> memref<640x16xf32, #tpu.memory_space<vmem_shared>>
      %dma_start3A_387 = arith.constant 0 : i32
      %dma_start3A_388 = tpu.memref_slice %arg33[%mul3A_163, %dma_start3A_387] : memref<10240x16xf32, #tpu.memory_space<vmem_shared>> -> memref<640x16xf32, #tpu.memory_space<vmem_shared>>
      tpu.enqueue_dma source(%arg29 : memref<640x16xf32, #tpu.memory_space<vmem>>) target(%dma_start3A_388 : memref<640x16xf32, #tpu.memory_space<vmem_shared>>) target_semaphore(%run_scoped3A : memref<!tpu.dma_semaphore, #tpu.memory_space<semaphore_mem>>)
      %dma_wait3A_389 = arith.constant 0 : i32
      %dma_wait3A_390 = tpu.memref_slice %arg33[%mul3A_163, %dma_wait3A_389] : memref<10240x16xf32, #tpu.memory_space<vmem_shared>> -> memref<640x16xf32, #tpu.memory_space<vmem_shared>>
      %dma_wait3A_391 = arith.constant 0 : i32
      %dma_wait3A_392 = tpu.memref_slice %arg33[%mul3A_163, %dma_wait3A_391] : memref<10240x16xf32, #tpu.memory_space<vmem_shared>> -> memref<640x16xf32, #tpu.memory_space<vmem_shared>>
      tpu.wait_dma2 semaphore(%run_scoped3A : memref<!tpu.dma_semaphore, #tpu.memory_space<semaphore_mem>>) src(%arg29 : memref<640x16xf32, #tpu.memory_space<vmem>>) dst(%dma_wait3A_392 : memref<640x16xf32, #tpu.memory_space<vmem_shared>>)
      tpu.yield
    }) : () -> ()
    %dma_wait3A = arith.constant 0 : i32
    %dma_wait3A_164 = tpu.memref_slice %arg2[%dma_wait3A, %add3A_6] : memref<2x320000xi32, #tpu.memory_space<hbm>> -> memref<1x1000xi32, #tpu.memory_space<hbm>>
    %dma_wait3A_165 = tpu.memref_squeeze %dma_wait3A_164 : memref<1x1000xi32, #tpu.memory_space<hbm>> -> memref<1000xi32, #tpu.memory_space<hbm>>
    %dma_wait3A_166 = tpu.memref_slice %arg2[%dma_wait3A, %add3A_6] : memref<2x320000xi32, #tpu.memory_space<hbm>> -> memref<1x1000xi32, #tpu.memory_space<hbm>>
    %dma_wait3A_167 = tpu.memref_squeeze %dma_wait3A_166 : memref<1x1000xi32, #tpu.memory_space<hbm>> -> memref<1000xi32, #tpu.memory_space<hbm>>
    tpu.wait_dma2 semaphore(%arg34 : memref<!tpu.dma_semaphore, #tpu.memory_space<semaphore_mem>>) src(%dma_wait3A_167 : memref<1000xi32, #tpu.memory_space<hbm>>) dst(%arg7 : memref<1000xi32, #tpu.memory_space<vmem>>)
    %dma_wait3A_168 = arith.constant 0 : i32
    %dma_wait3A_169 = tpu.memref_slice %arg2[%dma_wait3A_168, %add3A_12] : memref<2x320000xi32, #tpu.memory_space<hbm>> -> memref<1x1000xi32, #tpu.memory_space<hbm>>
    %dma_wait3A_170 = tpu.memref_squeeze %dma_wait3A_169 : memref<1x1000xi32, #tpu.memory_space<hbm>> -> memref<1000xi32, #tpu.memory_space<hbm>>
    %dma_wait3A_171 = tpu.memref_slice %arg2[%dma_wait3A_168, %add3A_12] : memref<2x320000xi32, #tpu.memory_space<hbm>> -> memref<1x1000xi32, #tpu.memory_space<hbm>>
    %dma_wait3A_172 = tpu.memref_squeeze %dma_wait3A_171 : memref<1x1000xi32, #tpu.memory_space<hbm>> -> memref<1000xi32, #tpu.memory_space<hbm>>
    tpu.wait_dma2 semaphore(%arg34 : memref<!tpu.dma_semaphore, #tpu.memory_space<semaphore_mem>>) src(%dma_wait3A_172 : memref<1000xi32, #tpu.memory_space<hbm>>) dst(%arg8 : memref<1000xi32, #tpu.memory_space<vmem>>)
    %dma_wait3A_173 = arith.constant 0 : i32
    %dma_wait3A_174 = tpu.memref_slice %arg2[%dma_wait3A_173, %add3A_19] : memref<2x320000xi32, #tpu.memory_space<hbm>> -> memref<1x1000xi32, #tpu.memory_space<hbm>>
    %dma_wait3A_175 = tpu.memref_squeeze %dma_wait3A_174 : memref<1x1000xi32, #tpu.memory_space<hbm>> -> memref<1000xi32, #tpu.memory_space<hbm>>
    %dma_wait3A_176 = tpu.memref_slice %arg2[%dma_wait3A_173, %add3A_19] : memref<2x320000xi32, #tpu.memory_space<hbm>> -> memref<1x1000xi32, #tpu.memory_space<hbm>>
    %dma_wait3A_177 = tpu.memref_squeeze %dma_wait3A_176 : memref<1x1000xi32, #tpu.memory_space<hbm>> -> memref<1000xi32, #tpu.memory_space<hbm>>
    tpu.wait_dma2 semaphore(%arg34 : memref<!tpu.dma_semaphore, #tpu.memory_space<semaphore_mem>>) src(%dma_wait3A_177 : memref<1000xi32, #tpu.memory_space<hbm>>) dst(%arg9 : memref<1000xi32, #tpu.memory_space<vmem>>)
    %dma_wait3A_178 = arith.constant 0 : i32
    %dma_wait3A_179 = tpu.memref_slice %arg2[%dma_wait3A_178, %add3A_26] : memref<2x320000xi32, #tpu.memory_space<hbm>> -> memref<1x1000xi32, #tpu.memory_space<hbm>>
    %dma_wait3A_180 = tpu.memref_squeeze %dma_wait3A_179 : memref<1x1000xi32, #tpu.memory_space<hbm>> -> memref<1000xi32, #tpu.memory_space<hbm>>
    %dma_wait3A_181 = tpu.memref_slice %arg2[%dma_wait3A_178, %add3A_26] : memref<2x320000xi32, #tpu.memory_space<hbm>> -> memref<1x1000xi32, #tpu.memory_space<hbm>>
    %dma_wait3A_182 = tpu.memref_squeeze %dma_wait3A_181 : memref<1x1000xi32, #tpu.memory_space<hbm>> -> memref<1000xi32, #tpu.memory_space<hbm>>
    tpu.wait_dma2 semaphore(%arg34 : memref<!tpu.dma_semaphore, #tpu.memory_space<semaphore_mem>>) src(%dma_wait3A_182 : memref<1000xi32, #tpu.memory_space<hbm>>) dst(%arg10 : memref<1000xi32, #tpu.memory_space<vmem>>)
    %dma_wait3A_183 = arith.constant 0 : i32
    %dma_wait3A_184 = tpu.memref_slice %arg2[%dma_wait3A_183, %add3A_33] : memref<2x320000xi32, #tpu.memory_space<hbm>> -> memref<1x1000xi32, #tpu.memory_space<hbm>>
    %dma_wait3A_185 = tpu.memref_squeeze %dma_wait3A_184 : memref<1x1000xi32, #tpu.memory_space<hbm>> -> memref<1000xi32, #tpu.memory_space<hbm>>
    %dma_wait3A_186 = tpu.memref_slice %arg2[%dma_wait3A_183, %add3A_33] : memref<2x320000xi32, #tpu.memory_space<hbm>> -> memref<1x1000xi32, #tpu.memory_space<hbm>>
    %dma_wait3A_187 = tpu.memref_squeeze %dma_wait3A_186 : memref<1x1000xi32, #tpu.memory_space<hbm>> -> memref<1000xi32, #tpu.memory_space<hbm>>
    tpu.wait_dma2 semaphore(%arg34 : memref<!tpu.dma_semaphore, #tpu.memory_space<semaphore_mem>>) src(%dma_wait3A_187 : memref<1000xi32, #tpu.memory_space<hbm>>) dst(%arg11 : memref<1000xi32, #tpu.memory_space<vmem>>)
    %dma_wait3A_188 = arith.constant 0 : i32
    %dma_wait3A_189 = tpu.memref_slice %arg2[%dma_wait3A_188, %add3A_40] : memref<2x320000xi32, #tpu.memory_space<hbm>> -> memref<1x1000xi32, #tpu.memory_space<hbm>>
    %dma_wait3A_190 = tpu.memref_squeeze %dma_wait3A_189 : memref<1x1000xi32, #tpu.memory_space<hbm>> -> memref<1000xi32, #tpu.memory_space<hbm>>
    %dma_wait3A_191 = tpu.memref_slice %arg2[%dma_wait3A_188, %add3A_40] : memref<2x320000xi32, #tpu.memory_space<hbm>> -> memref<1x1000xi32, #tpu.memory_space<hbm>>
    %dma_wait3A_192 = tpu.memref_squeeze %dma_wait3A_191 : memref<1x1000xi32, #tpu.memory_space<hbm>> -> memref<1000xi32, #tpu.memory_space<hbm>>
    tpu.wait_dma2 semaphore(%arg34 : memref<!tpu.dma_semaphore, #tpu.memory_space<semaphore_mem>>) src(%dma_wait3A_192 : memref<1000xi32, #tpu.memory_space<hbm>>) dst(%arg12 : memref<1000xi32, #tpu.memory_space<vmem>>)
    %dma_wait3A_193 = arith.constant 0 : i32
    %dma_wait3A_194 = tpu.memref_slice %arg2[%dma_wait3A_193, %add3A_47] : memref<2x320000xi32, #tpu.memory_space<hbm>> -> memref<1x1000xi32, #tpu.memory_space<hbm>>
    %dma_wait3A_195 = tpu.memref_squeeze %dma_wait3A_194 : memref<1x1000xi32, #tpu.memory_space<hbm>> -> memref<1000xi32, #tpu.memory_space<hbm>>
    %dma_wait3A_196 = tpu.memref_slice %arg2[%dma_wait3A_193, %add3A_47] : memref<2x320000xi32, #tpu.memory_space<hbm>> -> memref<1x1000xi32, #tpu.memory_space<hbm>>
    %dma_wait3A_197 = tpu.memref_squeeze %dma_wait3A_196 : memref<1x1000xi32, #tpu.memory_space<hbm>> -> memref<1000xi32, #tpu.memory_space<hbm>>
    tpu.wait_dma2 semaphore(%arg34 : memref<!tpu.dma_semaphore, #tpu.memory_space<semaphore_mem>>) src(%dma_wait3A_197 : memref<1000xi32, #tpu.memory_space<hbm>>) dst(%arg13 : memref<1000xi32, #tpu.memory_space<vmem>>)
    %dma_wait3A_198 = arith.constant 0 : i32
    %dma_wait3A_199 = tpu.memref_slice %arg2[%dma_wait3A_198, %add3A_54] : memref<2x320000xi32, #tpu.memory_space<hbm>> -> memref<1x1000xi32, #tpu.memory_space<hbm>>
    %dma_wait3A_200 = tpu.memref_squeeze %dma_wait3A_199 : memref<1x1000xi32, #tpu.memory_space<hbm>> -> memref<1000xi32, #tpu.memory_space<hbm>>
    %dma_wait3A_201 = tpu.memref_slice %arg2[%dma_wait3A_198, %add3A_54] : memref<2x320000xi32, #tpu.memory_space<hbm>> -> memref<1x1000xi32, #tpu.memory_space<hbm>>
    %dma_wait3A_202 = tpu.memref_squeeze %dma_wait3A_201 : memref<1x1000xi32, #tpu.memory_space<hbm>> -> memref<1000xi32, #tpu.memory_space<hbm>>
    tpu.wait_dma2 semaphore(%arg34 : memref<!tpu.dma_semaphore, #tpu.memory_space<semaphore_mem>>) src(%dma_wait3A_202 : memref<1000xi32, #tpu.memory_space<hbm>>) dst(%arg14 : memref<1000xi32, #tpu.memory_space<vmem>>)
    %dma_wait3A_203 = arith.constant 0 : i32
    %dma_wait3A_204 = tpu.memref_slice %arg2[%dma_wait3A_203, %add3A_61] : memref<2x320000xi32, #tpu.memory_space<hbm>> -> memref<1x1000xi32, #tpu.memory_space<hbm>>
    %dma_wait3A_205 = tpu.memref_squeeze %dma_wait3A_204 : memref<1x1000xi32, #tpu.memory_space<hbm>> -> memref<1000xi32, #tpu.memory_space<hbm>>
    %dma_wait3A_206 = tpu.memref_slice %arg2[%dma_wait3A_203, %add3A_61] : memref<2x320000xi32, #tpu.memory_space<hbm>> -> memref<1x1000xi32, #tpu.memory_space<hbm>>
    %dma_wait3A_207 = tpu.memref_squeeze %dma_wait3A_206 : memref<1x1000xi32, #tpu.memory_space<hbm>> -> memref<1000xi32, #tpu.memory_space<hbm>>
    tpu.wait_dma2 semaphore(%arg34 : memref<!tpu.dma_semaphore, #tpu.memory_space<semaphore_mem>>) src(%dma_wait3A_207 : memref<1000xi32, #tpu.memory_space<hbm>>) dst(%arg15 : memref<1000xi32, #tpu.memory_space<vmem>>)
    %dma_wait3A_208 = arith.constant 0 : i32
    %dma_wait3A_209 = tpu.memref_slice %arg2[%dma_wait3A_208, %add3A_68] : memref<2x320000xi32, #tpu.memory_space<hbm>> -> memref<1x1000xi32, #tpu.memory_space<hbm>>
    %dma_wait3A_210 = tpu.memref_squeeze %dma_wait3A_209 : memref<1x1000xi32, #tpu.memory_space<hbm>> -> memref<1000xi32, #tpu.memory_space<hbm>>
    %dma_wait3A_211 = tpu.memref_slice %arg2[%dma_wait3A_208, %add3A_68] : memref<2x320000xi32, #tpu.memory_space<hbm>> -> memref<1x1000xi32, #tpu.memory_space<hbm>>
    %dma_wait3A_212 = tpu.memref_squeeze %dma_wait3A_211 : memref<1x1000xi32, #tpu.memory_space<hbm>> -> memref<1000xi32, #tpu.memory_space<hbm>>
    tpu.wait_dma2 semaphore(%arg34 : memref<!tpu.dma_semaphore, #tpu.memory_space<semaphore_mem>>) src(%dma_wait3A_212 : memref<1000xi32, #tpu.memory_space<hbm>>) dst(%arg16 : memref<1000xi32, #tpu.memory_space<vmem>>)
    %dma_wait3A_213 = arith.constant 1 : i32
    %dma_wait3A_214 = tpu.memref_slice %arg2[%dma_wait3A_213, %add3A_75] : memref<2x320000xi32, #tpu.memory_space<hbm>> -> memref<1x1000xi32, #tpu.memory_space<hbm>>
    %dma_wait3A_215 = tpu.memref_squeeze %dma_wait3A_214 : memref<1x1000xi32, #tpu.memory_space<hbm>> -> memref<1000xi32, #tpu.memory_space<hbm>>
    %dma_wait3A_216 = tpu.memref_slice %arg2[%dma_wait3A_213, %add3A_75] : memref<2x320000xi32, #tpu.memory_space<hbm>> -> memref<1x1000xi32, #tpu.memory_space<hbm>>
    %dma_wait3A_217 = tpu.memref_squeeze %dma_wait3A_216 : memref<1x1000xi32, #tpu.memory_space<hbm>> -> memref<1000xi32, #tpu.memory_space<hbm>>
    tpu.wait_dma2 semaphore(%arg35 : memref<!tpu.dma_semaphore, #tpu.memory_space<semaphore_mem>>) src(%dma_wait3A_217 : memref<1000xi32, #tpu.memory_space<hbm>>) dst(%arg17 : memref<1000xi32, #tpu.memory_space<vmem>>)
    %dma_wait3A_218 = arith.constant 1 : i32
    %dma_wait3A_219 = tpu.memref_slice %arg2[%dma_wait3A_218, %add3A_82] : memref<2x320000xi32, #tpu.memory_space<hbm>> -> memref<1x1000xi32, #tpu.memory_space<hbm>>
    %dma_wait3A_220 = tpu.memref_squeeze %dma_wait3A_219 : memref<1x1000xi32, #tpu.memory_space<hbm>> -> memref<1000xi32, #tpu.memory_space<hbm>>
    %dma_wait3A_221 = tpu.memref_slice %arg2[%dma_wait3A_218, %add3A_82] : memref<2x320000xi32, #tpu.memory_space<hbm>> -> memref<1x1000xi32, #tpu.memory_space<hbm>>
    %dma_wait3A_222 = tpu.memref_squeeze %dma_wait3A_221 : memref<1x1000xi32, #tpu.memory_space<hbm>> -> memref<1000xi32, #tpu.memory_space<hbm>>
    tpu.wait_dma2 semaphore(%arg35 : memref<!tpu.dma_semaphore, #tpu.memory_space<semaphore_mem>>) src(%dma_wait3A_222 : memref<1000xi32, #tpu.memory_space<hbm>>) dst(%arg18 : memref<1000xi32, #tpu.memory_space<vmem>>)
    %dma_wait3A_223 = arith.constant 1 : i32
    %dma_wait3A_224 = tpu.memref_slice %arg2[%dma_wait3A_223, %add3A_89] : memref<2x320000xi32, #tpu.memory_space<hbm>> -> memref<1x1000xi32, #tpu.memory_space<hbm>>
    %dma_wait3A_225 = tpu.memref_squeeze %dma_wait3A_224 : memref<1x1000xi32, #tpu.memory_space<hbm>> -> memref<1000xi32, #tpu.memory_space<hbm>>
    %dma_wait3A_226 = tpu.memref_slice %arg2[%dma_wait3A_223, %add3A_89] : memref<2x320000xi32, #tpu.memory_space<hbm>> -> memref<1x1000xi32, #tpu.memory_space<hbm>>
    %dma_wait3A_227 = tpu.memref_squeeze %dma_wait3A_226 : memref<1x1000xi32, #tpu.memory_space<hbm>> -> memref<1000xi32, #tpu.memory_space<hbm>>
    tpu.wait_dma2 semaphore(%arg35 : memref<!tpu.dma_semaphore, #tpu.memory_space<semaphore_mem>>) src(%dma_wait3A_227 : memref<1000xi32, #tpu.memory_space<hbm>>) dst(%arg19 : memref<1000xi32, #tpu.memory_space<vmem>>)
    %dma_wait3A_228 = arith.constant 1 : i32
    %dma_wait3A_229 = tpu.memref_slice %arg2[%dma_wait3A_228, %add3A_96] : memref<2x320000xi32, #tpu.memory_space<hbm>> -> memref<1x1000xi32, #tpu.memory_space<hbm>>
    %dma_wait3A_230 = tpu.memref_squeeze %dma_wait3A_229 : memref<1x1000xi32, #tpu.memory_space<hbm>> -> memref<1000xi32, #tpu.memory_space<hbm>>
    %dma_wait3A_231 = tpu.memref_slice %arg2[%dma_wait3A_228, %add3A_96] : memref<2x320000xi32, #tpu.memory_space<hbm>> -> memref<1x1000xi32, #tpu.memory_space<hbm>>
    %dma_wait3A_232 = tpu.memref_squeeze %dma_wait3A_231 : memref<1x1000xi32, #tpu.memory_space<hbm>> -> memref<1000xi32, #tpu.memory_space<hbm>>
    tpu.wait_dma2 semaphore(%arg35 : memref<!tpu.dma_semaphore, #tpu.memory_space<semaphore_mem>>) src(%dma_wait3A_232 : memref<1000xi32, #tpu.memory_space<hbm>>) dst(%arg20 : memref<1000xi32, #tpu.memory_space<vmem>>)
    %dma_wait3A_233 = arith.constant 1 : i32
    %dma_wait3A_234 = tpu.memref_slice %arg2[%dma_wait3A_233, %add3A_103] : memref<2x320000xi32, #tpu.memory_space<hbm>> -> memref<1x1000xi32, #tpu.memory_space<hbm>>
    %dma_wait3A_235 = tpu.memref_squeeze %dma_wait3A_234 : memref<1x1000xi32, #tpu.memory_space<hbm>> -> memref<1000xi32, #tpu.memory_space<hbm>>
    %dma_wait3A_236 = tpu.memref_slice %arg2[%dma_wait3A_233, %add3A_103] : memref<2x320000xi32, #tpu.memory_space<hbm>> -> memref<1x1000xi32, #tpu.memory_space<hbm>>
    %dma_wait3A_237 = tpu.memref_squeeze %dma_wait3A_236 : memref<1x1000xi32, #tpu.memory_space<hbm>> -> memref<1000xi32, #tpu.memory_space<hbm>>
    tpu.wait_dma2 semaphore(%arg35 : memref<!tpu.dma_semaphore, #tpu.memory_space<semaphore_mem>>) src(%dma_wait3A_237 : memref<1000xi32, #tpu.memory_space<hbm>>) dst(%arg21 : memref<1000xi32, #tpu.memory_space<vmem>>)
    %dma_wait3A_238 = arith.constant 1 : i32
    %dma_wait3A_239 = tpu.memref_slice %arg2[%dma_wait3A_238, %add3A_110] : memref<2x320000xi32, #tpu.memory_space<hbm>> -> memref<1x1000xi32, #tpu.memory_space<hbm>>
    %dma_wait3A_240 = tpu.memref_squeeze %dma_wait3A_239 : memref<1x1000xi32, #tpu.memory_space<hbm>> -> memref<1000xi32, #tpu.memory_space<hbm>>
    %dma_wait3A_241 = tpu.memref_slice %arg2[%dma_wait3A_238, %add3A_110] : memref<2x320000xi32, #tpu.memory_space<hbm>> -> memref<1x1000xi32, #tpu.memory_space<hbm>>
    %dma_wait3A_242 = tpu.memref_squeeze %dma_wait3A_241 : memref<1x1000xi32, #tpu.memory_space<hbm>> -> memref<1000xi32, #tpu.memory_space<hbm>>
    tpu.wait_dma2 semaphore(%arg35 : memref<!tpu.dma_semaphore, #tpu.memory_space<semaphore_mem>>) src(%dma_wait3A_242 : memref<1000xi32, #tpu.memory_space<hbm>>) dst(%arg22 : memref<1000xi32, #tpu.memory_space<vmem>>)
    %dma_wait3A_243 = arith.constant 1 : i32
    %dma_wait3A_244 = tpu.memref_slice %arg2[%dma_wait3A_243, %add3A_117] : memref<2x320000xi32, #tpu.memory_space<hbm>> -> memref<1x1000xi32, #tpu.memory_space<hbm>>
    %dma_wait3A_245 = tpu.memref_squeeze %dma_wait3A_244 : memref<1x1000xi32, #tpu.memory_space<hbm>> -> memref<1000xi32, #tpu.memory_space<hbm>>
    %dma_wait3A_246 = tpu.memref_slice %arg2[%dma_wait3A_243, %add3A_117] : memref<2x320000xi32, #tpu.memory_space<hbm>> -> memref<1x1000xi32, #tpu.memory_space<hbm>>
    %dma_wait3A_247 = tpu.memref_squeeze %dma_wait3A_246 : memref<1x1000xi32, #tpu.memory_space<hbm>> -> memref<1000xi32, #tpu.memory_space<hbm>>
    tpu.wait_dma2 semaphore(%arg35 : memref<!tpu.dma_semaphore, #tpu.memory_space<semaphore_mem>>) src(%dma_wait3A_247 : memref<1000xi32, #tpu.memory_space<hbm>>) dst(%arg23 : memref<1000xi32, #tpu.memory_space<vmem>>)
    %dma_wait3A_248 = arith.constant 1 : i32
    %dma_wait3A_249 = tpu.memref_slice %arg2[%dma_wait3A_248, %add3A_124] : memref<2x320000xi32, #tpu.memory_space<hbm>> -> memref<1x1000xi32, #tpu.memory_space<hbm>>
    %dma_wait3A_250 = tpu.memref_squeeze %dma_wait3A_249 : memref<1x1000xi32, #tpu.memory_space<hbm>> -> memref<1000xi32, #tpu.memory_space<hbm>>
    %dma_wait3A_251 = tpu.memref_slice %arg2[%dma_wait3A_248, %add3A_124] : memref<2x320000xi32, #tpu.memory_space<hbm>> -> memref<1x1000xi32, #tpu.memory_space<hbm>>
    %dma_wait3A_252 = tpu.memref_squeeze %dma_wait3A_251 : memref<1x1000xi32, #tpu.memory_space<hbm>> -> memref<1000xi32, #tpu.memory_space<hbm>>
    tpu.wait_dma2 semaphore(%arg35 : memref<!tpu.dma_semaphore, #tpu.memory_space<semaphore_mem>>) src(%dma_wait3A_252 : memref<1000xi32, #tpu.memory_space<hbm>>) dst(%arg24 : memref<1000xi32, #tpu.memory_space<vmem>>)
    %dma_wait3A_253 = arith.constant 1 : i32
    %dma_wait3A_254 = tpu.memref_slice %arg2[%dma_wait3A_253, %add3A_131] : memref<2x320000xi32, #tpu.memory_space<hbm>> -> memref<1x1000xi32, #tpu.memory_space<hbm>>
    %dma_wait3A_255 = tpu.memref_squeeze %dma_wait3A_254 : memref<1x1000xi32, #tpu.memory_space<hbm>> -> memref<1000xi32, #tpu.memory_space<hbm>>
    %dma_wait3A_256 = tpu.memref_slice %arg2[%dma_wait3A_253, %add3A_131] : memref<2x320000xi32, #tpu.memory_space<hbm>> -> memref<1x1000xi32, #tpu.memory_space<hbm>>
    %dma_wait3A_257 = tpu.memref_squeeze %dma_wait3A_256 : memref<1x1000xi32, #tpu.memory_space<hbm>> -> memref<1000xi32, #tpu.memory_space<hbm>>
    tpu.wait_dma2 semaphore(%arg35 : memref<!tpu.dma_semaphore, #tpu.memory_space<semaphore_mem>>) src(%dma_wait3A_257 : memref<1000xi32, #tpu.memory_space<hbm>>) dst(%arg25 : memref<1000xi32, #tpu.memory_space<vmem>>)
    %dma_wait3A_258 = arith.constant 1 : i32
    %dma_wait3A_259 = tpu.memref_slice %arg2[%dma_wait3A_258, %add3A_138] : memref<2x320000xi32, #tpu.memory_space<hbm>> -> memref<1x1000xi32, #tpu.memory_space<hbm>>
    %dma_wait3A_260 = tpu.memref_squeeze %dma_wait3A_259 : memref<1x1000xi32, #tpu.memory_space<hbm>> -> memref<1000xi32, #tpu.memory_space<hbm>>
    %dma_wait3A_261 = tpu.memref_slice %arg2[%dma_wait3A_258, %add3A_138] : memref<2x320000xi32, #tpu.memory_space<hbm>> -> memref<1x1000xi32, #tpu.memory_space<hbm>>
    %dma_wait3A_262 = tpu.memref_squeeze %dma_wait3A_261 : memref<1x1000xi32, #tpu.memory_space<hbm>> -> memref<1000xi32, #tpu.memory_space<hbm>>
    tpu.wait_dma2 semaphore(%arg35 : memref<!tpu.dma_semaphore, #tpu.memory_space<semaphore_mem>>) src(%dma_wait3A_262 : memref<1000xi32, #tpu.memory_space<hbm>>) dst(%arg26 : memref<1000xi32, #tpu.memory_space<vmem>>)
    %barrier3A = arith.constant 0 : index
    tpu.barrier barrier_id(%barrier3A)
    %dma_start3A_263 = arith.constant 0 : i32
    %dma_start3A_264 = arith.constant 0 : i32
    %dma_start3A_265 = tpu.memref_slice %arg32[%dma_start3A_263, %dma_start3A_264] : memref<10240x16xf32, #tpu.memory_space<vmem_shared>> -> memref<10240x16xf32, #tpu.memory_space<vmem_shared>>
    tpu.enqueue_indirect_dma source(%dma_start3A_265 : memref<10240x16xf32, #tpu.memory_space<vmem_shared>>) target(%arg27 : memref<1000x16xf32, #tpu.memory_space<vmem>>) offsets(%arg7 : memref<1000xi32, #tpu.memory_space<vmem>>) semaphore(%arg34 : memref<!tpu.dma_semaphore, #tpu.memory_space<semaphore_mem>>)
    %dma_wait3A_266 = arith.constant 0 : i32
    %dma_wait3A_267 = arith.constant 0 : i32
    %dma_wait3A_268 = tpu.memref_slice %arg32[%dma_wait3A_266, %dma_wait3A_267] : memref<10240x16xf32, #tpu.memory_space<vmem_shared>> -> memref<10240x16xf32, #tpu.memory_space<vmem_shared>>
    tpu.wait_indirect_dma semaphore(%arg34 : memref<!tpu.dma_semaphore, #tpu.memory_space<semaphore_mem>>) src(%dma_wait3A_268 : memref<10240x16xf32, #tpu.memory_space<vmem_shared>>) dst(%arg27 : memref<1000x16xf32, #tpu.memory_space<vmem>>)
    %dma_start3A_269 = arith.constant 0 : i32
    %dma_start3A_270 = arith.constant 0 : i32
    %dma_start3A_271 = tpu.memref_slice %arg33[%dma_start3A_269, %dma_start3A_270] : memref<10240x16xf32, #tpu.memory_space<vmem_shared>> -> memref<10240x16xf32, #tpu.memory_space<vmem_shared>>
    tpu.enqueue_indirect_dma source(%arg27 : memref<1000x16xf32, #tpu.memory_space<vmem>>) target(%dma_start3A_271 : memref<10240x16xf32, #tpu.memory_space<vmem_shared>>) offsets(%arg17 : memref<1000xi32, #tpu.memory_space<vmem>>) semaphore(%arg36 : memref<!tpu.dma_semaphore, #tpu.memory_space<semaphore_mem>>) {add = true}
    %dma_start3A_272 = arith.constant 0 : i32
    %dma_start3A_273 = arith.constant 0 : i32
    %dma_start3A_274 = tpu.memref_slice %arg32[%dma_start3A_272, %dma_start3A_273] : memref<10240x16xf32, #tpu.memory_space<vmem_shared>> -> memref<10240x16xf32, #tpu.memory_space<vmem_shared>>
    tpu.enqueue_indirect_dma source(%dma_start3A_274 : memref<10240x16xf32, #tpu.memory_space<vmem_shared>>) target(%arg28 : memref<1000x16xf32, #tpu.memory_space<vmem>>) offsets(%arg8 : memref<1000xi32, #tpu.memory_space<vmem>>) semaphore(%arg35 : memref<!tpu.dma_semaphore, #tpu.memory_space<semaphore_mem>>)
    %dma_wait3A_275 = arith.constant 0 : i32
    %dma_wait3A_276 = arith.constant 0 : i32
    %dma_wait3A_277 = tpu.memref_slice %arg32[%dma_wait3A_275, %dma_wait3A_276] : memref<10240x16xf32, #tpu.memory_space<vmem_shared>> -> memref<10240x16xf32, #tpu.memory_space<vmem_shared>>
    tpu.wait_indirect_dma semaphore(%arg35 : memref<!tpu.dma_semaphore, #tpu.memory_space<semaphore_mem>>) src(%dma_wait3A_277 : memref<10240x16xf32, #tpu.memory_space<vmem_shared>>) dst(%arg28 : memref<1000x16xf32, #tpu.memory_space<vmem>>)
    %dma_start3A_278 = arith.constant 0 : i32
    %dma_start3A_279 = arith.constant 0 : i32
    %dma_start3A_280 = tpu.memref_slice %arg33[%dma_start3A_278, %dma_start3A_279] : memref<10240x16xf32, #tpu.memory_space<vmem_shared>> -> memref<10240x16xf32, #tpu.memory_space<vmem_shared>>
    tpu.enqueue_indirect_dma source(%arg28 : memref<1000x16xf32, #tpu.memory_space<vmem>>) target(%dma_start3A_280 : memref<10240x16xf32, #tpu.memory_space<vmem_shared>>) offsets(%arg18 : memref<1000xi32, #tpu.memory_space<vmem>>) semaphore(%arg37 : memref<!tpu.dma_semaphore, #tpu.memory_space<semaphore_mem>>) {add = true}
    %dma_wait3A_281 = arith.constant 0 : i32
    %dma_wait3A_282 = arith.constant 0 : i32
    %dma_wait3A_283 = tpu.memref_slice %arg33[%dma_wait3A_281, %dma_wait3A_282] : memref<10240x16xf32, #tpu.memory_space<vmem_shared>> -> memref<10240x16xf32, #tpu.memory_space<vmem_shared>>
    tpu.wait_indirect_dma semaphore(%arg36 : memref<!tpu.dma_semaphore, #tpu.memory_space<semaphore_mem>>) src(%arg27 : memref<1000x16xf32, #tpu.memory_space<vmem>>) dst(%dma_wait3A_283 : memref<10240x16xf32, #tpu.memory_space<vmem_shared>>)
    %dma_start3A_284 = arith.constant 0 : i32
    %dma_start3A_285 = arith.constant 0 : i32
    %dma_start3A_286 = tpu.memref_slice %arg32[%dma_start3A_284, %dma_start3A_285] : memref<10240x16xf32, #tpu.memory_space<vmem_shared>> -> memref<10240x16xf32, #tpu.memory_space<vmem_shared>>
    tpu.enqueue_indirect_dma source(%dma_start3A_286 : memref<10240x16xf32, #tpu.memory_space<vmem_shared>>) target(%arg27 : memref<1000x16xf32, #tpu.memory_space<vmem>>) offsets(%arg9 : memref<1000xi32, #tpu.memory_space<vmem>>) semaphore(%arg34 : memref<!tpu.dma_semaphore, #tpu.memory_space<semaphore_mem>>)
    %dma_wait3A_287 = arith.constant 0 : i32
    %dma_wait3A_288 = arith.constant 0 : i32
    %dma_wait3A_289 = tpu.memref_slice %arg32[%dma_wait3A_287, %dma_wait3A_288] : memref<10240x16xf32, #tpu.memory_space<vmem_shared>> -> memref<10240x16xf32, #tpu.memory_space<vmem_shared>>
    tpu.wait_indirect_dma semaphore(%arg34 : memref<!tpu.dma_semaphore, #tpu.memory_space<semaphore_mem>>) src(%dma_wait3A_289 : memref<10240x16xf32, #tpu.memory_space<vmem_shared>>) dst(%arg27 : memref<1000x16xf32, #tpu.memory_space<vmem>>)
    %dma_start3A_290 = arith.constant 0 : i32
    %dma_start3A_291 = arith.constant 0 : i32
    %dma_start3A_292 = tpu.memref_slice %arg33[%dma_start3A_290, %dma_start3A_291] : memref<10240x16xf32, #tpu.memory_space<vmem_shared>> -> memref<10240x16xf32, #tpu.memory_space<vmem_shared>>
    tpu.enqueue_indirect_dma source(%arg27 : memref<1000x16xf32, #tpu.memory_space<vmem>>) target(%dma_start3A_292 : memref<10240x16xf32, #tpu.memory_space<vmem_shared>>) offsets(%arg19 : memref<1000xi32, #tpu.memory_space<vmem>>) semaphore(%arg36 : memref<!tpu.dma_semaphore, #tpu.memory_space<semaphore_mem>>) {add = true}
    %dma_wait3A_293 = arith.constant 0 : i32
    %dma_wait3A_294 = arith.constant 0 : i32
    %dma_wait3A_295 = tpu.memref_slice %arg33[%dma_wait3A_293, %dma_wait3A_294] : memref<10240x16xf32, #tpu.memory_space<vmem_shared>> -> memref<10240x16xf32, #tpu.memory_space<vmem_shared>>
    tpu.wait_indirect_dma semaphore(%arg37 : memref<!tpu.dma_semaphore, #tpu.memory_space<semaphore_mem>>) src(%arg28 : memref<1000x16xf32, #tpu.memory_space<vmem>>) dst(%dma_wait3A_295 : memref<10240x16xf32, #tpu.memory_space<vmem_shared>>)
    %dma_start3A_296 = arith.constant 0 : i32
    %dma_start3A_297 = arith.constant 0 : i32
    %dma_start3A_298 = tpu.memref_slice %arg32[%dma_start3A_296, %dma_start3A_297] : memref<10240x16xf32, #tpu.memory_space<vmem_shared>> -> memref<10240x16xf32, #tpu.memory_space<vmem_shared>>
    tpu.enqueue_indirect_dma source(%dma_start3A_298 : memref<10240x16xf32, #tpu.memory_space<vmem_shared>>) target(%arg28 : memref<1000x16xf32, #tpu.memory_space<vmem>>) offsets(%arg10 : memref<1000xi32, #tpu.memory_space<vmem>>) semaphore(%arg35 : memref<!tpu.dma_semaphore, #tpu.memory_space<semaphore_mem>>)
    %dma_wait3A_299 = arith.constant 0 : i32
    %dma_wait3A_300 = arith.constant 0 : i32
    %dma_wait3A_301 = tpu.memref_slice %arg32[%dma_wait3A_299, %dma_wait3A_300] : memref<10240x16xf32, #tpu.memory_space<vmem_shared>> -> memref<10240x16xf32, #tpu.memory_space<vmem_shared>>
    tpu.wait_indirect_dma semaphore(%arg35 : memref<!tpu.dma_semaphore, #tpu.memory_space<semaphore_mem>>) src(%dma_wait3A_301 : memref<10240x16xf32, #tpu.memory_space<vmem_shared>>) dst(%arg28 : memref<1000x16xf32, #tpu.memory_space<vmem>>)
    %dma_start3A_302 = arith.constant 0 : i32
    %dma_start3A_303 = arith.constant 0 : i32
    %dma_start3A_304 = tpu.memref_slice %arg33[%dma_start3A_302, %dma_start3A_303] : memref<10240x16xf32, #tpu.memory_space<vmem_shared>> -> memref<10240x16xf32, #tpu.memory_space<vmem_shared>>
    tpu.enqueue_indirect_dma source(%arg28 : memref<1000x16xf32, #tpu.memory_space<vmem>>) target(%dma_start3A_304 : memref<10240x16xf32, #tpu.memory_space<vmem_shared>>) offsets(%arg20 : memref<1000xi32, #tpu.memory_space<vmem>>) semaphore(%arg37 : memref<!tpu.dma_semaphore, #tpu.memory_space<semaphore_mem>>) {add = true}
    %dma_wait3A_305 = arith.constant 0 : i32
    %dma_wait3A_306 = arith.constant 0 : i32
    %dma_wait3A_307 = tpu.memref_slice %arg33[%dma_wait3A_305, %dma_wait3A_306] : memref<10240x16xf32, #tpu.memory_space<vmem_shared>> -> memref<10240x16xf32, #tpu.memory_space<vmem_shared>>
    tpu.wait_indirect_dma semaphore(%arg36 : memref<!tpu.dma_semaphore, #tpu.memory_space<semaphore_mem>>) src(%arg27 : memref<1000x16xf32, #tpu.memory_space<vmem>>) dst(%dma_wait3A_307 : memref<10240x16xf32, #tpu.memory_space<vmem_shared>>)
    %dma_start3A_308 = arith.constant 0 : i32
    %dma_start3A_309 = arith.constant 0 : i32
    %dma_start3A_310 = tpu.memref_slice %arg32[%dma_start3A_308, %dma_start3A_309] : memref<10240x16xf32, #tpu.memory_space<vmem_shared>> -> memref<10240x16xf32, #tpu.memory_space<vmem_shared>>
    tpu.enqueue_indirect_dma source(%dma_start3A_310 : memref<10240x16xf32, #tpu.memory_space<vmem_shared>>) target(%arg27 : memref<1000x16xf32, #tpu.memory_space<vmem>>) offsets(%arg11 : memref<1000xi32, #tpu.memory_space<vmem>>) semaphore(%arg34 : memref<!tpu.dma_semaphore, #tpu.memory_space<semaphore_mem>>)
    %dma_wait3A_311 = arith.constant 0 : i32
    %dma_wait3A_312 = arith.constant 0 : i32
    %dma_wait3A_313 = tpu.memref_slice %arg32[%dma_wait3A_311, %dma_wait3A_312] : memref<10240x16xf32, #tpu.memory_space<vmem_shared>> -> memref<10240x16xf32, #tpu.memory_space<vmem_shared>>
    tpu.wait_indirect_dma semaphore(%arg34 : memref<!tpu.dma_semaphore, #tpu.memory_space<semaphore_mem>>) src(%dma_wait3A_313 : memref<10240x16xf32, #tpu.memory_space<vmem_shared>>) dst(%arg27 : memref<1000x16xf32, #tpu.memory_space<vmem>>)
    %dma_start3A_314 = arith.constant 0 : i32
    %dma_start3A_315 = arith.constant 0 : i32
    %dma_start3A_316 = tpu.memref_slice %arg33[%dma_start3A_314, %dma_start3A_315] : memref<10240x16xf32, #tpu.memory_space<vmem_shared>> -> memref<10240x16xf32, #tpu.memory_space<vmem_shared>>
    tpu.enqueue_indirect_dma source(%arg27 : memref<1000x16xf32, #tpu.memory_space<vmem>>) target(%dma_start3A_316 : memref<10240x16xf32, #tpu.memory_space<vmem_shared>>) offsets(%arg21 : memref<1000xi32, #tpu.memory_space<vmem>>) semaphore(%arg36 : memref<!tpu.dma_semaphore, #tpu.memory_space<semaphore_mem>>) {add = true}
    %dma_wait3A_317 = arith.constant 0 : i32
    %dma_wait3A_318 = arith.constant 0 : i32
    %dma_wait3A_319 = tpu.memref_slice %arg33[%dma_wait3A_317, %dma_wait3A_318] : memref<10240x16xf32, #tpu.memory_space<vmem_shared>> -> memref<10240x16xf32, #tpu.memory_space<vmem_shared>>
    tpu.wait_indirect_dma semaphore(%arg37 : memref<!tpu.dma_semaphore, #tpu.memory_space<semaphore_mem>>) src(%arg28 : memref<1000x16xf32, #tpu.memory_space<vmem>>) dst(%dma_wait3A_319 : memref<10240x16xf32, #tpu.memory_space<vmem_shared>>)
    %dma_start3A_320 = arith.constant 0 : i32
    %dma_start3A_321 = arith.constant 0 : i32
    %dma_start3A_322 = tpu.memref_slice %arg32[%dma_start3A_320, %dma_start3A_321] : memref<10240x16xf32, #tpu.memory_space<vmem_shared>> -> memref<10240x16xf32, #tpu.memory_space<vmem_shared>>
    tpu.enqueue_indirect_dma source(%dma_start3A_322 : memref<10240x16xf32, #tpu.memory_space<vmem_shared>>) target(%arg28 : memref<1000x16xf32, #tpu.memory_space<vmem>>) offsets(%arg12 : memref<1000xi32, #tpu.memory_space<vmem>>) semaphore(%arg35 : memref<!tpu.dma_semaphore, #tpu.memory_space<semaphore_mem>>)
    %dma_wait3A_323 = arith.constant 0 : i32
    %dma_wait3A_324 = arith.constant 0 : i32
    %dma_wait3A_325 = tpu.memref_slice %arg32[%dma_wait3A_323, %dma_wait3A_324] : memref<10240x16xf32, #tpu.memory_space<vmem_shared>> -> memref<10240x16xf32, #tpu.memory_space<vmem_shared>>
    tpu.wait_indirect_dma semaphore(%arg35 : memref<!tpu.dma_semaphore, #tpu.memory_space<semaphore_mem>>) src(%dma_wait3A_325 : memref<10240x16xf32, #tpu.memory_space<vmem_shared>>) dst(%arg28 : memref<1000x16xf32, #tpu.memory_space<vmem>>)
    %dma_start3A_326 = arith.constant 0 : i32
    %dma_start3A_327 = arith.constant 0 : i32
    %dma_start3A_328 = tpu.memref_slice %arg33[%dma_start3A_326, %dma_start3A_327] : memref<10240x16xf32, #tpu.memory_space<vmem_shared>> -> memref<10240x16xf32, #tpu.memory_space<vmem_shared>>
    tpu.enqueue_indirect_dma source(%arg28 : memref<1000x16xf32, #tpu.memory_space<vmem>>) target(%dma_start3A_328 : memref<10240x16xf32, #tpu.memory_space<vmem_shared>>) offsets(%arg22 : memref<1000xi32, #tpu.memory_space<vmem>>) semaphore(%arg37 : memref<!tpu.dma_semaphore, #tpu.memory_space<semaphore_mem>>) {add = true}
    %dma_wait3A_329 = arith.constant 0 : i32
    %dma_wait3A_330 = arith.constant 0 : i32
    %dma_wait3A_331 = tpu.memref_slice %arg33[%dma_wait3A_329, %dma_wait3A_330] : memref<10240x16xf32, #tpu.memory_space<vmem_shared>> -> memref<10240x16xf32, #tpu.memory_space<vmem_shared>>
    tpu.wait_indirect_dma semaphore(%arg36 : memref<!tpu.dma_semaphore, #tpu.memory_space<semaphore_mem>>) src(%arg27 : memref<1000x16xf32, #tpu.memory_space<vmem>>) dst(%dma_wait3A_331 : memref<10240x16xf32, #tpu.memory_space<vmem_shared>>)
    %dma_start3A_332 = arith.constant 0 : i32
    %dma_start3A_333 = arith.constant 0 : i32
    %dma_start3A_334 = tpu.memref_slice %arg32[%dma_start3A_332, %dma_start3A_333] : memref<10240x16xf32, #tpu.memory_space<vmem_shared>> -> memref<10240x16xf32, #tpu.memory_space<vmem_shared>>
    tpu.enqueue_indirect_dma source(%dma_start3A_334 : memref<10240x16xf32, #tpu.memory_space<vmem_shared>>) target(%arg27 : memref<1000x16xf32, #tpu.memory_space<vmem>>) offsets(%arg13 : memref<1000xi32, #tpu.memory_space<vmem>>) semaphore(%arg34 : memref<!tpu.dma_semaphore, #tpu.memory_space<semaphore_mem>>)
    %dma_wait3A_335 = arith.constant 0 : i32
    %dma_wait3A_336 = arith.constant 0 : i32
    %dma_wait3A_337 = tpu.memref_slice %arg32[%dma_wait3A_335, %dma_wait3A_336] : memref<10240x16xf32, #tpu.memory_space<vmem_shared>> -> memref<10240x16xf32, #tpu.memory_space<vmem_shared>>
    tpu.wait_indirect_dma semaphore(%arg34 : memref<!tpu.dma_semaphore, #tpu.memory_space<semaphore_mem>>) src(%dma_wait3A_337 : memref<10240x16xf32, #tpu.memory_space<vmem_shared>>) dst(%arg27 : memref<1000x16xf32, #tpu.memory_space<vmem>>)
    %dma_start3A_338 = arith.constant 0 : i32
    %dma_start3A_339 = arith.constant 0 : i32
    %dma_start3A_340 = tpu.memref_slice %arg33[%dma_start3A_338, %dma_start3A_339] : memref<10240x16xf32, #tpu.memory_space<vmem_shared>> -> memref<10240x16xf32, #tpu.memory_space<vmem_shared>>
    tpu.enqueue_indirect_dma source(%arg27 : memref<1000x16xf32, #tpu.memory_space<vmem>>) target(%dma_start3A_340 : memref<10240x16xf32, #tpu.memory_space<vmem_shared>>) offsets(%arg23 : memref<1000xi32, #tpu.memory_space<vmem>>) semaphore(%arg36 : memref<!tpu.dma_semaphore, #tpu.memory_space<semaphore_mem>>) {add = true}
    %dma_wait3A_341 = arith.constant 0 : i32
    %dma_wait3A_342 = arith.constant 0 : i32
    %dma_wait3A_343 = tpu.memref_slice %arg33[%dma_wait3A_341, %dma_wait3A_342] : memref<10240x16xf32, #tpu.memory_space<vmem_shared>> -> memref<10240x16xf32, #tpu.memory_space<vmem_shared>>
    tpu.wait_indirect_dma semaphore(%arg37 : memref<!tpu.dma_semaphore, #tpu.memory_space<semaphore_mem>>) src(%arg28 : memref<1000x16xf32, #tpu.memory_space<vmem>>) dst(%dma_wait3A_343 : memref<10240x16xf32, #tpu.memory_space<vmem_shared>>)
    %dma_start3A_344 = arith.constant 0 : i32
    %dma_start3A_345 = arith.constant 0 : i32
    %dma_start3A_346 = tpu.memref_slice %arg32[%dma_start3A_344, %dma_start3A_345] : memref<10240x16xf32, #tpu.memory_space<vmem_shared>> -> memref<10240x16xf32, #tpu.memory_space<vmem_shared>>
    tpu.enqueue_indirect_dma source(%dma_start3A_346 : memref<10240x16xf32, #tpu.memory_space<vmem_shared>>) target(%arg28 : memref<1000x16xf32, #tpu.memory_space<vmem>>) offsets(%arg14 : memref<1000xi32, #tpu.memory_space<vmem>>) semaphore(%arg35 : memref<!tpu.dma_semaphore, #tpu.memory_space<semaphore_mem>>)
    %dma_wait3A_347 = arith.constant 0 : i32
    %dma_wait3A_348 = arith.constant 0 : i32
    %dma_wait3A_349 = tpu.memref_slice %arg32[%dma_wait3A_347, %dma_wait3A_348] : memref<10240x16xf32, #tpu.memory_space<vmem_shared>> -> memref<10240x16xf32, #tpu.memory_space<vmem_shared>>
    tpu.wait_indirect_dma semaphore(%arg35 : memref<!tpu.dma_semaphore, #tpu.memory_space<semaphore_mem>>) src(%dma_wait3A_349 : memref<10240x16xf32, #tpu.memory_space<vmem_shared>>) dst(%arg28 : memref<1000x16xf32, #tpu.memory_space<vmem>>)
    %dma_start3A_350 = arith.constant 0 : i32
    %dma_start3A_351 = arith.constant 0 : i32
    %dma_start3A_352 = tpu.memref_slice %arg33[%dma_start3A_350, %dma_start3A_351] : memref<10240x16xf32, #tpu.memory_space<vmem_shared>> -> memref<10240x16xf32, #tpu.memory_space<vmem_shared>>
    tpu.enqueue_indirect_dma source(%arg28 : memref<1000x16xf32, #tpu.memory_space<vmem>>) target(%dma_start3A_352 : memref<10240x16xf32, #tpu.memory_space<vmem_shared>>) offsets(%arg24 : memref<1000xi32, #tpu.memory_space<vmem>>) semaphore(%arg37 : memref<!tpu.dma_semaphore, #tpu.memory_space<semaphore_mem>>) {add = true}
    %dma_wait3A_353 = arith.constant 0 : i32
    %dma_wait3A_354 = arith.constant 0 : i32
    %dma_wait3A_355 = tpu.memref_slice %arg33[%dma_wait3A_353, %dma_wait3A_354] : memref<10240x16xf32, #tpu.memory_space<vmem_shared>> -> memref<10240x16xf32, #tpu.memory_space<vmem_shared>>
    tpu.wait_indirect_dma semaphore(%arg36 : memref<!tpu.dma_semaphore, #tpu.memory_space<semaphore_mem>>) src(%arg27 : memref<1000x16xf32, #tpu.memory_space<vmem>>) dst(%dma_wait3A_355 : memref<10240x16xf32, #tpu.memory_space<vmem_shared>>)
    %dma_start3A_356 = arith.constant 0 : i32
    %dma_start3A_357 = arith.constant 0 : i32
    %dma_start3A_358 = tpu.memref_slice %arg32[%dma_start3A_356, %dma_start3A_357] : memref<10240x16xf32, #tpu.memory_space<vmem_shared>> -> memref<10240x16xf32, #tpu.memory_space<vmem_shared>>
    tpu.enqueue_indirect_dma source(%dma_start3A_358 : memref<10240x16xf32, #tpu.memory_space<vmem_shared>>) target(%arg27 : memref<1000x16xf32, #tpu.memory_space<vmem>>) offsets(%arg15 : memref<1000xi32, #tpu.memory_space<vmem>>) semaphore(%arg34 : memref<!tpu.dma_semaphore, #tpu.memory_space<semaphore_mem>>)
    %dma_wait3A_359 = arith.constant 0 : i32
    %dma_wait3A_360 = arith.constant 0 : i32
    %dma_wait3A_361 = tpu.memref_slice %arg32[%dma_wait3A_359, %dma_wait3A_360] : memref<10240x16xf32, #tpu.memory_space<vmem_shared>> -> memref<10240x16xf32, #tpu.memory_space<vmem_shared>>
    tpu.wait_indirect_dma semaphore(%arg34 : memref<!tpu.dma_semaphore, #tpu.memory_space<semaphore_mem>>) src(%dma_wait3A_361 : memref<10240x16xf32, #tpu.memory_space<vmem_shared>>) dst(%arg27 : memref<1000x16xf32, #tpu.memory_space<vmem>>)
    %dma_start3A_362 = arith.constant 0 : i32
    %dma_start3A_363 = arith.constant 0 : i32
    %dma_start3A_364 = tpu.memref_slice %arg33[%dma_start3A_362, %dma_start3A_363] : memref<10240x16xf32, #tpu.memory_space<vmem_shared>> -> memref<10240x16xf32, #tpu.memory_space<vmem_shared>>
    tpu.enqueue_indirect_dma source(%arg27 : memref<1000x16xf32, #tpu.memory_space<vmem>>) target(%dma_start3A_364 : memref<10240x16xf32, #tpu.memory_space<vmem_shared>>) offsets(%arg25 : memref<1000xi32, #tpu.memory_space<vmem>>) semaphore(%arg36 : memref<!tpu.dma_semaphore, #tpu.memory_space<semaphore_mem>>) {add = true}
    %dma_wait3A_365 = arith.constant 0 : i32
    %dma_wait3A_366 = arith.constant 0 : i32
    %dma_wait3A_367 = tpu.memref_slice %arg33[%dma_wait3A_365, %dma_wait3A_366] : memref<10240x16xf32, #tpu.memory_space<vmem_shared>> -> memref<10240x16xf32, #tpu.memory_space<vmem_shared>>
    tpu.wait_indirect_dma semaphore(%arg37 : memref<!tpu.dma_semaphore, #tpu.memory_space<semaphore_mem>>) src(%arg28 : memref<1000x16xf32, #tpu.memory_space<vmem>>) dst(%dma_wait3A_367 : memref<10240x16xf32, #tpu.memory_space<vmem_shared>>)
    %dma_start3A_368 = arith.constant 0 : i32
    %dma_start3A_369 = arith.constant 0 : i32
    %dma_start3A_370 = tpu.memref_slice %arg32[%dma_start3A_368, %dma_start3A_369] : memref<10240x16xf32, #tpu.memory_space<vmem_shared>> -> memref<10240x16xf32, #tpu.memory_space<vmem_shared>>
    tpu.enqueue_indirect_dma source(%dma_start3A_370 : memref<10240x16xf32, #tpu.memory_space<vmem_shared>>) target(%arg28 : memref<1000x16xf32, #tpu.memory_space<vmem>>) offsets(%arg16 : memref<1000xi32, #tpu.memory_space<vmem>>) semaphore(%arg35 : memref<!tpu.dma_semaphore, #tpu.memory_space<semaphore_mem>>)
    %dma_wait3A_371 = arith.constant 0 : i32
    %dma_wait3A_372 = arith.constant 0 : i32
    %dma_wait3A_373 = tpu.memref_slice %arg32[%dma_wait3A_371, %dma_wait3A_372] : memref<10240x16xf32, #tpu.memory_space<vmem_shared>> -> memref<10240x16xf32, #tpu.memory_space<vmem_shared>>
    tpu.wait_indirect_dma semaphore(%arg35 : memref<!tpu.dma_semaphore, #tpu.memory_space<semaphore_mem>>) src(%dma_wait3A_373 : memref<10240x16xf32, #tpu.memory_space<vmem_shared>>) dst(%arg28 : memref<1000x16xf32, #tpu.memory_space<vmem>>)
    %dma_start3A_374 = arith.constant 0 : i32
    %dma_start3A_375 = arith.constant 0 : i32
    %dma_start3A_376 = tpu.memref_slice %arg33[%dma_start3A_374, %dma_start3A_375] : memref<10240x16xf32, #tpu.memory_space<vmem_shared>> -> memref<10240x16xf32, #tpu.memory_space<vmem_shared>>
    tpu.enqueue_indirect_dma source(%arg28 : memref<1000x16xf32, #tpu.memory_space<vmem>>) target(%dma_start3A_376 : memref<10240x16xf32, #tpu.memory_space<vmem_shared>>) offsets(%arg26 : memref<1000xi32, #tpu.memory_space<vmem>>) semaphore(%arg37 : memref<!tpu.dma_semaphore, #tpu.memory_space<semaphore_mem>>) {add = true}
    %dma_wait3A_377 = arith.constant 0 : i32
    %dma_wait3A_378 = arith.constant 0 : i32
    %dma_wait3A_379 = tpu.memref_slice %arg33[%dma_wait3A_377, %dma_wait3A_378] : memref<10240x16xf32, #tpu.memory_space<vmem_shared>> -> memref<10240x16xf32, #tpu.memory_space<vmem_shared>>
    tpu.wait_indirect_dma semaphore(%arg37 : memref<!tpu.dma_semaphore, #tpu.memory_space<semaphore_mem>>) src(%arg28 : memref<1000x16xf32, #tpu.memory_space<vmem>>) dst(%dma_wait3A_379 : memref<10240x16xf32, #tpu.memory_space<vmem_shared>>)
    %barrier3A_380 = arith.constant 0 : index
    tpu.barrier barrier_id(%barrier3A_380)
    %mul3A_381 = arith.constant 640 : i32
    %mul3A_382 = arith.muli %arg1, %mul3A_381 : i32
    "tpu.region"() ({
      %run_scoped3A = tpu.sem_alloc : memref<!tpu.dma_semaphore, #tpu.memory_space<semaphore_mem>>
      %dma_start3A_385 = arith.constant 0 : i32
      %dma_start3A_386 = tpu.memref_slice %arg33[%mul3A_382, %dma_start3A_385] : memref<10240x16xf32, #tpu.memory_space<vmem_shared>> -> memref<640x16xf32, #tpu.memory_space<vmem_shared>>
      %dma_start3A_387 = arith.constant 0 : i32
      %dma_start3A_388 = tpu.memref_slice %arg33[%mul3A_382, %dma_start3A_387] : memref<10240x16xf32, #tpu.memory_space<vmem_shared>> -> memref<640x16xf32, #tpu.memory_space<vmem_shared>>
      tpu.enqueue_dma source(%dma_start3A_388 : memref<640x16xf32, #tpu.memory_space<vmem_shared>>) target(%arg29 : memref<640x16xf32, #tpu.memory_space<vmem>>) target_semaphore(%run_scoped3A : memref<!tpu.dma_semaphore, #tpu.memory_space<semaphore_mem>>)
      %dma_wait3A_389 = arith.constant 0 : i32
      %dma_wait3A_390 = tpu.memref_slice %arg33[%mul3A_382, %dma_wait3A_389] : memref<10240x16xf32, #tpu.memory_space<vmem_shared>> -> memref<640x16xf32, #tpu.memory_space<vmem_shared>>
      %dma_wait3A_391 = arith.constant 0 : i32
      %dma_wait3A_392 = tpu.memref_slice %arg33[%mul3A_382, %dma_wait3A_391] : memref<10240x16xf32, #tpu.memory_space<vmem_shared>> -> memref<640x16xf32, #tpu.memory_space<vmem_shared>>
      tpu.wait_dma2 semaphore(%run_scoped3A : memref<!tpu.dma_semaphore, #tpu.memory_space<semaphore_mem>>) src(%dma_wait3A_392 : memref<640x16xf32, #tpu.memory_space<vmem_shared>>) dst(%arg29 : memref<640x16xf32, #tpu.memory_space<vmem>>)
      tpu.yield
    }) : () -> ()
    %mul3A_383 = arith.constant 640 : i32
    %mul3A_384 = arith.muli %arg1, %mul3A_383 : i32
    "tpu.region"() ({
      %run_scoped3A = tpu.sem_alloc : memref<!tpu.dma_semaphore, #tpu.memory_space<semaphore_mem>>
      %dma_start3A_385 = arith.constant 0 : i32
      %dma_start3A_386 = tpu.memref_slice %arg5[%arg0, %mul3A_384, %dma_start3A_385] : memref<2x10240x16xf32, #tpu.memory_space<hbm>> -> memref<1x640x16xf32, #tpu.memory_space<hbm>>
      %dma_start3A_387 = tpu.memref_squeeze %dma_start3A_386 : memref<1x640x16xf32, #tpu.memory_space<hbm>> -> memref<640x16xf32, #tpu.memory_space<hbm>>
      %dma_start3A_388 = arith.constant 0 : i32
      %dma_start3A_389 = tpu.memref_slice %arg5[%arg0, %mul3A_384, %dma_start3A_388] : memref<2x10240x16xf32, #tpu.memory_space<hbm>> -> memref<1x640x16xf32, #tpu.memory_space<hbm>>
      %dma_start3A_390 = tpu.memref_squeeze %dma_start3A_389 : memref<1x640x16xf32, #tpu.memory_space<hbm>> -> memref<640x16xf32, #tpu.memory_space<hbm>>
      tpu.enqueue_dma source(%arg29 : memref<640x16xf32, #tpu.memory_space<vmem>>) target(%dma_start3A_390 : memref<640x16xf32, #tpu.memory_space<hbm>>) target_semaphore(%run_scoped3A : memref<!tpu.dma_semaphore, #tpu.memory_space<semaphore_mem>>)
      %dma_wait3A_391 = arith.constant 0 : i32
      %dma_wait3A_392 = tpu.memref_slice %arg5[%arg0, %mul3A_384, %dma_wait3A_391] : memref<2x10240x16xf32, #tpu.memory_space<hbm>> -> memref<1x640x16xf32, #tpu.memory_space<hbm>>
      %dma_wait3A_393 = tpu.memref_squeeze %dma_wait3A_392 : memref<1x640x16xf32, #tpu.memory_space<hbm>> -> memref<640x16xf32, #tpu.memory_space<hbm>>
      %dma_wait3A_394 = arith.constant 0 : i32
      %dma_wait3A_395 = tpu.memref_slice %arg5[%arg0, %mul3A_384, %dma_wait3A_394] : memref<2x10240x16xf32, #tpu.memory_space<hbm>> -> memref<1x640x16xf32, #tpu.memory_space<hbm>>
      %dma_wait3A_396 = tpu.memref_squeeze %dma_wait3A_395 : memref<1x640x16xf32, #tpu.memory_space<hbm>> -> memref<640x16xf32, #tpu.memory_space<hbm>>
      tpu.wait_dma2 semaphore(%run_scoped3A : memref<!tpu.dma_semaphore, #tpu.memory_space<semaphore_mem>>) src(%arg29 : memref<640x16xf32, #tpu.memory_space<vmem>>) dst(%dma_wait3A_396 : memref<640x16xf32, #tpu.memory_space<hbm>>)
      tpu.yield
    }) : () -> ()
    return
  }
}

module attributes {stable_mosaic.version = 14 : i64} {
  func.func @_tc_mm_body(%arg0: i32, %arg1: memref<2000x128xf32, #tpu.memory_space<vmem>>, %arg2: memref<128x128xf32, #tpu.memory_space<vmem>>, %arg3: memref<128x16xf32, #tpu.memory_space<vmem>>, %arg4: memref<1x128xf32, #tpu.memory_space<vmem>>, %arg5: memref<2000x16xf32, #tpu.memory_space<vmem>>, %arg6: memref<1x16xf32, #tpu.memory_space<vmem>>) attributes {dimension_semantics = [#tpu.dimension_semantics<arbitrary>], iteration_bounds = array<i64: 5>, scalar_prefetch = 0 : i64, scratch_operands = 0 : i64, tpu.core_type = #tpu.core_type<tc>, window_params = [{transform_indices = @transform_0, window_bounds = array<i64: 2000, 128>}, {pipeline_mode = #tpu.pipeline_mode<synchronous>, transform_indices = @transform_1, window_bounds = array<i64: 128, 128>}, {pipeline_mode = #tpu.pipeline_mode<synchronous>, transform_indices = @transform_2, window_bounds = array<i64: 128, 16>}, {pipeline_mode = #tpu.pipeline_mode<synchronous>, transform_indices = @transform_3, window_bounds = array<i64: 1, 128>}, {transform_indices = @transform_4, window_bounds = array<i64: 2000, 16>}, {pipeline_mode = #tpu.pipeline_mode<synchronous>, transform_indices = @transform_5, window_bounds = array<i64: 1, 16>}]} {
    %get3A = arith.constant 0 : index
    %get3A_0 = arith.constant 0 : index
    %get3A_1 = vector.load %arg2[%get3A, %get3A_0] : memref<128x128xf32, #tpu.memory_space<vmem>>, vector<128x128xf32>
    %get3A_2 = arith.constant 0 : index
    %get3A_3 = arith.constant 0 : index
    %get3A_4 = vector.load %arg3[%get3A_2, %get3A_3] : memref<128x16xf32, #tpu.memory_space<vmem>>, vector<128x16xf32>
    %dot_general3A = arith.constant dense<0.000000e+00> : vector<128x16xf32>
    %dot_general3A_5 = tpu.matmul %get3A_1, %get3A_4, %dot_general3A {dimension_numbers = #tpu.dot_dimension_numbers<[1], [0], [0], [1], [0, 0, 1, 1], [], []>, transpose_lhs_hint = false} : vector<128x128xf32>, vector<128x16xf32>, vector<128x16xf32> -> vector<128x16xf32>
    %get3A_6 = arith.constant 0 : index
    %get3A_7 = arith.constant 0 : index
    %get3A_8 = vector.load %arg1[%get3A_6, %get3A_7] : memref<2000x128xf32, #tpu.memory_space<vmem>>, vector<2000x128xf32>
    %dot_general3A_9 = arith.constant dense<0.000000e+00> : vector<2000x16xf32>
    %dot_general3A_10 = tpu.matmul %get3A_8, %dot_general3A_5, %dot_general3A_9 {dimension_numbers = #tpu.dot_dimension_numbers<[1], [0], [0], [1], [0, 0, 1, 1], [], []>, transpose_lhs_hint = false} : vector<2000x128xf32>, vector<128x16xf32>, vector<2000x16xf32> -> vector<2000x16xf32>
    %swap3A = arith.constant 0 : index
    %swap3A_11 = arith.constant 0 : index
    %swap3A_12 = vector.load %arg5[%swap3A, %swap3A_11] : memref<2000x16xf32, #tpu.memory_space<vmem>>, vector<2000x16xf32>
    tpu.vector_store %arg5[%swap3A, %swap3A_11], %dot_general3A_10 {strides = array<i32>} : memref<2000x16xf32, #tpu.memory_space<vmem>>, vector<2000x16xf32>,
    %get3A_13 = arith.constant 0 : index
    %get3A_14 = arith.constant 0 : index
    %get3A_15 = vector.load %arg4[%get3A_13, %get3A_14] : memref<1x128xf32, #tpu.memory_space<vmem>>, vector<1x128xf32>
    %get3A_16 = arith.constant 0 : index
    %get3A_17 = arith.constant 0 : index
    %get3A_18 = vector.load %arg3[%get3A_16, %get3A_17] : memref<128x16xf32, #tpu.memory_space<vmem>>, vector<128x16xf32>
    %dot_general3A_19 = arith.constant dense<0.000000e+00> : vector<1x16xf32>
    %dot_general3A_20 = tpu.matmul %get3A_15, %get3A_18, %dot_general3A_19 {dimension_numbers = #tpu.dot_dimension_numbers<[1], [0], [0], [1], [0, 0, 1, 1], [], []>, transpose_lhs_hint = false} : vector<1x128xf32>, vector<128x16xf32>, vector<1x16xf32> -> vector<1x16xf32>
    %swap3A_21 = arith.constant 0 : index
    %swap3A_22 = arith.constant 0 : index
    %swap3A_23 = vector.load %arg6[%swap3A_21, %swap3A_22] : memref<1x16xf32, #tpu.memory_space<vmem>>, vector<1x16xf32>
    tpu.vector_store %arg6[%swap3A_21, %swap3A_22], %dot_general3A_20 {strides = array<i32>} : memref<1x16xf32, #tpu.memory_space<vmem>>, vector<1x16xf32>,
    return
  }
  func.func @transform_0(%arg0: i32) -> (i32, i32) {
    %c0_i32 = arith.constant 0 : i32
    %c0_i32_0 = arith.constant 0 : i32
    return %arg0, %c0_i32 : i32, i32
  }
  func.func @transform_1(%arg0: i32) -> (i32, i32) {
    %c0_i32 = arith.constant 0 : i32
    %c0_i32_0 = arith.constant 0 : i32
    %c0_i32_1 = arith.constant 0 : i32
    return %c0_i32, %c0_i32_0 : i32, i32
  }
  func.func @transform_2(%arg0: i32) -> (i32, i32) {
    %c0_i32 = arith.constant 0 : i32
    %c0_i32_0 = arith.constant 0 : i32
    %c0_i32_1 = arith.constant 0 : i32
    return %c0_i32, %c0_i32_0 : i32, i32
  }
  func.func @transform_3(%arg0: i32) -> (i32, i32) {
    %c0_i32 = arith.constant 0 : i32
    %c0_i32_0 = arith.constant 0 : i32
    %c0_i32_1 = arith.constant 0 : i32
    return %c0_i32, %c0_i32_0 : i32, i32
  }
  func.func @transform_4(%arg0: i32) -> (i32, i32) {
    %c0_i32 = arith.constant 0 : i32
    %c0_i32_0 = arith.constant 0 : i32
    return %arg0, %c0_i32 : i32, i32
  }
  func.func @transform_5(%arg0: i32) -> (i32, i32) {
    %c0_i32 = arith.constant 0 : i32
    %c0_i32_0 = arith.constant 0 : i32
    %c0_i32_1 = arith.constant 0 : i32
    return %c0_i32, %c0_i32_0 : i32, i32
  }
}

</mosaic_0001>

<sc_bundles>
// kernel: kernel.10.cloned.1.call-start
scs
__scs_entry_jumppad:
0x0: {  	(pc) =	sbr.rel $0x88, $3  }
0x1: {  	(tag) =	ssettag $0x0;
	lr =	simm.s32 $0x1  }
0x2: {  	[smem:$0x3F9B] =	sst lr;
	_ =	strace $0xD0000000  }
0x3: {  	_ = 	snop  }
0x4: {  	_ = 	snop  }
0x5: {  	_ = 	snop  }
0x6: {  	_ = 	snop  }
0x7: {  	_ = 	snop  }
__scs_overlays_trampoline_lowered:
0x8: {  	[smem:$0x3FAA] =	sst s0  }
0x9: {  	[smem:$0x3FAB] =	sst s1  }
0xa: {  	[smem:$0x3FAC] =	sst s2  }
0xb: {  	[smem:$0x3FAD] =	sst s3  }
0xc: {  	[smem:$0x3FAE] =	sst s4  }
0xd: {  	[smem:$0x3FAF] =	sst s5  }
0xe: {  	[smem:$0x3FB0] =	sst s6  }
0xf: {  	[smem:$0x3FB1] =	sst s7  }
0x10: {  	[smem:$0x3FB2] =	sst s8  }
0x11: {  	[smem:$0x3FB3] =	sst s9;
	s0 =	simm.s32 @!p0 $0x0  }
0x12: {  	s1 =	sld [smem:$0x3F99];
	s0 =	simm.s32 @p0 $0x1  }
0x13: {  	[smem:$0x3FB4] =	sst s0;
	s0 =	simm.s32 @!p1 $0x0  }
0x14: {  	s2 =	sld [smem:$0x3F98];
	s0 =	simm.s32 @p1 $0x1  }
0x15: {  	[smem:$0x3FB5] =	sst s0;
	s0 =	simm.s32 @!p2 $0x0  }
0x16: {  	s3 =	sld [smem:$0x3FDB];
	s0 =	simm.s32 @p2 $0x1  }
0x17: {  	s4 =	simm.s32 $0x1BF5;
	[smem:$0x3FB7] =	sst s0  }
0x18: {  	s0 =	sld [smem:$0x3F9A];
	_ =	swait.ge [sflag:s4], $0x0  }
0x19: {  	s7 =	sld [smem:$0x3F9B]  }
0x1a: {  	s8 =	sadd.s32 $0xFFFFE003, lr  }
0x1b: {  	s9 =	sadd.s32 $0xFFFFFEF7, lr;
	s5 =	simm.s32 $0xFFFFFFFF;
	p2 =	slt.u32 s8, $0xFFFFF086  }
0x1c: {  	p1 =	slt.u32 s9, $0xF7A;
	s5 =	simm.s32 @!p2 $0x0  }
0x1d: {  	s5 =	simm.s32 @p1 $0x1;
	p0 =	seq.s32 s7, s2  }
0x1e: {  	s7 =	smul.u32 @!p0 $0xF7A, s2;
	p2 =	seq.s32 @!p0 s5, $0x0  }
0x1f: {  	s9 =	smul.u32 $0xF7A, s1;
	s8 =	simm.s32 @!p0 $0x1BF5;
	p2 =	por !p2, p0  }
0x20: {  	[sflag:s8] =	ssyncset.s32 @!p0 $0xFFFFF086;
	s6 =	sadd.s32 @!p0 s3, s7;
	s7 =	simm.s32 @!p0 $0x108  }
0x21: {  	s3 =	sadd.s32 s3, s9;
	s6 =	sadd.s32 @!p0 $0x88, s6;
	s7 =	simm.s32 @p2 $0x1082  }
0x22: {  	[simem:s7], [sflag:s8] =	dma.local @!p0 [hbm:s6], $0xF7A  }
0x23: {  	s9 =	sor.u32 $0xD0000000, s2;
	s6 =	simm.s32 $0x108;
	_ =	swait.ge @!p0 [sflag:s8], $0x0  }
0x24: {  	s3 =	sadd.s32 $0x88, s3;
	s6 =	simm.s32 @!p1 $0x1082;
	[sflag:s4] =	ssyncset.s32 $0xFFFFF086  }
0x25: {  	[simem:s6], [sflag:s4] =	dma.local [hbm:s3], $0xF7A  }
0x26: {  	[smem:$0x3F9B] =	sst s1;
	(tag) =	ssettag s2;
	_ =	strace s9  }
0x27: {  	s1 =	sld [smem:$0x3FAB]  }
0x28: {  	s2 =	sld [smem:$0x3FAC]  }
0x29: {  	s4 =	sld [smem:$0x3FAE]  }
0x2a: {  	p0 =	seq.s32 s5, $0x0;
	s5 =	sld [smem:$0x3FAF]  }
0x2b: {  	s6 =	sld [smem:$0x3FB0]  }
0x2c: {  	s7 =	sld [smem:$0x3FB1]  }
0x2d: {  	s3 =	simm.s32 $0x108;
	s8 =	sld [smem:$0x3FB2]  }
0x2e: {  	s3 =	simm.s32 @!p0 $0x1082;
	s9 =	sld [smem:$0x3FB3]  }
0x2f: {  	lr =	sadd.s32 s0, s3;
	s0 =	sld [smem:$0x3FAA]  }
0x30: {  	s3 =	sld [smem:$0x3FAD]  }
0x31: {  	[smem:$0x3FB6] =	sst s10  }
0x32: {  	s10 =	sld [smem:$0x3FB4];
	_ =	sdelay $0x3  }
0x33: {  	p0 =	seq.s32 s10, $0x1;
	s10 =	sld [smem:$0x3FB6];
	_ =	sdelay $0x3  }
0x34: {  	[smem:$0x3FB6] =	sst s10  }
0x35: {  	s10 =	sld [smem:$0x3FB5];
	_ =	sdelay $0x3  }
0x36: {  	p1 =	seq.s32 s10, $0x1;
	s10 =	sld [smem:$0x3FB6];
	_ =	sdelay $0x3  }
0x37: {  	[smem:$0x3FB6] =	sst s10  }
0x38: {  	s10 =	sld [smem:$0x3FB7]  }
0x39: {  	_ = 	snop;
	(pc) =	sbr.ind lr, $3  }
0x3a: {  	_ = 	snop  }
0x3b: {  	_ = 	snop  }
0x3c: {  	p2 =	seq.s32 s10, $0x1;
	s10 =	sld [smem:$0x3FB6]  }
0x3d: {  	_ =	shalt  }
0x3e: {  	_ =	shalt  }
0x3f: {  	_ =	shalt  }
0x40: {  	_ =	shalt  }
0x41: {  	_ =	shalt  }
0x42: {  	_ =	shalt  }
0x43: {  	_ =	shalt  }
0x44: {  	_ =	shalt  }
0x45: {  	_ =	shalt  }
0x46: {  	_ =	shalt  }
0x47: {  	_ =	shalt  }
0x48: {  	_ =	shalt  }
0x49: {  	_ =	shalt  }
0x4a: {  	_ =	shalt  }
0x4b: {  	_ =	shalt  }
0x4c: {  	_ =	shalt  }
0x4d: {  	_ =	shalt  }
0x4e: {  	_ =	shalt  }
0x4f: {  	_ =	shalt  }
0x50: {  	_ =	shalt  }
0x51: {  	_ =	shalt  }
0x52: {  	_ =	shalt  }
0x53: {  	_ =	shalt  }
0x54: {  	_ =	shalt  }
0x55: {  	_ =	shalt  }
0x56: {  	_ =	shalt  }
0x57: {  	_ =	shalt  }
0x58: {  	_ =	shalt  }
0x59: {  	_ =	shalt  }
0x5a: {  	_ =	shalt  }
0x5b: {  	_ =	shalt  }
0x5c: {  	_ =	shalt  }
0x5d: {  	_ =	shalt  }
0x5e: {  	_ =	shalt  }
0x5f: {  	_ =	shalt  }
0x60: {  	_ =	shalt  }
0x61: {  	_ =	shalt  }
0x62: {  	_ =	shalt  }
0x63: {  	_ =	shalt  }
0x64: {  	_ =	shalt  }
0x65: {  	_ =	shalt  }
0x66: {  	_ =	shalt  }
0x67: {  	_ =	shalt  }
0x68: {  	_ =	shalt  }
0x69: {  	_ =	shalt  }
0x6a: {  	_ =	shalt  }
0x6b: {  	_ =	shalt  }
0x6c: {  	_ =	shalt  }
0x6d: {  	_ =	shalt  }
0x6e: {  	_ =	shalt  }
0x6f: {  	_ =	shalt  }
0x70: {  	_ =	shalt  }
0x71: {  	_ =	shalt  }
0x72: {  	_ =	shalt  }
0x73: {  	_ =	shalt  }
0x74: {  	_ =	shalt  }
0x75: {  	_ =	shalt  }
0x76: {  	_ =	shalt  }
0x77: {  	_ =	shalt  }
0x78: {  	_ =	shalt  }
0x79: {  	_ =	shalt  }
0x7a: {  	_ =	shalt  }
0x7b: {  	_ =	shalt  }
0x7c: {  	_ =	shalt  }
0x7d: {  	_ =	shalt  }
0x7e: {  	_ =	shalt  }
0x7f: {  	_ =	shalt  }
0x80: {  	_ =	shalt  }
0x81: {  	_ =	shalt  }
0x82: {  	_ =	shalt  }
0x83: {  	_ =	shalt  }
0x84: {  	_ =	shalt  }
0x85: {  	_ =	shalt  }
0x86: {  	_ =	shalt  }
0x87: {  	_ =	shalt  }
.Lfunc_end0:
.L_simem_size_0:
called_computation.1_lowered:
.L_overlay_start_0:
0x88: {  	s2 =	sld [smem:$0x3FD9]  }
0x89: {  	s3 =	sld [smem:$0x3FFE];
	_ =	sdelay $0x1  }
0x8a: {  	s1 =	srdreg.scid  }
0x8b: {  	s0 =	sand.u32 $0x1, s1  }
0x8c: {  	s17 =	sshll.u32 s0, $0xA;
	s2 =	sadd.s32 s3, s2  }
0x8d: {  	s2 =	sadd.s32 s2, s17  }
0x8e: {  	[smem:$0x3FC2] =	sst s2  }
0x8f: {  	_ = 	snop  }
0x90: {  	s2 =	sld [smem:$0x3FD0];
	(tm) =	ssettm $0x1  }
0x91: {  	s18 =	sld [smem:$0x3FFB];
	_ =	sdelay $0x3  }
0x92: {  	_ =	strace s18  }
0x93: {  	s3 =	sld [smem:$0x3FFC];
	_ =	sdelay $0x3  }
0x94: {  	_ =	strace s3  }
0x95: {  	s3 =	sld [smem:$0x3FFD];
	_ =	sdelay $0x3  }
0x96: {  	_ =	strace s3  }
0x97: {  	_ =	strace $0x8FFFFFFF  }
0x98: {  	s19 =	sld [smem:$0x3FDB];
	_ =	sdelay $0x1  }
0x99: {  	s4 =	simm.s32 $_scs_section_size  }
0x9a: {  	s5 =	simm.s32 $_size__tile_overlayer_lowered;
	s6 =	simm.s32 $_tile_overlayer_lowered  }
0x9b: {  	s22 =	simm.s32 $0x1BFF;
	s21 =	sshll.u32 s6, $0x1;
	s3 =	sadd.s32 s4, s19  }
0x9c: {  	s7 =	simm.s32 $0x0;
	s20 =	sshll.u32 s5, $0x1;
	s5 =	sadd.s32 s21, s3  }
0x9d: {  	[timem:s7], [sflag:s22] =	dma.local [hbm:s5], s20  }
0x9e: {  	_ =	swait.ge [sflag:s22], s20  }
0x9f: {  	s4 =	ssub.s32 $0x0, s20;
	[sflag:s22] =	ssyncset.done $0x0  }
0xa0: {  	[sflag:s22] =	ssyncadd.s32 s4;
	_ =	sdelay $0x1  }
0xa1: {  	s23 =	simm.s32 $0x1B8B  }
0xa2: {  	_ =	swait.ge [sflag:s23], $0x1  }
0xa3: {  	[sflag:s23] =	ssyncset.done $0x0  }
0xa4: {  	s25 =	simm.s32 $0x1B8E;
	s24 =	sld [smem:$0x3FFE];
	[sflag:s23] =	ssyncadd.s32 $0xFFFFFFFF  }
0xa5: {  	s26 =	simm.s32 $execute0_lowered;
	[smem:$0x3FD2] =	sst s25  }
0xa6: {  	s5 =	sshll.u32 s26, $0x1;
	_ =	strace $0x80000049;
	[dreg:$0x1] =	wrdreg $0xFFFFFFFF  }
0xa7: {  	s28 =	simm.s32 $_size_execute0_lowered;
	s3 =	sadd.s32 s3, s5;
	[dreg:$0x0] =	wrdreg $0x0  }
0xa8: {  	s5 =	sshll.u32 s28, $0x1;
	[dreg:$0x2] =	wrdreg s3  }
0xa9: {  	[dreg:$0x3] =	wrdreg s5  }
0xaa: {  	[dreg:$0x4] =	wrdreg $0xC0  }
0xab: {  	_ =	task [dreg:s7], $0x5FFFF  }
0xac: {  	[dreg:$0x1] =	wrdreg $0xFFFFFFFF  }
0xad: {  	[dreg:$0x0] =	wrdreg $0x60  }
0xae: {  	[dreg:$0x2] =	wrdreg s24  }
0xaf: {  	[dreg:$0x3] =	wrdreg s2  }
0xb0: {  	[dreg:$0x4] =	wrdreg $0x120200  }
0xb1: {  	[dreg:$0x5] =	wrdreg $0x148200  }
0xb2: {  	[dreg:$0x6] =	wrdreg $0x9  }
0xb3: {  	_ =	task.clear_ibuf [dreg:s7], $0x7FFFF;
	_ =	strace $0x90000049  }
0xb4: {  	s29 =	simm.s32 $0x9;
	_ =	strace $0x8000004B  }
0xb5: {  	_ =	swait.ge [sflag:s29], $0x1  }
0xb6: {  	[sflag:s29] =	ssyncadd.s32 $0xFFFFFFFF  }
0xb7: {  	_ =	strace $0x9000004B  }
0xb8: {  	_ =	sfence  }
0xb9: {  	s30 =	sld [smem:$0x0];
	_ =	sdelay $0x2  }
0xba: {  	s31 =	sshll.u32 s1, $0xD;
	s1 =	sshrl.u32 s1, $0x2  }
0xbb: {  	s3 =	sand.u32 $0x4000, s31;
	s1 =	sadd.s32 s1, s30  }
0xbc: {  	s0 =	sor.u32 s3, s0;
	s1 =	sshll.u32 s1, $0x11  }
0xbd: {  	s0 =	sor.u32 s1, s0  }
0xbe: {  	s0 =	sadd.s32 $0x8F2B, s0  }
0xbf: {  	[sflag:s0] =	ssyncadd.remote.s32 $0x1  }
0xc0: {  	_ =	sfence.sel $0xFFFF  }
0xc1: {  	[dreg:$0x0] =	wrdreg $0xFFFFFFFF;
	(pc) =	sbr.abs _section_cstart, $3  }
0xc2: {  	[dreg:$0x1] =	wrdreg $0xFFFFFFFF  }
0xc3: {  	_ =	task.clear_ibuf [dreg:s7], $0x2FFFF;
	_ =	strace $0x9FFFFFFF  }
0xc4: {  	(tm) =	ssettm $0x7FFFFFFF  }
0xc5: {  	_ =	shalt  }
tec
execute0_lowered:
.L_overlay_start_1:
0x0: {  	(tag) =	ssettag $0x1  }
0x1: {  	s1 =	rddreg [dreg:$0x0]  }
0x2: {  	s0 =	rddreg [dreg:$0x1]  }
0x3: {  	s2 =	rddreg [dreg:$0x2]  }
0x4: {  	s3 =	rddreg [dreg:$0x3]  }
0x5: {  	s11 =	stileid.u32;
	s5 =	srdreg.scid  }
0x6: {  	s4 =	simm.s32 $0x0;
	s31 =	simm.s32 $0x2FD0;
	s30 =	simm.s32 $0x0  }
0x7: {  	s29 =	simm.s32 $0xB4A0;
	s6 =	smul.u32 $0x2800, s11;
	s5 =	sand.u32 $0x1, s5  }
0x8: {  	[smem:$0x7FF] =	sst s4;
	s8 =	sadd.s32 $0x2600, s1;
	s7 =	smul.u32 $0x28000, s5  }
0x9: {  	_ =	strace $0x8000004A;
	s9 =	sshll.u32 s5, $0x4;
	s5 =	ssub.s32 $0x2, s5  }
0xa: {  	s10 =	sshrl.u32 s6, $0x3;
	s9 =	sor.u32 s11, s9;
	s7 =	sadd.s32 s6, s7  }
0xb: {  	s26 =	sshrl.u32 s5, $0x1;
	s9 =	smul.u32 $0x2710, s9;
	s7 =	sshrl.u32 s7, $0x3  }
0xc: {  	s11 =	smul.u32 $0x280, s11;
	s10 =	sadd.s32 s10, s1;
	s1 =	sadd.s32 s7, s1  }
0xd: {  	s7 =	ssub.s32 s5, s26;
	s28 =	sadd.s32 $0x3E8, s9;
	s12 =	sshrl.u32 s9, $0x3  }
0xe: {  	s14 =	sadd.s32 $0xBB8, s9;
	s16 =	sadd.s32 $0x1388, s9;
	s18 =	sadd.s32 $0x1B58, s9  }
0xf: {  	s21 =	sadd.s32 $0x2328, s9;
	s22 =	sadd.s32 $0x4E5E8, s9;
	s23 =	sadd.s32 $0x4EDB8, s9  }
0x10: {  	s26 =	sadd.s32 $0x4F588, s9;
	s13 =	sshrl.u32 s28, $0x3;
	s5 =	sadd.s32 s8, s12  }
0x11: {  	s14 =	sshrl.u32 s14, $0x3;
	s20 =	sshrl.u32 s18, $0x3;
	s18 =	sadd.s32 s6, s2  }
0x12: {  	s25 =	sshrl.u32 s23, $0x3;
	s28 =	sadd.s32 $0x4FD58, s9;
	[dreg:$0x14] =	wrdreg s18  }
0x13: {  	s9 =	sadd.s32 $0x50528, s9;
	s13 =	sadd.s32 s8, s13;
	[dreg:$0x1e] =	wrdreg s5  }
0x14: {  	s2 =	simm.s32 $0x6E50;
	s15 =	sadd.s32 $0xFA, s5;
	[dreg:$0x5] =	wrdreg s13  }
0x15: {  	s12 =	sadd.s32 s8, s14;
	s17 =	sadd.s32 $0x1F4, s5;
	[dreg:$0x6] =	wrdreg s15  }
0x16: {  	s19 =	sadd.s32 $0x2EE, s5;
	s9 =	sshrl.u32 s9, $0x3;
	[dreg:$0x7] =	wrdreg s12  }
0x17: {  	s23 =	sadd.s32 $0x9D3A, s5;
	s18 =	simm.s32 $0x4358;
	[dreg:$0x8] =	wrdreg s17  }
0x18: {  	s12 =	sshrl.u32 s16, $0x3;
	[dreg:$0xa] =	wrdreg s19;
	s13 =	sshrl.u32 s22, $0x3  }
0x19: {  	s15 =	sadd.s32 $0x3E8, s5;
	s16 =	sshrl.u32 s11, $0x3;
	s17 =	sadd.s32 $0x16C00, s10  }
0x1a: {  	s19 =	sadd.s32 s6, s3;
	s22 =	sadd.s32 $0x9C40, s5;
	[dreg:$0x18] =	wrdreg s23  }
0x1b: {  	s6 =	simm.s32 $0x5AC8;
	s23 =	simm.s32 $0x6A68;
	[dreg:$0x12] =	wrdreg s15  }
0x1c: {  	s3 =	simm.s32 $0x7238;
	s11 =	simm.s32 $0x4;
	[dreg:$0x13] =	wrdreg s17  }
0x1d: {  	s10 =	simm.s32 $0xF320;
	s12 =	sadd.s32 s8, s12;
	[dreg:$0x1f] =	wrdreg s19  }
0x1e: {  	s24 =	sadd.s32 s8, s13;
	s13 =	sshrl.u32 s28, $0x3;
	[dreg:$0x17] =	wrdreg s22  }
0x1f: {  	s15 =	simm.s32 $0x37A0;
	s17 =	simm.s32 $0x3F70;
	[dreg:$0x9] =	wrdreg s12  }
0x20: {  	s19 =	simm.s32 $0x4740;
	s12 =	sadd.s32 s8, s20;
	[dreg:$0xd] =	wrdreg s24  }
0x21: {  	s22 =	simm.s32 $0x4F10;
	s14 =	sadd.s32 s8, s13;
	[dreg:$0xb] =	wrdreg s12  }
0x22: {  	s20 =	sadd.s32 $0x1BC00, s1;
	s24 =	sadd.s32 $0x9E34, s5;
	[dreg:$0x10] =	wrdreg s14  }
0x23: {  	s13 =	simm.s32 $0x2BE8;
	s1 =	simm.s32 $0x56E0;
	[dreg:$0x15] =	wrdreg s20  }
0x24: {  	s12 =	sshrl.u32 s21, $0x3;
	s21 =	smax.u32 s7, $0x1;
	[dreg:$0x19] =	wrdreg s24  }
0x25: {  	s14 =	simm.s32 $0x33B8;
	s20 =	simm.s32 $0x4B28;
	s24 =	simm.s32 $0x5EB0  }
0x26: {  	s7 =	simm.s32 $0x5;
	s12 =	sadd.s32 s8, s12;
	[dreg:$0x16] =	wrdreg s21  }
0x27: {  	s21 =	simm.s32 $0x52F8;
	[dreg:$0xc] =	wrdreg s12;
	s12 =	sadd.s32 s8, s25  }
0x28: {  	s25 =	sadd.s32 $0x9F2E, s5;
	[dreg:$0xe] =	wrdreg s12;
	s12 =	sshrl.u32 s26, $0x3  }
0x29: {  	[dreg:$0x1a] =	wrdreg s25;
	s26 =	sadd.s32 $0xA028, s5;
	s5 =	simm.s32 $0x6298  }
0x2a: {  	s25 =	simm.s32 $0x6680;
	s12 =	sadd.s32 s8, s12;
	[dreg:$0x1b] =	wrdreg s26  }
0x2b: {  	s8 =	sadd.s32 s8, s9;
	s26 =	simm.s32 $0x2;
	[dreg:$0xf] =	wrdreg s12  }
0x2c: {  	s9 =	simm.s32 $0x3E8;
	[dreg:$0x11] =	wrdreg s8;
	s8 =	sadd.s32 s0, s16  }
0x2d: {  	v0 =	vlaneseq.u32;
	s12 =	simm.s32 $0x2800;
	[dreg:$0x1d] =	wrdreg s8;
	s28 =	sadd.s32 $0x500, s8  }
0x2e: {  	v1 =	vimm.f32 $0.0e+00;
	v0 =	vmul.u32 $0x10, v0;
	s16 =	simm.s32 $0x3B88;
	s8 =	simm.s32 $0x1;
	[dreg:$0x1c] =	wrdreg s28  }
.LBB2_1:
0x2f: {  	s0 =	rddreg [dreg:$0x1e]  }
0x30: {  	[tilespmem:s12], [sflag:$0x1] =	stream.linear.gather [hbm4b:s0+s4], $0x3E8, $0x38;
	[tilespmem:$0x17020] =	vst v63  }
0x31: {  	s28 =	rddreg [dreg:$0x5]  }
0x32: {  	[tilespmem:s13], [sflag:$0x1] =	stream.linear.gather [hbm4b:s28+s4], $0x3E8, $0x38;
	[tilespmem:$0x17020] =	vst v63  }
0x33: {  	s12 =	rddreg [dreg:$0x6]  }
0x34: {  	[tilespmem:s31], [sflag:$0x1] =	stream.linear.gather [hbm4b:s12+s4], $0x3E8, $0x38;
	[tilespmem:$0x17020] =	vst v63  }
0x35: {  	s13 =	rddreg [dreg:$0x7]  }
0x36: {  	[tilespmem:s14], [sflag:$0x1] =	stream.linear.gather [hbm4b:s13+s4], $0x3E8, $0x38;
	[tilespmem:$0x17020] =	vst v63  }
0x37: {  	s14 =	rddreg [dreg:$0x8]  }
0x38: {  	[tilespmem:s15], [sflag:$0x1] =	stream.linear.gather [hbm4b:s14+s4], $0x3E8, $0x38;
	[tilespmem:$0x17020] =	vst v63  }
0x39: {  	s15 =	rddreg [dreg:$0x9]  }
0x3a: {  	[tilespmem:s16], [sflag:$0x1] =	stream.linear.gather [hbm4b:s15+s4], $0x3E8, $0x38;
	[tilespmem:$0x17020] =	vst v63  }
0x3b: {  	s16 =	rddreg [dreg:$0xa]  }
0x3c: {  	[tilespmem:s17], [sflag:$0x1] =	stream.linear.gather [hbm4b:s16+s4], $0x3E8, $0x38;
	[tilespmem:$0x17020] =	vst v63  }
0x3d: {  	s28 =	rddreg [dreg:$0xb]  }
0x3e: {  	[tilespmem:s18], [sflag:$0x1] =	stream.linear.gather [hbm4b:s28+s4], $0x3E8, $0x38;
	[tilespmem:$0x17020] =	vst v63  }
0x3f: {  	s12 =	rddreg [dreg:$0x12]  }
0x40: {  	[tilespmem:s19], [sflag:$0x1] =	stream.linear.gather [hbm4b:s12+s4], $0x3E8, $0x38;
	[tilespmem:$0x17020] =	vst v63  }
0x41: {  	s13 =	rddreg [dreg:$0xc]  }
0x42: {  	[tilespmem:s20], [sflag:$0x1] =	stream.linear.gather [hbm4b:s13+s4], $0x3E8, $0x38;
	[tilespmem:$0x17020] =	vst v63  }
0x43: {  	s14 =	rddreg [dreg:$0x17]  }
0x44: {  	[tilespmem:s22], [sflag:$0x2] =	stream.linear.gather [hbm4b:s14+s4], $0x3E8, $0x38;
	[tilespmem:$0x17020] =	vst v63  }
0x45: {  	s15 =	rddreg [dreg:$0xd]  }
0x46: {  	[tilespmem:s21], [sflag:$0x2] =	stream.linear.gather [hbm4b:s15+s4], $0x3E8, $0x38;
	[tilespmem:$0x17020] =	vst v63  }
0x47: {  	s16 =	rddreg [dreg:$0x18]  }
0x48: {  	[tilespmem:s1], [sflag:$0x2] =	stream.linear.gather [hbm4b:s16+s4], $0x3E8, $0x38;
	[tilespmem:$0x17020] =	vst v63  }
0x49: {  	s17 =	rddreg [dreg:$0xe]  }
0x4a: {  	[tilespmem:s6], [sflag:$0x2] =	stream.linear.gather [hbm4b:s17+s4], $0x3E8, $0x38;
	[tilespmem:$0x17020] =	vst v63  }
0x4b: {  	s18 =	rddreg [dreg:$0x19]  }
0x4c: {  	[tilespmem:s24], [sflag:$0x2] =	stream.linear.gather [hbm4b:s18+s4], $0x3E8, $0x38;
	[tilespmem:$0x17020] =	vst v63  }
0x4d: {  	s19 =	rddreg [dreg:$0xf]  }
0x4e: {  	[tilespmem:s5], [sflag:$0x2] =	stream.linear.gather [hbm4b:s19+s4], $0x3E8, $0x38;
	[tilespmem:$0x17020] =	vst v63  }
0x4f: {  	s20 =	rddreg [dreg:$0x1a]  }
0x50: {  	[tilespmem:s25], [sflag:$0x2] =	stream.linear.gather [hbm4b:s20+s4], $0x3E8, $0x38;
	[tilespmem:$0x17020] =	vst v63  }
0x51: {  	s21 =	rddreg [dreg:$0x10]  }
0x52: {  	[tilespmem:s23], [sflag:$0x2] =	stream.linear.gather [hbm4b:s21+s4], $0x3E8, $0x38;
	[tilespmem:$0x17020] =	vst v63  }
0x53: {  	s22 =	rddreg [dreg:$0x1b]  }
0x54: {  	[tilespmem:s2], [sflag:$0x2] =	stream.linear.gather [hbm4b:s22+s4], $0x3E8, $0x38;
	[tilespmem:$0x17020] =	vst v63  }
0x55: {  	s23 =	rddreg [dreg:$0x11]  }
0x56: {  	[tilespmem:s3], [sflag:$0x2] =	stream.linear.gather [hbm4b:s23+s4], $0x3E8, $0x38;
	[tilespmem:$0x17020] =	vst v63  }
0x57: {  	s24 =	rddreg [dreg:$0x13]  }
0x58: {  	[tilespmem:s4], [sflag:$0x5] =	stream.linear.gather [hbm4b:s24+s4], $0x2800, $0x38;
	[tilespmem:$0x17020] =	vst v63  }
0x59: {  	_ =	swait.ge [sflag:s7], $0x2800  }
0x5a: {  	[sflag:s7] =	ssyncset.done $0x0  }
0x5b: {  	s12 =	simm.s32 $0x11B20;
	s25 =	rddreg [dreg:$0x1d];
	[sflag:s7] =	ssyncadd.s32 $0xFFFFD800  }
0x5c: {  	[tilespmem:s12], [sflag:$0x5] =	stream.linear.gather [hbm4b:s25+s4], $0x280, $0x38;
	[tilespmem:$0x17020] =	vst v63  }
0x5d: {  	_ =	swait.ge [sflag:s7], $0x280  }
0x5e: {  	[sflag:s7] =	ssyncset.done $0x0  }
0x5f: {  	s31 =	simm.s32 $0x11DA0;
	s28 =	rddreg [dreg:$0x1c];
	[sflag:s7] =	ssyncadd.s32 $0xFFFFFD80  }
0x60: {  	[tilespmem:s31], [sflag:$0x5] =	stream.linear.gather [hbm4b:s28+s4], $0x280, $0x38;
	[tilespmem:$0x17020] =	vst v63  }
0x61: {  	_ =	swait.ge [sflag:s7], $0x280  }
0x62: {  	[sflag:s7] =	ssyncset.done $0x0  }
0x63: {  	[sflag:s7] =	ssyncadd.s32 $0xFFFFFD80  }
0x64: {  	v2 =	vld [tilespmem:s12+$0x0]  }
0x65: {  	v3 =	vld [tilespmem:s31+$0x0];
	_ =	sdelay $0x4  }
0x66: {  	v2 =	vadd.f32 v3, v2;
	_ =	sdelay $0x1  }
0x67: {  	v2 =	vmax.f32 v2, $1.000000000e+00  }
0x68: {  	v3 =	vshra.s32 v2, $0x1;
	v2 =	vmul.f32 $5.000000000e-01, v2  }
0x69: {  	v3 =	vsub.s32 $0x5F3759DF, v3  }
0x6a: {  	v4 =	vmul.f32 v3, v2;
	_ =	sdelay $0x1  }
0x6b: {  	v4 =	vmul.f32 v3, v4;
	_ =	sdelay $0x1  }
0x6c: {  	v4 =	vsub.f32 $1.500000000e+00, v4;
	_ =	sdelay $0x1  }
0x6d: {  	v3 =	vmul.f32 v3, v4;
	_ =	sdelay $0x1  }
0x6e: {  	v4 =	vmul.f32 v3, v2;
	_ =	sdelay $0x1  }
0x6f: {  	v4 =	vmul.f32 v4, v3;
	_ =	sdelay $0x1  }
0x70: {  	v5 =	vmov s4;
	v4 =	vsub.f32 $1.500000000e+00, v4  }
0x71: {  	v5 =	vshll.u32 v5, $0x4  }
0x72: {  	v5 =	vor.u32 v0, v5;
	v3 =	vmul.f32 v4, v3;
	_ =	sdelay $0x1  }
0x73: {  	v2 =	vmul.f32 v3, v2;
	_ =	sdelay $0x1  }
0x74: {  	v2 =	vmul.f32 v2, v3  }
0x75: {  	v4 =	vld.idx.msk [tilespmem:v5+s4+$0x0], $0xffff  }
0x76: {  	v2 =	vsub.f32 $1.500000000e+00, v2;
	_ =	sdelay $0x1  }
0x77: {  	v2 =	vmul.f32 v2, v3;
	v3 =	vor.u32 $0x1, v5;
	_ =	sdelay $0x1  }
0x78: {  	v4 =	vmul.f32 v2, v4;
	_ =	sdelay $0x1  }
0x79: {  	[tilespmem:v5+s4+$0x0] =	vst.idx.msk $0xffff, v4  }
0x7a: {  	v4 =	vld.idx.msk [tilespmem:v3+s4+$0x0], $0xffff;
	_ =	sdelay $0x2  }
0x7b: {  	v6 =	vor.u32 $0x2, v5;
	_ =	sdelay $0x1  }
0x7c: {  	v4 =	vmul.f32 v2, v4;
	_ =	sdelay $0x1  }
0x7d: {  	[tilespmem:v3+s4+$0x0] =	vst.idx.msk $0xffff, v4  }
0x7e: {  	v3 =	vld.idx.msk [tilespmem:v6+s4+$0x0], $0xffff;
	_ =	sdelay $0x2  }
0x7f: {  	v4 =	vor.u32 $0x3, v5;
	_ =	sdelay $0x1  }
0x80: {  	v3 =	vmul.f32 v2, v3;
	_ =	sdelay $0x1  }
0x81: {  	[tilespmem:v6+s4+$0x0] =	vst.idx.msk $0xffff, v3  }
0x82: {  	v3 =	vld.idx.msk [tilespmem:v4+s4+$0x0], $0xffff;
	_ =	sdelay $0x2  }
0x83: {  	v58 =	vor.u32 $0x4, v5;
	_ =	sdelay $0x1  }
0x84: {  	v3 =	vmul.f32 v2, v3;
	_ =	sdelay $0x1  }
0x85: {  	[tilespmem:v4+s4+$0x0] =	vst.idx.msk $0xffff, v3  }
0x86: {  	v3 =	vld.idx.msk [tilespmem:v58+s4+$0x0], $0xffff;
	_ =	sdelay $0x2  }
0x87: {  	v4 =	vor.u32 $0x5, v5;
	_ =	sdelay $0x1  }
0x88: {  	v3 =	vmul.f32 v2, v3;
	_ =	sdelay $0x1  }
0x89: {  	[tilespmem:v58+s4+$0x0] =	vst.idx.msk $0xffff, v3  }
0x8a: {  	v3 =	vld.idx.msk [tilespmem:v4+s4+$0x0], $0xffff;
	_ =	sdelay $0x2  }
0x8b: {  	v59 =	vor.u32 $0x6, v5;
	_ =	sdelay $0x1  }
0x8c: {  	v3 =	vmul.f32 v2, v3;
	_ =	sdelay $0x1  }
0x8d: {  	[tilespmem:v4+s4+$0x0] =	vst.idx.msk $0xffff, v3  }
0x8e: {  	v3 =	vld.idx.msk [tilespmem:v59+s4+$0x0], $0xffff;
	_ =	sdelay $0x2  }
0x8f: {  	v4 =	vor.u32 $0x7, v5;
	_ =	sdelay $0x1  }
0x90: {  	v3 =	vmul.f32 v2, v3;
	_ =	sdelay $0x1  }
0x91: {  	[tilespmem:v59+s4+$0x0] =	vst.idx.msk $0xffff, v3  }
0x92: {  	v3 =	vld.idx.msk [tilespmem:v4+s4+$0x0], $0xffff;
	_ =	sdelay $0x2  }
0x93: {  	v60 =	vor.u32 $0x8, v5;
	_ =	sdelay $0x1  }
0x94: {  	v3 =	vmul.f32 v2, v3;
	_ =	sdelay $0x1  }
0x95: {  	[tilespmem:v4+s4+$0x0] =	vst.idx.msk $0xffff, v3  }
0x96: {  	v3 =	vld.idx.msk [tilespmem:v60+s4+$0x0], $0xffff;
	_ =	sdelay $0x2  }
0x97: {  	v4 =	vor.u32 $0x9, v5;
	_ =	sdelay $0x1  }
0x98: {  	v3 =	vmul.f32 v2, v3;
	_ =	sdelay $0x1  }
0x99: {  	[tilespmem:v60+s4+$0x0] =	vst.idx.msk $0xffff, v3  }
0x9a: {  	v3 =	vld.idx.msk [tilespmem:v4+s4+$0x0], $0xffff;
	_ =	sdelay $0x2  }
0x9b: {  	v61 =	vor.u32 $0xA, v5;
	_ =	sdelay $0x1  }
0x9c: {  	v3 =	vmul.f32 v3, v2;
	_ =	sdelay $0x1  }
0x9d: {  	[tilespmem:v4+s4+$0x0] =	vst.idx.msk $0xffff, v3  }
0x9e: {  	v3 =	vld.idx.msk [tilespmem:v61+s4+$0x0], $0xffff;
	_ =	sdelay $0x2  }
0x9f: {  	v4 =	vor.u32 $0xB, v5;
	_ =	sdelay $0x1  }
0xa0: {  	v3 =	vmul.f32 v3, v2;
	_ =	sdelay $0x1  }
0xa1: {  	[tilespmem:v61+s4+$0x0] =	vst.idx.msk $0xffff, v3  }
0xa2: {  	v3 =	vld.idx.msk [tilespmem:v4+s4+$0x0], $0xffff;
	_ =	sdelay $0x2  }
0xa3: {  	v62 =	vor.u32 $0xC, v5;
	_ =	sdelay $0x1  }
0xa4: {  	v3 =	vmul.f32 v3, v2;
	_ =	sdelay $0x1  }
0xa5: {  	[tilespmem:v4+s4+$0x0] =	vst.idx.msk $0xffff, v3  }
0xa6: {  	v3 =	vld.idx.msk [tilespmem:v62+s4+$0x0], $0xffff;
	_ =	sdelay $0x2  }
0xa7: {  	v4 =	vor.u32 $0xD, v5;
	_ =	sdelay $0x1  }
0xa8: {  	v3 =	vmul.f32 v3, v2;
	_ =	sdelay $0x1  }
0xa9: {  	[tilespmem:v62+s4+$0x0] =	vst.idx.msk $0xffff, v3  }
0xaa: {  	v3 =	vld.idx.msk [tilespmem:v4+s4+$0x0], $0xffff;
	_ =	sdelay $0x2  }
0xab: {  	v63 =	vor.u32 $0xE, v5;
	_ =	sdelay $0x1  }
0xac: {  	v3 =	vmul.f32 v3, v2;
	_ =	sdelay $0x1  }
0xad: {  	[tilespmem:v4+s4+$0x0] =	vst.idx.msk $0xffff, v3  }
0xae: {  	v4 =	vld.idx.msk [tilespmem:v63+s4+$0x0], $0xffff;
	_ =	sdelay $0x2  }
0xaf: {  	v3 =	vor.u32 $0xF, v5;
	_ =	sdelay $0x1  }
0xb0: {  	v4 =	vmul.f32 v4, v2;
	_ =	sdelay $0x1  }
0xb1: {  	[tilespmem:v63+s4+$0x0] =	vst.idx.msk $0xffff, v4  }
0xb2: {  	v4 =	vld.idx.msk [tilespmem:v3+s4+$0x0], $0xffff;
	_ =	sdelay $0x1  }
0xb3: {  	s13 =	simm.s32 $0x10  }
0xb4: {  	s14 =	simm.s32 $0x4F10;
	s15 =	simm.s32 $0x52F8;
	s16 =	simm.s32 $0x56E0  }
0xb5: {  	s1 =	simm.s32 $0x5AC8;
	s6 =	simm.s32 $0x5EB0;
	s17 =	simm.s32 $0x6298  }
0xb6: {  	s18 =	simm.s32 $0x6680;
	s19 =	simm.s32 $0x6A68;
	s20 =	simm.s32 $0x6E50;
	v2 =	vmul.f32 v4, v2  }
.LBB2_2:
0xb7: {  	_ = 	snop  }
0xb8: {  	p0 =	sne.s32 s13, $0x270;
	s12 =	sadd.s32 $0x10, s12;
	s31 =	sadd.s32 $0x10, s31;
	[tilespmem:v3+s4+$0x0] =	vst.idx.msk $0xffff, v2  }
0xb9: {  	s0 =	smov.u32 s13;
	s13 =	sadd.s32 $0x10, s13;
	v2 =	vld [tilespmem:s12+$0x0]  }
0xba: {  	v3 =	vld [tilespmem:s31+$0x0];
	_ =	sdelay $0x4  }
0xbb: {  	v2 =	vadd.f32 v3, v2;
	_ =	sdelay $0x1  }
0xbc: {  	v2 =	vmax.f32 v2, $1.000000000e+00  }
0xbd: {  	v3 =	vshra.s32 v2, $0x1;
	v2 =	vmul.f32 $5.000000000e-01, v2  }
0xbe: {  	v3 =	vsub.s32 $0x5F3759DF, v3  }
0xbf: {  	v4 =	vmul.f32 v3, v2;
	_ =	sdelay $0x1  }
0xc0: {  	v4 =	vmul.f32 v3, v4;
	_ =	sdelay $0x1  }
0xc1: {  	v4 =	vsub.f32 $1.500000000e+00, v4;
	_ =	sdelay $0x1  }
0xc2: {  	v4 =	vmul.f32 v3, v4;
	_ =	sdelay $0x1  }
0xc3: {  	v3 =	vmul.f32 v4, v2;
	_ =	sdelay $0x1  }
0xc4: {  	v3 =	vmul.f32 v3, v4  }
0xc5: {  	v5 =	vmov s0  }
0xc6: {  	v6 =	vsub.f32 $1.500000000e+00, v3;
	v3 =	vshll.u32 v5, $0x4  }
0xc7: {  	v3 =	vor.u32 v0, v3  }
0xc8: {  	v4 =	vmul.f32 v6, v4;
	_ =	sdelay $0x1  }
0xc9: {  	v2 =	vmul.f32 v4, v2;
	_ =	sdelay $0x1  }
0xca: {  	v2 =	vmul.f32 v2, v4;
	v5 =	vld.idx.msk [tilespmem:v3+s4+$0x0], $0xffff;
	_ =	sdelay $0x1  }
0xcb: {  	v2 =	vsub.f32 $1.500000000e+00, v2;
	_ =	sdelay $0x1  }
0xcc: {  	v2 =	vmul.f32 v2, v4;
	v4 =	vor.u32 $0x1, v3;
	_ =	sdelay $0x1  }
0xcd: {  	v5 =	vmul.f32 v2, v5;
	_ =	sdelay $0x1  }
0xce: {  	[tilespmem:v3+s4+$0x0] =	vst.idx.msk $0xffff, v5  }
0xcf: {  	v5 =	vld.idx.msk [tilespmem:v4+s4+$0x0], $0xffff;
	_ =	sdelay $0x3  }
0xd0: {  	v6 =	vor.u32 $0x2, v3;
	_ =	sdelay $0x1  }
0xd1: {  	v5 =	vmul.f32 v2, v5;
	_ =	sdelay $0x1  }
0xd2: {  	[tilespmem:v4+s4+$0x0] =	vst.idx.msk $0xffff, v5  }
0xd3: {  	v4 =	vld.idx.msk [tilespmem:v6+s4+$0x0], $0xffff;
	_ =	sdelay $0x3  }
0xd4: {  	v5 =	vor.u32 $0x3, v3;
	_ =	sdelay $0x1  }
0xd5: {  	v4 =	vmul.f32 v2, v4;
	_ =	sdelay $0x1  }
0xd6: {  	[tilespmem:v6+s4+$0x0] =	vst.idx.msk $0xffff, v4  }
0xd7: {  	v4 =	vld.idx.msk [tilespmem:v5+s4+$0x0], $0xffff;
	_ =	sdelay $0x3  }
0xd8: {  	v6 =	vor.u32 $0x4, v3;
	_ =	sdelay $0x1  }
0xd9: {  	v4 =	vmul.f32 v2, v4;
	_ =	sdelay $0x1  }
0xda: {  	[tilespmem:v5+s4+$0x0] =	vst.idx.msk $0xffff, v4  }
0xdb: {  	v4 =	vld.idx.msk [tilespmem:v6+s4+$0x0], $0xffff;
	_ =	sdelay $0x3  }
0xdc: {  	v5 =	vor.u32 $0x5, v3;
	_ =	sdelay $0x1  }
0xdd: {  	v4 =	vmul.f32 v2, v4;
	_ =	sdelay $0x1  }
0xde: {  	[tilespmem:v6+s4+$0x0] =	vst.idx.msk $0xffff, v4  }
0xdf: {  	v4 =	vld.idx.msk [tilespmem:v5+s4+$0x0], $0xffff;
	_ =	sdelay $0x3  }
0xe0: {  	v6 =	vor.u32 $0x6, v3;
	_ =	sdelay $0x1  }
0xe1: {  	v4 =	vmul.f32 v2, v4;
	_ =	sdelay $0x1  }
0xe2: {  	[tilespmem:v5+s4+$0x0] =	vst.idx.msk $0xffff, v4  }
0xe3: {  	v4 =	vld.idx.msk [tilespmem:v6+s4+$0x0], $0xffff;
	_ =	sdelay $0x3  }
0xe4: {  	v5 =	vor.u32 $0x7, v3;
	_ =	sdelay $0x1  }
0xe5: {  	v4 =	vmul.f32 v2, v4;
	_ =	sdelay $0x1  }
0xe6: {  	[tilespmem:v6+s4+$0x0] =	vst.idx.msk $0xffff, v4  }
0xe7: {  	v4 =	vld.idx.msk [tilespmem:v5+s4+$0x0], $0xffff;
	_ =	sdelay $0x3  }
0xe8: {  	v6 =	vor.u32 $0x8, v3;
	_ =	sdelay $0x1  }
0xe9: {  	v4 =	vmul.f32 v2, v4;
	_ =	sdelay $0x1  }
0xea: {  	[tilespmem:v5+s4+$0x0] =	vst.idx.msk $0xffff, v4  }
0xeb: {  	v4 =	vld.idx.msk [tilespmem:v6+s4+$0x0], $0xffff;
	_ =	sdelay $0x3  }
0xec: {  	v5 =	vor.u32 $0x9, v3;
	_ =	sdelay $0x1  }
0xed: {  	v4 =	vmul.f32 v2, v4;
	_ =	sdelay $0x1  }
0xee: {  	[tilespmem:v6+s4+$0x0] =	vst.idx.msk $0xffff, v4  }
0xef: {  	v4 =	vld.idx.msk [tilespmem:v5+s4+$0x0], $0xffff;
	_ =	sdelay $0x3  }
0xf0: {  	v6 =	vor.u32 $0xA, v3;
	_ =	sdelay $0x1  }
0xf1: {  	v4 =	vmul.f32 v4, v2;
	_ =	sdelay $0x1  }
0xf2: {  	[tilespmem:v5+s4+$0x0] =	vst.idx.msk $0xffff, v4  }
0xf3: {  	v4 =	vld.idx.msk [tilespmem:v6+s4+$0x0], $0xffff;
	_ =	sdelay $0x3  }
0xf4: {  	v5 =	vor.u32 $0xB, v3;
	_ =	sdelay $0x1  }
0xf5: {  	v4 =	vmul.f32 v4, v2;
	_ =	sdelay $0x1  }
0xf6: {  	[tilespmem:v6+s4+$0x0] =	vst.idx.msk $0xffff, v4  }
0xf7: {  	v4 =	vld.idx.msk [tilespmem:v5+s4+$0x0], $0xffff;
	_ =	sdelay $0x3  }
0xf8: {  	v6 =	vor.u32 $0xC, v3;
	_ =	sdelay $0x1  }
0xf9: {  	v4 =	vmul.f32 v4, v2;
	_ =	sdelay $0x1  }
0xfa: {  	[tilespmem:v5+s4+$0x0] =	vst.idx.msk $0xffff, v4  }
0xfb: {  	v4 =	vld.idx.msk [tilespmem:v6+s4+$0x0], $0xffff;
	_ =	sdelay $0x3  }
0xfc: {  	v5 =	vor.u32 $0xD, v3;
	_ =	sdelay $0x1  }
0xfd: {  	v4 =	vmul.f32 v4, v2;
	_ =	sdelay $0x1  }
0xfe: {  	[tilespmem:v6+s4+$0x0] =	vst.idx.msk $0xffff, v4  }
0xff: {  	v4 =	vld.idx.msk [tilespmem:v5+s4+$0x0], $0xffff;
	_ =	sdelay $0x3  }
0x100: {  	v6 =	vor.u32 $0xE, v3;
	_ =	sdelay $0x1  }
0x101: {  	v4 =	vmul.f32 v4, v2;
	_ =	sdelay $0x1  }
0x102: {  	[tilespmem:v5+s4+$0x0] =	vst.idx.msk $0xffff, v4  }
0x103: {  	v4 =	vld.idx.msk [tilespmem:v6+s4+$0x0], $0xffff;
	_ =	sdelay $0x3  }
0x104: {  	v3 =	vor.u32 $0xF, v3;
	_ =	sdelay $0x1  }
0x105: {  	v4 =	vmul.f32 v4, v2;
	_ =	sdelay $0x1  }
0x106: {  	[tilespmem:v6+s4+$0x0] =	vst.idx.msk $0xffff, v4  }
0x107: {  	v4 =	vld.idx.msk [tilespmem:v3+s4+$0x0], $0xffff;
	_ =	sdelay $0x1  }
.Ltmp0:
0x108: {  	(pc) =	sbr.rel @p0 .LBB2_2-.Ltmp0, $2  }
0x109: {  	_ =	sdelay $0x2  }
0x10a: {  	v2 =	vmul.f32 v4, v2  }
0x10b: {  	_ =	sdelay $0x3  }
0x10c: {  	s0 =	simm.s32 $0x0;
	s12 =	rddreg [dreg:$0x14];
	[tilespmem:v3+s4+$0x0] =	vst.idx.msk $0xffff, v2  }
0x10d: {  	[spmem:s12] =	stream.linear.scatter [tilespmem:s0], [sflag:$0x5], $0x2800, $0x38;
	[tilespmem:$0x17020] =	vst v63  }
0x10e: {  	_ =	swait.ge [sflag:s7], $0x2800  }
0x10f: {  	[sflag:s7] =	ssyncset.done $0x0  }
0x110: {  	s13 =	simm.s32 $0x0;
	s12 =	simm.s32 $0x40;
	[sflag:s7] =	ssyncadd.s32 $0xFFFFD800  }
.LBB2_4:
0x111: {  	p0 =	sne.s32 s12, $0x9FC0;
	[tilespmem:s13+$0xF320] =	vst v1;
	s0 =	smov.u32 s12;
	s12 =	sadd.s32 $0x40, s12  }
.Ltmp1:
0x112: {  	(pc) =	sbr.rel @p0 .LBB2_4-.Ltmp1, $2  }
0x113: {  	_ =	sdelay $0x2  }
0x114: {  	s13 =	sshra.s32 s0, $0x2  }
0x115: {  	[tilespmem:s13+$0xF320] =	vst v1;
	s0 =	rddreg [dreg:$0x1f]  }
0x116: {  	[spmem:s0] =	stream.linear.scatter [tilespmem:s10], [sflag:$0x5], $0x2800, $0x38;
	[tilespmem:$0x17020] =	vst v63  }
0x117: {  	_ =	swait.ge [sflag:s7], $0x2800  }
0x118: {  	[sflag:s7] =	ssyncset.done $0x0  }
0x119: {  	[sflag:s7] =	ssyncadd.s32 $0xFFFFD800  }
0x11a: {  	_ =	swait.ge [sflag:s8], $0x3E8  }
0x11b: {  	[sflag:s8] =	ssyncset.done $0x0  }
0x11c: {  	[sflag:s8] =	ssyncadd.s32 $0xFFFFFC18  }
0x11d: {  	_ =	swait.ge [sflag:s8], $0x3E8  }
0x11e: {  	[sflag:s8] =	ssyncset.done $0x0  }
0x11f: {  	[sflag:s8] =	ssyncadd.s32 $0xFFFFFC18  }
0x120: {  	_ =	swait.ge [sflag:s8], $0x3E8  }
0x121: {  	[sflag:s8] =	ssyncset.done $0x0  }
0x122: {  	[sflag:s8] =	ssyncadd.s32 $0xFFFFFC18  }
0x123: {  	_ =	swait.ge [sflag:s8], $0x3E8  }
0x124: {  	[sflag:s8] =	ssyncset.done $0x0  }
0x125: {  	[sflag:s8] =	ssyncadd.s32 $0xFFFFFC18  }
0x126: {  	_ =	swait.ge [sflag:s8], $0x3E8  }
0x127: {  	[sflag:s8] =	ssyncset.done $0x0  }
0x128: {  	[sflag:s8] =	ssyncadd.s32 $0xFFFFFC18  }
0x129: {  	_ =	swait.ge [sflag:s8], $0x3E8  }
0x12a: {  	[sflag:s8] =	ssyncset.done $0x0  }
0x12b: {  	[sflag:s8] =	ssyncadd.s32 $0xFFFFFC18  }
0x12c: {  	_ =	swait.ge [sflag:s8], $0x3E8  }
0x12d: {  	[sflag:s8] =	ssyncset.done $0x0  }
0x12e: {  	[sflag:s8] =	ssyncadd.s32 $0xFFFFFC18  }
0x12f: {  	_ =	swait.ge [sflag:s8], $0x3E8  }
0x130: {  	[sflag:s8] =	ssyncset.done $0x0  }
0x131: {  	[sflag:s8] =	ssyncadd.s32 $0xFFFFFC18  }
0x132: {  	_ =	swait.ge [sflag:s8], $0x3E8  }
0x133: {  	[sflag:s8] =	ssyncset.done $0x0  }
0x134: {  	[sflag:s8] =	ssyncadd.s32 $0xFFFFFC18  }
0x135: {  	_ =	swait.ge [sflag:s8], $0x3E8  }
0x136: {  	[sflag:s8] =	ssyncset.done $0x0  }
0x137: {  	[sflag:s8] =	ssyncadd.s32 $0xFFFFFC18  }
0x138: {  	_ =	swait.ge [sflag:s26], $0x3E8  }
0x139: {  	[sflag:s26] =	ssyncset.done $0x0  }
0x13a: {  	[sflag:s26] =	ssyncadd.s32 $0xFFFFFC18  }
0x13b: {  	_ =	swait.ge [sflag:s26], $0x3E8  }
0x13c: {  	[sflag:s26] =	ssyncset.done $0x0  }
0x13d: {  	[sflag:s26] =	ssyncadd.s32 $0xFFFFFC18  }
0x13e: {  	_ =	swait.ge [sflag:s26], $0x3E8  }
0x13f: {  	[sflag:s26] =	ssyncset.done $0x0  }
0x140: {  	[sflag:s26] =	ssyncadd.s32 $0xFFFFFC18  }
0x141: {  	_ =	swait.ge [sflag:s26], $0x3E8  }
0x142: {  	[sflag:s26] =	ssyncset.done $0x0  }
0x143: {  	[sflag:s26] =	ssyncadd.s32 $0xFFFFFC18  }
0x144: {  	_ =	swait.ge [sflag:s26], $0x3E8  }
0x145: {  	[sflag:s26] =	ssyncset.done $0x0  }
0x146: {  	[sflag:s26] =	ssyncadd.s32 $0xFFFFFC18  }
0x147: {  	_ =	swait.ge [sflag:s26], $0x3E8  }
0x148: {  	[sflag:s26] =	ssyncset.done $0x0  }
0x149: {  	[sflag:s26] =	ssyncadd.s32 $0xFFFFFC18  }
0x14a: {  	_ =	swait.ge [sflag:s26], $0x3E8  }
0x14b: {  	[sflag:s26] =	ssyncset.done $0x0  }
0x14c: {  	[sflag:s26] =	ssyncadd.s32 $0xFFFFFC18  }
0x14d: {  	_ =	swait.ge [sflag:s26], $0x3E8  }
0x14e: {  	[sflag:s26] =	ssyncset.done $0x0  }
0x14f: {  	[sflag:s26] =	ssyncadd.s32 $0xFFFFFC18  }
0x150: {  	_ =	swait.ge [sflag:s26], $0x3E8  }
0x151: {  	[sflag:s26] =	ssyncset.done $0x0  }
0x152: {  	[sflag:s26] =	ssyncadd.s32 $0xFFFFFC18  }
0x153: {  	_ =	swait.ge [sflag:s26], $0x3E8  }
0x154: {  	[sflag:s26] =	ssyncset.done $0x0  }
0x155: {  	[sflag:s26] =	ssyncadd.s32 $0xFFFFFC18  }
0x156: {  	[bflag:$0x0] =	sbarrier.arrive $0xFFFF  }
0x157: {  	s12 =	simm.s32 $0x2800;
	s2 =	simm.s32 $0x7620;
	s3 =	rddreg [dreg:$0x2]  }
0x158: {  	[tilespmem:s2], [sflag:$0x1] =	stream.indirect.gather [spmem:s3], $0x10, s12, s9, $0xb8;
	[tilespmem:$0x17020] =	vst v63  }
0x159: {  	_ =	swait.ge [sflag:s8], $0x3E80  }
0x15a: {  	[sflag:s8] =	ssyncset.done $0x0  }
0x15b: {  	[sflag:s8] =	ssyncadd.s32 $0xFFFFC180  }
0x15c: {  	s28 =	rddreg [dreg:$0x3]  }
0x15d: {  	[spmem:s28] =	stream.indirect.scatter.add.f32 [tilespmem:s2], [sflag:$0x3], $0x10, s14, s9, $0xb8;
	[tilespmem:$0x17020] =	vst v63  }
0x15e: {  	s13 =	simm.s32 $0x2BE8  }
0x15f: {  	[tilespmem:s29], [sflag:$0x2] =	stream.indirect.gather [spmem:s3], $0x10, s13, s9, $0xb8;
	[tilespmem:$0x17020] =	vst v63  }
0x160: {  	_ =	swait.ge [sflag:s26], $0x3E80  }
0x161: {  	[sflag:s26] =	ssyncset.done $0x0  }
0x162: {  	s23 =	simm.s32 $0x3;
	[sflag:s26] =	ssyncadd.s32 $0xFFFFC180  }
0x163: {  	[spmem:s28] =	stream.indirect.scatter.add.f32 [tilespmem:s29], [sflag:$0x4], $0x10, s15, s9, $0xb8;
	[tilespmem:$0x17020] =	vst v63  }
0x164: {  	_ =	swait.ge [sflag:s23], $0x3E80  }
0x165: {  	[sflag:s23] =	ssyncset.done $0x0  }
0x166: {  	s31 =	simm.s32 $0x2FD0;
	[sflag:s23] =	ssyncadd.s32 $0xFFFFC180  }
0x167: {  	[tilespmem:s2], [sflag:$0x1] =	stream.indirect.gather [spmem:s3], $0x10, s31, s9, $0xb8;
	[tilespmem:$0x17020] =	vst v63  }
0x168: {  	_ =	swait.ge [sflag:s8], $0x3E80  }
0x169: {  	[sflag:s8] =	ssyncset.done $0x0  }
0x16a: {  	[sflag:s8] =	ssyncadd.s32 $0xFFFFC180  }
0x16b: {  	[spmem:s28] =	stream.indirect.scatter.add.f32 [tilespmem:s2], [sflag:$0x3], $0x10, s16, s9, $0xb8;
	[tilespmem:$0x17020] =	vst v63  }
0x16c: {  	_ =	swait.ge [sflag:s11], $0x3E80  }
0x16d: {  	[sflag:s11] =	ssyncset.done $0x0  }
0x16e: {  	s14 =	simm.s32 $0x33B8;
	[sflag:s11] =	ssyncadd.s32 $0xFFFFC180  }
0x16f: {  	[tilespmem:s29], [sflag:$0x2] =	stream.indirect.gather [spmem:s3], $0x10, s14, s9, $0xb8;
	[tilespmem:$0x17020] =	vst v63  }
0x170: {  	_ =	swait.ge [sflag:s26], $0x3E80  }
0x171: {  	[sflag:s26] =	ssyncset.done $0x0  }
0x172: {  	[sflag:s26] =	ssyncadd.s32 $0xFFFFC180  }
0x173: {  	[spmem:s28] =	stream.indirect.scatter.add.f32 [tilespmem:s29], [sflag:$0x4], $0x10, s1, s9, $0xb8;
	[tilespmem:$0x17020] =	vst v63  }
0x174: {  	_ =	swait.ge [sflag:s23], $0x3E80  }
0x175: {  	[sflag:s23] =	ssyncset.done $0x0  }
0x176: {  	s15 =	simm.s32 $0x37A0;
	[sflag:s23] =	ssyncadd.s32 $0xFFFFC180  }
0x177: {  	[tilespmem:s2], [sflag:$0x1] =	stream.indirect.gather [spmem:s3], $0x10, s15, s9, $0xb8;
	[tilespmem:$0x17020] =	vst v63  }
0x178: {  	_ =	swait.ge [sflag:s8], $0x3E80  }
0x179: {  	[sflag:s8] =	ssyncset.done $0x0  }
0x17a: {  	[sflag:s8] =	ssyncadd.s32 $0xFFFFC180  }
0x17b: {  	[spmem:s28] =	stream.indirect.scatter.add.f32 [tilespmem:s2], [sflag:$0x3], $0x10, s6, s9, $0xb8;
	[tilespmem:$0x17020] =	vst v63  }
0x17c: {  	_ =	swait.ge [sflag:s11], $0x3E80  }
0x17d: {  	[sflag:s11] =	ssyncset.done $0x0  }
0x17e: {  	s16 =	simm.s32 $0x3B88;
	[sflag:s11] =	ssyncadd.s32 $0xFFFFC180  }
0x17f: {  	[tilespmem:s29], [sflag:$0x2] =	stream.indirect.gather [spmem:s3], $0x10, s16, s9, $0xb8;
	[tilespmem:$0x17020] =	vst v63  }
0x180: {  	_ =	swait.ge [sflag:s26], $0x3E80  }
0x181: {  	[sflag:s26] =	ssyncset.done $0x0  }
0x182: {  	[sflag:s26] =	ssyncadd.s32 $0xFFFFC180  }
0x183: {  	[spmem:s28] =	stream.indirect.scatter.add.f32 [tilespmem:s29], [sflag:$0x4], $0x10, s17, s9, $0xb8;
	[tilespmem:$0x17020] =	vst v63  }
0x184: {  	_ =	swait.ge [sflag:s23], $0x3E80  }
0x185: {  	[sflag:s23] =	ssyncset.done $0x0  }
0x186: {  	s17 =	simm.s32 $0x3F70;
	[sflag:s23] =	ssyncadd.s32 $0xFFFFC180  }
0x187: {  	[tilespmem:s2], [sflag:$0x1] =	stream.indirect.gather [spmem:s3], $0x10, s17, s9, $0xb8;
	[tilespmem:$0x17020] =	vst v63  }
0x188: {  	_ =	swait.ge [sflag:s8], $0x3E80  }
0x189: {  	[sflag:s8] =	ssyncset.done $0x0  }
0x18a: {  	[sflag:s8] =	ssyncadd.s32 $0xFFFFC180  }
0x18b: {  	[spmem:s28] =	stream.indirect.scatter.add.f32 [tilespmem:s2], [sflag:$0x3], $0x10, s18, s9, $0xb8;
	[tilespmem:$0x17020] =	vst v63  }
0x18c: {  	_ =	swait.ge [sflag:s11], $0x3E80  }
0x18d: {  	[sflag:s11] =	ssyncset.done $0x0  }
0x18e: {  	s18 =	simm.s32 $0x4358;
	[sflag:s11] =	ssyncadd.s32 $0xFFFFC180  }
0x18f: {  	[tilespmem:s29], [sflag:$0x2] =	stream.indirect.gather [spmem:s3], $0x10, s18, s9, $0xb8;
	[tilespmem:$0x17020] =	vst v63  }
0x190: {  	_ =	swait.ge [sflag:s26], $0x3E80  }
0x191: {  	[sflag:s26] =	ssyncset.done $0x0  }
0x192: {  	[sflag:s26] =	ssyncadd.s32 $0xFFFFC180  }
0x193: {  	[spmem:s28] =	stream.indirect.scatter.add.f32 [tilespmem:s29], [sflag:$0x4], $0x10, s19, s9, $0xb8;
	[tilespmem:$0x17020] =	vst v63  }
0x194: {  	_ =	swait.ge [sflag:s23], $0x3E80  }
0x195: {  	[sflag:s23] =	ssyncset.done $0x0  }
0x196: {  	s19 =	simm.s32 $0x4740;
	[sflag:s23] =	ssyncadd.s32 $0xFFFFC180  }
0x197: {  	[tilespmem:s2], [sflag:$0x1] =	stream.indirect.gather [spmem:s3], $0x10, s19, s9, $0xb8;
	[tilespmem:$0x17020] =	vst v63  }
0x198: {  	_ =	swait.ge [sflag:s8], $0x3E80  }
0x199: {  	[sflag:s8] =	ssyncset.done $0x0  }
0x19a: {  	[sflag:s8] =	ssyncadd.s32 $0xFFFFC180  }
0x19b: {  	[spmem:s28] =	stream.indirect.scatter.add.f32 [tilespmem:s2], [sflag:$0x3], $0x10, s20, s9, $0xb8;
	[tilespmem:$0x17020] =	vst v63  }
0x19c: {  	_ =	swait.ge [sflag:s11], $0x3E80  }
0x19d: {  	[sflag:s11] =	ssyncset.done $0x0  }
0x19e: {  	s20 =	simm.s32 $0x4B28;
	[sflag:s11] =	ssyncadd.s32 $0xFFFFC180  }
0x19f: {  	[tilespmem:s29], [sflag:$0x2] =	stream.indirect.gather [spmem:s3], $0x10, s20, s9, $0xb8;
	[tilespmem:$0x17020] =	vst v63  }
0x1a0: {  	_ =	swait.ge [sflag:s26], $0x3E80  }
0x1a1: {  	[sflag:s26] =	ssyncset.done $0x0  }
0x1a2: {  	s3 =	simm.s32 $0x7238;
	[sflag:s26] =	ssyncadd.s32 $0xFFFFC180  }
0x1a3: {  	[spmem:s28] =	stream.indirect.scatter.add.f32 [tilespmem:s29], [sflag:$0x4], $0x10, s3, s9, $0xb8;
	[tilespmem:$0x17020] =	vst v63  }
0x1a4: {  	_ =	swait.ge [sflag:s11], $0x3E80  }
0x1a5: {  	[sflag:s11] =	ssyncset.done $0x0  }
0x1a6: {  	[sflag:s11] =	ssyncadd.s32 $0xFFFFC180  }
0x1a7: {  	[bflag:$0x0] =	sbarrier.arrive $0xFFFF  }
0x1a8: {  	[tilespmem:s10], [sflag:$0x5] =	stream.linear.gather [spmem:s0], $0x2800, $0x38;
	[tilespmem:$0x17020] =	vst v63  }
0x1a9: {  	_ =	swait.ge [sflag:s7], $0x2800  }
0x1aa: {  	[sflag:s7] =	ssyncset.done $0x0  }
0x1ab: {  	s28 =	rddreg [dreg:$0x15];
	[sflag:s7] =	ssyncadd.s32 $0xFFFFD800  }
0x1ac: {  	[hbm4b:s28+s4] =	stream.linear.scatter [tilespmem:s10], [sflag:$0x5], $0x2800, $0x38;
	[tilespmem:$0x17020] =	vst v63  }
0x1ad: {  	_ =	swait.ge [sflag:s7], $0x2800  }
0x1ae: {  	s30 =	sadd.s32 $0x1, s30;
	s28 =	rddreg [dreg:$0x16]  }
0x1af: {  	p0 =	sne.s32 s30, s28  }
.Ltmp2:
0x1b0: {  	_ = 	snop;
	(pc) =	sbr.rel @p0 .LBB2_1-.Ltmp2, $4  }
0x1b1: {  	s22 =	simm.s32 $0x4F10;
	s21 =	simm.s32 $0x52F8  }
0x1b2: {  	s24 =	simm.s32 $0x5EB0;
	s5 =	simm.s32 $0x6298;
	s25 =	simm.s32 $0x6680  }
0x1b3: {  	s1 =	simm.s32 $0x56E0;
	s6 =	simm.s32 $0x5AC8;
	[sflag:s7] =	ssyncset.done $0x0  }
0x1b4: {  	s23 =	simm.s32 $0x6A68;
	s2 =	simm.s32 $0x6E50;
	[sflag:s7] =	ssyncadd.s32 $0xFFFFD800  }
0x1b5: {  	_ =	sfence.sel $0x180000  }
0x1b6: {  	[bflag:$0x0] =	sbarrier.arrive $0xFFFF  }
0x1b7: {  	_ =	strace $0x9000004A  }
0x1b8: {  	s0 =	stileid.u32;
	[bflag:$0x2] =	sbarrier.arrive $0xFFFF  }
0x1b9: {  	p0 =	sne.s32 s0, $0x0;
	s0 =	rddreg [dreg:$0x4]  }
0x1ba: {  	s0 =	sadd.s32 @!p0 $0x100000, s0  }
0x1bb: {  	[sflag:s0] =	ssyncadd.tile.s32 @!p0 $0x1;
	_ =	shalt  }
.Lfunc_end2:
_tile_overlayer_lowered:
.L_overlay_start_2:
0x1bc: {  	(tag) =	ssettag $0x2  }
0x1bd: {  	s0 =	rddreg [dreg:$0x0];
	s2 =	stileid.u32  }
0x1be: {  	s1 =	rddreg [dreg:$0x1];
	p0 =	sne.s32 s2, $0x0  }
0x1bf: {  	s3 =	rddreg [dreg:$0x2];
	[bflag:$0x3] =	sbarrier.arrive $0xFFFF;
	s2 =	simm.s32 @!p0 $0x1C05  }
0x1c0: {  	[timem:s3], [sflag:s2] =	dma.local @!p0 [hbm:s0], s1  }
0x1c1: {  	s0 =	simm.s32 @!p0 $0x5  }
0x1c2: {  	_ =	swait.ge @!p0 [sflag:s0], s1  }
0x1c3: {  	s1 =	ssub.s32 @!p0 $0x0, s1;
	[sflag:s0] =	ssyncset.done @!p0 $0x0  }
0x1c4: {  	[sflag:s0] =	ssyncadd.s32 @!p0 s1  }
0x1c5: {  	[bflag:$0x3] =	sbarrier.arrive $0xFFFF  }
0x1c6: {  	_ =	shalt  }

// kernel: kernel.13.cloned.1.call-start
scs
__scs_entry_jumppad:
0x0: {  	(pc) =	sbr.rel $0x88, $3  }
0x1: {  	(tag) =	ssettag $0x0;
	lr =	simm.s32 $0x1  }
0x2: {  	[smem:$0x3F9B] =	sst lr;
	_ =	strace $0xD0000000  }
0x3: {  	_ = 	snop  }
0x4: {  	_ = 	snop  }
0x5: {  	_ = 	snop  }
0x6: {  	_ = 	snop  }
0x7: {  	_ = 	snop  }
__scs_overlays_trampoline_lowered:
0x8: {  	[smem:$0x3FAA] =	sst s0  }
0x9: {  	[smem:$0x3FAB] =	sst s1  }
0xa: {  	[smem:$0x3FAC] =	sst s2  }
0xb: {  	[smem:$0x3FAD] =	sst s3  }
0xc: {  	[smem:$0x3FAE] =	sst s4  }
0xd: {  	[smem:$0x3FAF] =	sst s5  }
0xe: {  	[smem:$0x3FB0] =	sst s6  }
0xf: {  	[smem:$0x3FB1] =	sst s7  }
0x10: {  	[smem:$0x3FB2] =	sst s8  }
0x11: {  	[smem:$0x3FB3] =	sst s9;
	s0 =	simm.s32 @!p0 $0x0  }
0x12: {  	s1 =	sld [smem:$0x3F99];
	s0 =	simm.s32 @p0 $0x1  }
0x13: {  	[smem:$0x3FB4] =	sst s0;
	s0 =	simm.s32 @!p1 $0x0  }
0x14: {  	s2 =	sld [smem:$0x3F98];
	s0 =	simm.s32 @p1 $0x1  }
0x15: {  	[smem:$0x3FB5] =	sst s0;
	s0 =	simm.s32 @!p2 $0x0  }
0x16: {  	s3 =	sld [smem:$0x3FDB];
	s0 =	simm.s32 @p2 $0x1  }
0x17: {  	s4 =	simm.s32 $0x1BF5;
	[smem:$0x3FB7] =	sst s0  }
0x18: {  	s0 =	sld [smem:$0x3F9A];
	_ =	swait.ge [sflag:s4], $0x0  }
0x19: {  	s7 =	sld [smem:$0x3F9B]  }
0x1a: {  	s8 =	sadd.s32 $0xFFFFE003, lr  }
0x1b: {  	s9 =	sadd.s32 $0xFFFFFEF7, lr;
	s5 =	simm.s32 $0xFFFFFFFF;
	p2 =	slt.u32 s8, $0xFFFFF086  }
0x1c: {  	p1 =	slt.u32 s9, $0xF7A;
	s5 =	simm.s32 @!p2 $0x0  }
0x1d: {  	s5 =	simm.s32 @p1 $0x1;
	p0 =	seq.s32 s7, s2  }
0x1e: {  	s7 =	smul.u32 @!p0 $0xF7A, s2;
	p2 =	seq.s32 @!p0 s5, $0x0  }
0x1f: {  	s9 =	smul.u32 $0xF7A, s1;
	s8 =	simm.s32 @!p0 $0x1BF5;
	p2 =	por !p2, p0  }
0x20: {  	[sflag:s8] =	ssyncset.s32 @!p0 $0xFFFFF086;
	s6 =	sadd.s32 @!p0 s3, s7;
	s7 =	simm.s32 @!p0 $0x108  }
0x21: {  	s3 =	sadd.s32 s3, s9;
	s6 =	sadd.s32 @!p0 $0x88, s6;
	s7 =	simm.s32 @p2 $0x1082  }
0x22: {  	[simem:s7], [sflag:s8] =	dma.local @!p0 [hbm:s6], $0xF7A  }
0x23: {  	s9 =	sor.u32 $0xD0000000, s2;
	s6 =	simm.s32 $0x108;
	_ =	swait.ge @!p0 [sflag:s8], $0x0  }
0x24: {  	s3 =	sadd.s32 $0x88, s3;
	s6 =	simm.s32 @!p1 $0x1082;
	[sflag:s4] =	ssyncset.s32 $0xFFFFF086  }
0x25: {  	[simem:s6], [sflag:s4] =	dma.local [hbm:s3], $0xF7A  }
0x26: {  	[smem:$0x3F9B] =	sst s1;
	(tag) =	ssettag s2;
	_ =	strace s9  }
0x27: {  	s1 =	sld [smem:$0x3FAB]  }
0x28: {  	s2 =	sld [smem:$0x3FAC]  }
0x29: {  	s4 =	sld [smem:$0x3FAE]  }
0x2a: {  	p0 =	seq.s32 s5, $0x0;
	s5 =	sld [smem:$0x3FAF]  }
0x2b: {  	s6 =	sld [smem:$0x3FB0]  }
0x2c: {  	s7 =	sld [smem:$0x3FB1]  }
0x2d: {  	s3 =	simm.s32 $0x108;
	s8 =	sld [smem:$0x3FB2]  }
0x2e: {  	s3 =	simm.s32 @!p0 $0x1082;
	s9 =	sld [smem:$0x3FB3]  }
0x2f: {  	lr =	sadd.s32 s0, s3;
	s0 =	sld [smem:$0x3FAA]  }
0x30: {  	s3 =	sld [smem:$0x3FAD]  }
0x31: {  	[smem:$0x3FB6] =	sst s10  }
0x32: {  	s10 =	sld [smem:$0x3FB4];
	_ =	sdelay $0x3  }
0x33: {  	p0 =	seq.s32 s10, $0x1;
	s10 =	sld [smem:$0x3FB6];
	_ =	sdelay $0x3  }
0x34: {  	[smem:$0x3FB6] =	sst s10  }
0x35: {  	s10 =	sld [smem:$0x3FB5];
	_ =	sdelay $0x3  }
0x36: {  	p1 =	seq.s32 s10, $0x1;
	s10 =	sld [smem:$0x3FB6];
	_ =	sdelay $0x3  }
0x37: {  	[smem:$0x3FB6] =	sst s10  }
0x38: {  	s10 =	sld [smem:$0x3FB7]  }
0x39: {  	_ = 	snop;
	(pc) =	sbr.ind lr, $3  }
0x3a: {  	_ = 	snop  }
0x3b: {  	_ = 	snop  }
0x3c: {  	p2 =	seq.s32 s10, $0x1;
	s10 =	sld [smem:$0x3FB6]  }
0x3d: {  	_ =	shalt  }
0x3e: {  	_ =	shalt  }
0x3f: {  	_ =	shalt  }
0x40: {  	_ =	shalt  }
0x41: {  	_ =	shalt  }
0x42: {  	_ =	shalt  }
0x43: {  	_ =	shalt  }
0x44: {  	_ =	shalt  }
0x45: {  	_ =	shalt  }
0x46: {  	_ =	shalt  }
0x47: {  	_ =	shalt  }
0x48: {  	_ =	shalt  }
0x49: {  	_ =	shalt  }
0x4a: {  	_ =	shalt  }
0x4b: {  	_ =	shalt  }
0x4c: {  	_ =	shalt  }
0x4d: {  	_ =	shalt  }
0x4e: {  	_ =	shalt  }
0x4f: {  	_ =	shalt  }
0x50: {  	_ =	shalt  }
0x51: {  	_ =	shalt  }
0x52: {  	_ =	shalt  }
0x53: {  	_ =	shalt  }
0x54: {  	_ =	shalt  }
0x55: {  	_ =	shalt  }
0x56: {  	_ =	shalt  }
0x57: {  	_ =	shalt  }
0x58: {  	_ =	shalt  }
0x59: {  	_ =	shalt  }
0x5a: {  	_ =	shalt  }
0x5b: {  	_ =	shalt  }
0x5c: {  	_ =	shalt  }
0x5d: {  	_ =	shalt  }
0x5e: {  	_ =	shalt  }
0x5f: {  	_ =	shalt  }
0x60: {  	_ =	shalt  }
0x61: {  	_ =	shalt  }
0x62: {  	_ =	shalt  }
0x63: {  	_ =	shalt  }
0x64: {  	_ =	shalt  }
0x65: {  	_ =	shalt  }
0x66: {  	_ =	shalt  }
0x67: {  	_ =	shalt  }
0x68: {  	_ =	shalt  }
0x69: {  	_ =	shalt  }
0x6a: {  	_ =	shalt  }
0x6b: {  	_ =	shalt  }
0x6c: {  	_ =	shalt  }
0x6d: {  	_ =	shalt  }
0x6e: {  	_ =	shalt  }
0x6f: {  	_ =	shalt  }
0x70: {  	_ =	shalt  }
0x71: {  	_ =	shalt  }
0x72: {  	_ =	shalt  }
0x73: {  	_ =	shalt  }
0x74: {  	_ =	shalt  }
0x75: {  	_ =	shalt  }
0x76: {  	_ =	shalt  }
0x77: {  	_ =	shalt  }
0x78: {  	_ =	shalt  }
0x79: {  	_ =	shalt  }
0x7a: {  	_ =	shalt  }
0x7b: {  	_ =	shalt  }
0x7c: {  	_ =	shalt  }
0x7d: {  	_ =	shalt  }
0x7e: {  	_ =	shalt  }
0x7f: {  	_ =	shalt  }
0x80: {  	_ =	shalt  }
0x81: {  	_ =	shalt  }
0x82: {  	_ =	shalt  }
0x83: {  	_ =	shalt  }
0x84: {  	_ =	shalt  }
0x85: {  	_ =	shalt  }
0x86: {  	_ =	shalt  }
0x87: {  	_ =	shalt  }
.Lfunc_end0:
.L_simem_size_0:
called_computation.2_lowered:
.L_overlay_start_0:
0x88: {  	s2 =	sld [smem:$0x3FD9]  }
0x89: {  	s3 =	sld [smem:$0x3FFE];
	_ =	sdelay $0x1  }
0x8a: {  	s1 =	srdreg.scid  }
0x8b: {  	s0 =	sand.u32 $0x1, s1  }
0x8c: {  	s17 =	sshll.u32 s0, $0xA;
	s2 =	sadd.s32 s3, s2  }
0x8d: {  	s2 =	sadd.s32 s2, s17  }
0x8e: {  	[smem:$0x3FC2] =	sst s2  }
0x8f: {  	_ = 	snop  }
0x90: {  	s2 =	sld [smem:$0x3FD0];
	(tm) =	ssettm $0x1  }
0x91: {  	s18 =	sld [smem:$0x3FFB];
	_ =	sdelay $0x3  }
0x92: {  	_ =	strace s18  }
0x93: {  	s3 =	sld [smem:$0x3FFC];
	_ =	sdelay $0x3  }
0x94: {  	_ =	strace s3  }
0x95: {  	s3 =	sld [smem:$0x3FFD];
	_ =	sdelay $0x3  }
0x96: {  	_ =	strace s3  }
0x97: {  	_ =	strace $0x8FFFFFFF  }
0x98: {  	s19 =	sld [smem:$0x3FDB];
	_ =	sdelay $0x1  }
0x99: {  	s4 =	simm.s32 $_scs_section_size  }
0x9a: {  	s5 =	simm.s32 $_size__tile_overlayer_lowered;
	s6 =	simm.s32 $_tile_overlayer_lowered  }
0x9b: {  	s22 =	simm.s32 $0x1BFF;
	s21 =	sshll.u32 s6, $0x1;
	s3 =	sadd.s32 s4, s19  }
0x9c: {  	s7 =	simm.s32 $0x0;
	s20 =	sshll.u32 s5, $0x1;
	s5 =	sadd.s32 s21, s3  }
0x9d: {  	[timem:s7], [sflag:s22] =	dma.local [hbm:s5], s20  }
0x9e: {  	_ =	swait.ge [sflag:s22], s20  }
0x9f: {  	s4 =	ssub.s32 $0x0, s20;
	[sflag:s22] =	ssyncset.done $0x0  }
0xa0: {  	[sflag:s22] =	ssyncadd.s32 s4;
	_ =	sdelay $0x1  }
0xa1: {  	s23 =	simm.s32 $0x1B8B  }
0xa2: {  	_ =	swait.ge [sflag:s23], $0x1  }
0xa3: {  	[sflag:s23] =	ssyncset.done $0x0  }
0xa4: {  	s25 =	simm.s32 $0x1B8E;
	s24 =	sld [smem:$0x3FFE];
	[sflag:s23] =	ssyncadd.s32 $0xFFFFFFFF  }
0xa5: {  	s26 =	simm.s32 $execute0_lowered;
	[smem:$0x3FD2] =	sst s25  }
0xa6: {  	s5 =	sshll.u32 s26, $0x1;
	_ =	strace $0x8000004C;
	[dreg:$0x1] =	wrdreg $0xFFFFFFFF  }
0xa7: {  	s28 =	simm.s32 $_size_execute0_lowered;
	s3 =	sadd.s32 s3, s5;
	[dreg:$0x0] =	wrdreg $0x0  }
0xa8: {  	s5 =	sshll.u32 s28, $0x1;
	[dreg:$0x2] =	wrdreg s3  }
0xa9: {  	[dreg:$0x3] =	wrdreg s5  }
0xaa: {  	[dreg:$0x4] =	wrdreg $0xC0  }
0xab: {  	_ =	task [dreg:s7], $0x5FFFF  }
0xac: {  	[dreg:$0x1] =	wrdreg $0xFFFFFFFF  }
0xad: {  	[dreg:$0x0] =	wrdreg $0x60  }
0xae: {  	[dreg:$0x2] =	wrdreg s24  }
0xaf: {  	[dreg:$0x3] =	wrdreg s2  }
0xb0: {  	[dreg:$0x4] =	wrdreg $0x14D300  }
0xb1: {  	[dreg:$0x5] =	wrdreg $0x175300  }
0xb2: {  	[dreg:$0x6] =	wrdreg $0x9  }
0xb3: {  	_ =	task.clear_ibuf [dreg:s7], $0x7FFFF;
	_ =	strace $0x9000004C  }
0xb4: {  	s29 =	simm.s32 $0x9;
	_ =	strace $0x8000004E  }
0xb5: {  	_ =	swait.ge [sflag:s29], $0x1  }
0xb6: {  	[sflag:s29] =	ssyncadd.s32 $0xFFFFFFFF  }
0xb7: {  	_ =	strace $0x9000004E  }
0xb8: {  	_ =	sfence  }
0xb9: {  	s30 =	sld [smem:$0x0];
	_ =	sdelay $0x2  }
0xba: {  	s31 =	sshll.u32 s1, $0xD;
	s1 =	sshrl.u32 s1, $0x2  }
0xbb: {  	s3 =	sand.u32 $0x4000, s31;
	s1 =	sadd.s32 s1, s30  }
0xbc: {  	s0 =	sor.u32 s3, s0;
	s1 =	sshll.u32 s1, $0x11  }
0xbd: {  	s0 =	sor.u32 s1, s0  }
0xbe: {  	s0 =	sadd.s32 $0x8F2B, s0  }
0xbf: {  	[sflag:s0] =	ssyncadd.remote.s32 $0x1  }
0xc0: {  	_ =	sfence.sel $0xFFFF  }
0xc1: {  	[dreg:$0x0] =	wrdreg $0xFFFFFFFF;
	(pc) =	sbr.abs _section_cstart, $3  }
0xc2: {  	[dreg:$0x1] =	wrdreg $0xFFFFFFFF  }
0xc3: {  	_ =	task.clear_ibuf [dreg:s7], $0x2FFFF;
	_ =	strace $0x9FFFFFFF  }
0xc4: {  	(tm) =	ssettm $0x7FFFFFFF  }
0xc5: {  	_ =	shalt  }
tec
execute0_lowered:
.L_overlay_start_1:
0x0: {  	(tag) =	ssettag $0x1  }
0x1: {  	s0 =	rddreg [dreg:$0x0]  }
0x2: {  	s2 =	rddreg [dreg:$0x1]  }
0x3: {  	s1 =	rddreg [dreg:$0x2]  }
0x4: {  	s3 =	rddreg [dreg:$0x3]  }
0x5: {  	s4 =	simm.s32 $0x0;
	s13 =	stileid.u32;
	s6 =	srdreg.scid  }
0x6: {  	s30 =	simm.s32 $0x9778;
	s28 =	simm.s32 $0x1;
	s31 =	simm.s32 $0xE1B0  }
0x7: {  	s29 =	simm.s32 $0x4;
	[smem:$0x7FF] =	sst s4;
	s5 =	smul.u32 $0x2800, s13  }
0x8: {  	s6 =	sand.u32 $0x1, s6;
	s7 =	sadd.s32 $0x2600, s0;
	s10 =	sadd.s32 $0x16000, s0  }
0x9: {  	s14 =	sadd.s32 $0x16A00, s0;
	_ =	strace $0x8000004D;
	s9 =	smul.u32 $0x28000, s6  }
0xa: {  	s11 =	sshll.u32 s6, $0x4;
	s6 =	ssub.s32 $0x2, s6;
	[dreg:$0x5] =	wrdreg s14  }
0xb: {  	s8 =	sshrl.u32 s5, $0x3;
	s11 =	sor.u32 s13, s11;
	s9 =	sadd.s32 s5, s9  }
0xc: {  	s12 =	sshrl.u32 s6, $0x1;
	s11 =	smul.u32 $0x2710, s11;
	s9 =	sshrl.u32 s9, $0x3  }
0xd: {  	s8 =	sadd.s32 s8, s0;
	s0 =	sadd.s32 s9, s0;
	s9 =	ssub.s32 s6, s12  }
0xe: {  	s12 =	smul.u32 $0x280, s13;
	s20 =	sshrl.u32 s11, $0x3;
	s21 =	sadd.s32 $0x3E8, s11  }
0xf: {  	s22 =	sadd.s32 $0xBB8, s11;
	s24 =	sadd.s32 $0x1388, s11;
	s26 =	sadd.s32 $0x1B58, s11  }
0x10: {  	s15 =	sadd.s32 $0x2328, s11;
	s17 =	sadd.s32 $0x4E5E8, s11;
	s19 =	sadd.s32 $0x4EDB8, s11  }
0x11: {  	s6 =	sadd.s32 s7, s20;
	s13 =	sshrl.u32 s21, $0x3;
	s23 =	sshrl.u32 s22, $0x3  }
0x12: {  	s25 =	sshrl.u32 s24, $0x3;
	s16 =	sshrl.u32 s15, $0x3;
	s15 =	sadd.s32 s5, s1  }
0x13: {  	s14 =	sshrl.u32 s26, $0x3;
	s0 =	sadd.s32 $0x25C00, s0;
	[dreg:$0x16] =	wrdreg s15  }
0x14: {  	s18 =	sshrl.u32 s17, $0x3;
	s17 =	smax.u32 s9, $0x1;
	[dreg:$0x17] =	wrdreg s0  }
0x15: {  	s20 =	sshrl.u32 s19, $0x3;
	s21 =	sadd.s32 $0x4F588, s11;
	[dreg:$0x18] =	wrdreg s17  }
0x16: {  	s1 =	simm.s32 $0x9390;
	s13 =	sadd.s32 s7, s13;
	[smem:$0x7FC] =	sst s6  }
0x17: {  	s9 =	simm.s32 $0x0;
	s19 =	sadd.s32 $0x1F4, s6;
	[dreg:$0x6] =	wrdreg s13  }
0x18: {  	s22 =	sshrl.u32 s21, $0x3;
	s21 =	sadd.s32 $0x3E8, s6;
	[dreg:$0x1a] =	wrdreg s19  }
0x19: {  	s12 =	sshrl.u32 s12, $0x3;
	s13 =	sadd.s32 s7, s23;
	[dreg:$0x1c] =	wrdreg s21  }
0x1a: {  	s15 =	simm.s32 $0x8BC0;
	[dreg:$0x7] =	wrdreg s13;
	s13 =	sadd.s32 s7, s25  }
0x1b: {  	s26 =	sadd.s32 $0x500, s12;
	s25 =	sadd.s32 s2, s12;
	[dreg:$0x8] =	wrdreg s13  }
0x1c: {  	s23 =	sadd.s32 $0x4FD58, s11;
	s2 =	sadd.s32 s2, s26;
	[dreg:$0x10] =	wrdreg s25  }
0x1d: {  	s24 =	sshrl.u32 s23, $0x3;
	s23 =	sadd.s32 $0x9D3A, s6;
	[dreg:$0x11] =	wrdreg s2  }
0x1e: {  	s11 =	sadd.s32 $0x50528, s11;
	s13 =	sadd.s32 s7, s14;
	[dreg:$0x1e] =	wrdreg s23  }
0x1f: {  	s19 =	simm.s32 $0x58F8;
	s14 =	sadd.s32 $0x20C00, s8;
	[dreg:$0x9] =	wrdreg s13  }
0x20: {  	s21 =	simm.s32 $0x64B0;
	s25 =	sadd.s32 $0x9F2E, s6;
	[dreg:$0x15] =	wrdreg s14  }
0x21: {  	s11 =	sshrl.u32 s11, $0x3;
	s13 =	sadd.s32 s7, s16;
	[smem:$0x7FB] =	sst s25  }
0x22: {  	s2 =	simm.s32 $0x5510;
	s16 =	sadd.s32 s5, s3;
	[dreg:$0xa] =	wrdreg s13  }
0x23: {  	s23 =	simm.s32 $0x7C20;
	s13 =	sadd.s32 s7, s18;
	[smem:$0x7FA] =	sst s16  }
0x24: {  	s5 =	simm.s32 $0x60C8;
	s18 =	sadd.s32 $0xFA, s6;
	[dreg:$0xb] =	wrdreg s13  }
0x25: {  	s3 =	simm.s32 $0x9F48;
	s13 =	sadd.s32 s7, s20;
	[dreg:$0x19] =	wrdreg s18  }
0x26: {  	s25 =	simm.s32 $0x5;
	s20 =	sadd.s32 $0x2EE, s6;
	[dreg:$0xc] =	wrdreg s13  }
0x27: {  	s14 =	simm.s32 $0x2800;
	s13 =	sadd.s32 s7, s22;
	[dreg:$0x1b] =	wrdreg s20  }
0x28: {  	s16 =	simm.s32 $0x2;
	s22 =	sadd.s32 $0x9C40, s6;
	[dreg:$0xd] =	wrdreg s13  }
0x29: {  	s18 =	simm.s32 $0x9B60;
	s13 =	sadd.s32 s7, s24;
	[dreg:$0x1d] =	wrdreg s22  }
0x2a: {  	s20 =	simm.s32 $0x5CE0;
	s7 =	sadd.s32 s7, s11;
	[dreg:$0xe] =	wrdreg s13  }
0x2b: {  	s11 =	sadd.s32 s10, s12;
	s12 =	sadd.s32 s10, s26;
	[dreg:$0xf] =	wrdreg s7  }
0x2c: {  	v0 =	vlaneseq.u32;
	v1 =	vimm.s32 $0x4;
	v2 =	vimm.s32 $0x1;
	s24 =	sadd.s32 $0x9E34, s6;
	s26 =	sadd.s32 $0xA028, s6;
	[dreg:$0x12] =	wrdreg s11  }
0x2d: {  	v3 =	vimm.s32 $0x2;
	v4 =	vimm.s32 $0x3;
	v5 =	vimm.s32 $0x5;
	s10 =	simm.s32 $0x6C80;
	s22 =	simm.s32 $0x7450;
	[dreg:$0x13] =	wrdreg s12  }
0x2e: {  	v6 =	vimm.s32 $0x6;
	v7 =	vimm.s32 $0x7;
	v8 =	vimm.s32 $0x8;
	s6 =	simm.s32 $0x87D8;
	s13 =	sadd.s32 $0x1BC00, s8;
	[dreg:$0x1f] =	wrdreg s24  }
0x2f: {  	v9 =	vimm.s32 $0x9;
	v10 =	vimm.s32 $0xA;
	v11 =	vimm.s32 $0xB;
	[smem:$0x7FD] =	sst s26;
	s7 =	simm.s32 $0x6898;
	s8 =	simm.s32 $0x7068  }
0x30: {  	v12 =	vimm.s32 $0xC;
	v13 =	vimm.s32 $0xD;
	v14 =	vimm.s32 $0xE;
	s11 =	simm.s32 $0x7838;
	s12 =	simm.s32 $0x8008;
	s24 =	simm.s32 $0x8FA8  }
0x31: {  	v15 =	vimm.s32 $0xF;
	v16 =	vimm.f32 $0.0e+00;
	v0 =	vmul.u32 $0x10, v0;
	s26 =	simm.s32 $0x5000;
	[dreg:$0x14] =	wrdreg s13;
	s13 =	simm.s32 $0x83F0  }
.LBB2_1:
0x32: {  	s0 =	sld [smem:$0x7FC]  }
0x33: {  	[smem:$0x7F9] =	sst s9  }
0x34: {  	s17 =	rddreg [dreg:$0x6]  }
0x35: {  	[tilespmem:s2], [sflag:$0x1] =	stream.linear.gather [hbm4b:s0+s4], $0x3E8, $0x38;
	[tilespmem:$0x19D30] =	vst v63  }
0x36: {  	s9 =	rddreg [dreg:$0x8]  }
0x37: {  	[tilespmem:s19], [sflag:$0x1] =	stream.linear.gather [hbm4b:s17+s4], $0x3E8, $0x38;
	[tilespmem:$0x19D30] =	vst v63  }
0x38: {  	s19 =	rddreg [dreg:$0x19]  }
0x39: {  	[tilespmem:s20], [sflag:$0x1] =	stream.linear.gather [hbm4b:s19+s4], $0x3E8, $0x38;
	[tilespmem:$0x19D30] =	vst v63  }
0x3a: {  	s2 =	rddreg [dreg:$0x7]  }
0x3b: {  	[tilespmem:s5], [sflag:$0x1] =	stream.linear.gather [hbm4b:s2+s4], $0x3E8, $0x38;
	[tilespmem:$0x19D30] =	vst v63  }
0x3c: {  	s5 =	rddreg [dreg:$0x1a]  }
0x3d: {  	[tilespmem:s21], [sflag:$0x1] =	stream.linear.gather [hbm4b:s5+s4], $0x3E8, $0x38;
	[tilespmem:$0x19D30] =	vst v63  }
0x3e: {  	s17 =	rddreg [dreg:$0x1b]  }
0x3f: {  	[tilespmem:s7], [sflag:$0x1] =	stream.linear.gather [hbm4b:s9+s4], $0x3E8, $0x38;
	[tilespmem:$0x19D30] =	vst v63  }
0x40: {  	s19 =	rddreg [dreg:$0x9]  }
0x41: {  	[tilespmem:s10], [sflag:$0x1] =	stream.linear.gather [hbm4b:s17+s4], $0x3E8, $0x38;
	[tilespmem:$0x19D30] =	vst v63  }
0x42: {  	s20 =	rddreg [dreg:$0x1c]  }
0x43: {  	[tilespmem:s8], [sflag:$0x1] =	stream.linear.gather [hbm4b:s19+s4], $0x3E8, $0x38;
	[tilespmem:$0x19D30] =	vst v63  }
0x44: {  	s2 =	rddreg [dreg:$0x1e]  }
0x45: {  	[tilespmem:s22], [sflag:$0x1] =	stream.linear.gather [hbm4b:s20+s4], $0x3E8, $0x38;
	[tilespmem:$0x19D30] =	vst v63  }
0x46: {  	s21 =	rddreg [dreg:$0xa]  }
0x47: {  	[tilespmem:s11], [sflag:$0x1] =	stream.linear.gather [hbm4b:s21+s4], $0x3E8, $0x38;
	[tilespmem:$0x19D30] =	vst v63  }
0x48: {  	s22 =	rddreg [dreg:$0x1d]  }
0x49: {  	[tilespmem:s23], [sflag:$0x2] =	stream.linear.gather [hbm4b:s22+s4], $0x3E8, $0x38;
	[tilespmem:$0x19D30] =	vst v63  }
0x4a: {  	s23 =	rddreg [dreg:$0xb]  }
0x4b: {  	[tilespmem:s12], [sflag:$0x2] =	stream.linear.gather [hbm4b:s23+s4], $0x3E8, $0x38;
	[tilespmem:$0x19D30] =	vst v63  }
0x4c: {  	s5 =	rddreg [dreg:$0xc]  }
0x4d: {  	[tilespmem:s13], [sflag:$0x2] =	stream.linear.gather [hbm4b:s2+s4], $0x3E8, $0x38;
	[tilespmem:$0x19D30] =	vst v63  }
0x4e: {  	s7 =	rddreg [dreg:$0x1f]  }
0x4f: {  	[tilespmem:s6], [sflag:$0x2] =	stream.linear.gather [hbm4b:s5+s4], $0x3E8, $0x38;
	[tilespmem:$0x19D30] =	vst v63  }
0x50: {  	s9 =	sld [smem:$0x7FB]  }
0x51: {  	[tilespmem:s15], [sflag:$0x2] =	stream.linear.gather [hbm4b:s7+s4], $0x3E8, $0x38;
	[tilespmem:$0x19D30] =	vst v63  }
0x52: {  	s8 =	rddreg [dreg:$0xd]  }
0x53: {  	[tilespmem:s24], [sflag:$0x2] =	stream.linear.gather [hbm4b:s8+s4], $0x3E8, $0x38;
	[tilespmem:$0x19D30] =	vst v63  }
0x54: {  	s10 =	rddreg [dreg:$0xe]  }
0x55: {  	[tilespmem:s1], [sflag:$0x2] =	stream.linear.gather [hbm4b:s9+s4], $0x3E8, $0x38;
	[tilespmem:$0x19D30] =	vst v63  }
0x56: {  	s11 =	sld [smem:$0x7FD]  }
0x57: {  	[tilespmem:s30], [sflag:$0x2] =	stream.linear.gather [hbm4b:s10+s4], $0x3E8, $0x38;
	[tilespmem:$0x19D30] =	vst v63  }
0x58: {  	_ = 	snop  }
0x59: {  	[tilespmem:s18], [sflag:$0x2] =	stream.linear.gather [hbm4b:s11+s4], $0x3E8, $0x38;
	[tilespmem:$0x19D30] =	vst v63  }
0x5a: {  	s12 =	rddreg [dreg:$0xf]  }
0x5b: {  	[tilespmem:s3], [sflag:$0x2] =	stream.linear.gather [hbm4b:s12+s4], $0x3E8, $0x38;
	[tilespmem:$0x19D30] =	vst v63  }
0x5c: {  	s13 =	rddreg [dreg:$0x14]  }
0x5d: {  	[tilespmem:s4], [sflag:$0x5] =	stream.linear.gather [hbm4b:s13+s4], $0x2800, $0x38;
	[tilespmem:$0x19D30] =	vst v63  }
0x5e: {  	_ =	swait.ge [sflag:s25], $0x2800  }
0x5f: {  	[sflag:s25] =	ssyncset.done $0x0  }
0x60: {  	s15 =	rddreg [dreg:$0x15];
	[sflag:s25] =	ssyncadd.s32 $0xFFFFD800  }
0x61: {  	[tilespmem:s14], [sflag:$0x5] =	stream.linear.gather [hbm4b:s15+s4], $0x2800, $0x38;
	[tilespmem:$0x19D30] =	vst v63  }
0x62: {  	_ =	swait.ge [sflag:s25], $0x2800  }
0x63: {  	[sflag:s25] =	ssyncset.done $0x0  }
0x64: {  	s17 =	rddreg [dreg:$0x5];
	[sflag:s25] =	ssyncadd.s32 $0xFFFFD800  }
0x65: {  	[tilespmem:s26], [sflag:$0x5] =	stream.linear.gather [hbm4b:s17+s4], $0x10, $0x38;
	[tilespmem:$0x19D30] =	vst v63  }
0x66: {  	_ =	swait.ge [sflag:s25], $0x10  }
0x67: {  	[sflag:s25] =	ssyncset.done $0x0  }
0x68: {  	s19 =	simm.s32 $0x14830;
	s18 =	rddreg [dreg:$0x10];
	[sflag:s25] =	ssyncadd.s32 $0xFFFFFFF0  }
0x69: {  	[tilespmem:s19], [sflag:$0x5] =	stream.linear.gather [hbm4b:s18+s4], $0x280, $0x38;
	[tilespmem:$0x19D30] =	vst v63  }
0x6a: {  	_ =	swait.ge [sflag:s25], $0x280  }
0x6b: {  	[sflag:s25] =	ssyncset.done $0x0  }
0x6c: {  	s21 =	simm.s32 $0x14AB0;
	s20 =	rddreg [dreg:$0x11];
	[sflag:s25] =	ssyncadd.s32 $0xFFFFFD80  }
0x6d: {  	[tilespmem:s21], [sflag:$0x5] =	stream.linear.gather [hbm4b:s20+s4], $0x280, $0x38;
	[tilespmem:$0x19D30] =	vst v63  }
0x6e: {  	_ =	swait.ge [sflag:s25], $0x280  }
0x6f: {  	[sflag:s25] =	ssyncset.done $0x0  }
0x70: {  	s23 =	simm.s32 $0x5010;
	s22 =	rddreg [dreg:$0x12];
	[sflag:s25] =	ssyncadd.s32 $0xFFFFFD80  }
0x71: {  	[tilespmem:s23], [sflag:$0x5] =	stream.linear.gather [hbm4b:s22+s4], $0x280, $0x38;
	[tilespmem:$0x19D30] =	vst v63  }
0x72: {  	_ =	swait.ge [sflag:s25], $0x280  }
0x73: {  	[sflag:s25] =	ssyncset.done $0x0  }
0x74: {  	s30 =	simm.s32 $0x5290;
	s24 =	rddreg [dreg:$0x13];
	[sflag:s25] =	ssyncadd.s32 $0xFFFFFD80  }
0x75: {  	[tilespmem:s30], [sflag:$0x5] =	stream.linear.gather [hbm4b:s24+s4], $0x280, $0x38;
	[tilespmem:$0x19D30] =	vst v63  }
0x76: {  	_ =	swait.ge [sflag:s25], $0x280  }
0x77: {  	[sflag:s25] =	ssyncset.done $0x0  }
0x78: {  	s0 =	simm.s32 $0x0;
	[sflag:s25] =	ssyncadd.s32 $0xFFFFFD80  }
0x79: {  	v17 =	vld [tilespmem:s0+$0x5010]  }
0x7a: {  	v18 =	vld [tilespmem:s0+$0x5290]  }
0x7b: {  	v19 =	vld [tilespmem:s0+$0x14AB0]  }
0x7c: {  	v20 =	vld [tilespmem:s0+$0x14830];
	_ =	sdelay $0x2  }
0x7d: {  	v17 =	vadd.f32 v18, v17;
	_ =	sdelay $0x1  }
0x7e: {  	v18 =	vadd.f32 v19, v20;
	v17 =	vmax.f32 v17, $1.000000000e+00  }
0x7f: {  	v19 =	vshra.s32 v17, $0x1;
	v20 =	vmul.f32 $5.000000000e-01, v17  }
0x80: {  	v17 =	vmax.f32 v18, $1.000000000e+00;
	v18 =	vsub.s32 $0x5F3759DF, v19  }
0x81: {  	v19 =	vshra.s32 v17, $0x1;
	v21 =	vmul.f32 $5.000000000e-01, v17;
	v17 =	vmul.f32 v18, v20  }
0x82: {  	v19 =	vsub.s32 $0x5F3759DF, v19  }
0x83: {  	v22 =	vmul.f32 v19, v21;
	v17 =	vmul.f32 v18, v17;
	_ =	sdelay $0x1  }
0x84: {  	v22 =	vmul.f32 v19, v22;
	v17 =	vsub.f32 $1.500000000e+00, v17;
	_ =	sdelay $0x1  }
0x85: {  	v22 =	vsub.f32 $1.500000000e+00, v22;
	v17 =	vmul.f32 v18, v17;
	_ =	sdelay $0x1  }
0x86: {  	v18 =	vmul.f32 v19, v22;
	v19 =	vmul.f32 v17, v20;
	_ =	sdelay $0x1  }
0x87: {  	v22 =	vmul.f32 v18, v21;
	v19 =	vmul.f32 v19, v17;
	_ =	sdelay $0x1  }
0x88: {  	v22 =	vmul.f32 v22, v18;
	v19 =	vsub.f32 $1.500000000e+00, v19;
	_ =	sdelay $0x1  }
0x89: {  	v22 =	vsub.f32 $1.500000000e+00, v22;
	v19 =	vmul.f32 v19, v17;
	_ =	sdelay $0x1  }
0x8a: {  	v17 =	vmul.f32 v22, v18;
	v18 =	vmul.f32 v19, v20;
	_ =	sdelay $0x1  }
0x8b: {  	v20 =	vmul.f32 v17, v21;
	v18 =	vmul.f32 v18, v19  }
0x8c: {  	s2 =	simm.s32 $0x40;
	s5 =	simm.s32 $0x7C20  }
0x8d: {  	s6 =	simm.s32 $0x8BC0;
	s7 =	simm.s32 $0x8008;
	s8 =	simm.s32 $0x83F0;
	v20 =	vmul.f32 v20, v17;
	v63 =	vsub.f32 $1.500000000e+00, v18  }
0x8e: {  	s10 =	simm.s32 $0x87D8;
	s11 =	simm.s32 $0x8FA8;
	s13 =	simm.s32 $0x9390  }
0x8f: {  	s20 =	simm.s32 $0x80;
	s22 =	simm.s32 $0x9778;
	s24 =	simm.s32 $0x9B60;
	v18 =	vsub.f32 $1.500000000e+00, v20;
	v19 =	vmul.f32 v63, v19  }
.LBB2_2:
0x90: {  	p0 =	sne.s32 s20, $0x9C0  }
0x91: {  	s9 =	sshra.s32 s2, $0x2;
	s2 =	smov.u32 s20;
	s20 =	sadd.s32 $0x40, s20  }
0x92: {  	v20 =	vld [tilespmem:s9+$0x5010];
	v17 =	vmul.f32 v18, v17;
	[tilespmem:s0+$0x14AB0] =	vst v19  }
0x93: {  	v18 =	vld [tilespmem:s9+$0x5290]  }
0x94: {  	v19 =	vld [tilespmem:s9+$0x14AB0];
	[tilespmem:s0+$0x14830] =	vst v17;
	s0 =	smov.u32 s9  }
0x95: {  	v17 =	vld [tilespmem:s0+$0x14830];
	_ =	sdelay $0x2  }
0x96: {  	v18 =	vadd.f32 v18, v20;
	_ =	sdelay $0x1  }
0x97: {  	v17 =	vadd.f32 v19, v17;
	v18 =	vmax.f32 v18, $1.000000000e+00  }
0x98: {  	v19 =	vshra.s32 v18, $0x1;
	v18 =	vmul.f32 $5.000000000e-01, v18  }
0x99: {  	v17 =	vmax.f32 v17, $1.000000000e+00;
	v19 =	vsub.s32 $0x5F3759DF, v19  }
0x9a: {  	v20 =	vshra.s32 v17, $0x1;
	v21 =	vmul.f32 $5.000000000e-01, v17;
	v17 =	vmul.f32 v19, v18  }
0x9b: {  	v20 =	vsub.s32 $0x5F3759DF, v20  }
0x9c: {  	v22 =	vmul.f32 v20, v21;
	v17 =	vmul.f32 v19, v17;
	_ =	sdelay $0x1  }
0x9d: {  	v22 =	vmul.f32 v20, v22;
	v17 =	vsub.f32 $1.500000000e+00, v17;
	_ =	sdelay $0x1  }
0x9e: {  	v22 =	vsub.f32 $1.500000000e+00, v22;
	v17 =	vmul.f32 v19, v17;
	_ =	sdelay $0x1  }
0x9f: {  	v19 =	vmul.f32 v20, v22;
	v20 =	vmul.f32 v17, v18;
	_ =	sdelay $0x1  }
0xa0: {  	v22 =	vmul.f32 v19, v21;
	v20 =	vmul.f32 v20, v17;
	_ =	sdelay $0x1  }
0xa1: {  	v22 =	vmul.f32 v22, v19;
	v20 =	vsub.f32 $1.500000000e+00, v20;
	_ =	sdelay $0x1  }
0xa2: {  	v22 =	vsub.f32 $1.500000000e+00, v22;
	v20 =	vmul.f32 v20, v17;
	_ =	sdelay $0x1  }
0xa3: {  	v17 =	vmul.f32 v22, v19;
	v18 =	vmul.f32 v20, v18;
	_ =	sdelay $0x1  }
.Ltmp0:
0xa4: {  	v19 =	vmul.f32 v17, v21;
	v18 =	vmul.f32 v18, v20;
	(pc) =	sbr.rel @p0 .LBB2_2-.Ltmp0, $3  }
0xa5: {  	_ = 	snop  }
0xa6: {  	v19 =	vmul.f32 v19, v17;
	v21 =	vsub.f32 $1.500000000e+00, v18;
	_ =	sdelay $0x1  }
0xa7: {  	v18 =	vsub.f32 $1.500000000e+00, v19;
	v19 =	vmul.f32 v21, v20  }
0xa8: {  	s2 =	sshra.s32 s2, $0x2  }
0xa9: {  	v20 =	vld [tilespmem:s2+$0x5010];
	[tilespmem:s0+$0x14AB0] =	vst v19;
	v17 =	vmul.f32 v18, v17  }
0xaa: {  	v18 =	vld [tilespmem:s2+$0x5290]  }
0xab: {  	v19 =	vld [tilespmem:s2+$0x14AB0];
	[tilespmem:s0+$0x14830] =	vst v17  }
0xac: {  	v17 =	vld [tilespmem:s2+$0x14830];
	_ =	sdelay $0x3  }
0xad: {  	v18 =	vadd.f32 v18, v20  }
0xae: {  	v17 =	vadd.f32 v19, v17  }
0xaf: {  	v18 =	vmax.f32 v18, $1.000000000e+00  }
0xb0: {  	v19 =	vshra.s32 v18, $0x1;
	v18 =	vmul.f32 $5.000000000e-01, v18;
	v17 =	vmax.f32 v17, $1.000000000e+00  }
0xb1: {  	v19 =	vsub.s32 $0x5F3759DF, v19;
	v20 =	vshra.s32 v17, $0x1;
	v17 =	vmul.f32 $5.000000000e-01, v17  }
0xb2: {  	v21 =	vmul.f32 v19, v18;
	v20 =	vsub.s32 $0x5F3759DF, v20  }
0xb3: {  	v22 =	vmul.f32 v20, v17  }
0xb4: {  	v21 =	vmul.f32 v19, v21  }
0xb5: {  	v22 =	vmul.f32 v20, v22  }
0xb6: {  	v21 =	vsub.f32 $1.500000000e+00, v21  }
0xb7: {  	v22 =	vsub.f32 $1.500000000e+00, v22  }
0xb8: {  	v19 =	vmul.f32 v19, v21  }
0xb9: {  	v20 =	vmul.f32 v20, v22  }
0xba: {  	v21 =	vmul.f32 v19, v18  }
0xbb: {  	v22 =	vmul.f32 v20, v17  }
0xbc: {  	v21 =	vmul.f32 v21, v19  }
0xbd: {  	v22 =	vmul.f32 v22, v20  }
0xbe: {  	v21 =	vsub.f32 $1.500000000e+00, v21  }
0xbf: {  	v22 =	vsub.f32 $1.500000000e+00, v22  }
0xc0: {  	v19 =	vmul.f32 v21, v19  }
0xc1: {  	v20 =	vmul.f32 v22, v20  }
0xc2: {  	v18 =	vmul.f32 v19, v18  }
0xc3: {  	v17 =	vmul.f32 v20, v17  }
0xc4: {  	v18 =	vmul.f32 v18, v19  }
0xc5: {  	s30 =	simm.s32 $0x0;
	v17 =	vmul.f32 v17, v20  }
0xc6: {  	v21 =	vmov s30;
	v18 =	vsub.f32 $1.500000000e+00, v18  }
0xc7: {  	v21 =	vshll.u32 v21, $0x4;
	v17 =	vsub.f32 $1.500000000e+00, v17  }
0xc8: {  	v19 =	vmul.f32 v18, v19;
	v18 =	vor.u32 v0, v21  }
0xc9: {  	v17 =	vmul.f32 v17, v20  }
0xca: {  	[tilespmem:s2+$0x14AB0] =	vst v19  }
0xcb: {  	s0 =	simm.s32 $0x14830;
	[tilespmem:s2+$0x14830] =	vst v17  }
0xcc: {  	v17 =	vld [tilespmem:s0+$0x0]  }
0xcd: {  	v20 =	vld.idx.msk [tilespmem:v18+s4+$0x0], $0xffff  }
0xce: {  	s20 =	simm.s32 $0x14AB0;
	v21 =	vld.idx.msk [tilespmem:v18+s14+$0x0], $0xffff  }
0xcf: {  	v19 =	vld [tilespmem:s20+$0x0];
	_ =	sdelay $0x1  }
0xd0: {  	v22 =	vld.msk [tilespmem:s26+$0x0], $0xffff;
	_ =	sdelay $0x2  }
0xd1: {  	v19 =	vmul.f32 v19, v17;
	v20 =	vadd.f32 v21, v20;
	_ =	sdelay $0x1  }
0xd2: {  	v21 =	vmul.f32 v22, v17;
	v22 =	vor.u32 $0x1, v18;
	v20 =	vmul.f32 v20, v19;
	_ =	sdelay $0x1  }
0xd3: {  	v20 =	vadd.f32 v20, v21;
	_ =	sdelay $0x1  }
0xd4: {  	[tilespmem:v18+s4+$0x0] =	vst.idx.msk $0xffff, v20  }
0xd5: {  	v20 =	vld.idx.msk [tilespmem:v22+s4+$0x0], $0xffff  }
0xd6: {  	v21 =	vld.idx.msk [tilespmem:v22+s14+$0x0], $0xffff;
	_ =	sdelay $0x1  }
0xd7: {  	v23 =	vld.idx.msk [tilespmem:v2+s26+$0x0], $0xffff;
	_ =	sdelay $0x2  }
0xd8: {  	v20 =	vadd.f32 v21, v20;
	_ =	sdelay $0x1  }
0xd9: {  	v21 =	vmul.f32 v23, v17;
	v23 =	vor.u32 $0x2, v18;
	v20 =	vmul.f32 v20, v19;
	_ =	sdelay $0x1  }
0xda: {  	v20 =	vadd.f32 v20, v21;
	_ =	sdelay $0x1  }
0xdb: {  	[tilespmem:v22+s4+$0x0] =	vst.idx.msk $0xffff, v20  }
0xdc: {  	v20 =	vld.idx.msk [tilespmem:v23+s4+$0x0], $0xffff  }
0xdd: {  	v21 =	vld.idx.msk [tilespmem:v23+s14+$0x0], $0xffff;
	_ =	sdelay $0x1  }
0xde: {  	v22 =	vld.idx.msk [tilespmem:v3+s26+$0x0], $0xffff;
	_ =	sdelay $0x2  }
0xdf: {  	v20 =	vadd.f32 v21, v20;
	_ =	sdelay $0x1  }
0xe0: {  	v21 =	vmul.f32 v22, v17;
	v22 =	vor.u32 $0x3, v18;
	v20 =	vmul.f32 v20, v19;
	_ =	sdelay $0x1  }
0xe1: {  	v20 =	vadd.f32 v20, v21;
	_ =	sdelay $0x1  }
0xe2: {  	[tilespmem:v23+s4+$0x0] =	vst.idx.msk $0xffff, v20  }
0xe3: {  	v20 =	vld.idx.msk [tilespmem:v22+s4+$0x0], $0xffff  }
0xe4: {  	v21 =	vld.idx.msk [tilespmem:v22+s14+$0x0], $0xffff;
	_ =	sdelay $0x1  }
0xe5: {  	v23 =	vld.idx.msk [tilespmem:v4+s26+$0x0], $0xffff;
	_ =	sdelay $0x2  }
0xe6: {  	v20 =	vadd.f32 v21, v20;
	_ =	sdelay $0x1  }
0xe7: {  	v21 =	vmul.f32 v23, v17;
	v23 =	vor.u32 $0x4, v18;
	v20 =	vmul.f32 v20, v19;
	_ =	sdelay $0x1  }
0xe8: {  	v20 =	vadd.f32 v20, v21;
	_ =	sdelay $0x1  }
0xe9: {  	[tilespmem:v22+s4+$0x0] =	vst.idx.msk $0xffff, v20  }
0xea: {  	v20 =	vld.idx.msk [tilespmem:v23+s4+$0x0], $0xffff  }
0xeb: {  	v21 =	vld.idx.msk [tilespmem:v23+s14+$0x0], $0xffff;
	_ =	sdelay $0x1  }
0xec: {  	v22 =	vld.idx.msk [tilespmem:v1+s26+$0x0], $0xffff;
	_ =	sdelay $0x2  }
0xed: {  	v20 =	vadd.f32 v21, v20;
	_ =	sdelay $0x1  }
0xee: {  	v21 =	vmul.f32 v22, v17;
	v22 =	vor.u32 $0x5, v18;
	v20 =	vmul.f32 v20, v19;
	_ =	sdelay $0x1  }
0xef: {  	v20 =	vadd.f32 v20, v21;
	_ =	sdelay $0x1  }
0xf0: {  	[tilespmem:v23+s4+$0x0] =	vst.idx.msk $0xffff, v20  }
0xf1: {  	v20 =	vld.idx.msk [tilespmem:v22+s4+$0x0], $0xffff  }
0xf2: {  	v21 =	vld.idx.msk [tilespmem:v22+s14+$0x0], $0xffff;
	_ =	sdelay $0x1  }
0xf3: {  	v23 =	vld.idx.msk [tilespmem:v5+s26+$0x0], $0xffff;
	_ =	sdelay $0x2  }
0xf4: {  	v20 =	vadd.f32 v21, v20;
	_ =	sdelay $0x1  }
0xf5: {  	v21 =	vmul.f32 v23, v17;
	v23 =	vor.u32 $0x6, v18;
	v20 =	vmul.f32 v20, v19;
	_ =	sdelay $0x1  }
0xf6: {  	v20 =	vadd.f32 v20, v21;
	_ =	sdelay $0x1  }
0xf7: {  	[tilespmem:v22+s4+$0x0] =	vst.idx.msk $0xffff, v20  }
0xf8: {  	v20 =	vld.idx.msk [tilespmem:v23+s4+$0x0], $0xffff  }
0xf9: {  	v21 =	vld.idx.msk [tilespmem:v23+s14+$0x0], $0xffff;
	_ =	sdelay $0x1  }
0xfa: {  	v22 =	vld.idx.msk [tilespmem:v6+s26+$0x0], $0xffff;
	_ =	sdelay $0x2  }
0xfb: {  	v20 =	vadd.f32 v21, v20;
	_ =	sdelay $0x1  }
0xfc: {  	v21 =	vmul.f32 v22, v17;
	v22 =	vor.u32 $0x7, v18;
	v20 =	vmul.f32 v20, v19;
	_ =	sdelay $0x1  }
0xfd: {  	v20 =	vadd.f32 v20, v21;
	_ =	sdelay $0x1  }
0xfe: {  	[tilespmem:v23+s4+$0x0] =	vst.idx.msk $0xffff, v20  }
0xff: {  	v20 =	vld.idx.msk [tilespmem:v22+s4+$0x0], $0xffff  }
0x100: {  	v21 =	vld.idx.msk [tilespmem:v22+s14+$0x0], $0xffff;
	_ =	sdelay $0x1  }
0x101: {  	v23 =	vld.idx.msk [tilespmem:v7+s26+$0x0], $0xffff;
	_ =	sdelay $0x2  }
0x102: {  	v20 =	vadd.f32 v21, v20;
	_ =	sdelay $0x1  }
0x103: {  	v21 =	vmul.f32 v23, v17;
	v23 =	vor.u32 $0x8, v18;
	v20 =	vmul.f32 v20, v19;
	_ =	sdelay $0x1  }
0x104: {  	v20 =	vadd.f32 v20, v21;
	_ =	sdelay $0x1  }
0x105: {  	[tilespmem:v22+s4+$0x0] =	vst.idx.msk $0xffff, v20  }
0x106: {  	v20 =	vld.idx.msk [tilespmem:v23+s4+$0x0], $0xffff  }
0x107: {  	v21 =	vld.idx.msk [tilespmem:v23+s14+$0x0], $0xffff;
	_ =	sdelay $0x1  }
0x108: {  	v22 =	vld.idx.msk [tilespmem:v8+s26+$0x0], $0xffff;
	_ =	sdelay $0x2  }
0x109: {  	v20 =	vadd.f32 v21, v20;
	_ =	sdelay $0x1  }
0x10a: {  	v21 =	vmul.f32 v22, v17;
	v22 =	vor.u32 $0x9, v18;
	v20 =	vmul.f32 v20, v19;
	_ =	sdelay $0x1  }
0x10b: {  	v20 =	vadd.f32 v20, v21;
	_ =	sdelay $0x1  }
0x10c: {  	[tilespmem:v23+s4+$0x0] =	vst.idx.msk $0xffff, v20  }
0x10d: {  	v20 =	vld.idx.msk [tilespmem:v22+s4+$0x0], $0xffff  }
0x10e: {  	v21 =	vld.idx.msk [tilespmem:v22+s14+$0x0], $0xffff;
	_ =	sdelay $0x1  }
0x10f: {  	v23 =	vld.idx.msk [tilespmem:v9+s26+$0x0], $0xffff;
	_ =	sdelay $0x2  }
0x110: {  	v20 =	vadd.f32 v21, v20;
	_ =	sdelay $0x1  }
0x111: {  	v21 =	vmul.f32 v23, v17;
	v23 =	vor.u32 $0xA, v18;
	v20 =	vmul.f32 v20, v19;
	_ =	sdelay $0x1  }
0x112: {  	v20 =	vadd.f32 v20, v21;
	_ =	sdelay $0x1  }
0x113: {  	[tilespmem:v22+s4+$0x0] =	vst.idx.msk $0xffff, v20  }
0x114: {  	v20 =	vld.idx.msk [tilespmem:v23+s4+$0x0], $0xffff  }
0x115: {  	v21 =	vld.idx.msk [tilespmem:v23+s14+$0x0], $0xffff;
	_ =	sdelay $0x1  }
0x116: {  	v22 =	vld.idx.msk [tilespmem:v10+s26+$0x0], $0xffff;
	_ =	sdelay $0x2  }
0x117: {  	v20 =	vadd.f32 v21, v20;
	_ =	sdelay $0x1  }
0x118: {  	v21 =	vmul.f32 v22, v17;
	v22 =	vor.u32 $0xB, v18;
	v20 =	vmul.f32 v20, v19;
	_ =	sdelay $0x1  }
0x119: {  	v20 =	vadd.f32 v20, v21;
	_ =	sdelay $0x1  }
0x11a: {  	[tilespmem:v23+s4+$0x0] =	vst.idx.msk $0xffff, v20  }
0x11b: {  	v20 =	vld.idx.msk [tilespmem:v22+s4+$0x0], $0xffff  }
0x11c: {  	v21 =	vld.idx.msk [tilespmem:v22+s14+$0x0], $0xffff;
	_ =	sdelay $0x1  }
0x11d: {  	v23 =	vld.idx.msk [tilespmem:v11+s26+$0x0], $0xffff;
	_ =	sdelay $0x2  }
0x11e: {  	v20 =	vadd.f32 v21, v20;
	_ =	sdelay $0x1  }
0x11f: {  	v21 =	vmul.f32 v23, v17;
	v23 =	vor.u32 $0xC, v18;
	v20 =	vmul.f32 v20, v19;
	_ =	sdelay $0x1  }
0x120: {  	v20 =	vadd.f32 v20, v21;
	_ =	sdelay $0x1  }
0x121: {  	[tilespmem:v22+s4+$0x0] =	vst.idx.msk $0xffff, v20  }
0x122: {  	v20 =	vld.idx.msk [tilespmem:v23+s4+$0x0], $0xffff  }
0x123: {  	v21 =	vld.idx.msk [tilespmem:v23+s14+$0x0], $0xffff;
	_ =	sdelay $0x1  }
0x124: {  	v22 =	vld.idx.msk [tilespmem:v12+s26+$0x0], $0xffff;
	_ =	sdelay $0x2  }
0x125: {  	v20 =	vadd.f32 v21, v20;
	_ =	sdelay $0x1  }
0x126: {  	v21 =	vmul.f32 v22, v17;
	v22 =	vor.u32 $0xD, v18;
	v20 =	vmul.f32 v20, v19;
	_ =	sdelay $0x1  }
0x127: {  	v20 =	vadd.f32 v20, v21;
	_ =	sdelay $0x1  }
0x128: {  	[tilespmem:v23+s4+$0x0] =	vst.idx.msk $0xffff, v20  }
0x129: {  	v20 =	vld.idx.msk [tilespmem:v22+s4+$0x0], $0xffff  }
0x12a: {  	v21 =	vld.idx.msk [tilespmem:v22+s14+$0x0], $0xffff;
	_ =	sdelay $0x1  }
0x12b: {  	v23 =	vld.idx.msk [tilespmem:v13+s26+$0x0], $0xffff;
	_ =	sdelay $0x2  }
0x12c: {  	v20 =	vadd.f32 v21, v20;
	_ =	sdelay $0x1  }
0x12d: {  	v23 =	vmul.f32 v23, v17;
	v21 =	vmul.f32 v20, v19;
	v20 =	vor.u32 $0xE, v18;
	_ =	sdelay $0x1  }
0x12e: {  	v21 =	vadd.f32 v21, v23;
	_ =	sdelay $0x1  }
0x12f: {  	[tilespmem:v22+s4+$0x0] =	vst.idx.msk $0xffff, v21  }
0x130: {  	v21 =	vld.idx.msk [tilespmem:v20+s4+$0x0], $0xffff  }
0x131: {  	v22 =	vld.idx.msk [tilespmem:v20+s14+$0x0], $0xffff  }
0x132: {  	s2 =	simm.s32 $0x10;
	v23 =	vld.idx.msk [tilespmem:v14+s26+$0x0], $0xffff  }
.LBB2_4:
0x133: {  	p0 =	sne.s32 s2, $0x270;
	s0 =	sadd.s32 $0x10, s0;
	s20 =	sadd.s32 $0x10, s20  }
0x134: {  	s9 =	smov.u32 s2;
	s2 =	sadd.s32 $0x10, s2;
	_ =	sdelay $0x1  }
0x135: {  	v21 =	vadd.f32 v22, v21  }
0x136: {  	v22 =	vmul.f32 v23, v17  }
0x137: {  	v23 =	vor.u32 $0xF, v18;
	v21 =	vmul.f32 v21, v19;
	_ =	sdelay $0x1  }
0x138: {  	v18 =	vadd.f32 v21, v22;
	_ =	sdelay $0x1  }
0x139: {  	[tilespmem:v20+s4+$0x0] =	vst.idx.msk $0xffff, v18  }
0x13a: {  	v20 =	vld.idx.msk [tilespmem:v23+s4+$0x0], $0xffff  }
0x13b: {  	v18 =	vmov s9;
	v21 =	vld.idx.msk [tilespmem:v23+s14+$0x0], $0xffff  }
0x13c: {  	v18 =	vshll.u32 v18, $0x4;
	v22 =	vld.idx.msk [tilespmem:v15+s26+$0x0], $0xffff  }
0x13d: {  	v18 =	vor.u32 v0, v18;
	_ =	sdelay $0x3  }
0x13e: {  	v20 =	vadd.f32 v21, v20  }
0x13f: {  	v17 =	vmul.f32 v22, v17  }
0x140: {  	v19 =	vmul.f32 v20, v19;
	_ =	sdelay $0x1  }
0x141: {  	v17 =	vadd.f32 v19, v17;
	_ =	sdelay $0x1  }
0x142: {  	[tilespmem:v23+s4+$0x0] =	vst.idx.msk $0xffff, v17  }
0x143: {  	v17 =	vld [tilespmem:s0+$0x0]  }
0x144: {  	v20 =	vld.idx.msk [tilespmem:v18+s4+$0x0], $0xffff  }
0x145: {  	v21 =	vld.idx.msk [tilespmem:v18+s14+$0x0], $0xffff  }
0x146: {  	v19 =	vld [tilespmem:s20+$0x0]  }
0x147: {  	v22 =	vld.msk [tilespmem:s26+$0x0], $0xffff;
	_ =	sdelay $0x3  }
0x148: {  	v20 =	vadd.f32 v21, v20;
	v19 =	vmul.f32 v19, v17  }
0x149: {  	v21 =	vmul.f32 v22, v17  }
0x14a: {  	v22 =	vor.u32 $0x1, v18;
	v20 =	vmul.f32 v20, v19;
	_ =	sdelay $0x1  }
0x14b: {  	v20 =	vadd.f32 v20, v21;
	_ =	sdelay $0x1  }
0x14c: {  	[tilespmem:v18+s4+$0x0] =	vst.idx.msk $0xffff, v20  }
0x14d: {  	v20 =	vld.idx.msk [tilespmem:v22+s4+$0x0], $0xffff  }
0x14e: {  	v21 =	vld.idx.msk [tilespmem:v22+s14+$0x0], $0xffff;
	_ =	sdelay $0x1  }
0x14f: {  	v23 =	vld.idx.msk [tilespmem:v2+s26+$0x0], $0xffff;
	_ =	sdelay $0x3  }
0x150: {  	v20 =	vadd.f32 v21, v20;
	_ =	sdelay $0x1  }
0x151: {  	v20 =	vmul.f32 v20, v19;
	v21 =	vmul.f32 v23, v17;
	v23 =	vor.u32 $0x2, v18;
	_ =	sdelay $0x1  }
0x152: {  	v20 =	vadd.f32 v20, v21;
	_ =	sdelay $0x1  }
0x153: {  	[tilespmem:v22+s4+$0x0] =	vst.idx.msk $0xffff, v20  }
0x154: {  	v20 =	vld.idx.msk [tilespmem:v23+s4+$0x0], $0xffff  }
0x155: {  	v21 =	vld.idx.msk [tilespmem:v23+s14+$0x0], $0xffff;
	_ =	sdelay $0x1  }
0x156: {  	v22 =	vld.idx.msk [tilespmem:v3+s26+$0x0], $0xffff;
	_ =	sdelay $0x3  }
0x157: {  	v20 =	vadd.f32 v21, v20;
	_ =	sdelay $0x1  }
0x158: {  	v20 =	vmul.f32 v20, v19;
	v21 =	vmul.f32 v22, v17;
	v22 =	vor.u32 $0x3, v18;
	_ =	sdelay $0x1  }
0x159: {  	v20 =	vadd.f32 v20, v21;
	_ =	sdelay $0x1  }
0x15a: {  	[tilespmem:v23+s4+$0x0] =	vst.idx.msk $0xffff, v20  }
0x15b: {  	v20 =	vld.idx.msk [tilespmem:v22+s4+$0x0], $0xffff  }
0x15c: {  	v21 =	vld.idx.msk [tilespmem:v22+s14+$0x0], $0xffff;
	_ =	sdelay $0x1  }
0x15d: {  	v23 =	vld.idx.msk [tilespmem:v4+s26+$0x0], $0xffff;
	_ =	sdelay $0x3  }
0x15e: {  	v20 =	vadd.f32 v21, v20;
	_ =	sdelay $0x1  }
0x15f: {  	v20 =	vmul.f32 v20, v19;
	v21 =	vmul.f32 v23, v17;
	v23 =	vor.u32 $0x4, v18;
	_ =	sdelay $0x1  }
0x160: {  	v20 =	vadd.f32 v20, v21;
	_ =	sdelay $0x1  }
0x161: {  	[tilespmem:v22+s4+$0x0] =	vst.idx.msk $0xffff, v20  }
0x162: {  	v20 =	vld.idx.msk [tilespmem:v23+s4+$0x0], $0xffff  }
0x163: {  	v21 =	vld.idx.msk [tilespmem:v23+s14+$0x0], $0xffff;
	_ =	sdelay $0x1  }
0x164: {  	v22 =	vld.idx.msk [tilespmem:v1+s26+$0x0], $0xffff;
	_ =	sdelay $0x3  }
0x165: {  	v20 =	vadd.f32 v21, v20;
	_ =	sdelay $0x1  }
0x166: {  	v20 =	vmul.f32 v20, v19;
	v21 =	vmul.f32 v22, v17;
	v22 =	vor.u32 $0x5, v18;
	_ =	sdelay $0x1  }
0x167: {  	v20 =	vadd.f32 v20, v21;
	_ =	sdelay $0x1  }
0x168: {  	[tilespmem:v23+s4+$0x0] =	vst.idx.msk $0xffff, v20  }
0x169: {  	v20 =	vld.idx.msk [tilespmem:v22+s4+$0x0], $0xffff  }
0x16a: {  	v21 =	vld.idx.msk [tilespmem:v22+s14+$0x0], $0xffff  }
0x16b: {  	v23 =	vld.idx.msk [tilespmem:v5+s26+$0x0], $0xffff;
	_ =	sdelay $0x4  }
0x16c: {  	v20 =	vadd.f32 v21, v20;
	_ =	sdelay $0x1  }
0x16d: {  	v21 =	vmul.f32 v23, v17;
	v23 =	vor.u32 $0x6, v18;
	v20 =	vmul.f32 v20, v19;
	_ =	sdelay $0x1  }
0x16e: {  	v20 =	vadd.f32 v20, v21;
	_ =	sdelay $0x1  }
0x16f: {  	[tilespmem:v22+s4+$0x0] =	vst.idx.msk $0xffff, v20  }
0x170: {  	v20 =	vld.idx.msk [tilespmem:v23+s4+$0x0], $0xffff  }
0x171: {  	v21 =	vld.idx.msk [tilespmem:v23+s14+$0x0], $0xffff;
	_ =	sdelay $0x1  }
0x172: {  	v22 =	vld.idx.msk [tilespmem:v6+s26+$0x0], $0xffff;
	_ =	sdelay $0x3  }
0x173: {  	v20 =	vadd.f32 v21, v20;
	_ =	sdelay $0x1  }
0x174: {  	v20 =	vmul.f32 v20, v19;
	v21 =	vmul.f32 v22, v17;
	v22 =	vor.u32 $0x7, v18;
	_ =	sdelay $0x1  }
0x175: {  	v20 =	vadd.f32 v20, v21;
	_ =	sdelay $0x1  }
0x176: {  	[tilespmem:v23+s4+$0x0] =	vst.idx.msk $0xffff, v20  }
0x177: {  	v20 =	vld.idx.msk [tilespmem:v22+s4+$0x0], $0xffff  }
0x178: {  	v21 =	vld.idx.msk [tilespmem:v22+s14+$0x0], $0xffff  }
0x179: {  	v23 =	vld.idx.msk [tilespmem:v7+s26+$0x0], $0xffff;
	_ =	sdelay $0x4  }
0x17a: {  	v20 =	vadd.f32 v21, v20;
	_ =	sdelay $0x1  }
0x17b: {  	v21 =	vmul.f32 v23, v17;
	v23 =	vor.u32 $0x8, v18;
	v20 =	vmul.f32 v20, v19;
	_ =	sdelay $0x1  }
0x17c: {  	v20 =	vadd.f32 v20, v21;
	_ =	sdelay $0x1  }
0x17d: {  	[tilespmem:v22+s4+$0x0] =	vst.idx.msk $0xffff, v20  }
0x17e: {  	v20 =	vld.idx.msk [tilespmem:v23+s4+$0x0], $0xffff  }
0x17f: {  	v21 =	vld.idx.msk [tilespmem:v23+s14+$0x0], $0xffff  }
0x180: {  	v22 =	vld.idx.msk [tilespmem:v8+s26+$0x0], $0xffff;
	_ =	sdelay $0x4  }
0x181: {  	v20 =	vadd.f32 v21, v20;
	_ =	sdelay $0x1  }
0x182: {  	v21 =	vmul.f32 v22, v17;
	v22 =	vor.u32 $0x9, v18;
	v20 =	vmul.f32 v20, v19;
	_ =	sdelay $0x1  }
0x183: {  	v20 =	vadd.f32 v20, v21;
	_ =	sdelay $0x1  }
0x184: {  	[tilespmem:v23+s4+$0x0] =	vst.idx.msk $0xffff, v20  }
0x185: {  	v20 =	vld.idx.msk [tilespmem:v22+s4+$0x0], $0xffff  }
0x186: {  	v21 =	vld.idx.msk [tilespmem:v22+s14+$0x0], $0xffff  }
0x187: {  	v23 =	vld.idx.msk [tilespmem:v9+s26+$0x0], $0xffff;
	_ =	sdelay $0x4  }
0x188: {  	v20 =	vadd.f32 v21, v20;
	_ =	sdelay $0x1  }
0x189: {  	v21 =	vmul.f32 v23, v17;
	v23 =	vor.u32 $0xA, v18;
	v20 =	vmul.f32 v20, v19;
	_ =	sdelay $0x1  }
0x18a: {  	v20 =	vadd.f32 v20, v21;
	_ =	sdelay $0x1  }
0x18b: {  	[tilespmem:v22+s4+$0x0] =	vst.idx.msk $0xffff, v20  }
0x18c: {  	v20 =	vld.idx.msk [tilespmem:v23+s4+$0x0], $0xffff  }
0x18d: {  	v21 =	vld.idx.msk [tilespmem:v23+s14+$0x0], $0xffff  }
0x18e: {  	v22 =	vld.idx.msk [tilespmem:v10+s26+$0x0], $0xffff;
	_ =	sdelay $0x4  }
0x18f: {  	v20 =	vadd.f32 v21, v20;
	_ =	sdelay $0x1  }
0x190: {  	v21 =	vmul.f32 v22, v17;
	v22 =	vor.u32 $0xB, v18;
	v20 =	vmul.f32 v20, v19;
	_ =	sdelay $0x1  }
0x191: {  	v20 =	vadd.f32 v20, v21;
	_ =	sdelay $0x1  }
0x192: {  	[tilespmem:v23+s4+$0x0] =	vst.idx.msk $0xffff, v20  }
0x193: {  	v20 =	vld.idx.msk [tilespmem:v22+s4+$0x0], $0xffff  }
0x194: {  	v21 =	vld.idx.msk [tilespmem:v22+s14+$0x0], $0xffff  }
0x195: {  	v23 =	vld.idx.msk [tilespmem:v11+s26+$0x0], $0xffff;
	_ =	sdelay $0x4  }
0x196: {  	v20 =	vadd.f32 v21, v20;
	_ =	sdelay $0x1  }
0x197: {  	v21 =	vmul.f32 v23, v17;
	v23 =	vor.u32 $0xC, v18;
	v20 =	vmul.f32 v20, v19;
	_ =	sdelay $0x1  }
0x198: {  	v20 =	vadd.f32 v20, v21;
	_ =	sdelay $0x1  }
0x199: {  	[tilespmem:v22+s4+$0x0] =	vst.idx.msk $0xffff, v20  }
0x19a: {  	v20 =	vld.idx.msk [tilespmem:v23+s4+$0x0], $0xffff  }
0x19b: {  	v21 =	vld.idx.msk [tilespmem:v23+s14+$0x0], $0xffff  }
0x19c: {  	v22 =	vld.idx.msk [tilespmem:v12+s26+$0x0], $0xffff;
	_ =	sdelay $0x4  }
0x19d: {  	v20 =	vadd.f32 v21, v20;
	_ =	sdelay $0x1  }
0x19e: {  	v21 =	vmul.f32 v22, v17;
	v22 =	vor.u32 $0xD, v18;
	v20 =	vmul.f32 v20, v19;
	_ =	sdelay $0x1  }
0x19f: {  	v20 =	vadd.f32 v20, v21;
	_ =	sdelay $0x1  }
0x1a0: {  	[tilespmem:v23+s4+$0x0] =	vst.idx.msk $0xffff, v20  }
0x1a1: {  	v20 =	vld.idx.msk [tilespmem:v22+s4+$0x0], $0xffff  }
0x1a2: {  	v21 =	vld.idx.msk [tilespmem:v22+s14+$0x0], $0xffff  }
0x1a3: {  	v23 =	vld.idx.msk [tilespmem:v13+s26+$0x0], $0xffff;
	_ =	sdelay $0x4  }
0x1a4: {  	v20 =	vadd.f32 v21, v20;
	_ =	sdelay $0x1  }
0x1a5: {  	v23 =	vmul.f32 v23, v17;
	v21 =	vmul.f32 v20, v19;
	v20 =	vor.u32 $0xE, v18;
	_ =	sdelay $0x1  }
0x1a6: {  	v21 =	vadd.f32 v21, v23  }
.Ltmp1:
0x1a7: {  	(pc) =	sbr.rel @p0 .LBB2_4-.Ltmp1, $4  }
0x1a8: {  	[tilespmem:v22+s4+$0x0] =	vst.idx.msk $0xffff, v21  }
0x1a9: {  	v21 =	vld.idx.msk [tilespmem:v20+s4+$0x0], $0xffff  }
0x1aa: {  	v22 =	vld.idx.msk [tilespmem:v20+s14+$0x0], $0xffff  }
0x1ab: {  	v23 =	vld.idx.msk [tilespmem:v14+s26+$0x0], $0xffff  }
0x1ac: {  	_ =	sdelay $0x2  }
0x1ad: {  	v21 =	vadd.f32 v22, v21;
	_ =	sdelay $0x1  }
0x1ae: {  	v18 =	vor.u32 $0xF, v18;
	v62 =	vmul.f32 v23, v17;
	v21 =	vmul.f32 v21, v19;
	_ =	sdelay $0x1  }
0x1af: {  	v21 =	vadd.f32 v21, v62;
	_ =	sdelay $0x1  }
0x1b0: {  	[tilespmem:v20+s4+$0x0] =	vst.idx.msk $0xffff, v21  }
0x1b1: {  	v20 =	vld.idx.msk [tilespmem:v18+s4+$0x0], $0xffff  }
0x1b2: {  	v21 =	vld.idx.msk [tilespmem:v18+s14+$0x0], $0xffff;
	_ =	sdelay $0x1  }
0x1b3: {  	v63 =	vld.idx.msk [tilespmem:v15+s26+$0x0], $0xffff;
	_ =	sdelay $0x2  }
0x1b4: {  	v20 =	vadd.f32 v21, v20;
	_ =	sdelay $0x1  }
0x1b5: {  	v17 =	vmul.f32 v63, v17;
	v19 =	vmul.f32 v20, v19;
	_ =	sdelay $0x1  }
0x1b6: {  	v17 =	vadd.f32 v19, v17;
	_ =	sdelay $0x1  }
0x1b7: {  	s0 =	simm.s32 $0x0;
	s2 =	rddreg [dreg:$0x16];
	[tilespmem:v18+s4+$0x0] =	vst.idx.msk $0xffff, v17  }
0x1b8: {  	[spmem:s2] =	stream.linear.scatter [tilespmem:s0], [sflag:$0x5], $0x2800, $0x38;
	[tilespmem:$0x19D30] =	vst v63  }
0x1b9: {  	_ =	swait.ge [sflag:s25], $0x2800  }
0x1ba: {  	s19 =	simm.s32 $0x58F8;
	[sflag:s25] =	ssyncset.done $0x0  }
0x1bb: {  	s0 =	simm.s32 $0x40;
	s2 =	simm.s32 $0x0;
	[sflag:s25] =	ssyncadd.s32 $0xFFFFD800  }
.LBB2_6:
0x1bc: {  	p0 =	sne.s32 s0, $0x9FC0;
	[tilespmem:s2+$0x12030] =	vst v16;
	s2 =	smov.u32 s0;
	s0 =	sadd.s32 $0x40, s0  }
.Ltmp2:
0x1bd: {  	(pc) =	sbr.rel @p0 .LBB2_6-.Ltmp2, $2  }
0x1be: {  	_ =	sdelay $0x2  }
0x1bf: {  	s2 =	sshra.s32 s2, $0x2  }
0x1c0: {  	s0 =	sld [smem:$0x7FA];
	_ =	sdelay $0x1  }
0x1c1: {  	[tilespmem:s2+$0x12030] =	vst v16;
	s1 =	simm.s32 $0x12030  }
0x1c2: {  	[spmem:s0] =	stream.linear.scatter [tilespmem:s1], [sflag:$0x5], $0x2800, $0x38;
	[tilespmem:$0x19D30] =	vst v63  }
0x1c3: {  	_ =	swait.ge [sflag:s25], $0x2800  }
0x1c4: {  	[sflag:s25] =	ssyncset.done $0x0  }
0x1c5: {  	[sflag:s25] =	ssyncadd.s32 $0xFFFFD800  }
0x1c6: {  	_ =	swait.ge [sflag:s28], $0x3E8  }
0x1c7: {  	[sflag:s28] =	ssyncset.done $0x0  }
0x1c8: {  	[sflag:s28] =	ssyncadd.s32 $0xFFFFFC18  }
0x1c9: {  	_ =	swait.ge [sflag:s28], $0x3E8  }
0x1ca: {  	[sflag:s28] =	ssyncset.done $0x0  }
0x1cb: {  	[sflag:s28] =	ssyncadd.s32 $0xFFFFFC18  }
0x1cc: {  	_ =	swait.ge [sflag:s28], $0x3E8  }
0x1cd: {  	[sflag:s28] =	ssyncset.done $0x0  }
0x1ce: {  	[sflag:s28] =	ssyncadd.s32 $0xFFFFFC18  }
0x1cf: {  	_ =	swait.ge [sflag:s28], $0x3E8  }
0x1d0: {  	[sflag:s28] =	ssyncset.done $0x0  }
0x1d1: {  	[sflag:s28] =	ssyncadd.s32 $0xFFFFFC18  }
0x1d2: {  	_ =	swait.ge [sflag:s28], $0x3E8  }
0x1d3: {  	[sflag:s28] =	ssyncset.done $0x0  }
0x1d4: {  	[sflag:s28] =	ssyncadd.s32 $0xFFFFFC18  }
0x1d5: {  	_ =	swait.ge [sflag:s28], $0x3E8  }
0x1d6: {  	[sflag:s28] =	ssyncset.done $0x0  }
0x1d7: {  	[sflag:s28] =	ssyncadd.s32 $0xFFFFFC18  }
0x1d8: {  	_ =	swait.ge [sflag:s28], $0x3E8  }
0x1d9: {  	[sflag:s28] =	ssyncset.done $0x0  }
0x1da: {  	[sflag:s28] =	ssyncadd.s32 $0xFFFFFC18  }
0x1db: {  	_ =	swait.ge [sflag:s28], $0x3E8  }
0x1dc: {  	[sflag:s28] =	ssyncset.done $0x0  }
0x1dd: {  	[sflag:s28] =	ssyncadd.s32 $0xFFFFFC18  }
0x1de: {  	_ =	swait.ge [sflag:s28], $0x3E8  }
0x1df: {  	[sflag:s28] =	ssyncset.done $0x0  }
0x1e0: {  	[sflag:s28] =	ssyncadd.s32 $0xFFFFFC18  }
0x1e1: {  	_ =	swait.ge [sflag:s28], $0x3E8  }
0x1e2: {  	[sflag:s28] =	ssyncset.done $0x0  }
0x1e3: {  	[sflag:s28] =	ssyncadd.s32 $0xFFFFFC18  }
0x1e4: {  	_ =	swait.ge [sflag:s16], $0x3E8  }
0x1e5: {  	[sflag:s16] =	ssyncset.done $0x0  }
0x1e6: {  	[sflag:s16] =	ssyncadd.s32 $0xFFFFFC18  }
0x1e7: {  	_ =	swait.ge [sflag:s16], $0x3E8  }
0x1e8: {  	[sflag:s16] =	ssyncset.done $0x0  }
0x1e9: {  	[sflag:s16] =	ssyncadd.s32 $0xFFFFFC18  }
0x1ea: {  	_ =	swait.ge [sflag:s16], $0x3E8  }
0x1eb: {  	[sflag:s16] =	ssyncset.done $0x0  }
0x1ec: {  	[sflag:s16] =	ssyncadd.s32 $0xFFFFFC18  }
0x1ed: {  	_ =	swait.ge [sflag:s16], $0x3E8  }
0x1ee: {  	[sflag:s16] =	ssyncset.done $0x0  }
0x1ef: {  	[sflag:s16] =	ssyncadd.s32 $0xFFFFFC18  }
0x1f0: {  	_ =	swait.ge [sflag:s16], $0x3E8  }
0x1f1: {  	[sflag:s16] =	ssyncset.done $0x0  }
0x1f2: {  	[sflag:s16] =	ssyncadd.s32 $0xFFFFFC18  }
0x1f3: {  	_ =	swait.ge [sflag:s16], $0x3E8  }
0x1f4: {  	[sflag:s16] =	ssyncset.done $0x0  }
0x1f5: {  	[sflag:s16] =	ssyncadd.s32 $0xFFFFFC18  }
0x1f6: {  	_ =	swait.ge [sflag:s16], $0x3E8  }
0x1f7: {  	[sflag:s16] =	ssyncset.done $0x0  }
0x1f8: {  	[sflag:s16] =	ssyncadd.s32 $0xFFFFFC18  }
0x1f9: {  	_ =	swait.ge [sflag:s16], $0x3E8  }
0x1fa: {  	[sflag:s16] =	ssyncset.done $0x0  }
0x1fb: {  	[sflag:s16] =	ssyncadd.s32 $0xFFFFFC18  }
0x1fc: {  	_ =	swait.ge [sflag:s16], $0x3E8  }
0x1fd: {  	[sflag:s16] =	ssyncset.done $0x0  }
0x1fe: {  	[sflag:s16] =	ssyncadd.s32 $0xFFFFFC18  }
0x1ff: {  	_ =	swait.ge [sflag:s16], $0x3E8  }
0x200: {  	[sflag:s16] =	ssyncset.done $0x0  }
0x201: {  	[sflag:s16] =	ssyncadd.s32 $0xFFFFFC18  }
0x202: {  	s2 =	simm.s32 $0x5510;
	[bflag:$0x0] =	sbarrier.arrive $0xFFFF  }
0x203: {  	s18 =	simm.s32 $0xA330;
	s9 =	simm.s32 $0x3E8;
	s3 =	rddreg [dreg:$0x2]  }
0x204: {  	[tilespmem:s18], [sflag:$0x1] =	stream.indirect.gather [spmem:s3], $0x10, s2, s9, $0xb8;
	[tilespmem:$0x19D30] =	vst v63  }
0x205: {  	_ =	swait.ge [sflag:s28], $0x3E80  }
0x206: {  	[sflag:s28] =	ssyncset.done $0x0  }
0x207: {  	[sflag:s28] =	ssyncadd.s32 $0xFFFFC180  }
0x208: {  	s17 =	rddreg [dreg:$0x3]  }
0x209: {  	[spmem:s17] =	stream.indirect.scatter.add.f32 [tilespmem:s18], [sflag:$0x3], $0x10, s5, s9, $0xb8;
	[tilespmem:$0x19D30] =	vst v63  }
0x20a: {  	_ = 	snop  }
0x20b: {  	[tilespmem:s31], [sflag:$0x2] =	stream.indirect.gather [spmem:s3], $0x10, s19, s9, $0xb8;
	[tilespmem:$0x19D30] =	vst v63  }
0x20c: {  	_ =	swait.ge [sflag:s16], $0x3E80  }
0x20d: {  	[sflag:s16] =	ssyncset.done $0x0  }
0x20e: {  	s30 =	simm.s32 $0x3;
	[sflag:s16] =	ssyncadd.s32 $0xFFFFC180  }
0x20f: {  	[spmem:s17] =	stream.indirect.scatter.add.f32 [tilespmem:s31], [sflag:$0x4], $0x10, s7, s9, $0xb8;
	[tilespmem:$0x19D30] =	vst v63  }
0x210: {  	_ =	swait.ge [sflag:s30], $0x3E80  }
0x211: {  	[sflag:s30] =	ssyncset.done $0x0  }
0x212: {  	s20 =	simm.s32 $0x5CE0;
	[sflag:s30] =	ssyncadd.s32 $0xFFFFC180  }
0x213: {  	[tilespmem:s18], [sflag:$0x1] =	stream.indirect.gather [spmem:s3], $0x10, s20, s9, $0xb8;
	[tilespmem:$0x19D30] =	vst v63  }
0x214: {  	_ =	swait.ge [sflag:s28], $0x3E80  }
0x215: {  	[sflag:s28] =	ssyncset.done $0x0  }
0x216: {  	[sflag:s28] =	ssyncadd.s32 $0xFFFFC180  }
0x217: {  	[spmem:s17] =	stream.indirect.scatter.add.f32 [tilespmem:s18], [sflag:$0x3], $0x10, s8, s9, $0xb8;
	[tilespmem:$0x19D30] =	vst v63  }
0x218: {  	_ =	swait.ge [sflag:s29], $0x3E80  }
0x219: {  	[sflag:s29] =	ssyncset.done $0x0  }
0x21a: {  	s5 =	simm.s32 $0x60C8;
	[sflag:s29] =	ssyncadd.s32 $0xFFFFC180  }
0x21b: {  	[tilespmem:s31], [sflag:$0x2] =	stream.indirect.gather [spmem:s3], $0x10, s5, s9, $0xb8;
	[tilespmem:$0x19D30] =	vst v63  }
0x21c: {  	_ =	swait.ge [sflag:s16], $0x3E80  }
0x21d: {  	[sflag:s16] =	ssyncset.done $0x0  }
0x21e: {  	[sflag:s16] =	ssyncadd.s32 $0xFFFFC180  }
0x21f: {  	[spmem:s17] =	stream.indirect.scatter.add.f32 [tilespmem:s31], [sflag:$0x4], $0x10, s10, s9, $0xb8;
	[tilespmem:$0x19D30] =	vst v63  }
0x220: {  	_ =	swait.ge [sflag:s30], $0x3E80  }
0x221: {  	[sflag:s30] =	ssyncset.done $0x0  }
0x222: {  	s21 =	simm.s32 $0x64B0;
	[sflag:s30] =	ssyncadd.s32 $0xFFFFC180  }
0x223: {  	[tilespmem:s18], [sflag:$0x1] =	stream.indirect.gather [spmem:s3], $0x10, s21, s9, $0xb8;
	[tilespmem:$0x19D30] =	vst v63  }
0x224: {  	_ =	swait.ge [sflag:s28], $0x3E80  }
0x225: {  	[sflag:s28] =	ssyncset.done $0x0  }
0x226: {  	[sflag:s28] =	ssyncadd.s32 $0xFFFFC180  }
0x227: {  	[spmem:s17] =	stream.indirect.scatter.add.f32 [tilespmem:s18], [sflag:$0x3], $0x10, s6, s9, $0xb8;
	[tilespmem:$0x19D30] =	vst v63  }
0x228: {  	_ =	swait.ge [sflag:s29], $0x3E80  }
0x229: {  	[sflag:s29] =	ssyncset.done $0x0  }
0x22a: {  	s7 =	simm.s32 $0x6898;
	[sflag:s29] =	ssyncadd.s32 $0xFFFFC180  }
0x22b: {  	[tilespmem:s31], [sflag:$0x2] =	stream.indirect.gather [spmem:s3], $0x10, s7, s9, $0xb8;
	[tilespmem:$0x19D30] =	vst v63  }
0x22c: {  	_ =	swait.ge [sflag:s16], $0x3E80  }
0x22d: {  	[sflag:s16] =	ssyncset.done $0x0  }
0x22e: {  	[sflag:s16] =	ssyncadd.s32 $0xFFFFC180  }
0x22f: {  	[spmem:s17] =	stream.indirect.scatter.add.f32 [tilespmem:s31], [sflag:$0x4], $0x10, s11, s9, $0xb8;
	[tilespmem:$0x19D30] =	vst v63  }
0x230: {  	_ =	swait.ge [sflag:s30], $0x3E80  }
0x231: {  	[sflag:s30] =	ssyncset.done $0x0  }
0x232: {  	s10 =	simm.s32 $0x6C80;
	[sflag:s30] =	ssyncadd.s32 $0xFFFFC180  }
0x233: {  	[tilespmem:s18], [sflag:$0x1] =	stream.indirect.gather [spmem:s3], $0x10, s10, s9, $0xb8;
	[tilespmem:$0x19D30] =	vst v63  }
0x234: {  	_ =	swait.ge [sflag:s28], $0x3E80  }
0x235: {  	[sflag:s28] =	ssyncset.done $0x0  }
0x236: {  	[sflag:s28] =	ssyncadd.s32 $0xFFFFC180  }
0x237: {  	[spmem:s17] =	stream.indirect.scatter.add.f32 [tilespmem:s18], [sflag:$0x3], $0x10, s13, s9, $0xb8;
	[tilespmem:$0x19D30] =	vst v63  }
0x238: {  	_ =	swait.ge [sflag:s29], $0x3E80  }
0x239: {  	[sflag:s29] =	ssyncset.done $0x0  }
0x23a: {  	s8 =	simm.s32 $0x7068;
	[sflag:s29] =	ssyncadd.s32 $0xFFFFC180  }
0x23b: {  	[tilespmem:s31], [sflag:$0x2] =	stream.indirect.gather [spmem:s3], $0x10, s8, s9, $0xb8;
	[tilespmem:$0x19D30] =	vst v63  }
0x23c: {  	_ =	swait.ge [sflag:s16], $0x3E80  }
0x23d: {  	[sflag:s16] =	ssyncset.done $0x0  }
0x23e: {  	[sflag:s16] =	ssyncadd.s32 $0xFFFFC180  }
0x23f: {  	[spmem:s17] =	stream.indirect.scatter.add.f32 [tilespmem:s31], [sflag:$0x4], $0x10, s22, s9, $0xb8;
	[tilespmem:$0x19D30] =	vst v63  }
0x240: {  	_ =	swait.ge [sflag:s30], $0x3E80  }
0x241: {  	[sflag:s30] =	ssyncset.done $0x0  }
0x242: {  	s22 =	simm.s32 $0x7450;
	[sflag:s30] =	ssyncadd.s32 $0xFFFFC180  }
0x243: {  	[tilespmem:s18], [sflag:$0x1] =	stream.indirect.gather [spmem:s3], $0x10, s22, s9, $0xb8;
	[tilespmem:$0x19D30] =	vst v63  }
0x244: {  	_ =	swait.ge [sflag:s28], $0x3E80  }
0x245: {  	[sflag:s28] =	ssyncset.done $0x0  }
0x246: {  	[sflag:s28] =	ssyncadd.s32 $0xFFFFC180  }
0x247: {  	[spmem:s17] =	stream.indirect.scatter.add.f32 [tilespmem:s18], [sflag:$0x3], $0x10, s24, s9, $0xb8;
	[tilespmem:$0x19D30] =	vst v63  }
0x248: {  	_ =	swait.ge [sflag:s29], $0x3E80  }
0x249: {  	[sflag:s29] =	ssyncset.done $0x0  }
0x24a: {  	s11 =	simm.s32 $0x7838;
	[sflag:s29] =	ssyncadd.s32 $0xFFFFC180  }
0x24b: {  	[tilespmem:s31], [sflag:$0x2] =	stream.indirect.gather [spmem:s3], $0x10, s11, s9, $0xb8;
	[tilespmem:$0x19D30] =	vst v63  }
0x24c: {  	_ =	swait.ge [sflag:s16], $0x3E80  }
0x24d: {  	[sflag:s16] =	ssyncset.done $0x0  }
0x24e: {  	s3 =	simm.s32 $0x9F48;
	[sflag:s16] =	ssyncadd.s32 $0xFFFFC180  }
0x24f: {  	[spmem:s17] =	stream.indirect.scatter.add.f32 [tilespmem:s31], [sflag:$0x4], $0x10, s3, s9, $0xb8;
	[tilespmem:$0x19D30] =	vst v63  }
0x250: {  	_ =	swait.ge [sflag:s29], $0x3E80  }
0x251: {  	[sflag:s29] =	ssyncset.done $0x0  }
0x252: {  	[sflag:s29] =	ssyncadd.s32 $0xFFFFC180  }
0x253: {  	s9 =	simm.s32 $0x12030;
	[bflag:$0x0] =	sbarrier.arrive $0xFFFF  }
0x254: {  	[tilespmem:s9], [sflag:$0x5] =	stream.linear.gather [spmem:s0], $0x2800, $0x38;
	[tilespmem:$0x19D30] =	vst v63  }
0x255: {  	_ =	swait.ge [sflag:s25], $0x2800  }
0x256: {  	[sflag:s25] =	ssyncset.done $0x0  }
0x257: {  	s17 =	rddreg [dreg:$0x17];
	[sflag:s25] =	ssyncadd.s32 $0xFFFFD800  }
0x258: {  	[hbm4b:s17+s4] =	stream.linear.scatter [tilespmem:s9], [sflag:$0x5], $0x2800, $0x38;
	[tilespmem:$0x19D30] =	vst v63  }
0x259: {  	_ =	swait.ge [sflag:s25], $0x2800  }
0x25a: {  	s0 =	sld [smem:$0x7F9];
	_ =	sdelay $0x2  }
0x25b: {  	s17 =	rddreg [dreg:$0x18];
	s9 =	sadd.s32 $0x1, s0  }
0x25c: {  	p0 =	sne.s32 s9, s17  }
.Ltmp3:
0x25d: {  	_ = 	snop;
	(pc) =	sbr.rel @p0 .LBB2_1-.Ltmp3, $4  }
0x25e: {  	s23 =	simm.s32 $0x7C20;
	s12 =	simm.s32 $0x8008  }
0x25f: {  	s15 =	simm.s32 $0x8BC0;
	s1 =	simm.s32 $0x9390;
	s6 =	simm.s32 $0x87D8  }
0x260: {  	s13 =	simm.s32 $0x83F0;
	s30 =	simm.s32 $0x9778;
	[sflag:s25] =	ssyncset.done $0x0  }
0x261: {  	s18 =	simm.s32 $0x9B60;
	s24 =	simm.s32 $0x8FA8;
	[sflag:s25] =	ssyncadd.s32 $0xFFFFD800  }
0x262: {  	_ =	sfence.sel $0x180000  }
0x263: {  	[bflag:$0x0] =	sbarrier.arrive $0xFFFF  }
0x264: {  	_ =	strace $0x9000004D  }
0x265: {  	s0 =	stileid.u32;
	[bflag:$0x2] =	sbarrier.arrive $0xFFFF  }
0x266: {  	p0 =	sne.s32 s0, $0x0;
	s0 =	rddreg [dreg:$0x4]  }
0x267: {  	s0 =	sadd.s32 @!p0 $0x100000, s0  }
0x268: {  	[sflag:s0] =	ssyncadd.tile.s32 @!p0 $0x1;
	_ =	shalt  }
.Lfunc_end2:
_tile_overlayer_lowered:
.L_overlay_start_2:
0x269: {  	(tag) =	ssettag $0x2  }
0x26a: {  	s0 =	rddreg [dreg:$0x0];
	s2 =	stileid.u32  }
0x26b: {  	s1 =	rddreg [dreg:$0x1];
	p0 =	sne.s32 s2, $0x0  }
0x26c: {  	s3 =	rddreg [dreg:$0x2];
	[bflag:$0x3] =	sbarrier.arrive $0xFFFF;
	s2 =	simm.s32 @!p0 $0x1C05  }
0x26d: {  	[timem:s3], [sflag:s2] =	dma.local @!p0 [hbm:s0], s1  }
0x26e: {  	s0 =	simm.s32 @!p0 $0x5  }
0x26f: {  	_ =	swait.ge @!p0 [sflag:s0], s1  }
0x270: {  	s1 =	ssub.s32 @!p0 $0x0, s1;
	[sflag:s0] =	ssyncset.done @!p0 $0x0  }
0x271: {  	[sflag:s0] =	ssyncadd.s32 @!p0 s1  }
0x272: {  	[bflag:$0x3] =	sbarrier.arrive $0xFFFF  }
0x273: {  	_ =	shalt  }

// kernel: kernel.16.cloned.1.call-start
scs
__scs_entry_jumppad:
0x0: {  	(pc) =	sbr.rel $0x88, $3  }
0x1: {  	(tag) =	ssettag $0x0;
	lr =	simm.s32 $0x1  }
0x2: {  	[smem:$0x3F9B] =	sst lr;
	_ =	strace $0xD0000000  }
0x3: {  	_ = 	snop  }
0x4: {  	_ = 	snop  }
0x5: {  	_ = 	snop  }
0x6: {  	_ = 	snop  }
0x7: {  	_ = 	snop  }
__scs_overlays_trampoline_lowered:
0x8: {  	[smem:$0x3FAA] =	sst s0  }
0x9: {  	[smem:$0x3FAB] =	sst s1  }
0xa: {  	[smem:$0x3FAC] =	sst s2  }
0xb: {  	[smem:$0x3FAD] =	sst s3  }
0xc: {  	[smem:$0x3FAE] =	sst s4  }
0xd: {  	[smem:$0x3FAF] =	sst s5  }
0xe: {  	[smem:$0x3FB0] =	sst s6  }
0xf: {  	[smem:$0x3FB1] =	sst s7  }
0x10: {  	[smem:$0x3FB2] =	sst s8  }
0x11: {  	[smem:$0x3FB3] =	sst s9;
	s0 =	simm.s32 @!p0 $0x0  }
0x12: {  	s1 =	sld [smem:$0x3F99];
	s0 =	simm.s32 @p0 $0x1  }
0x13: {  	[smem:$0x3FB4] =	sst s0;
	s0 =	simm.s32 @!p1 $0x0  }
0x14: {  	s2 =	sld [smem:$0x3F98];
	s0 =	simm.s32 @p1 $0x1  }
0x15: {  	[smem:$0x3FB5] =	sst s0;
	s0 =	simm.s32 @!p2 $0x0  }
0x16: {  	s3 =	sld [smem:$0x3FDB];
	s0 =	simm.s32 @p2 $0x1  }
0x17: {  	s4 =	simm.s32 $0x1BF5;
	[smem:$0x3FB7] =	sst s0  }
0x18: {  	s0 =	sld [smem:$0x3F9A];
	_ =	swait.ge [sflag:s4], $0x0  }
0x19: {  	s7 =	sld [smem:$0x3F9B]  }
0x1a: {  	s8 =	sadd.s32 $0xFFFFE003, lr  }
0x1b: {  	s9 =	sadd.s32 $0xFFFFFEF7, lr;
	s5 =	simm.s32 $0xFFFFFFFF;
	p2 =	slt.u32 s8, $0xFFFFF086  }
0x1c: {  	p1 =	slt.u32 s9, $0xF7A;
	s5 =	simm.s32 @!p2 $0x0  }
0x1d: {  	s5 =	simm.s32 @p1 $0x1;
	p0 =	seq.s32 s7, s2  }
0x1e: {  	s7 =	smul.u32 @!p0 $0xF7A, s2;
	p2 =	seq.s32 @!p0 s5, $0x0  }
0x1f: {  	s9 =	smul.u32 $0xF7A, s1;
	s8 =	simm.s32 @!p0 $0x1BF5;
	p2 =	por !p2, p0  }
0x20: {  	[sflag:s8] =	ssyncset.s32 @!p0 $0xFFFFF086;
	s6 =	sadd.s32 @!p0 s3, s7;
	s7 =	simm.s32 @!p0 $0x108  }
0x21: {  	s3 =	sadd.s32 s3, s9;
	s6 =	sadd.s32 @!p0 $0x88, s6;
	s7 =	simm.s32 @p2 $0x1082  }
0x22: {  	[simem:s7], [sflag:s8] =	dma.local @!p0 [hbm:s6], $0xF7A  }
0x23: {  	s9 =	sor.u32 $0xD0000000, s2;
	s6 =	simm.s32 $0x108;
	_ =	swait.ge @!p0 [sflag:s8], $0x0  }
0x24: {  	s3 =	sadd.s32 $0x88, s3;
	s6 =	simm.s32 @!p1 $0x1082;
	[sflag:s4] =	ssyncset.s32 $0xFFFFF086  }
0x25: {  	[simem:s6], [sflag:s4] =	dma.local [hbm:s3], $0xF7A  }
0x26: {  	[smem:$0x3F9B] =	sst s1;
	(tag) =	ssettag s2;
	_ =	strace s9  }
0x27: {  	s1 =	sld [smem:$0x3FAB]  }
0x28: {  	s2 =	sld [smem:$0x3FAC]  }
0x29: {  	s4 =	sld [smem:$0x3FAE]  }
0x2a: {  	p0 =	seq.s32 s5, $0x0;
	s5 =	sld [smem:$0x3FAF]  }
0x2b: {  	s6 =	sld [smem:$0x3FB0]  }
0x2c: {  	s7 =	sld [smem:$0x3FB1]  }
0x2d: {  	s3 =	simm.s32 $0x108;
	s8 =	sld [smem:$0x3FB2]  }
0x2e: {  	s3 =	simm.s32 @!p0 $0x1082;
	s9 =	sld [smem:$0x3FB3]  }
0x2f: {  	lr =	sadd.s32 s0, s3;
	s0 =	sld [smem:$0x3FAA]  }
0x30: {  	s3 =	sld [smem:$0x3FAD]  }
0x31: {  	[smem:$0x3FB6] =	sst s10  }
0x32: {  	s10 =	sld [smem:$0x3FB4];
	_ =	sdelay $0x3  }
0x33: {  	p0 =	seq.s32 s10, $0x1;
	s10 =	sld [smem:$0x3FB6];
	_ =	sdelay $0x3  }
0x34: {  	[smem:$0x3FB6] =	sst s10  }
0x35: {  	s10 =	sld [smem:$0x3FB5];
	_ =	sdelay $0x3  }
0x36: {  	p1 =	seq.s32 s10, $0x1;
	s10 =	sld [smem:$0x3FB6];
	_ =	sdelay $0x3  }
0x37: {  	[smem:$0x3FB6] =	sst s10  }
0x38: {  	s10 =	sld [smem:$0x3FB7]  }
0x39: {  	_ = 	snop;
	(pc) =	sbr.ind lr, $3  }
0x3a: {  	_ = 	snop  }
0x3b: {  	_ = 	snop  }
0x3c: {  	p2 =	seq.s32 s10, $0x1;
	s10 =	sld [smem:$0x3FB6]  }
0x3d: {  	_ =	shalt  }
0x3e: {  	_ =	shalt  }
0x3f: {  	_ =	shalt  }
0x40: {  	_ =	shalt  }
0x41: {  	_ =	shalt  }
0x42: {  	_ =	shalt  }
0x43: {  	_ =	shalt  }
0x44: {  	_ =	shalt  }
0x45: {  	_ =	shalt  }
0x46: {  	_ =	shalt  }
0x47: {  	_ =	shalt  }
0x48: {  	_ =	shalt  }
0x49: {  	_ =	shalt  }
0x4a: {  	_ =	shalt  }
0x4b: {  	_ =	shalt  }
0x4c: {  	_ =	shalt  }
0x4d: {  	_ =	shalt  }
0x4e: {  	_ =	shalt  }
0x4f: {  	_ =	shalt  }
0x50: {  	_ =	shalt  }
0x51: {  	_ =	shalt  }
0x52: {  	_ =	shalt  }
0x53: {  	_ =	shalt  }
0x54: {  	_ =	shalt  }
0x55: {  	_ =	shalt  }
0x56: {  	_ =	shalt  }
0x57: {  	_ =	shalt  }
0x58: {  	_ =	shalt  }
0x59: {  	_ =	shalt  }
0x5a: {  	_ =	shalt  }
0x5b: {  	_ =	shalt  }
0x5c: {  	_ =	shalt  }
0x5d: {  	_ =	shalt  }
0x5e: {  	_ =	shalt  }
0x5f: {  	_ =	shalt  }
0x60: {  	_ =	shalt  }
0x61: {  	_ =	shalt  }
0x62: {  	_ =	shalt  }
0x63: {  	_ =	shalt  }
0x64: {  	_ =	shalt  }
0x65: {  	_ =	shalt  }
0x66: {  	_ =	shalt  }
0x67: {  	_ =	shalt  }
0x68: {  	_ =	shalt  }
0x69: {  	_ =	shalt  }
0x6a: {  	_ =	shalt  }
0x6b: {  	_ =	shalt  }
0x6c: {  	_ =	shalt  }
0x6d: {  	_ =	shalt  }
0x6e: {  	_ =	shalt  }
0x6f: {  	_ =	shalt  }
0x70: {  	_ =	shalt  }
0x71: {  	_ =	shalt  }
0x72: {  	_ =	shalt  }
0x73: {  	_ =	shalt  }
0x74: {  	_ =	shalt  }
0x75: {  	_ =	shalt  }
0x76: {  	_ =	shalt  }
0x77: {  	_ =	shalt  }
0x78: {  	_ =	shalt  }
0x79: {  	_ =	shalt  }
0x7a: {  	_ =	shalt  }
0x7b: {  	_ =	shalt  }
0x7c: {  	_ =	shalt  }
0x7d: {  	_ =	shalt  }
0x7e: {  	_ =	shalt  }
0x7f: {  	_ =	shalt  }
0x80: {  	_ =	shalt  }
0x81: {  	_ =	shalt  }
0x82: {  	_ =	shalt  }
0x83: {  	_ =	shalt  }
0x84: {  	_ =	shalt  }
0x85: {  	_ =	shalt  }
0x86: {  	_ =	shalt  }
0x87: {  	_ =	shalt  }
.Lfunc_end0:
.L_simem_size_0:
called_computation.3_lowered:
.L_overlay_start_0:
0x88: {  	s2 =	sld [smem:$0x3FD9]  }
0x89: {  	s3 =	sld [smem:$0x3FFE];
	_ =	sdelay $0x1  }
0x8a: {  	s1 =	srdreg.scid  }
0x8b: {  	s0 =	sand.u32 $0x1, s1  }
0x8c: {  	s17 =	sshll.u32 s0, $0xA;
	s2 =	sadd.s32 s3, s2  }
0x8d: {  	s2 =	sadd.s32 s2, s17  }
0x8e: {  	[smem:$0x3FC2] =	sst s2  }
0x8f: {  	_ = 	snop  }
0x90: {  	s2 =	sld [smem:$0x3FC4]  }
0x91: {  	s18 =	sld [smem:$0x3FD0];
	(tm) =	ssettm $0x1  }
0x92: {  	s4 =	sld [smem:$0x3FFB];
	_ =	sdelay $0x3  }
0x93: {  	_ =	strace s4  }
0x94: {  	s4 =	sld [smem:$0x3FFC];
	_ =	sdelay $0x3  }
0x95: {  	_ =	strace s4  }
0x96: {  	s4 =	sld [smem:$0x3FFD];
	_ =	sdelay $0x3  }
0x97: {  	_ =	strace s4  }
0x98: {  	_ =	strace $0x8FFFFFFF  }
0x99: {  	s19 =	sld [smem:$0x3FDB];
	_ =	sdelay $0x1  }
0x9a: {  	s5 =	simm.s32 $_scs_section_size  }
0x9b: {  	s6 =	simm.s32 $_size__tile_overlayer_lowered;
	s7 =	simm.s32 $_tile_overlayer_lowered  }
0x9c: {  	s22 =	simm.s32 $0x1BFF;
	s21 =	sshll.u32 s7, $0x1;
	s4 =	sadd.s32 s5, s19  }
0x9d: {  	s8 =	simm.s32 $0x0;
	s20 =	sshll.u32 s6, $0x1;
	s6 =	sadd.s32 s21, s4  }
0x9e: {  	[timem:s8], [sflag:s22] =	dma.local [hbm:s6], s20  }
0x9f: {  	_ =	swait.ge [sflag:s22], s20  }
0xa0: {  	s5 =	ssub.s32 $0x0, s20;
	[sflag:s22] =	ssyncset.done $0x0  }
0xa1: {  	[sflag:s22] =	ssyncadd.s32 s5;
	_ =	sdelay $0x1  }
0xa2: {  	s23 =	simm.s32 $0x1B8B  }
0xa3: {  	_ =	swait.ge [sflag:s23], $0x1  }
0xa4: {  	[sflag:s23] =	ssyncset.done $0x0  }
0xa5: {  	s25 =	simm.s32 $0x1B8E;
	s24 =	sld [smem:$0x3FFE];
	[sflag:s23] =	ssyncadd.s32 $0xFFFFFFFF  }
0xa6: {  	s26 =	simm.s32 $execute0_lowered;
	[smem:$0x3FD2] =	sst s25  }
0xa7: {  	s6 =	sshll.u32 s26, $0x1;
	_ =	strace $0x8000004F;
	[dreg:$0x1] =	wrdreg $0xFFFFFFFF  }
0xa8: {  	s28 =	simm.s32 $_size_execute0_lowered;
	s4 =	sadd.s32 s4, s6;
	[dreg:$0x0] =	wrdreg $0x0  }
0xa9: {  	s6 =	sshll.u32 s28, $0x1;
	[dreg:$0x2] =	wrdreg s4  }
0xaa: {  	[dreg:$0x3] =	wrdreg s6  }
0xab: {  	[dreg:$0x4] =	wrdreg $0xC0  }
0xac: {  	_ =	task [dreg:s8], $0x5FFFF  }
0xad: {  	[dreg:$0x1] =	wrdreg $0xFFFFFFFF  }
0xae: {  	[dreg:$0x0] =	wrdreg $0x60  }
0xaf: {  	[dreg:$0x2] =	wrdreg s24  }
0xb0: {  	[dreg:$0x3] =	wrdreg s2  }
0xb1: {  	[dreg:$0x4] =	wrdreg s18  }
0xb2: {  	[dreg:$0x5] =	wrdreg $0x9  }
0xb3: {  	_ =	task.clear_ibuf [dreg:s8], $0x6FFFF;
	_ =	strace $0x9000004F  }
0xb4: {  	s29 =	simm.s32 $0x9;
	_ =	strace $0x80000051  }
0xb5: {  	_ =	swait.ge [sflag:s29], $0x1  }
0xb6: {  	[sflag:s29] =	ssyncadd.s32 $0xFFFFFFFF  }
0xb7: {  	_ =	strace $0x90000051  }
0xb8: {  	_ =	sfence  }
0xb9: {  	s30 =	sld [smem:$0x0];
	_ =	sdelay $0x2  }
0xba: {  	s31 =	sshll.u32 s1, $0xD;
	s1 =	sshrl.u32 s1, $0x2  }
0xbb: {  	s3 =	sand.u32 $0x4000, s31;
	s1 =	sadd.s32 s1, s30  }
0xbc: {  	s0 =	sor.u32 s3, s0;
	s1 =	sshll.u32 s1, $0x11  }
0xbd: {  	s0 =	sor.u32 s1, s0  }
0xbe: {  	s0 =	sadd.s32 $0x8F2B, s0  }
0xbf: {  	[sflag:s0] =	ssyncadd.remote.s32 $0x1  }
0xc0: {  	_ =	sfence.sel $0xFFFF  }
0xc1: {  	[dreg:$0x0] =	wrdreg $0xFFFFFFFF;
	(pc) =	sbr.abs _section_cstart, $3  }
0xc2: {  	[dreg:$0x1] =	wrdreg $0xFFFFFFFF  }
0xc3: {  	_ =	task.clear_ibuf [dreg:s8], $0x2FFFF;
	_ =	strace $0x9FFFFFFF  }
0xc4: {  	(tm) =	ssettm $0x7FFFFFFF  }
0xc5: {  	_ =	shalt  }
tec
execute0_lowered:
.L_overlay_start_1:
0x0: {  	(tag) =	ssettag $0x1  }
0x1: {  	s4 =	rddreg [dreg:$0x0]  }
0x2: {  	s2 =	rddreg [dreg:$0x1]  }
0x3: {  	s0 =	srdreg.scid;
	s9 =	rddreg [dreg:$0x2];
	s3 =	simm.s32 $0x0  }
0x4: {  	s12 =	simm.s32 $0x1400;
	s13 =	simm.s32 $0x2800;
	s5 =	sand.u32 $0x1, s0  }
0x5: {  	s14 =	simm.s32 $0x2940;
	s0 =	stileid.u32;
	s1 =	sshll.u32 s5, $0x4  }
0x6: {  	s15 =	simm.s32 $0x2A80;
	[smem:$0x7FF] =	sst s3;
	s16 =	sor.u32 s0, s1  }
0x7: {  	s5 =	ssub.s32 $0x2, s5;
	s1 =	rddreg [dreg:$0x3];
	s6 =	smul.u32 $0x1400, s16  }
0x8: {  	v0 =	vlaneseq.u32;
	v1 =	vimm.s32 $0x4;
	_ =	strace $0x80000050;
	s31 =	sshrl.u32 s5, $0x1;
	s7 =	smul.u32 $0x140, s16  }
0x9: {  	v2 =	vimm.s32 $0x1;
	v3 =	vimm.s32 $0x2;
	v4 =	vimm.s32 $0x3;
	s11 =	ssub.s32 s5, s31;
	p0 =	seq.s32 s16, $0x1F;
	s8 =	sshrl.u32 s6, $0x3  }
0xa: {  	v5 =	vimm.s32 $0x5;
	v6 =	vimm.s32 $0x6;
	v7 =	vimm.s32 $0x7;
	s16 =	simm.s32 $0x0;
	s29 =	sshrl.u32 s7, $0x3;
	s30 =	sadd.s32 s8, s4  }
0xb: {  	v8 =	vimm.s32 $0x8;
	v9 =	vimm.s32 $0x9;
	v10 =	vimm.s32 $0xA;
	s10 =	sadd.s32 s29, s4;
	s8 =	sadd.s32 s9, s8;
	s9 =	sadd.s32 $0x4D80, s9  }
0xc: {  	v11 =	vimm.s32 $0xB;
	v12 =	vimm.s32 $0xC;
	v13 =	vimm.s32 $0xD;
	s4 =	sadd.s32 $0x25C00, s30;
	s5 =	sadd.s32 $0x2AC00, s30;
	s6 =	sadd.s32 $0x16000, s10  }
0xd: {  	v14 =	vimm.s32 $0xE;
	v15 =	vimm.s32 $0xF;
	v0 =	vmul.u32 $0x10, v0;
	s7 =	sadd.s32 $0x16500, s10;
	s10 =	smax.u32 s11, $0x1;
	s11 =	simm.s32 $0x1  }
.LBB2_1:
0xe: {  	[tilespmem:s3], [sflag:$0x1] =	stream.linear.gather [hbm4b:s4+s3], $0x1400, $0x38;
	[tilespmem:$0x2A90] =	vst v63  }
0xf: {  	_ =	swait.ge [sflag:s11], $0x1400  }
0x10: {  	[sflag:s11] =	ssyncset.done $0x0  }
0x11: {  	[sflag:s11] =	ssyncadd.s32 $0xFFFFEC00  }
0x12: {  	[tilespmem:s12], [sflag:$0x1] =	stream.linear.gather [hbm4b:s5+s3], $0x1400, $0x38;
	[tilespmem:$0x2A90] =	vst v63  }
0x13: {  	_ =	swait.ge [sflag:s11], $0x1400  }
0x14: {  	[sflag:s11] =	ssyncset.done $0x0  }
0x15: {  	[sflag:s11] =	ssyncadd.s32 $0xFFFFEC00  }
0x16: {  	[tilespmem:s13], [sflag:$0x1] =	stream.linear.gather [hbm4b:s6+s3], $0x140, $0x38;
	[tilespmem:$0x2A90] =	vst v63  }
0x17: {  	_ =	swait.ge [sflag:s11], $0x140  }
0x18: {  	[sflag:s11] =	ssyncset.done $0x0  }
0x19: {  	[sflag:s11] =	ssyncadd.s32 $0xFFFFFEC0  }
0x1a: {  	[tilespmem:s14], [sflag:$0x1] =	stream.linear.gather [hbm4b:s7+s3], $0x140, $0x38;
	[tilespmem:$0x2A90] =	vst v63  }
0x1b: {  	_ =	swait.ge [sflag:s11], $0x140  }
0x1c: {  	[sflag:s11] =	ssyncset.done $0x0  }
0x1d: {  	[sflag:s11] =	ssyncadd.s32 $0xFFFFFEC0  }
0x1e: {  	[tilespmem:s15], [sflag:$0x1] =	stream.linear.gather [hbm4b:s2+s3], $0x10, $0x38;
	[tilespmem:$0x2A90] =	vst v63  }
0x1f: {  	_ =	swait.ge [sflag:s11], $0x10  }
0x20: {  	[sflag:s11] =	ssyncset.done $0x0  }
0x21: {  	s17 =	simm.s32 $0x0;
	[sflag:s11] =	ssyncadd.s32 $0xFFFFFFF0  }
0x22: {  	s18 =	simm.s32 $0x40;
	v16 =	vld [tilespmem:s17+$0x1400]  }
.LBB2_2:
0x23: {  	p1 =	sne.s32 s18, $0x4FC0;
	v17 =	vld [tilespmem:s17+$0x0];
	_ =	sdelay $0x2  }
.Ltmp0:
0x24: {  	(pc) =	sbr.rel @p1 .LBB2_2-.Ltmp0, $4  }
0x25: {  	_ = 	snop  }
0x26: {  	v17 =	vadd.f32 v16, v17  }
0x27: {  	s19 =	sshra.s32 s18, $0x2  }
0x28: {  	s18 =	sadd.s32 $0x40, s18;
	v16 =	vld [tilespmem:s19+$0x1400];
	[tilespmem:s17+$0x0] =	vst v17;
	s17 =	smov.u32 s19  }
0x29: {  	v17 =	vld [tilespmem:s17+$0x0];
	_ =	sdelay $0x4  }
0x2a: {  	v16 =	vadd.f32 v16, v17;
	_ =	sdelay $0x1  }
0x2b: {  	[tilespmem:s17+$0x0] =	vst v16;
	s17 =	simm.s32 $0x0  }
0x2c: {  	s18 =	simm.s32 $0x0;
	s19 =	simm.s32 $0x40;
	v16 =	vld [tilespmem:s17+$0x2940]  }
.LBB2_4:
0x2d: {  	p1 =	sne.s32 s19, $0x4C0;
	v17 =	vld [tilespmem:s17+$0x2800];
	_ =	sdelay $0x4  }
0x2e: {  	v16 =	vadd.f32 v16, v17;
	_ =	sdelay $0x1  }
0x2f: {  	v16 =	vmax.f32 v16, $1.000000000e+00  }
0x30: {  	v17 =	vshra.s32 v16, $0x1;
	v16 =	vmul.f32 $5.000000000e-01, v16  }
0x31: {  	v17 =	vsub.s32 $0x5F3759DF, v17  }
0x32: {  	v18 =	vmul.f32 v17, v16;
	_ =	sdelay $0x1  }
0x33: {  	v18 =	vmul.f32 v17, v18;
	_ =	sdelay $0x1  }
0x34: {  	v18 =	vsub.f32 $1.500000000e+00, v18;
	_ =	sdelay $0x1  }
0x35: {  	v17 =	vmul.f32 v17, v18;
	_ =	sdelay $0x1  }
0x36: {  	v18 =	vmul.f32 v17, v16;
	_ =	sdelay $0x1  }
0x37: {  	v18 =	vmul.f32 v18, v17;
	_ =	sdelay $0x1  }
0x38: {  	v18 =	vsub.f32 $1.500000000e+00, v18;
	_ =	sdelay $0x1  }
0x39: {  	v17 =	vmul.f32 v18, v17;
	_ =	sdelay $0x1  }
0x3a: {  	v16 =	vmul.f32 v17, v16;
	_ =	sdelay $0x1  }
0x3b: {  	v16 =	vmul.f32 v16, v17;
	_ =	sdelay $0x1  }
.Ltmp1:
0x3c: {  	v16 =	vsub.f32 $1.500000000e+00, v16;
	(pc) =	sbr.rel @p1 .LBB2_4-.Ltmp1, $4  }
0x3d: {  	_ = 	snop  }
0x3e: {  	v17 =	vmul.f32 v16, v17  }
0x3f: {  	s20 =	sshra.s32 s19, $0x2  }
0x40: {  	s19 =	sadd.s32 $0x40, s19;
	v16 =	vld [tilespmem:s20+$0x2940];
	[tilespmem:s17+$0x2800] =	vst v17;
	s17 =	smov.u32 s20  }
0x41: {  	v17 =	vld [tilespmem:s17+$0x2800];
	_ =	sdelay $0x4  }
0x42: {  	v16 =	vadd.f32 v16, v17;
	_ =	sdelay $0x1  }
0x43: {  	v16 =	vmax.f32 v16, $1.000000000e+00  }
0x44: {  	v17 =	vshra.s32 v16, $0x1;
	v16 =	vmul.f32 $5.000000000e-01, v16  }
0x45: {  	v17 =	vsub.s32 $0x5F3759DF, v17  }
0x46: {  	v18 =	vmul.f32 v17, v16;
	_ =	sdelay $0x1  }
0x47: {  	v18 =	vmul.f32 v17, v18;
	_ =	sdelay $0x1  }
0x48: {  	v18 =	vsub.f32 $1.500000000e+00, v18;
	_ =	sdelay $0x1  }
0x49: {  	v17 =	vmul.f32 v17, v18;
	_ =	sdelay $0x1  }
0x4a: {  	v18 =	vmul.f32 v17, v16;
	_ =	sdelay $0x1  }
0x4b: {  	v18 =	vmul.f32 v18, v17;
	_ =	sdelay $0x1  }
0x4c: {  	v18 =	vsub.f32 $1.500000000e+00, v18;
	_ =	sdelay $0x1  }
0x4d: {  	v17 =	vmul.f32 v18, v17;
	_ =	sdelay $0x1  }
0x4e: {  	v16 =	vmul.f32 v17, v16;
	_ =	sdelay $0x1  }
0x4f: {  	v18 =	vmov s18;
	v16 =	vmul.f32 v16, v17  }
0x50: {  	v18 =	vshll.u32 v18, $0x4  }
0x51: {  	v18 =	vor.u32 v0, v18;
	v16 =	vsub.f32 $1.500000000e+00, v16;
	_ =	sdelay $0x1  }
0x52: {  	v16 =	vmul.f32 v16, v17;
	_ =	sdelay $0x1  }
0x53: {  	[tilespmem:s17+$0x2800] =	vst v16  }
0x54: {  	s17 =	simm.s32 $0x2800;
	v16 =	vld.idx.msk [tilespmem:v18+s3+$0x0], $0xffff  }
0x55: {  	v17 =	vld [tilespmem:s17+$0x0];
	_ =	sdelay $0x1  }
0x56: {  	v19 =	vld.msk [tilespmem:s15+$0x0], $0xffff;
	_ =	sdelay $0x2  }
0x57: {  	v20 =	vor.u32 $0x1, v18;
	v16 =	vmul.f32 v16, v17;
	_ =	sdelay $0x1  }
0x58: {  	v16 =	vadd.f32 v16, v19;
	_ =	sdelay $0x1  }
0x59: {  	[tilespmem:v18+s3+$0x0] =	vst.idx.msk $0xffff, v16  }
0x5a: {  	v16 =	vld.idx.msk [tilespmem:v20+s3+$0x0], $0xffff;
	_ =	sdelay $0x1  }
0x5b: {  	v19 =	vld.idx.msk [tilespmem:v2+s15+$0x0], $0xffff;
	_ =	sdelay $0x2  }
0x5c: {  	v21 =	vor.u32 $0x2, v18;
	v16 =	vmul.f32 v16, v17;
	_ =	sdelay $0x1  }
0x5d: {  	v16 =	vadd.f32 v16, v19;
	_ =	sdelay $0x1  }
0x5e: {  	[tilespmem:v20+s3+$0x0] =	vst.idx.msk $0xffff, v16  }
0x5f: {  	v16 =	vld.idx.msk [tilespmem:v21+s3+$0x0], $0xffff;
	_ =	sdelay $0x1  }
0x60: {  	v19 =	vld.idx.msk [tilespmem:v3+s15+$0x0], $0xffff;
	_ =	sdelay $0x2  }
0x61: {  	v20 =	vor.u32 $0x3, v18;
	v16 =	vmul.f32 v16, v17;
	_ =	sdelay $0x1  }
0x62: {  	v16 =	vadd.f32 v16, v19;
	_ =	sdelay $0x1  }
0x63: {  	[tilespmem:v21+s3+$0x0] =	vst.idx.msk $0xffff, v16  }
0x64: {  	v16 =	vld.idx.msk [tilespmem:v20+s3+$0x0], $0xffff;
	_ =	sdelay $0x1  }
0x65: {  	v19 =	vld.idx.msk [tilespmem:v4+s15+$0x0], $0xffff;
	_ =	sdelay $0x2  }
0x66: {  	v58 =	vor.u32 $0x4, v18;
	v16 =	vmul.f32 v16, v17;
	_ =	sdelay $0x1  }
0x67: {  	v16 =	vadd.f32 v16, v19;
	_ =	sdelay $0x1  }
0x68: {  	[tilespmem:v20+s3+$0x0] =	vst.idx.msk $0xffff, v16  }
0x69: {  	v16 =	vld.idx.msk [tilespmem:v58+s3+$0x0], $0xffff;
	_ =	sdelay $0x1  }
0x6a: {  	v19 =	vld.idx.msk [tilespmem:v1+s15+$0x0], $0xffff;
	_ =	sdelay $0x2  }
0x6b: {  	v20 =	vor.u32 $0x5, v18;
	v16 =	vmul.f32 v16, v17;
	_ =	sdelay $0x1  }
0x6c: {  	v16 =	vadd.f32 v16, v19;
	_ =	sdelay $0x1  }
0x6d: {  	[tilespmem:v58+s3+$0x0] =	vst.idx.msk $0xffff, v16  }
0x6e: {  	v16 =	vld.idx.msk [tilespmem:v20+s3+$0x0], $0xffff;
	_ =	sdelay $0x1  }
0x6f: {  	v19 =	vld.idx.msk [tilespmem:v5+s15+$0x0], $0xffff;
	_ =	sdelay $0x2  }
0x70: {  	v59 =	vor.u32 $0x6, v18;
	v16 =	vmul.f32 v16, v17;
	_ =	sdelay $0x1  }
0x71: {  	v16 =	vadd.f32 v16, v19;
	_ =	sdelay $0x1  }
0x72: {  	[tilespmem:v20+s3+$0x0] =	vst.idx.msk $0xffff, v16  }
0x73: {  	v16 =	vld.idx.msk [tilespmem:v59+s3+$0x0], $0xffff;
	_ =	sdelay $0x1  }
0x74: {  	v19 =	vld.idx.msk [tilespmem:v6+s15+$0x0], $0xffff;
	_ =	sdelay $0x2  }
0x75: {  	v20 =	vor.u32 $0x7, v18;
	v16 =	vmul.f32 v16, v17;
	_ =	sdelay $0x1  }
0x76: {  	v16 =	vadd.f32 v16, v19;
	_ =	sdelay $0x1  }
0x77: {  	[tilespmem:v59+s3+$0x0] =	vst.idx.msk $0xffff, v16  }
0x78: {  	v16 =	vld.idx.msk [tilespmem:v20+s3+$0x0], $0xffff;
	_ =	sdelay $0x1  }
0x79: {  	v19 =	vld.idx.msk [tilespmem:v7+s15+$0x0], $0xffff;
	_ =	sdelay $0x2  }
0x7a: {  	v60 =	vor.u32 $0x8, v18;
	v16 =	vmul.f32 v16, v17;
	_ =	sdelay $0x1  }
0x7b: {  	v16 =	vadd.f32 v16, v19;
	_ =	sdelay $0x1  }
0x7c: {  	[tilespmem:v20+s3+$0x0] =	vst.idx.msk $0xffff, v16  }
0x7d: {  	v16 =	vld.idx.msk [tilespmem:v60+s3+$0x0], $0xffff;
	_ =	sdelay $0x1  }
0x7e: {  	v19 =	vld.idx.msk [tilespmem:v8+s15+$0x0], $0xffff;
	_ =	sdelay $0x2  }
0x7f: {  	v20 =	vor.u32 $0x9, v18;
	v16 =	vmul.f32 v16, v17;
	_ =	sdelay $0x1  }
0x80: {  	v16 =	vadd.f32 v16, v19;
	_ =	sdelay $0x1  }
0x81: {  	[tilespmem:v60+s3+$0x0] =	vst.idx.msk $0xffff, v16  }
0x82: {  	v16 =	vld.idx.msk [tilespmem:v20+s3+$0x0], $0xffff;
	_ =	sdelay $0x1  }
0x83: {  	v19 =	vld.idx.msk [tilespmem:v9+s15+$0x0], $0xffff;
	_ =	sdelay $0x2  }
0x84: {  	v61 =	vor.u32 $0xA, v18;
	v16 =	vmul.f32 v16, v17;
	_ =	sdelay $0x1  }
0x85: {  	v16 =	vadd.f32 v16, v19;
	_ =	sdelay $0x1  }
0x86: {  	[tilespmem:v20+s3+$0x0] =	vst.idx.msk $0xffff, v16  }
0x87: {  	v16 =	vld.idx.msk [tilespmem:v61+s3+$0x0], $0xffff;
	_ =	sdelay $0x1  }
0x88: {  	v19 =	vld.idx.msk [tilespmem:v10+s15+$0x0], $0xffff;
	_ =	sdelay $0x2  }
0x89: {  	v20 =	vor.u32 $0xB, v18;
	v16 =	vmul.f32 v16, v17;
	_ =	sdelay $0x1  }
0x8a: {  	v16 =	vadd.f32 v16, v19;
	_ =	sdelay $0x1  }
0x8b: {  	[tilespmem:v61+s3+$0x0] =	vst.idx.msk $0xffff, v16  }
0x8c: {  	v16 =	vld.idx.msk [tilespmem:v20+s3+$0x0], $0xffff;
	_ =	sdelay $0x1  }
0x8d: {  	v19 =	vld.idx.msk [tilespmem:v11+s15+$0x0], $0xffff;
	_ =	sdelay $0x2  }
0x8e: {  	v62 =	vor.u32 $0xC, v18;
	v16 =	vmul.f32 v16, v17;
	_ =	sdelay $0x1  }
0x8f: {  	v16 =	vadd.f32 v16, v19;
	_ =	sdelay $0x1  }
0x90: {  	[tilespmem:v20+s3+$0x0] =	vst.idx.msk $0xffff, v16  }
0x91: {  	v16 =	vld.idx.msk [tilespmem:v62+s3+$0x0], $0xffff;
	_ =	sdelay $0x1  }
0x92: {  	v19 =	vld.idx.msk [tilespmem:v12+s15+$0x0], $0xffff;
	_ =	sdelay $0x2  }
0x93: {  	v20 =	vor.u32 $0xD, v18;
	v16 =	vmul.f32 v16, v17;
	_ =	sdelay $0x1  }
0x94: {  	v16 =	vadd.f32 v16, v19;
	_ =	sdelay $0x1  }
0x95: {  	[tilespmem:v62+s3+$0x0] =	vst.idx.msk $0xffff, v16  }
0x96: {  	v16 =	vld.idx.msk [tilespmem:v20+s3+$0x0], $0xffff;
	_ =	sdelay $0x1  }
0x97: {  	v19 =	vld.idx.msk [tilespmem:v13+s15+$0x0], $0xffff;
	_ =	sdelay $0x2  }
0x98: {  	v63 =	vor.u32 $0xE, v18;
	v16 =	vmul.f32 v16, v17;
	_ =	sdelay $0x1  }
0x99: {  	v16 =	vadd.f32 v16, v19;
	_ =	sdelay $0x1  }
0x9a: {  	[tilespmem:v20+s3+$0x0] =	vst.idx.msk $0xffff, v16  }
0x9b: {  	v16 =	vld.idx.msk [tilespmem:v63+s3+$0x0], $0xffff;
	_ =	sdelay $0x1  }
0x9c: {  	v19 =	vld.idx.msk [tilespmem:v14+s15+$0x0], $0xffff;
	_ =	sdelay $0x2  }
0x9d: {  	v18 =	vor.u32 $0xF, v18;
	v16 =	vmul.f32 v16, v17;
	_ =	sdelay $0x1  }
0x9e: {  	v16 =	vadd.f32 v16, v19;
	_ =	sdelay $0x1  }
0x9f: {  	[tilespmem:v63+s3+$0x0] =	vst.idx.msk $0xffff, v16  }
0xa0: {  	v16 =	vld.idx.msk [tilespmem:v18+s3+$0x0], $0xffff;
	_ =	sdelay $0x2  }
0xa1: {  	s31 =	simm.s32 $0x10;
	v19 =	vld.idx.msk [tilespmem:v15+s15+$0x0], $0xffff  }
0xa2: {  	v20 =	vmov s31  }
0xa3: {  	v17 =	vmul.f32 v16, v17;
	v16 =	vshll.u32 v20, $0x4  }
0xa4: {  	v16 =	vor.u32 v0, v16;
	_ =	sdelay $0x1  }
0xa5: {  	s18 =	simm.s32 $0x20;
	v17 =	vadd.f32 v17, v19  }
.LBB2_6:
0xa6: {  	p1 =	sne.s32 s18, $0x130  }
0xa7: {  	s17 =	sadd.s32 $0x10, s17;
	s19 =	smov.u32 s18;
	s18 =	sadd.s32 $0x10, s18;
	[tilespmem:v18+s3+$0x0] =	vst.idx.msk $0xffff, v17  }
0xa8: {  	v18 =	vld.idx.msk [tilespmem:v16+s3+$0x0], $0xffff  }
0xa9: {  	v17 =	vld [tilespmem:s17+$0x0];
	_ =	sdelay $0x1  }
0xaa: {  	v19 =	vld.msk [tilespmem:s15+$0x0], $0xffff;
	_ =	sdelay $0x2  }
0xab: {  	v20 =	vor.u32 $0x1, v16;
	v18 =	vmul.f32 v18, v17;
	_ =	sdelay $0x1  }
0xac: {  	v18 =	vadd.f32 v18, v19;
	_ =	sdelay $0x1  }
0xad: {  	[tilespmem:v16+s3+$0x0] =	vst.idx.msk $0xffff, v18  }
0xae: {  	v18 =	vld.idx.msk [tilespmem:v20+s3+$0x0], $0xffff;
	_ =	sdelay $0x1  }
0xaf: {  	v19 =	vld.idx.msk [tilespmem:v2+s15+$0x0], $0xffff;
	_ =	sdelay $0x3  }
0xb0: {  	v21 =	vor.u32 $0x2, v16;
	v18 =	vmul.f32 v18, v17;
	_ =	sdelay $0x1  }
0xb1: {  	v18 =	vadd.f32 v18, v19;
	_ =	sdelay $0x1  }
0xb2: {  	[tilespmem:v20+s3+$0x0] =	vst.idx.msk $0xffff, v18  }
0xb3: {  	v18 =	vld.idx.msk [tilespmem:v21+s3+$0x0], $0xffff;
	_ =	sdelay $0x1  }
0xb4: {  	v19 =	vld.idx.msk [tilespmem:v3+s15+$0x0], $0xffff;
	_ =	sdelay $0x3  }
0xb5: {  	v20 =	vor.u32 $0x3, v16;
	v18 =	vmul.f32 v18, v17;
	_ =	sdelay $0x1  }
0xb6: {  	v18 =	vadd.f32 v18, v19;
	_ =	sdelay $0x1  }
0xb7: {  	[tilespmem:v21+s3+$0x0] =	vst.idx.msk $0xffff, v18  }
0xb8: {  	v18 =	vld.idx.msk [tilespmem:v20+s3+$0x0], $0xffff;
	_ =	sdelay $0x1  }
0xb9: {  	v19 =	vld.idx.msk [tilespmem:v4+s15+$0x0], $0xffff;
	_ =	sdelay $0x3  }
0xba: {  	v21 =	vor.u32 $0x4, v16;
	v18 =	vmul.f32 v18, v17;
	_ =	sdelay $0x1  }
0xbb: {  	v18 =	vadd.f32 v18, v19;
	_ =	sdelay $0x1  }
0xbc: {  	[tilespmem:v20+s3+$0x0] =	vst.idx.msk $0xffff, v18  }
0xbd: {  	v18 =	vld.idx.msk [tilespmem:v21+s3+$0x0], $0xffff;
	_ =	sdelay $0x1  }
0xbe: {  	v19 =	vld.idx.msk [tilespmem:v1+s15+$0x0], $0xffff;
	_ =	sdelay $0x3  }
0xbf: {  	v20 =	vor.u32 $0x5, v16;
	v18 =	vmul.f32 v18, v17;
	_ =	sdelay $0x1  }
0xc0: {  	v18 =	vadd.f32 v18, v19;
	_ =	sdelay $0x1  }
0xc1: {  	[tilespmem:v21+s3+$0x0] =	vst.idx.msk $0xffff, v18  }
0xc2: {  	v18 =	vld.idx.msk [tilespmem:v20+s3+$0x0], $0xffff;
	_ =	sdelay $0x1  }
0xc3: {  	v19 =	vld.idx.msk [tilespmem:v5+s15+$0x0], $0xffff;
	_ =	sdelay $0x3  }
0xc4: {  	v21 =	vor.u32 $0x6, v16;
	v18 =	vmul.f32 v18, v17;
	_ =	sdelay $0x1  }
0xc5: {  	v18 =	vadd.f32 v18, v19;
	_ =	sdelay $0x1  }
0xc6: {  	[tilespmem:v20+s3+$0x0] =	vst.idx.msk $0xffff, v18  }
0xc7: {  	v18 =	vld.idx.msk [tilespmem:v21+s3+$0x0], $0xffff;
	_ =	sdelay $0x1  }
0xc8: {  	v19 =	vld.idx.msk [tilespmem:v6+s15+$0x0], $0xffff;
	_ =	sdelay $0x3  }
0xc9: {  	v20 =	vor.u32 $0x7, v16;
	v18 =	vmul.f32 v18, v17;
	_ =	sdelay $0x1  }
0xca: {  	v18 =	vadd.f32 v18, v19;
	_ =	sdelay $0x1  }
0xcb: {  	[tilespmem:v21+s3+$0x0] =	vst.idx.msk $0xffff, v18  }
0xcc: {  	v18 =	vld.idx.msk [tilespmem:v20+s3+$0x0], $0xffff;
	_ =	sdelay $0x1  }
0xcd: {  	v19 =	vld.idx.msk [tilespmem:v7+s15+$0x0], $0xffff;
	_ =	sdelay $0x3  }
0xce: {  	v21 =	vor.u32 $0x8, v16;
	v18 =	vmul.f32 v18, v17;
	_ =	sdelay $0x1  }
0xcf: {  	v18 =	vadd.f32 v18, v19;
	_ =	sdelay $0x1  }
0xd0: {  	[tilespmem:v20+s3+$0x0] =	vst.idx.msk $0xffff, v18  }
0xd1: {  	v18 =	vld.idx.msk [tilespmem:v21+s3+$0x0], $0xffff;
	_ =	sdelay $0x1  }
0xd2: {  	v19 =	vld.idx.msk [tilespmem:v8+s15+$0x0], $0xffff;
	_ =	sdelay $0x3  }
0xd3: {  	v20 =	vor.u32 $0x9, v16;
	v18 =	vmul.f32 v18, v17;
	_ =	sdelay $0x1  }
0xd4: {  	v18 =	vadd.f32 v18, v19;
	_ =	sdelay $0x1  }
0xd5: {  	[tilespmem:v21+s3+$0x0] =	vst.idx.msk $0xffff, v18  }
0xd6: {  	v18 =	vld.idx.msk [tilespmem:v20+s3+$0x0], $0xffff  }
0xd7: {  	v19 =	vld.idx.msk [tilespmem:v9+s15+$0x0], $0xffff;
	_ =	sdelay $0x4  }
0xd8: {  	v21 =	vor.u32 $0xA, v16;
	v18 =	vmul.f32 v18, v17;
	_ =	sdelay $0x1  }
0xd9: {  	v18 =	vadd.f32 v18, v19;
	_ =	sdelay $0x1  }
0xda: {  	[tilespmem:v20+s3+$0x0] =	vst.idx.msk $0xffff, v18  }
0xdb: {  	v18 =	vld.idx.msk [tilespmem:v21+s3+$0x0], $0xffff  }
0xdc: {  	v19 =	vld.idx.msk [tilespmem:v10+s15+$0x0], $0xffff;
	_ =	sdelay $0x4  }
0xdd: {  	v20 =	vor.u32 $0xB, v16;
	v18 =	vmul.f32 v18, v17;
	_ =	sdelay $0x1  }
0xde: {  	v18 =	vadd.f32 v18, v19;
	_ =	sdelay $0x1  }
0xdf: {  	[tilespmem:v21+s3+$0x0] =	vst.idx.msk $0xffff, v18  }
0xe0: {  	v18 =	vld.idx.msk [tilespmem:v20+s3+$0x0], $0xffff  }
0xe1: {  	v19 =	vld.idx.msk [tilespmem:v11+s15+$0x0], $0xffff;
	_ =	sdelay $0x4  }
0xe2: {  	v21 =	vor.u32 $0xC, v16;
	v18 =	vmul.f32 v18, v17;
	_ =	sdelay $0x1  }
0xe3: {  	v18 =	vadd.f32 v18, v19;
	_ =	sdelay $0x1  }
0xe4: {  	[tilespmem:v20+s3+$0x0] =	vst.idx.msk $0xffff, v18  }
0xe5: {  	v18 =	vld.idx.msk [tilespmem:v21+s3+$0x0], $0xffff  }
0xe6: {  	v19 =	vld.idx.msk [tilespmem:v12+s15+$0x0], $0xffff;
	_ =	sdelay $0x4  }
0xe7: {  	v20 =	vor.u32 $0xD, v16;
	v18 =	vmul.f32 v18, v17;
	_ =	sdelay $0x1  }
0xe8: {  	v18 =	vadd.f32 v18, v19;
	_ =	sdelay $0x1  }
0xe9: {  	[tilespmem:v21+s3+$0x0] =	vst.idx.msk $0xffff, v18  }
0xea: {  	v18 =	vld.idx.msk [tilespmem:v20+s3+$0x0], $0xffff  }
0xeb: {  	v19 =	vld.idx.msk [tilespmem:v13+s15+$0x0], $0xffff;
	_ =	sdelay $0x4  }
0xec: {  	v21 =	vor.u32 $0xE, v16;
	v18 =	vmul.f32 v18, v17;
	_ =	sdelay $0x1  }
0xed: {  	v18 =	vadd.f32 v18, v19;
	_ =	sdelay $0x1  }
0xee: {  	[tilespmem:v20+s3+$0x0] =	vst.idx.msk $0xffff, v18  }
0xef: {  	v18 =	vld.idx.msk [tilespmem:v21+s3+$0x0], $0xffff  }
0xf0: {  	v19 =	vld.idx.msk [tilespmem:v14+s15+$0x0], $0xffff;
	_ =	sdelay $0x4  }
0xf1: {  	v20 =	vmul.f32 v18, v17;
	v18 =	vor.u32 $0xF, v16;
	_ =	sdelay $0x1  }
0xf2: {  	v16 =	vadd.f32 v20, v19;
	_ =	sdelay $0x1  }
0xf3: {  	[tilespmem:v21+s3+$0x0] =	vst.idx.msk $0xffff, v16  }
0xf4: {  	v19 =	vld.idx.msk [tilespmem:v18+s3+$0x0], $0xffff  }
0xf5: {  	v20 =	vld.idx.msk [tilespmem:v15+s15+$0x0], $0xffff;
	_ =	sdelay $0x2  }
.Ltmp2:
0xf6: {  	v16 =	vmov s19;
	(pc) =	sbr.rel @p1 .LBB2_6-.Ltmp2, $3  }
0xf7: {  	v16 =	vshll.u32 v16, $0x4  }
0xf8: {  	v16 =	vor.u32 v0, v16;
	v17 =	vmul.f32 v19, v17;
	_ =	sdelay $0x1  }
0xf9: {  	v17 =	vadd.f32 v17, v20  }
0xfa: {  	_ =	sdelay $0x3  }
0xfb: {  	[tilespmem:v18+s3+$0x0] =	vst.idx.msk $0xffff, v17  }
0xfc: {  	s17 =	sadd.s32 $0x10, s17;
	v17 =	vld.idx.msk [tilespmem:v16+s3+$0x0], $0xffff  }
0xfd: {  	v18 =	vld [tilespmem:s17+$0x0];
	_ =	sdelay $0x1  }
0xfe: {  	v19 =	vld.msk [tilespmem:s15+$0x0], $0xffff;
	_ =	sdelay $0x2  }
0xff: {  	v20 =	vor.u32 $0x1, v16;
	v17 =	vmul.f32 v17, v18;
	_ =	sdelay $0x1  }
0x100: {  	v17 =	vadd.f32 v17, v19;
	_ =	sdelay $0x1  }
0x101: {  	[tilespmem:v16+s3+$0x0] =	vst.idx.msk $0xffff, v17  }
0x102: {  	v17 =	vld.idx.msk [tilespmem:v20+s3+$0x0], $0xffff;
	_ =	sdelay $0x1  }
0x103: {  	v37 =	vld.idx.msk [tilespmem:v2+s15+$0x0], $0xffff;
	_ =	sdelay $0x2  }
0x104: {  	v21 =	vor.u32 $0x2, v16;
	v17 =	vmul.f32 v17, v18;
	_ =	sdelay $0x1  }
0x105: {  	v17 =	vadd.f32 v17, v37;
	_ =	sdelay $0x1  }
0x106: {  	[tilespmem:v20+s3+$0x0] =	vst.idx.msk $0xffff, v17  }
0x107: {  	v17 =	vld.idx.msk [tilespmem:v21+s3+$0x0], $0xffff;
	_ =	sdelay $0x1  }
0x108: {  	v38 =	vld.idx.msk [tilespmem:v3+s15+$0x0], $0xffff;
	_ =	sdelay $0x2  }
0x109: {  	v39 =	vor.u32 $0x3, v16;
	v17 =	vmul.f32 v17, v18;
	_ =	sdelay $0x1  }
0x10a: {  	v17 =	vadd.f32 v17, v38;
	_ =	sdelay $0x1  }
0x10b: {  	[tilespmem:v21+s3+$0x0] =	vst.idx.msk $0xffff, v17  }
0x10c: {  	v17 =	vld.idx.msk [tilespmem:v39+s3+$0x0], $0xffff;
	_ =	sdelay $0x1  }
0x10d: {  	v40 =	vld.idx.msk [tilespmem:v4+s15+$0x0], $0xffff;
	_ =	sdelay $0x2  }
0x10e: {  	v41 =	vor.u32 $0x4, v16;
	v17 =	vmul.f32 v17, v18;
	_ =	sdelay $0x1  }
0x10f: {  	v17 =	vadd.f32 v17, v40;
	_ =	sdelay $0x1  }
0x110: {  	[tilespmem:v39+s3+$0x0] =	vst.idx.msk $0xffff, v17  }
0x111: {  	v17 =	vld.idx.msk [tilespmem:v41+s3+$0x0], $0xffff;
	_ =	sdelay $0x1  }
0x112: {  	v42 =	vld.idx.msk [tilespmem:v1+s15+$0x0], $0xffff;
	_ =	sdelay $0x2  }
0x113: {  	v43 =	vor.u32 $0x5, v16;
	v17 =	vmul.f32 v17, v18;
	_ =	sdelay $0x1  }
0x114: {  	v17 =	vadd.f32 v17, v42;
	_ =	sdelay $0x1  }
0x115: {  	[tilespmem:v41+s3+$0x0] =	vst.idx.msk $0xffff, v17  }
0x116: {  	v17 =	vld.idx.msk [tilespmem:v43+s3+$0x0], $0xffff;
	_ =	sdelay $0x1  }
0x117: {  	v44 =	vld.idx.msk [tilespmem:v5+s15+$0x0], $0xffff;
	_ =	sdelay $0x2  }
0x118: {  	v45 =	vor.u32 $0x6, v16;
	v17 =	vmul.f32 v17, v18;
	_ =	sdelay $0x1  }
0x119: {  	v17 =	vadd.f32 v17, v44;
	_ =	sdelay $0x1  }
0x11a: {  	[tilespmem:v43+s3+$0x0] =	vst.idx.msk $0xffff, v17  }
0x11b: {  	v17 =	vld.idx.msk [tilespmem:v45+s3+$0x0], $0xffff;
	_ =	sdelay $0x1  }
0x11c: {  	v46 =	vld.idx.msk [tilespmem:v6+s15+$0x0], $0xffff;
	_ =	sdelay $0x2  }
0x11d: {  	v47 =	vor.u32 $0x7, v16;
	v17 =	vmul.f32 v17, v18;
	_ =	sdelay $0x1  }
0x11e: {  	v17 =	vadd.f32 v17, v46;
	_ =	sdelay $0x1  }
0x11f: {  	[tilespmem:v45+s3+$0x0] =	vst.idx.msk $0xffff, v17  }
0x120: {  	v17 =	vld.idx.msk [tilespmem:v47+s3+$0x0], $0xffff;
	_ =	sdelay $0x1  }
0x121: {  	v48 =	vld.idx.msk [tilespmem:v7+s15+$0x0], $0xffff;
	_ =	sdelay $0x2  }
0x122: {  	v49 =	vor.u32 $0x8, v16;
	v17 =	vmul.f32 v17, v18;
	_ =	sdelay $0x1  }
0x123: {  	v17 =	vadd.f32 v17, v48;
	_ =	sdelay $0x1  }
0x124: {  	[tilespmem:v47+s3+$0x0] =	vst.idx.msk $0xffff, v17  }
0x125: {  	v17 =	vld.idx.msk [tilespmem:v49+s3+$0x0], $0xffff;
	_ =	sdelay $0x1  }
0x126: {  	v50 =	vld.idx.msk [tilespmem:v8+s15+$0x0], $0xffff;
	_ =	sdelay $0x2  }
0x127: {  	v51 =	vor.u32 $0x9, v16;
	v17 =	vmul.f32 v17, v18;
	_ =	sdelay $0x1  }
0x128: {  	v17 =	vadd.f32 v17, v50;
	_ =	sdelay $0x1  }
0x129: {  	[tilespmem:v49+s3+$0x0] =	vst.idx.msk $0xffff, v17  }
0x12a: {  	v17 =	vld.idx.msk [tilespmem:v51+s3+$0x0], $0xffff;
	_ =	sdelay $0x1  }
0x12b: {  	v52 =	vld.idx.msk [tilespmem:v9+s15+$0x0], $0xffff;
	_ =	sdelay $0x2  }
0x12c: {  	v53 =	vor.u32 $0xA, v16;
	v17 =	vmul.f32 v17, v18;
	_ =	sdelay $0x1  }
0x12d: {  	v17 =	vadd.f32 v17, v52;
	_ =	sdelay $0x1  }
0x12e: {  	[tilespmem:v51+s3+$0x0] =	vst.idx.msk $0xffff, v17  }
0x12f: {  	v17 =	vld.idx.msk [tilespmem:v53+s3+$0x0], $0xffff;
	_ =	sdelay $0x1  }
0x130: {  	v54 =	vld.idx.msk [tilespmem:v10+s15+$0x0], $0xffff;
	_ =	sdelay $0x2  }
0x131: {  	v55 =	vor.u32 $0xB, v16;
	v17 =	vmul.f32 v17, v18;
	_ =	sdelay $0x1  }
0x132: {  	v17 =	vadd.f32 v17, v54;
	_ =	sdelay $0x1  }
0x133: {  	[tilespmem:v53+s3+$0x0] =	vst.idx.msk $0xffff, v17  }
0x134: {  	v17 =	vld.idx.msk [tilespmem:v55+s3+$0x0], $0xffff;
	_ =	sdelay $0x1  }
0x135: {  	v56 =	vld.idx.msk [tilespmem:v11+s15+$0x0], $0xffff;
	_ =	sdelay $0x2  }
0x136: {  	v57 =	vor.u32 $0xC, v16;
	v17 =	vmul.f32 v17, v18;
	_ =	sdelay $0x1  }
0x137: {  	v17 =	vadd.f32 v17, v56;
	_ =	sdelay $0x1  }
0x138: {  	[tilespmem:v55+s3+$0x0] =	vst.idx.msk $0xffff, v17  }
0x139: {  	v17 =	vld.idx.msk [tilespmem:v57+s3+$0x0], $0xffff;
	_ =	sdelay $0x1  }
0x13a: {  	v58 =	vld.idx.msk [tilespmem:v12+s15+$0x0], $0xffff;
	_ =	sdelay $0x2  }
0x13b: {  	v59 =	vor.u32 $0xD, v16;
	v17 =	vmul.f32 v17, v18;
	_ =	sdelay $0x1  }
0x13c: {  	v17 =	vadd.f32 v17, v58;
	_ =	sdelay $0x1  }
0x13d: {  	[tilespmem:v57+s3+$0x0] =	vst.idx.msk $0xffff, v17  }
0x13e: {  	v17 =	vld.idx.msk [tilespmem:v59+s3+$0x0], $0xffff;
	_ =	sdelay $0x1  }
0x13f: {  	v60 =	vld.idx.msk [tilespmem:v13+s15+$0x0], $0xffff;
	_ =	sdelay $0x2  }
0x140: {  	v61 =	vor.u32 $0xE, v16;
	v17 =	vmul.f32 v17, v18;
	_ =	sdelay $0x1  }
0x141: {  	v17 =	vadd.f32 v17, v60;
	_ =	sdelay $0x1  }
0x142: {  	[tilespmem:v59+s3+$0x0] =	vst.idx.msk $0xffff, v17  }
0x143: {  	v17 =	vld.idx.msk [tilespmem:v61+s3+$0x0], $0xffff;
	_ =	sdelay $0x1  }
0x144: {  	v62 =	vld.idx.msk [tilespmem:v14+s15+$0x0], $0xffff;
	_ =	sdelay $0x2  }
0x145: {  	v16 =	vor.u32 $0xF, v16;
	v17 =	vmul.f32 v17, v18;
	_ =	sdelay $0x1  }
0x146: {  	v17 =	vadd.f32 v17, v62;
	_ =	sdelay $0x1  }
0x147: {  	[tilespmem:v61+s3+$0x0] =	vst.idx.msk $0xffff, v17  }
0x148: {  	v17 =	vld.idx.msk [tilespmem:v16+s3+$0x0], $0xffff;
	_ =	sdelay $0x1  }
0x149: {  	v63 =	vld.idx.msk [tilespmem:v15+s15+$0x0], $0xffff;
	_ =	sdelay $0x2  }
0x14a: {  	v17 =	vmul.f32 v17, v18;
	_ =	sdelay $0x1  }
0x14b: {  	v17 =	vadd.f32 v17, v63;
	_ =	sdelay $0x1  }
0x14c: {  	s17 =	simm.s32 @p0 $0x0;
	[tilespmem:v16+s3+$0x0] =	vst.idx.msk $0xffff, v17  }
0x14d: {  	[hbm4b:s9+s17] =	stream.linear.scatter @p0 [tilespmem:s17], [sflag:$0x1], $0x500, $0x38;
	[tilespmem:$0x2A90] =	vst v63  }
0x14e: {  	s17 =	simm.s32 @p0 $0x1  }
0x14f: {  	_ =	swait.ge @p0 [sflag:s17], $0x500  }
0x150: {  	s16 =	sadd.s32 $0x1, s16;
	[sflag:s17] =	ssyncset.done @p0 $0x0  }
0x151: {  	p1 =	sne.s32 s16, s10;
	[sflag:s17] =	ssyncadd.s32 @p0 $0xFFFFFB00;
	s17 =	simm.s32 @!p0 $0x0  }
0x152: {  	[hbm4b:s8+s17] =	stream.linear.scatter @!p0 [tilespmem:s17], [sflag:$0x1], $0x1400, $0x38;
	[tilespmem:$0x2A90] =	vst v63  }
.Ltmp3:
0x153: {  	_ = 	snop;
	(pc) =	sbr.rel @p1 .LBB2_1-.Ltmp3, $4  }
0x154: {  	s17 =	simm.s32 @!p0 $0x1  }
0x155: {  	_ =	swait.ge @!p0 [sflag:s17], $0x1400  }
0x156: {  	[sflag:s17] =	ssyncset.done @!p0 $0x0  }
0x157: {  	[sflag:s17] =	ssyncadd.s32 @!p0 $0xFFFFEC00  }
0x158: {  	_ =	sfence.sel $0x180000  }
0x159: {  	[bflag:$0x0] =	sbarrier.arrive $0xFFFF  }
0x15a: {  	p0 =	sne.s32 s0, $0x0;
	_ =	strace $0x90000050  }
0x15b: {  	s0 =	sadd.s32 @!p0 $0x100000, s1;
	[bflag:$0x2] =	sbarrier.arrive $0xFFFF  }
0x15c: {  	[sflag:s0] =	ssyncadd.tile.s32 @!p0 $0x1;
	_ =	shalt  }
.Lfunc_end2:
_tile_overlayer_lowered:
.L_overlay_start_2:
0x15d: {  	(tag) =	ssettag $0x2  }
0x15e: {  	s0 =	rddreg [dreg:$0x0];
	s2 =	stileid.u32  }
0x15f: {  	s1 =	rddreg [dreg:$0x1];
	p0 =	sne.s32 s2, $0x0  }
0x160: {  	s3 =	rddreg [dreg:$0x2];
	[bflag:$0x3] =	sbarrier.arrive $0xFFFF;
	s2 =	simm.s32 @!p0 $0x1C01  }
0x161: {  	[timem:s3], [sflag:s2] =	dma.local @!p0 [hbm:s0], s1  }
0x162: {  	s0 =	simm.s32 @!p0 $0x1  }
0x163: {  	_ =	swait.ge @!p0 [sflag:s0], s1  }
0x164: {  	s1 =	ssub.s32 @!p0 $0x0, s1;
	[sflag:s0] =	ssyncset.done @!p0 $0x0  }
0x165: {  	[sflag:s0] =	ssyncadd.s32 @!p0 s1  }
0x166: {  	[bflag:$0x3] =	sbarrier.arrive $0xFFFF  }
0x167: {  	_ =	shalt  }

// kernel: kernel.7.cloned.1.call-start
scs
__scs_entry_jumppad:
0x0: {  	(pc) =	sbr.rel $0x88, $3  }
0x1: {  	(tag) =	ssettag $0x0;
	lr =	simm.s32 $0x1  }
0x2: {  	[smem:$0x3F9B] =	sst lr;
	_ =	strace $0xD0000000  }
0x3: {  	_ = 	snop  }
0x4: {  	_ = 	snop  }
0x5: {  	_ = 	snop  }
0x6: {  	_ = 	snop  }
0x7: {  	_ = 	snop  }
__scs_overlays_trampoline_lowered:
0x8: {  	[smem:$0x3FAA] =	sst s0  }
0x9: {  	[smem:$0x3FAB] =	sst s1  }
0xa: {  	[smem:$0x3FAC] =	sst s2  }
0xb: {  	[smem:$0x3FAD] =	sst s3  }
0xc: {  	[smem:$0x3FAE] =	sst s4  }
0xd: {  	[smem:$0x3FAF] =	sst s5  }
0xe: {  	[smem:$0x3FB0] =	sst s6  }
0xf: {  	[smem:$0x3FB1] =	sst s7  }
0x10: {  	[smem:$0x3FB2] =	sst s8  }
0x11: {  	[smem:$0x3FB3] =	sst s9;
	s0 =	simm.s32 @!p0 $0x0  }
0x12: {  	s1 =	sld [smem:$0x3F99];
	s0 =	simm.s32 @p0 $0x1  }
0x13: {  	[smem:$0x3FB4] =	sst s0;
	s0 =	simm.s32 @!p1 $0x0  }
0x14: {  	s2 =	sld [smem:$0x3F98];
	s0 =	simm.s32 @p1 $0x1  }
0x15: {  	[smem:$0x3FB5] =	sst s0;
	s0 =	simm.s32 @!p2 $0x0  }
0x16: {  	s3 =	sld [smem:$0x3FDB];
	s0 =	simm.s32 @p2 $0x1  }
0x17: {  	s4 =	simm.s32 $0x1BF5;
	[smem:$0x3FB7] =	sst s0  }
0x18: {  	s0 =	sld [smem:$0x3F9A];
	_ =	swait.ge [sflag:s4], $0x0  }
0x19: {  	s7 =	sld [smem:$0x3F9B]  }
0x1a: {  	s8 =	sadd.s32 $0xFFFFE003, lr  }
0x1b: {  	s9 =	sadd.s32 $0xFFFFFEF7, lr;
	s5 =	simm.s32 $0xFFFFFFFF;
	p2 =	slt.u32 s8, $0xFFFFF086  }
0x1c: {  	p1 =	slt.u32 s9, $0xF7A;
	s5 =	simm.s32 @!p2 $0x0  }
0x1d: {  	s5 =	simm.s32 @p1 $0x1;
	p0 =	seq.s32 s7, s2  }
0x1e: {  	s7 =	smul.u32 @!p0 $0xF7A, s2;
	p2 =	seq.s32 @!p0 s5, $0x0  }
0x1f: {  	s9 =	smul.u32 $0xF7A, s1;
	s8 =	simm.s32 @!p0 $0x1BF5;
	p2 =	por !p2, p0  }
0x20: {  	[sflag:s8] =	ssyncset.s32 @!p0 $0xFFFFF086;
	s6 =	sadd.s32 @!p0 s3, s7;
	s7 =	simm.s32 @!p0 $0x108  }
0x21: {  	s3 =	sadd.s32 s3, s9;
	s6 =	sadd.s32 @!p0 $0x88, s6;
	s7 =	simm.s32 @p2 $0x1082  }
0x22: {  	[simem:s7], [sflag:s8] =	dma.local @!p0 [hbm:s6], $0xF7A  }
0x23: {  	s9 =	sor.u32 $0xD0000000, s2;
	s6 =	simm.s32 $0x108;
	_ =	swait.ge @!p0 [sflag:s8], $0x0  }
0x24: {  	s3 =	sadd.s32 $0x88, s3;
	s6 =	simm.s32 @!p1 $0x1082;
	[sflag:s4] =	ssyncset.s32 $0xFFFFF086  }
0x25: {  	[simem:s6], [sflag:s4] =	dma.local [hbm:s3], $0xF7A  }
0x26: {  	[smem:$0x3F9B] =	sst s1;
	(tag) =	ssettag s2;
	_ =	strace s9  }
0x27: {  	s1 =	sld [smem:$0x3FAB]  }
0x28: {  	s2 =	sld [smem:$0x3FAC]  }
0x29: {  	s4 =	sld [smem:$0x3FAE]  }
0x2a: {  	p0 =	seq.s32 s5, $0x0;
	s5 =	sld [smem:$0x3FAF]  }
0x2b: {  	s6 =	sld [smem:$0x3FB0]  }
0x2c: {  	s7 =	sld [smem:$0x3FB1]  }
0x2d: {  	s3 =	simm.s32 $0x108;
	s8 =	sld [smem:$0x3FB2]  }
0x2e: {  	s3 =	simm.s32 @!p0 $0x1082;
	s9 =	sld [smem:$0x3FB3]  }
0x2f: {  	lr =	sadd.s32 s0, s3;
	s0 =	sld [smem:$0x3FAA]  }
0x30: {  	s3 =	sld [smem:$0x3FAD]  }
0x31: {  	[smem:$0x3FB6] =	sst s10  }
0x32: {  	s10 =	sld [smem:$0x3FB4];
	_ =	sdelay $0x3  }
0x33: {  	p0 =	seq.s32 s10, $0x1;
	s10 =	sld [smem:$0x3FB6];
	_ =	sdelay $0x3  }
0x34: {  	[smem:$0x3FB6] =	sst s10  }
0x35: {  	s10 =	sld [smem:$0x3FB5];
	_ =	sdelay $0x3  }
0x36: {  	p1 =	seq.s32 s10, $0x1;
	s10 =	sld [smem:$0x3FB6];
	_ =	sdelay $0x3  }
0x37: {  	[smem:$0x3FB6] =	sst s10  }
0x38: {  	s10 =	sld [smem:$0x3FB7]  }
0x39: {  	_ = 	snop;
	(pc) =	sbr.ind lr, $3  }
0x3a: {  	_ = 	snop  }
0x3b: {  	_ = 	snop  }
0x3c: {  	p2 =	seq.s32 s10, $0x1;
	s10 =	sld [smem:$0x3FB6]  }
0x3d: {  	_ =	shalt  }
0x3e: {  	_ =	shalt  }
0x3f: {  	_ =	shalt  }
0x40: {  	_ =	shalt  }
0x41: {  	_ =	shalt  }
0x42: {  	_ =	shalt  }
0x43: {  	_ =	shalt  }
0x44: {  	_ =	shalt  }
0x45: {  	_ =	shalt  }
0x46: {  	_ =	shalt  }
0x47: {  	_ =	shalt  }
0x48: {  	_ =	shalt  }
0x49: {  	_ =	shalt  }
0x4a: {  	_ =	shalt  }
0x4b: {  	_ =	shalt  }
0x4c: {  	_ =	shalt  }
0x4d: {  	_ =	shalt  }
0x4e: {  	_ =	shalt  }
0x4f: {  	_ =	shalt  }
0x50: {  	_ =	shalt  }
0x51: {  	_ =	shalt  }
0x52: {  	_ =	shalt  }
0x53: {  	_ =	shalt  }
0x54: {  	_ =	shalt  }
0x55: {  	_ =	shalt  }
0x56: {  	_ =	shalt  }
0x57: {  	_ =	shalt  }
0x58: {  	_ =	shalt  }
0x59: {  	_ =	shalt  }
0x5a: {  	_ =	shalt  }
0x5b: {  	_ =	shalt  }
0x5c: {  	_ =	shalt  }
0x5d: {  	_ =	shalt  }
0x5e: {  	_ =	shalt  }
0x5f: {  	_ =	shalt  }
0x60: {  	_ =	shalt  }
0x61: {  	_ =	shalt  }
0x62: {  	_ =	shalt  }
0x63: {  	_ =	shalt  }
0x64: {  	_ =	shalt  }
0x65: {  	_ =	shalt  }
0x66: {  	_ =	shalt  }
0x67: {  	_ =	shalt  }
0x68: {  	_ =	shalt  }
0x69: {  	_ =	shalt  }
0x6a: {  	_ =	shalt  }
0x6b: {  	_ =	shalt  }
0x6c: {  	_ =	shalt  }
0x6d: {  	_ =	shalt  }
0x6e: {  	_ =	shalt  }
0x6f: {  	_ =	shalt  }
0x70: {  	_ =	shalt  }
0x71: {  	_ =	shalt  }
0x72: {  	_ =	shalt  }
0x73: {  	_ =	shalt  }
0x74: {  	_ =	shalt  }
0x75: {  	_ =	shalt  }
0x76: {  	_ =	shalt  }
0x77: {  	_ =	shalt  }
0x78: {  	_ =	shalt  }
0x79: {  	_ =	shalt  }
0x7a: {  	_ =	shalt  }
0x7b: {  	_ =	shalt  }
0x7c: {  	_ =	shalt  }
0x7d: {  	_ =	shalt  }
0x7e: {  	_ =	shalt  }
0x7f: {  	_ =	shalt  }
0x80: {  	_ =	shalt  }
0x81: {  	_ =	shalt  }
0x82: {  	_ =	shalt  }
0x83: {  	_ =	shalt  }
0x84: {  	_ =	shalt  }
0x85: {  	_ =	shalt  }
0x86: {  	_ =	shalt  }
0x87: {  	_ =	shalt  }
.Lfunc_end0:
.L_simem_size_0:
called_computation_lowered:
.L_overlay_start_0:
0x88: {  	s2 =	sld [smem:$0x3FD9]  }
0x89: {  	s3 =	sld [smem:$0x3FFE];
	_ =	sdelay $0x1  }
0x8a: {  	s1 =	srdreg.scid  }
0x8b: {  	s0 =	sand.u32 $0x1, s1  }
0x8c: {  	s17 =	sshll.u32 s0, $0xA;
	s2 =	sadd.s32 s3, s2  }
0x8d: {  	s2 =	sadd.s32 s2, s17  }
0x8e: {  	[smem:$0x3FC2] =	sst s2  }
0x8f: {  	_ = 	snop  }
0x90: {  	s2 =	sld [smem:$0x3FD0];
	(tm) =	ssettm $0x1  }
0x91: {  	s18 =	sld [smem:$0x3FFB];
	_ =	sdelay $0x3  }
0x92: {  	_ =	strace s18  }
0x93: {  	s3 =	sld [smem:$0x3FFC];
	_ =	sdelay $0x3  }
0x94: {  	_ =	strace s3  }
0x95: {  	s3 =	sld [smem:$0x3FFD];
	_ =	sdelay $0x3  }
0x96: {  	_ =	strace s3  }
0x97: {  	_ =	strace $0x8FFFFFFF  }
0x98: {  	s19 =	sld [smem:$0x3FDB];
	_ =	sdelay $0x1  }
0x99: {  	s4 =	simm.s32 $_scs_section_size  }
0x9a: {  	s5 =	simm.s32 $_size__tile_overlayer_lowered;
	s6 =	simm.s32 $_tile_overlayer_lowered  }
0x9b: {  	s22 =	simm.s32 $0x1BFF;
	s21 =	sshll.u32 s6, $0x1;
	s3 =	sadd.s32 s4, s19  }
0x9c: {  	s7 =	simm.s32 $0x0;
	s20 =	sshll.u32 s5, $0x1;
	s5 =	sadd.s32 s21, s3  }
0x9d: {  	[timem:s7], [sflag:s22] =	dma.local [hbm:s5], s20  }
0x9e: {  	_ =	swait.ge [sflag:s22], s20  }
0x9f: {  	s4 =	ssub.s32 $0x0, s20;
	[sflag:s22] =	ssyncset.done $0x0  }
0xa0: {  	[sflag:s22] =	ssyncadd.s32 s4;
	_ =	sdelay $0x1  }
0xa1: {  	s23 =	simm.s32 $0x1B8B  }
0xa2: {  	_ =	swait.ge [sflag:s23], $0x1  }
0xa3: {  	[sflag:s23] =	ssyncset.done $0x0  }
0xa4: {  	s25 =	simm.s32 $0x1B8E;
	s24 =	sld [smem:$0x3FFE];
	[sflag:s23] =	ssyncadd.s32 $0xFFFFFFFF  }
0xa5: {  	s26 =	simm.s32 $execute0_lowered;
	[smem:$0x3FD2] =	sst s25  }
0xa6: {  	s5 =	sshll.u32 s26, $0x1;
	_ =	strace $0x80000046;
	[dreg:$0x1] =	wrdreg $0xFFFFFFFF  }
0xa7: {  	s28 =	simm.s32 $_size_execute0_lowered;
	s3 =	sadd.s32 s3, s5;
	[dreg:$0x0] =	wrdreg $0x0  }
0xa8: {  	s5 =	sshll.u32 s28, $0x1;
	[dreg:$0x2] =	wrdreg s3  }
0xa9: {  	[dreg:$0x3] =	wrdreg s5  }
0xaa: {  	[dreg:$0x4] =	wrdreg $0xC0  }
0xab: {  	_ =	task [dreg:s7], $0x5FFFF  }
0xac: {  	[dreg:$0x1] =	wrdreg $0xFFFFFFFF  }
0xad: {  	[dreg:$0x0] =	wrdreg $0x60  }
0xae: {  	[dreg:$0x2] =	wrdreg s24  }
0xaf: {  	[dreg:$0x3] =	wrdreg s2  }
0xb0: {  	[dreg:$0x4] =	wrdreg $0x5AF00  }
0xb1: {  	[dreg:$0x5] =	wrdreg $0x5D700  }
0xb2: {  	[dreg:$0x6] =	wrdreg $0x9  }
0xb3: {  	_ =	task.clear_ibuf [dreg:s7], $0x7FFFF;
	_ =	strace $0x90000046  }
0xb4: {  	s29 =	simm.s32 $0x9;
	_ =	strace $0x80000048  }
0xb5: {  	_ =	swait.ge [sflag:s29], $0x1  }
0xb6: {  	[sflag:s29] =	ssyncadd.s32 $0xFFFFFFFF  }
0xb7: {  	_ =	strace $0x90000048  }
0xb8: {  	_ =	sfence  }
0xb9: {  	s30 =	sld [smem:$0x0];
	_ =	sdelay $0x2  }
0xba: {  	s31 =	sshll.u32 s1, $0xD;
	s1 =	sshrl.u32 s1, $0x2  }
0xbb: {  	s3 =	sand.u32 $0x4000, s31;
	s1 =	sadd.s32 s1, s30  }
0xbc: {  	s0 =	sor.u32 s3, s0;
	s1 =	sshll.u32 s1, $0x11  }
0xbd: {  	s0 =	sor.u32 s1, s0  }
0xbe: {  	s0 =	sadd.s32 $0x8F2B, s0  }
0xbf: {  	[sflag:s0] =	ssyncadd.remote.s32 $0x1  }
0xc0: {  	_ =	sfence.sel $0xFFFF  }
0xc1: {  	[dreg:$0x0] =	wrdreg $0xFFFFFFFF;
	(pc) =	sbr.abs _section_cstart, $3  }
0xc2: {  	[dreg:$0x1] =	wrdreg $0xFFFFFFFF  }
0xc3: {  	_ =	task.clear_ibuf [dreg:s7], $0x2FFFF;
	_ =	strace $0x9FFFFFFF  }
0xc4: {  	(tm) =	ssettm $0x7FFFFFFF  }
0xc5: {  	_ =	shalt  }
tec
execute0_lowered:
.L_overlay_start_1:
0x0: {  	(tag) =	ssettag $0x1  }
0x1: {  	s0 =	rddreg [dreg:$0x0]  }
0x2: {  	s5 =	rddreg [dreg:$0x1]  }
0x3: {  	s1 =	srdreg.scid;
	s2 =	rddreg [dreg:$0x2]  }
0x4: {  	s11 =	stileid.u32;
	s3 =	rddreg [dreg:$0x3];
	s20 =	simm.s32 $0x7D0  }
0x5: {  	s21 =	simm.s32 $0xFA0;
	s28 =	simm.s32 $0x3E80;
	s29 =	simm.s32 $0x4650  }
0x6: {  	s30 =	simm.s32 $0x55F0;
	s31 =	simm.s32 $0x2;
	s1 =	sand.u32 $0x1, s1  }
0x7: {  	s26 =	smul.u32 $0x280, s11;
	s4 =	sshll.u32 s1, $0x4;
	s1 =	ssub.s32 $0x2, s1  }
0x8: {  	s6 =	sor.u32 s11, s4;
	s4 =	simm.s32 $0x0;
	s8 =	sshrl.u32 s1, $0x1  }
0x9: {  	s15 =	sadd.s32 s26, s2;
	s16 =	sadd.s32 s26, s3;
	s7 =	smul.u32 $0x2710, s6  }
0xa: {  	[smem:$0x7FF] =	sst s4;
	s6 =	smul.u32 $0x50, s6;
	s1 =	ssub.s32 s1, s8  }
0xb: {  	s26 =	simm.s32 $0x36B0;
	_ =	strace $0x80000047;
	s19 =	smax.u32 s1, $0x1  }
0xc: {  	s1 =	simm.s32 $0x1;
	s7 =	sshrl.u32 s7, $0x3;
	s17 =	sadd.s32 s5, s6  }
0xd: {  	s5 =	simm.s32 $0x5870;
	s7 =	sadd.s32 s7, s0;
	s0 =	sadd.s32 s6, s0  }
0xe: {  	s6 =	simm.s32 $0x0;
	s22 =	sadd.s32 $0x2600, s7;
	s23 =	sadd.s32 $0x26FA, s7  }
0xf: {  	s24 =	sadd.s32 $0x27F4, s7;
	s25 =	sadd.s32 $0x28EE, s7;
	s9 =	sadd.s32 $0x29E8, s7  }
0x10: {  	s10 =	sadd.s32 $0xC240, s7;
	s11 =	sadd.s32 $0xC33A, s7;
	[dreg:$0x5] =	wrdreg s22  }
0x11: {  	s12 =	sadd.s32 $0xC434, s7;
	s13 =	sadd.s32 $0xC52E, s7;
	[dreg:$0x6] =	wrdreg s23  }
0x12: {  	s14 =	sadd.s32 $0xC628, s7;
	s18 =	sadd.s32 $0x16000, s0;
	[dreg:$0x7] =	wrdreg s24  }
0x13: {  	s0 =	simm.s32 $0x4E20;
	[dreg:$0x8] =	wrdreg s25;
	s22 =	simm.s32 $0x1770  }
0x14: {  	v0 =	vimm.f32 $1.000000000e+00;
	v1 =	vimm.f32 $0.0e+00;
	s23 =	simm.s32 $0x1F40;
	s24 =	simm.s32 $0x2710;
	s25 =	simm.s32 $0x2EE0  }
.LBB2_1:
0x15: {  	s7 =	rddreg [dreg:$0x5]  }
0x16: {  	[tilespmem:s4], [sflag:$0x1] =	stream.linear.gather [hbm4b:s7+s4], $0x7D0, $0x38;
	[tilespmem:$0x5FF0] =	vst v63  }
0x17: {  	s8 =	rddreg [dreg:$0x6]  }
0x18: {  	[tilespmem:s20], [sflag:$0x1] =	stream.linear.gather [hbm4b:s8+s4], $0x7D0, $0x38;
	[tilespmem:$0x5FF0] =	vst v63  }
0x19: {  	s8 =	rddreg [dreg:$0x7]  }
0x1a: {  	[tilespmem:s21], [sflag:$0x1] =	stream.linear.gather [hbm4b:s8+s4], $0x7D0, $0x38;
	[tilespmem:$0x5FF0] =	vst v63  }
0x1b: {  	s8 =	rddreg [dreg:$0x8]  }
0x1c: {  	[tilespmem:s22], [sflag:$0x1] =	stream.linear.gather [hbm4b:s8+s4], $0x7D0, $0x38;
	[tilespmem:$0x5FF0] =	vst v63  }
0x1d: {  	_ = 	snop  }
0x1e: {  	[tilespmem:s23], [sflag:$0x1] =	stream.linear.gather [hbm4b:s9+s4], $0x7D0, $0x38;
	[tilespmem:$0x5FF0] =	vst v63  }
0x1f: {  	_ = 	snop  }
0x20: {  	[tilespmem:s24], [sflag:$0x1] =	stream.linear.gather [hbm4b:s10+s4], $0x7D0, $0x38;
	[tilespmem:$0x5FF0] =	vst v63  }
0x21: {  	_ = 	snop  }
0x22: {  	[tilespmem:s25], [sflag:$0x1] =	stream.linear.gather [hbm4b:s11+s4], $0x7D0, $0x38;
	[tilespmem:$0x5FF0] =	vst v63  }
0x23: {  	_ = 	snop  }
0x24: {  	[tilespmem:s26], [sflag:$0x1] =	stream.linear.gather [hbm4b:s12+s4], $0x7D0, $0x38;
	[tilespmem:$0x5FF0] =	vst v63  }
0x25: {  	_ = 	snop  }
0x26: {  	[tilespmem:s28], [sflag:$0x1] =	stream.linear.gather [hbm4b:s13+s4], $0x7D0, $0x38;
	[tilespmem:$0x5FF0] =	vst v63  }
0x27: {  	s7 =	simm.s32 $0x40;
	s8 =	simm.s32 $0x0  }
0x28: {  	[tilespmem:s29], [sflag:$0x1] =	stream.linear.gather [hbm4b:s14+s4], $0x7D0, $0x38;
	[tilespmem:$0x5FF0] =	vst v63  }
.LBB2_2:
0x29: {  	p0 =	sne.s32 s7, $0x1F00;
	[tilespmem:s8+$0x4E20] =	vst v0;
	s8 =	smov.u32 s7;
	s7 =	sadd.s32 $0x40, s7  }
.Ltmp0:
0x2a: {  	(pc) =	sbr.rel @p0 .LBB2_2-.Ltmp0, $2  }
0x2b: {  	_ =	sdelay $0x2  }
0x2c: {  	s8 =	sshra.s32 s8, $0x2  }
0x2d: {  	[tilespmem:s8+$0x4E20] =	vst v0  }
0x2e: {  	[tilespmem:$0x55F0] =	vst v1  }
0x2f: {  	[tilespmem:$0x5600] =	vst v1  }
0x30: {  	[tilespmem:$0x5610] =	vst v1  }
0x31: {  	[tilespmem:$0x5620] =	vst v1  }
0x32: {  	[tilespmem:$0x5630] =	vst v1  }
0x33: {  	[tilespmem:$0x5640] =	vst v1  }
0x34: {  	[tilespmem:$0x5650] =	vst v1  }
0x35: {  	[tilespmem:$0x5660] =	vst v1  }
0x36: {  	[tilespmem:$0x5670] =	vst v1  }
0x37: {  	[tilespmem:$0x5680] =	vst v1  }
0x38: {  	[tilespmem:$0x5690] =	vst v1  }
0x39: {  	[tilespmem:$0x56A0] =	vst v1  }
0x3a: {  	[tilespmem:$0x56B0] =	vst v1  }
0x3b: {  	[tilespmem:$0x56C0] =	vst v1  }
0x3c: {  	[tilespmem:$0x56D0] =	vst v1  }
0x3d: {  	[tilespmem:$0x56E0] =	vst v1  }
0x3e: {  	[tilespmem:$0x56F0] =	vst v1  }
0x3f: {  	[tilespmem:$0x5700] =	vst v1  }
0x40: {  	[tilespmem:$0x5710] =	vst v1  }
0x41: {  	[tilespmem:$0x5720] =	vst v1  }
0x42: {  	[tilespmem:$0x5730] =	vst v1  }
0x43: {  	[tilespmem:$0x5740] =	vst v1  }
0x44: {  	[tilespmem:$0x5750] =	vst v1  }
0x45: {  	[tilespmem:$0x5760] =	vst v1  }
0x46: {  	[tilespmem:$0x5770] =	vst v1  }
0x47: {  	[tilespmem:$0x5780] =	vst v1  }
0x48: {  	[tilespmem:$0x5790] =	vst v1  }
0x49: {  	[tilespmem:$0x57A0] =	vst v1  }
0x4a: {  	[tilespmem:$0x57B0] =	vst v1  }
0x4b: {  	[tilespmem:$0x57C0] =	vst v1  }
0x4c: {  	[tilespmem:$0x57D0] =	vst v1  }
0x4d: {  	[tilespmem:$0x57E0] =	vst v1  }
0x4e: {  	[tilespmem:$0x57F0] =	vst v1  }
0x4f: {  	[tilespmem:$0x5800] =	vst v1  }
0x50: {  	[tilespmem:$0x5810] =	vst v1  }
0x51: {  	[tilespmem:$0x5820] =	vst v1  }
0x52: {  	[tilespmem:$0x5830] =	vst v1  }
0x53: {  	[tilespmem:$0x5840] =	vst v1  }
0x54: {  	[tilespmem:$0x5850] =	vst v1  }
0x55: {  	[tilespmem:$0x5860] =	vst v1  }
0x56: {  	[spmem:s15] =	stream.linear.scatter [tilespmem:s30], [sflag:$0x2], $0x280, $0x38;
	[tilespmem:$0x5FF0] =	vst v63  }
0x57: {  	_ =	swait.ge [sflag:s31], $0x280  }
0x58: {  	[sflag:s31] =	ssyncset.done $0x0  }
0x59: {  	[sflag:s31] =	ssyncadd.s32 $0xFFFFFD80  }
0x5a: {  	[spmem:s16] =	stream.linear.scatter [tilespmem:s30], [sflag:$0x2], $0x280, $0x38;
	[tilespmem:$0x5FF0] =	vst v63  }
0x5b: {  	_ =	swait.ge [sflag:s31], $0x280  }
0x5c: {  	[sflag:s31] =	ssyncset.done $0x0  }
0x5d: {  	[sflag:s31] =	ssyncadd.s32 $0xFFFFFD80  }
0x5e: {  	_ =	swait.ge [sflag:s1], $0x7D0  }
0x5f: {  	[sflag:s1] =	ssyncset.done $0x0  }
0x60: {  	[sflag:s1] =	ssyncadd.s32 $0xFFFFF830  }
0x61: {  	_ =	swait.ge [sflag:s1], $0x7D0  }
0x62: {  	[sflag:s1] =	ssyncset.done $0x0  }
0x63: {  	[sflag:s1] =	ssyncadd.s32 $0xFFFFF830  }
0x64: {  	_ =	swait.ge [sflag:s1], $0x7D0  }
0x65: {  	[sflag:s1] =	ssyncset.done $0x0  }
0x66: {  	[sflag:s1] =	ssyncadd.s32 $0xFFFFF830  }
0x67: {  	_ =	swait.ge [sflag:s1], $0x7D0  }
0x68: {  	[sflag:s1] =	ssyncset.done $0x0  }
0x69: {  	[sflag:s1] =	ssyncadd.s32 $0xFFFFF830  }
0x6a: {  	_ =	swait.ge [sflag:s1], $0x7D0  }
0x6b: {  	[sflag:s1] =	ssyncset.done $0x0  }
0x6c: {  	[sflag:s1] =	ssyncadd.s32 $0xFFFFF830  }
0x6d: {  	_ =	swait.ge [sflag:s1], $0x7D0  }
0x6e: {  	[sflag:s1] =	ssyncset.done $0x0  }
0x6f: {  	[sflag:s1] =	ssyncadd.s32 $0xFFFFF830  }
0x70: {  	_ =	swait.ge [sflag:s1], $0x7D0  }
0x71: {  	[sflag:s1] =	ssyncset.done $0x0  }
0x72: {  	[sflag:s1] =	ssyncadd.s32 $0xFFFFF830  }
0x73: {  	_ =	swait.ge [sflag:s1], $0x7D0  }
0x74: {  	[sflag:s1] =	ssyncset.done $0x0  }
0x75: {  	[sflag:s1] =	ssyncadd.s32 $0xFFFFF830  }
0x76: {  	_ =	swait.ge [sflag:s1], $0x7D0  }
0x77: {  	[sflag:s1] =	ssyncset.done $0x0  }
0x78: {  	[sflag:s1] =	ssyncadd.s32 $0xFFFFF830  }
0x79: {  	_ =	swait.ge [sflag:s1], $0x7D0  }
0x7a: {  	[sflag:s1] =	ssyncset.done $0x0  }
0x7b: {  	[sflag:s1] =	ssyncadd.s32 $0xFFFFF830  }
0x7c: {  	[bflag:$0x0] =	sbarrier.arrive $0xFFFF  }
0x7d: {  	[spmem:s2] =	stream.indirect.scatter.add.f32 [tilespmem:s0], [sflag:$0x2], $0x1, s4, s20, $0xb8;
	[tilespmem:$0x5FF0] =	vst v63  }
0x7e: {  	_ =	swait.ge [sflag:s31], $0x7D0  }
0x7f: {  	[sflag:s31] =	ssyncset.done $0x0  }
0x80: {  	[sflag:s31] =	ssyncadd.s32 $0xFFFFF830  }
0x81: {  	[spmem:s3] =	stream.indirect.scatter.add.f32 [tilespmem:s0], [sflag:$0x2], $0x1, s24, s20, $0xb8;
	[tilespmem:$0x5FF0] =	vst v63  }
0x82: {  	_ =	swait.ge [sflag:s31], $0x7D0  }
0x83: {  	[sflag:s31] =	ssyncset.done $0x0  }
0x84: {  	[sflag:s31] =	ssyncadd.s32 $0xFFFFF830  }
0x85: {  	[spmem:s2] =	stream.indirect.scatter.add.f32 [tilespmem:s0], [sflag:$0x2], $0x1, s20, s20, $0xb8;
	[tilespmem:$0x5FF0] =	vst v63  }
0x86: {  	_ =	swait.ge [sflag:s31], $0x7D0  }
0x87: {  	[sflag:s31] =	ssyncset.done $0x0  }
0x88: {  	[sflag:s31] =	ssyncadd.s32 $0xFFFFF830  }
0x89: {  	[spmem:s3] =	stream.indirect.scatter.add.f32 [tilespmem:s0], [sflag:$0x2], $0x1, s25, s20, $0xb8;
	[tilespmem:$0x5FF0] =	vst v63  }
0x8a: {  	_ =	swait.ge [sflag:s31], $0x7D0  }
0x8b: {  	[sflag:s31] =	ssyncset.done $0x0  }
0x8c: {  	[sflag:s31] =	ssyncadd.s32 $0xFFFFF830  }
0x8d: {  	[spmem:s2] =	stream.indirect.scatter.add.f32 [tilespmem:s0], [sflag:$0x2], $0x1, s21, s20, $0xb8;
	[tilespmem:$0x5FF0] =	vst v63  }
0x8e: {  	_ =	swait.ge [sflag:s31], $0x7D0  }
0x8f: {  	[sflag:s31] =	ssyncset.done $0x0  }
0x90: {  	[sflag:s31] =	ssyncadd.s32 $0xFFFFF830  }
0x91: {  	[spmem:s3] =	stream.indirect.scatter.add.f32 [tilespmem:s0], [sflag:$0x2], $0x1, s26, s20, $0xb8;
	[tilespmem:$0x5FF0] =	vst v63  }
0x92: {  	_ =	swait.ge [sflag:s31], $0x7D0  }
0x93: {  	[sflag:s31] =	ssyncset.done $0x0  }
0x94: {  	[sflag:s31] =	ssyncadd.s32 $0xFFFFF830  }
0x95: {  	[spmem:s2] =	stream.indirect.scatter.add.f32 [tilespmem:s0], [sflag:$0x2], $0x1, s22, s20, $0xb8;
	[tilespmem:$0x5FF0] =	vst v63  }
0x96: {  	_ =	swait.ge [sflag:s31], $0x7D0  }
0x97: {  	[sflag:s31] =	ssyncset.done $0x0  }
0x98: {  	[sflag:s31] =	ssyncadd.s32 $0xFFFFF830  }
0x99: {  	[spmem:s3] =	stream.indirect.scatter.add.f32 [tilespmem:s0], [sflag:$0x2], $0x1, s28, s20, $0xb8;
	[tilespmem:$0x5FF0] =	vst v63  }
0x9a: {  	_ =	swait.ge [sflag:s31], $0x7D0  }
0x9b: {  	[sflag:s31] =	ssyncset.done $0x0  }
0x9c: {  	[sflag:s31] =	ssyncadd.s32 $0xFFFFF830  }
0x9d: {  	[spmem:s2] =	stream.indirect.scatter.add.f32 [tilespmem:s0], [sflag:$0x2], $0x1, s23, s20, $0xb8;
	[tilespmem:$0x5FF0] =	vst v63  }
0x9e: {  	_ =	swait.ge [sflag:s31], $0x7D0  }
0x9f: {  	[sflag:s31] =	ssyncset.done $0x0  }
0xa0: {  	[sflag:s31] =	ssyncadd.s32 $0xFFFFF830  }
0xa1: {  	[spmem:s3] =	stream.indirect.scatter.add.f32 [tilespmem:s0], [sflag:$0x2], $0x1, s29, s20, $0xb8;
	[tilespmem:$0x5FF0] =	vst v63  }
0xa2: {  	_ =	swait.ge [sflag:s31], $0x7D0  }
0xa3: {  	[sflag:s31] =	ssyncset.done $0x0  }
0xa4: {  	[sflag:s31] =	ssyncadd.s32 $0xFFFFF830  }
0xa5: {  	[bflag:$0x0] =	sbarrier.arrive $0xFFFF  }
0xa6: {  	[tilespmem:s30], [sflag:$0x2] =	stream.linear.gather [spmem:s15], $0x280, $0x38;
	[tilespmem:$0x5FF0] =	vst v63  }
0xa7: {  	_ =	swait.ge [sflag:s31], $0x280  }
0xa8: {  	[sflag:s31] =	ssyncset.done $0x0  }
0xa9: {  	[sflag:s31] =	ssyncadd.s32 $0xFFFFFD80  }
0xaa: {  	[tilespmem:s5], [sflag:$0x2] =	stream.linear.gather [spmem:s16], $0x280, $0x38;
	[tilespmem:$0x5FF0] =	vst v63  }
0xab: {  	_ =	swait.ge [sflag:s31], $0x280  }
0xac: {  	[sflag:s31] =	ssyncset.done $0x0  }
0xad: {  	[sflag:s31] =	ssyncadd.s32 $0xFFFFFD80  }
0xae: {  	[hbm4b:s17+s4] =	stream.linear.scatter [tilespmem:s30], [sflag:$0x2], $0x280, $0x38;
	[tilespmem:$0x5FF0] =	vst v63  }
0xaf: {  	s6 =	sadd.s32 $0x1, s6;
	_ =	swait.ge [sflag:s31], $0x280  }
0xb0: {  	p0 =	sne.s32 s6, s19;
	[sflag:s31] =	ssyncset.done $0x0  }
.Ltmp1:
0xb1: {  	[sflag:s31] =	ssyncadd.s32 $0xFFFFFD80;
	(pc) =	sbr.rel @p0 .LBB2_1-.Ltmp1, $4  }
0xb2: {  	[hbm4b:s18+s4] =	stream.linear.scatter [tilespmem:s5], [sflag:$0x2], $0x280, $0x38;
	[tilespmem:$0x5FF0] =	vst v63  }
0xb3: {  	_ =	swait.ge [sflag:s31], $0x280  }
0xb4: {  	[sflag:s31] =	ssyncset.done $0x0  }
0xb5: {  	[sflag:s31] =	ssyncadd.s32 $0xFFFFFD80  }
0xb6: {  	_ =	sfence.sel $0x180000  }
0xb7: {  	[bflag:$0x0] =	sbarrier.arrive $0xFFFF  }
0xb8: {  	_ =	strace $0x90000047  }
0xb9: {  	s0 =	stileid.u32;
	[bflag:$0x2] =	sbarrier.arrive $0xFFFF  }
0xba: {  	p0 =	sne.s32 s0, $0x0;
	s0 =	rddreg [dreg:$0x4]  }
0xbb: {  	s0 =	sadd.s32 @!p0 $0x100000, s0  }
0xbc: {  	[sflag:s0] =	ssyncadd.tile.s32 @!p0 $0x1;
	_ =	shalt  }
.Lfunc_end2:
_tile_overlayer_lowered:
.L_overlay_start_2:
0xbd: {  	(tag) =	ssettag $0x2  }
0xbe: {  	s0 =	rddreg [dreg:$0x0];
	s2 =	stileid.u32  }
0xbf: {  	s1 =	rddreg [dreg:$0x1];
	p0 =	sne.s32 s2, $0x0  }
0xc0: {  	s3 =	rddreg [dreg:$0x2];
	[bflag:$0x3] =	sbarrier.arrive $0xFFFF;
	s2 =	simm.s32 @!p0 $0x1C02  }
0xc1: {  	[timem:s3], [sflag:s2] =	dma.local @!p0 [hbm:s0], s1  }
0xc2: {  	s0 =	simm.s32 @!p0 $0x2  }
0xc3: {  	_ =	swait.ge @!p0 [sflag:s0], s1  }
0xc4: {  	s1 =	ssub.s32 @!p0 $0x0, s1;
	[sflag:s0] =	ssyncset.done @!p0 $0x0  }
0xc5: {  	[sflag:s0] =	ssyncadd.s32 @!p0 s1  }
0xc6: {  	[bflag:$0x3] =	sbarrier.arrive $0xFFFF  }
0xc7: {  	_ =	shalt  }

</sc_bundles>
